<compile_context>
chip_gen: v7x
topology: tpu7x:2x2x1
jax: 0.10.2.dev20260603
libtpu: 0.0.44.dev20260713+nightly
codegen_flags: <defaults>
</compile_context>

<pallas_src>
import functools

import jax
import jax.numpy as jnp
from jax import lax
from jax.experimental import pallas as pl
from jax.experimental.pallas import tpu as pltpu
from jax.experimental.pallas import tpu_sc as plsc

NBINS = 2048
NCLS = 7
NQ = 2
STRIDE = NBINS + 8
TBL = NQ * NCLS * STRIDE
NW = 32
LANES = 16
QTR = 8192


def _bin_kernel(x_ref, t_ref, o_ref):
    x = x_ref[0]
    tg = t_ref[0]
    mx = x[0]
    for c in range(1, 8):
        mx = jnp.maximum(mx, x[c])
    ex = [jnp.exp(x[c] - mx) for c in range(8)]
    s = ex[0]
    for c in range(1, 8):
        s = s + ex[c]
    inv = 1.0 / s
    valid = tg != 0
    tbin = jnp.zeros_like(tg)
    for c in range(1, 8):
        p = ex[c] * inv
        e = jnp.where(tg == c, 1.0 - p, p)
        b = (e * float(NBINS)).astype(jnp.int32)
        b = jnp.minimum(jnp.maximum(b, 0), NBINS - 1)
        base = (c - 1) * STRIDE
        o_ref[c - 1] = (base + jnp.where(valid, b, NBINS)).astype(jnp.uint16)
        tbin = jnp.where(tg == c, b, tbin)
    tidx = (NCLS - 1 + tg) * STRIDE + tbin
    o_ref[7] = jnp.where(valid, tidx,
                         NCLS * STRIDE + NBINS).astype(jnp.uint16)


def _hist_kernel(i_hbm, out_hbm, ebuf, hist, sem0, sem1):
    wid = lax.axis_index("s") * 2 + lax.axis_index("c")
    npix = i_hbm.shape[0] // 8
    pix_per_w = npix // NW
    nrounds = pix_per_w // QTR
    sems = (sem0, sem1)

    zeros = jnp.zeros((LANES,), jnp.float32)
    ones = jnp.ones((LANES,), jnp.float32)

    base_w = wid * pix_per_w

    def start_round(rd):
        slab = rd % 2
        base = base_w + rd * QTR
        return [
            pltpu.async_copy(
                i_hbm.at[pl.ds(c * npix + base, QTR)],
                ebuf.at[pl.ds((slab * 8 + c) * QTR, QTR)],
                sems[slab])
            for c in range(8)
        ]

    handles = start_round(0)

    @plsc.parallel_loop(0, TBL // LANES, 1, unroll=8)
    def zero_loop(i):
        hist[pl.ds(i * LANES, LANES)] = zeros

    for rd in range(nrounds):
        slab = rd % 2
        nxt = (start_round(rd + 1) if rd + 1 < nrounds else None)
        for h in handles:
            h.wait()
        handles = nxt

        @plsc.parallel_loop(0, QTR // 32, 1, unroll=4)
        def vec_loop(v):
            off = v * 32
            for c in range(8):
                dump = (c * STRIDE if c < NCLS else NCLS * STRIDE) + NBINS
                x32 = ebuf[pl.ds((slab * 8 + c) * QTR + off, 32)]
                a, b = plsc.unpack(x32, format=plsc.PackFormat.INTERLEAVED,
                                   preferred_element_type=jnp.uint32)
                for h in (a, b):
                    idx = plsc.bitcast(h, jnp.int32)
                    plsc.addupdate_scatter(hist, [idx], ones,
                                           mask=idx != dump)

    pltpu.sync_copy(hist, out_hbm.at[pl.ds(wid * TBL, TBL)])


def _final_kernel(h_ref, o_ref):
    acc = h_ref[0]
    for i in range(1, NW):
        acc = acc + h_ref[i]
    cnt = acc[0:NCLS, 0:NBINS]
    tcnt = acc[NCLS:2 * NCLS, 0:NBINS]

    st = jnp.concatenate([cnt, tcnt], axis=0)
    k = 1
    while k < NBINS:
        shifted = jnp.concatenate(
            [st[:, k:], jnp.zeros((2 * NCLS, k), jnp.float32)], axis=1)
        st = st + shifted
        k *= 2
    s_c = st[0:NCLS]
    s_t = st[NCLS:2 * NCLS]

    g = s_t[:, 0:1]
    n0 = s_c - cnt
    m0 = s_t - tcnt
    d0 = jnp.maximum(g + n0 - m0, 1.0)
    d1 = jnp.maximum(g + s_c - s_t, 1.0)
    dj = (g - m0) / d0 - (g - s_t) / d1
    mid = (lax.broadcasted_iota(jnp.int32, (NCLS, NBINS), 1).astype(jnp.float32)
           + 0.5) / NBINS
    loss_c = jnp.sum(dj * mid, axis=1, keepdims=True)
    pres = (g > 0.0).astype(jnp.float32)
    total = jnp.sum(loss_c * pres)
    npres = jnp.sum(pres)
    res = jnp.where(npres > 0.0, total / jnp.maximum(npres, 1.0), 0.0)
    o_ref[...] = jnp.reshape(res, (1, 1))


@functools.cache
def _hist_call(npix):
    return pl.kernel(
        _hist_kernel,
        out_type=jax.ShapeDtypeStruct((NW * TBL,), jnp.float32),
        mesh=plsc.VectorSubcoreMesh(core_axis_name="c", subcore_axis_name="s"),
        compiler_params=pltpu.CompilerParams(needs_layout_passes=False),
        scratch_types=[
            pltpu.VMEM((2 * 8 * QTR,), jnp.uint16),
            pltpu.VMEM((TBL,), jnp.float32),
            pltpu.SemaphoreType.DMA,
            pltpu.SemaphoreType.DMA,
        ],
    )


def kernel(inputs, targets):
    bt, c, h, w = inputs.shape
    n = bt * h * w
    r = 128
    idx = pl.pallas_call(
        _bin_kernel,
        grid=(bt, h // r),
        in_specs=[
            pl.BlockSpec((1, c, r, w), lambda b, rb: (b, 0, rb, 0)),
            pl.BlockSpec((1, r, w), lambda b, rb: (b, rb, 0)),
        ],
        out_specs=pl.BlockSpec((c, r, w), lambda b, rb: (0, b * 4 + rb, 0)),
        out_shape=jax.ShapeDtypeStruct((c, bt * h, w), jnp.uint16),
    )(inputs, targets)

    hists = _hist_call(n)(idx.reshape(c * n))

    out = pl.pallas_call(
        _final_kernel,
        out_shape=jax.ShapeDtypeStruct((1, 1), jnp.float32),
    )(hists.reshape(NW, NQ * NCLS, STRIDE))
    return out[0, 0]

# --- scband reference (transcript-rebuilt; emitter-appended) ---
"""Pipeline reference for scband-lovasz-softmax-loss-274877907422 (READ-ONLY COPY).

The authoritative reference and input builder live on the scoring server;
editing this copy changes nothing except your own understanding.
"""

import jax, jax.numpy as jnp
import numpy as np


def lovasz_grad(gt_sorted):
    gts = gt_sorted.sum()
    intersection = gts - jnp.cumsum(gt_sorted, 0)
    union = gts + jnp.cumsum(1.0 - gt_sorted, 0)
    jaccard = 1.0 - intersection / union
    jaccard = jnp.concatenate([jaccard[:1], jaccard[1:] - jaccard[:-1]], axis=0)
    return jaccard


def setup_inputs(seed: int = 0) -> dict:
    key = jax.random.key(seed)
    k1, k2 = jax.random.split(key)
    inputs = jax.random.normal(k1, (4, 8, 512, 512), dtype=jnp.float32)
    targets = jax.random.randint(k2, (4, 512, 512), 0, 8, dtype=jnp.int32)
    return {"inputs": inputs, "targets": targets}


def reference(inputs, targets):
    ignore_index = 0
    C = inputs.shape[1]
    probs = jax.nn.softmax(inputs, axis=1)
    flat = jnp.transpose(probs, (0, 2, 3, 1)).reshape(-1, C)
    tflat = targets.reshape(-1)
    valid = tflat != ignore_index
    if flat.shape[0] == 0:
        return jnp.zeros(())
    total = jnp.zeros(())
    count = jnp.zeros(())
    for c in range(C):
        if c == ignore_index:
            continue
        target_c = ((tflat == c) & valid).astype(jnp.float32)
        present = target_c.sum() > 0
        class_prob = flat[:, c]
        errors = jnp.where(valid, jnp.abs(target_c - class_prob), -1.0)
        perm = jnp.argsort(-errors)  # descending sort
        errors_sorted = errors[perm]
        target_c_sorted = target_c[perm]
        grad = lovasz_grad(target_c_sorted)
        loss = jnp.dot(jax.nn.relu(errors_sorted), grad)
        total = total + jnp.where(present, loss, 0.0)
        count = count + jnp.where(present, 1.0, 0.0)
    return jnp.where(count > 0, total / jnp.maximum(count, 1.0), jnp.zeros(()))

if __name__ == "__main__":
    import jax
    _d = setup_inputs()
    print(jax.jit(kernel)(*tuple(_d.values())))

</pallas_src>

<mosaic_0001>
#map = affine_map<(d0, d1) -> (0)>
module attributes {stable_mosaic.version = 14 : i64} {
  func.func @_hist_kernel(%arg0: i32, %arg1: i32, %arg2: memref<8388608xi16, #tpu.memory_space<hbm>>, %arg3: memref<921088xf32, #tpu.memory_space<hbm>>, %arg4: memref<131072xi16, #tpu.memory_space<vmem>>, %arg5: memref<28784xf32, #tpu.memory_space<vmem>>, %arg6: memref<!tpu.dma_semaphore, #tpu.memory_space<semaphore_mem>>, %arg7: memref<!tpu.dma_semaphore, #tpu.memory_space<semaphore_mem>>) attributes {dimension_semantics = [#tpu.dimension_semantics<core_parallel>, #tpu.dimension_semantics<subcore_parallel>], iteration_bounds = array<i64: 2, 16>, scalar_prefetch = 0 : i64, scratch_operands = 4 : i64, tpu.core_type = #tpu.core_type<sc_vector_subcore>, window_params = [{transform_indices = #map}, {transform_indices = #map}]} {
    %mul3A = arith.constant 2 : i32
    %mul3A_0 = arith.muli %arg1, %mul3A : i32
    %add3A = arith.addi %mul3A_0, %arg0 : i32
    %broadcast_in_dim3A = arith.constant 0.000000e+00 : f32
    %broadcast_in_dim3A_1 = vector.broadcast %broadcast_in_dim3A : f32 to vector<16xf32>
    %broadcast_in_dim3A_2 = arith.constant 1.000000e+00 : f32
    %broadcast_in_dim3A_3 = vector.broadcast %broadcast_in_dim3A_2 : f32 to vector<16xf32>
    %mul3A_4 = arith.constant 32768 : i32
    %mul3A_5 = arith.muli %add3A, %mul3A_4 : i32
    %add3A_6 = arith.constant 0 : i32
    %add3A_7 = arith.addi %mul3A_5, %add3A_6 : i32
    %add3A_8 = arith.constant 0 : i32
    %add3A_9 = arith.addi %add3A_8, %add3A_7 : i32
    %dma_start3A = arith.constant 0 : i32
    %dma_start3A_10 = tpu.memref_slice %arg4[%dma_start3A] : memref<131072xi16, #tpu.memory_space<vmem>> -> memref<8192xi16, #tpu.memory_space<vmem>>
    %dma_start3A_11 = tpu.memref_slice %arg2[%add3A_9] : memref<8388608xi16, #tpu.memory_space<hbm>> -> memref<8192xi16, #tpu.memory_space<hbm>>
    %dma_start3A_12 = arith.constant 0 : i32
    %dma_start3A_13 = tpu.memref_slice %arg4[%dma_start3A_12] : memref<131072xi16, #tpu.memory_space<vmem>> -> memref<8192xi16, #tpu.memory_space<vmem>>
    %dma_start3A_14 = tpu.memref_slice %arg2[%add3A_9] : memref<8388608xi16, #tpu.memory_space<hbm>> -> memref<8192xi16, #tpu.memory_space<hbm>>
    tpu.enqueue_dma source(%dma_start3A_14 : memref<8192xi16, #tpu.memory_space<hbm>>) target(%dma_start3A_13 : memref<8192xi16, #tpu.memory_space<vmem>>) target_semaphore(%arg6 : memref<!tpu.dma_semaphore, #tpu.memory_space<semaphore_mem>>)
    %add3A_15 = arith.constant 1048576 : i32
    %add3A_16 = arith.addi %add3A_15, %add3A_7 : i32
    %dma_start3A_17 = arith.constant 8192 : i32
    %dma_start3A_18 = tpu.memref_slice %arg4[%dma_start3A_17] : memref<131072xi16, #tpu.memory_space<vmem>> -> memref<8192xi16, #tpu.memory_space<vmem>>
    %dma_start3A_19 = tpu.memref_slice %arg2[%add3A_16] : memref<8388608xi16, #tpu.memory_space<hbm>> -> memref<8192xi16, #tpu.memory_space<hbm>>
    %dma_start3A_20 = arith.constant 8192 : i32
    %dma_start3A_21 = tpu.memref_slice %arg4[%dma_start3A_20] : memref<131072xi16, #tpu.memory_space<vmem>> -> memref<8192xi16, #tpu.memory_space<vmem>>
    %dma_start3A_22 = tpu.memref_slice %arg2[%add3A_16] : memref<8388608xi16, #tpu.memory_space<hbm>> -> memref<8192xi16, #tpu.memory_space<hbm>>
    tpu.enqueue_dma source(%dma_start3A_22 : memref<8192xi16, #tpu.memory_space<hbm>>) target(%dma_start3A_21 : memref<8192xi16, #tpu.memory_space<vmem>>) target_semaphore(%arg6 : memref<!tpu.dma_semaphore, #tpu.memory_space<semaphore_mem>>)
    %add3A_23 = arith.constant 2097152 : i32
    %add3A_24 = arith.addi %add3A_23, %add3A_7 : i32
    %dma_start3A_25 = arith.constant 16384 : i32
    %dma_start3A_26 = tpu.memref_slice %arg4[%dma_start3A_25] : memref<131072xi16, #tpu.memory_space<vmem>> -> memref<8192xi16, #tpu.memory_space<vmem>>
    %dma_start3A_27 = tpu.memref_slice %arg2[%add3A_24] : memref<8388608xi16, #tpu.memory_space<hbm>> -> memref<8192xi16, #tpu.memory_space<hbm>>
    %dma_start3A_28 = arith.constant 16384 : i32
    %dma_start3A_29 = tpu.memref_slice %arg4[%dma_start3A_28] : memref<131072xi16, #tpu.memory_space<vmem>> -> memref<8192xi16, #tpu.memory_space<vmem>>
    %dma_start3A_30 = tpu.memref_slice %arg2[%add3A_24] : memref<8388608xi16, #tpu.memory_space<hbm>> -> memref<8192xi16, #tpu.memory_space<hbm>>
    tpu.enqueue_dma source(%dma_start3A_30 : memref<8192xi16, #tpu.memory_space<hbm>>) target(%dma_start3A_29 : memref<8192xi16, #tpu.memory_space<vmem>>) target_semaphore(%arg6 : memref<!tpu.dma_semaphore, #tpu.memory_space<semaphore_mem>>)
    %add3A_31 = arith.constant 3145728 : i32
    %add3A_32 = arith.addi %add3A_31, %add3A_7 : i32
    %dma_start3A_33 = arith.constant 24576 : i32
    %dma_start3A_34 = tpu.memref_slice %arg4[%dma_start3A_33] : memref<131072xi16, #tpu.memory_space<vmem>> -> memref<8192xi16, #tpu.memory_space<vmem>>
    %dma_start3A_35 = tpu.memref_slice %arg2[%add3A_32] : memref<8388608xi16, #tpu.memory_space<hbm>> -> memref<8192xi16, #tpu.memory_space<hbm>>
    %dma_start3A_36 = arith.constant 24576 : i32
    %dma_start3A_37 = tpu.memref_slice %arg4[%dma_start3A_36] : memref<131072xi16, #tpu.memory_space<vmem>> -> memref<8192xi16, #tpu.memory_space<vmem>>
    %dma_start3A_38 = tpu.memref_slice %arg2[%add3A_32] : memref<8388608xi16, #tpu.memory_space<hbm>> -> memref<8192xi16, #tpu.memory_space<hbm>>
    tpu.enqueue_dma source(%dma_start3A_38 : memref<8192xi16, #tpu.memory_space<hbm>>) target(%dma_start3A_37 : memref<8192xi16, #tpu.memory_space<vmem>>) target_semaphore(%arg6 : memref<!tpu.dma_semaphore, #tpu.memory_space<semaphore_mem>>)
    %add3A_39 = arith.constant 4194304 : i32
    %add3A_40 = arith.addi %add3A_39, %add3A_7 : i32
    %dma_start3A_41 = arith.constant 32768 : i32
    %dma_start3A_42 = tpu.memref_slice %arg4[%dma_start3A_41] : memref<131072xi16, #tpu.memory_space<vmem>> -> memref<8192xi16, #tpu.memory_space<vmem>>
    %dma_start3A_43 = tpu.memref_slice %arg2[%add3A_40] : memref<8388608xi16, #tpu.memory_space<hbm>> -> memref<8192xi16, #tpu.memory_space<hbm>>
    %dma_start3A_44 = arith.constant 32768 : i32
    %dma_start3A_45 = tpu.memref_slice %arg4[%dma_start3A_44] : memref<131072xi16, #tpu.memory_space<vmem>> -> memref<8192xi16, #tpu.memory_space<vmem>>
    %dma_start3A_46 = tpu.memref_slice %arg2[%add3A_40] : memref<8388608xi16, #tpu.memory_space<hbm>> -> memref<8192xi16, #tpu.memory_space<hbm>>
    tpu.enqueue_dma source(%dma_start3A_46 : memref<8192xi16, #tpu.memory_space<hbm>>) target(%dma_start3A_45 : memref<8192xi16, #tpu.memory_space<vmem>>) target_semaphore(%arg6 : memref<!tpu.dma_semaphore, #tpu.memory_space<semaphore_mem>>)
    %add3A_47 = arith.constant 5242880 : i32
    %add3A_48 = arith.addi %add3A_47, %add3A_7 : i32
    %dma_start3A_49 = arith.constant 40960 : i32
    %dma_start3A_50 = tpu.memref_slice %arg4[%dma_start3A_49] : memref<131072xi16, #tpu.memory_space<vmem>> -> memref<8192xi16, #tpu.memory_space<vmem>>
    %dma_start3A_51 = tpu.memref_slice %arg2[%add3A_48] : memref<8388608xi16, #tpu.memory_space<hbm>> -> memref<8192xi16, #tpu.memory_space<hbm>>
    %dma_start3A_52 = arith.constant 40960 : i32
    %dma_start3A_53 = tpu.memref_slice %arg4[%dma_start3A_52] : memref<131072xi16, #tpu.memory_space<vmem>> -> memref<8192xi16, #tpu.memory_space<vmem>>
    %dma_start3A_54 = tpu.memref_slice %arg2[%add3A_48] : memref<8388608xi16, #tpu.memory_space<hbm>> -> memref<8192xi16, #tpu.memory_space<hbm>>
    tpu.enqueue_dma source(%dma_start3A_54 : memref<8192xi16, #tpu.memory_space<hbm>>) target(%dma_start3A_53 : memref<8192xi16, #tpu.memory_space<vmem>>) target_semaphore(%arg6 : memref<!tpu.dma_semaphore, #tpu.memory_space<semaphore_mem>>)
    %add3A_55 = arith.constant 6291456 : i32
    %add3A_56 = arith.addi %add3A_55, %add3A_7 : i32
    %dma_start3A_57 = arith.constant 49152 : i32
    %dma_start3A_58 = tpu.memref_slice %arg4[%dma_start3A_57] : memref<131072xi16, #tpu.memory_space<vmem>> -> memref<8192xi16, #tpu.memory_space<vmem>>
    %dma_start3A_59 = tpu.memref_slice %arg2[%add3A_56] : memref<8388608xi16, #tpu.memory_space<hbm>> -> memref<8192xi16, #tpu.memory_space<hbm>>
    %dma_start3A_60 = arith.constant 49152 : i32
    %dma_start3A_61 = tpu.memref_slice %arg4[%dma_start3A_60] : memref<131072xi16, #tpu.memory_space<vmem>> -> memref<8192xi16, #tpu.memory_space<vmem>>
    %dma_start3A_62 = tpu.memref_slice %arg2[%add3A_56] : memref<8388608xi16, #tpu.memory_space<hbm>> -> memref<8192xi16, #tpu.memory_space<hbm>>
    tpu.enqueue_dma source(%dma_start3A_62 : memref<8192xi16, #tpu.memory_space<hbm>>) target(%dma_start3A_61 : memref<8192xi16, #tpu.memory_space<vmem>>) target_semaphore(%arg6 : memref<!tpu.dma_semaphore, #tpu.memory_space<semaphore_mem>>)
    %add3A_63 = arith.constant 7340032 : i32
    %add3A_64 = arith.addi %add3A_63, %add3A_7 : i32
    %dma_start3A_65 = arith.constant 57344 : i32
    %dma_start3A_66 = tpu.memref_slice %arg4[%dma_start3A_65] : memref<131072xi16, #tpu.memory_space<vmem>> -> memref<8192xi16, #tpu.memory_space<vmem>>
    %dma_start3A_67 = tpu.memref_slice %arg2[%add3A_64] : memref<8388608xi16, #tpu.memory_space<hbm>> -> memref<8192xi16, #tpu.memory_space<hbm>>
    %dma_start3A_68 = arith.constant 57344 : i32
    %dma_start3A_69 = tpu.memref_slice %arg4[%dma_start3A_68] : memref<131072xi16, #tpu.memory_space<vmem>> -> memref<8192xi16, #tpu.memory_space<vmem>>
    %dma_start3A_70 = tpu.memref_slice %arg2[%add3A_64] : memref<8388608xi16, #tpu.memory_space<hbm>> -> memref<8192xi16, #tpu.memory_space<hbm>>
    tpu.enqueue_dma source(%dma_start3A_70 : memref<8192xi16, #tpu.memory_space<hbm>>) target(%dma_start3A_69 : memref<8192xi16, #tpu.memory_space<vmem>>) target_semaphore(%arg6 : memref<!tpu.dma_semaphore, #tpu.memory_space<semaphore_mem>>)
    %parallel_loop3A = arith.constant 0 : i32
    %parallel_loop3A_71 = arith.constant 1799 : i32
    %parallel_loop3A_72 = arith.constant 1 : i32
    scf.for %parallel_loop3A_476 = %parallel_loop3A to %parallel_loop3A_71 step %parallel_loop3A_72  : i32 {
      %parallel_loop3A_477 = arith.constant 16 : i32
      %parallel_loop3A_478 = arith.muli %parallel_loop3A_476, %parallel_loop3A_477 : i32
      %parallel_loop3A_479 = arith.index_cast %parallel_loop3A_478 : i32 to index
      %parallel_loop3A_480 = tpu.vector_load %arg5[%parallel_loop3A_479] {strides = array<i32>} : memref<28784xf32, #tpu.memory_space<vmem>>, vector<16xf32>,
      tpu.vector_store %arg5[%parallel_loop3A_479], %broadcast_in_dim3A_1 {strides = array<i32>} : memref<28784xf32, #tpu.memory_space<vmem>>, vector<16xf32>,
    } {sc.loop_unroll_factor = 8 : i64, sc.parallel_access}
    %add3A_73 = arith.constant 8192 : i32
    %add3A_74 = arith.addi %mul3A_5, %add3A_73 : i32
    %add3A_75 = arith.constant 0 : i32
    %add3A_76 = arith.addi %add3A_75, %add3A_74 : i32
    %dma_start3A_77 = arith.constant 65536 : i32
    %dma_start3A_78 = tpu.memref_slice %arg4[%dma_start3A_77] : memref<131072xi16, #tpu.memory_space<vmem>> -> memref<8192xi16, #tpu.memory_space<vmem>>
    %dma_start3A_79 = tpu.memref_slice %arg2[%add3A_76] : memref<8388608xi16, #tpu.memory_space<hbm>> -> memref<8192xi16, #tpu.memory_space<hbm>>
    %dma_start3A_80 = arith.constant 65536 : i32
    %dma_start3A_81 = tpu.memref_slice %arg4[%dma_start3A_80] : memref<131072xi16, #tpu.memory_space<vmem>> -> memref<8192xi16, #tpu.memory_space<vmem>>
    %dma_start3A_82 = tpu.memref_slice %arg2[%add3A_76] : memref<8388608xi16, #tpu.memory_space<hbm>> -> memref<8192xi16, #tpu.memory_space<hbm>>
    tpu.enqueue_dma source(%dma_start3A_82 : memref<8192xi16, #tpu.memory_space<hbm>>) target(%dma_start3A_81 : memref<8192xi16, #tpu.memory_space<vmem>>) target_semaphore(%arg7 : memref<!tpu.dma_semaphore, #tpu.memory_space<semaphore_mem>>)
    %add3A_83 = arith.constant 1048576 : i32
    %add3A_84 = arith.addi %add3A_83, %add3A_74 : i32
    %dma_start3A_85 = arith.constant 73728 : i32
    %dma_start3A_86 = tpu.memref_slice %arg4[%dma_start3A_85] : memref<131072xi16, #tpu.memory_space<vmem>> -> memref<8192xi16, #tpu.memory_space<vmem>>
    %dma_start3A_87 = tpu.memref_slice %arg2[%add3A_84] : memref<8388608xi16, #tpu.memory_space<hbm>> -> memref<8192xi16, #tpu.memory_space<hbm>>
    %dma_start3A_88 = arith.constant 73728 : i32
    %dma_start3A_89 = tpu.memref_slice %arg4[%dma_start3A_88] : memref<131072xi16, #tpu.memory_space<vmem>> -> memref<8192xi16, #tpu.memory_space<vmem>>
    %dma_start3A_90 = tpu.memref_slice %arg2[%add3A_84] : memref<8388608xi16, #tpu.memory_space<hbm>> -> memref<8192xi16, #tpu.memory_space<hbm>>
    tpu.enqueue_dma source(%dma_start3A_90 : memref<8192xi16, #tpu.memory_space<hbm>>) target(%dma_start3A_89 : memref<8192xi16, #tpu.memory_space<vmem>>) target_semaphore(%arg7 : memref<!tpu.dma_semaphore, #tpu.memory_space<semaphore_mem>>)
    %add3A_91 = arith.constant 2097152 : i32
    %add3A_92 = arith.addi %add3A_91, %add3A_74 : i32
    %dma_start3A_93 = arith.constant 81920 : i32
    %dma_start3A_94 = tpu.memref_slice %arg4[%dma_start3A_93] : memref<131072xi16, #tpu.memory_space<vmem>> -> memref<8192xi16, #tpu.memory_space<vmem>>
    %dma_start3A_95 = tpu.memref_slice %arg2[%add3A_92] : memref<8388608xi16, #tpu.memory_space<hbm>> -> memref<8192xi16, #tpu.memory_space<hbm>>
    %dma_start3A_96 = arith.constant 81920 : i32
    %dma_start3A_97 = tpu.memref_slice %arg4[%dma_start3A_96] : memref<131072xi16, #tpu.memory_space<vmem>> -> memref<8192xi16, #tpu.memory_space<vmem>>
    %dma_start3A_98 = tpu.memref_slice %arg2[%add3A_92] : memref<8388608xi16, #tpu.memory_space<hbm>> -> memref<8192xi16, #tpu.memory_space<hbm>>
    tpu.enqueue_dma source(%dma_start3A_98 : memref<8192xi16, #tpu.memory_space<hbm>>) target(%dma_start3A_97 : memref<8192xi16, #tpu.memory_space<vmem>>) target_semaphore(%arg7 : memref<!tpu.dma_semaphore, #tpu.memory_space<semaphore_mem>>)
    %add3A_99 = arith.constant 3145728 : i32
    %add3A_100 = arith.addi %add3A_99, %add3A_74 : i32
    %dma_start3A_101 = arith.constant 90112 : i32
    %dma_start3A_102 = tpu.memref_slice %arg4[%dma_start3A_101] : memref<131072xi16, #tpu.memory_space<vmem>> -> memref<8192xi16, #tpu.memory_space<vmem>>
    %dma_start3A_103 = tpu.memref_slice %arg2[%add3A_100] : memref<8388608xi16, #tpu.memory_space<hbm>> -> memref<8192xi16, #tpu.memory_space<hbm>>
    %dma_start3A_104 = arith.constant 90112 : i32
    %dma_start3A_105 = tpu.memref_slice %arg4[%dma_start3A_104] : memref<131072xi16, #tpu.memory_space<vmem>> -> memref<8192xi16, #tpu.memory_space<vmem>>
    %dma_start3A_106 = tpu.memref_slice %arg2[%add3A_100] : memref<8388608xi16, #tpu.memory_space<hbm>> -> memref<8192xi16, #tpu.memory_space<hbm>>
    tpu.enqueue_dma source(%dma_start3A_106 : memref<8192xi16, #tpu.memory_space<hbm>>) target(%dma_start3A_105 : memref<8192xi16, #tpu.memory_space<vmem>>) target_semaphore(%arg7 : memref<!tpu.dma_semaphore, #tpu.memory_space<semaphore_mem>>)
    %add3A_107 = arith.constant 4194304 : i32
    %add3A_108 = arith.addi %add3A_107, %add3A_74 : i32
    %dma_start3A_109 = arith.constant 98304 : i32
    %dma_start3A_110 = tpu.memref_slice %arg4[%dma_start3A_109] : memref<131072xi16, #tpu.memory_space<vmem>> -> memref<8192xi16, #tpu.memory_space<vmem>>
    %dma_start3A_111 = tpu.memref_slice %arg2[%add3A_108] : memref<8388608xi16, #tpu.memory_space<hbm>> -> memref<8192xi16, #tpu.memory_space<hbm>>
    %dma_start3A_112 = arith.constant 98304 : i32
    %dma_start3A_113 = tpu.memref_slice %arg4[%dma_start3A_112] : memref<131072xi16, #tpu.memory_space<vmem>> -> memref<8192xi16, #tpu.memory_space<vmem>>
    %dma_start3A_114 = tpu.memref_slice %arg2[%add3A_108] : memref<8388608xi16, #tpu.memory_space<hbm>> -> memref<8192xi16, #tpu.memory_space<hbm>>
    tpu.enqueue_dma source(%dma_start3A_114 : memref<8192xi16, #tpu.memory_space<hbm>>) target(%dma_start3A_113 : memref<8192xi16, #tpu.memory_space<vmem>>) target_semaphore(%arg7 : memref<!tpu.dma_semaphore, #tpu.memory_space<semaphore_mem>>)
    %add3A_115 = arith.constant 5242880 : i32
    %add3A_116 = arith.addi %add3A_115, %add3A_74 : i32
    %dma_start3A_117 = arith.constant 106496 : i32
    %dma_start3A_118 = tpu.memref_slice %arg4[%dma_start3A_117] : memref<131072xi16, #tpu.memory_space<vmem>> -> memref<8192xi16, #tpu.memory_space<vmem>>
    %dma_start3A_119 = tpu.memref_slice %arg2[%add3A_116] : memref<8388608xi16, #tpu.memory_space<hbm>> -> memref<8192xi16, #tpu.memory_space<hbm>>
    %dma_start3A_120 = arith.constant 106496 : i32
    %dma_start3A_121 = tpu.memref_slice %arg4[%dma_start3A_120] : memref<131072xi16, #tpu.memory_space<vmem>> -> memref<8192xi16, #tpu.memory_space<vmem>>
    %dma_start3A_122 = tpu.memref_slice %arg2[%add3A_116] : memref<8388608xi16, #tpu.memory_space<hbm>> -> memref<8192xi16, #tpu.memory_space<hbm>>
    tpu.enqueue_dma source(%dma_start3A_122 : memref<8192xi16, #tpu.memory_space<hbm>>) target(%dma_start3A_121 : memref<8192xi16, #tpu.memory_space<vmem>>) target_semaphore(%arg7 : memref<!tpu.dma_semaphore, #tpu.memory_space<semaphore_mem>>)
    %add3A_123 = arith.constant 6291456 : i32
    %add3A_124 = arith.addi %add3A_123, %add3A_74 : i32
    %dma_start3A_125 = arith.constant 114688 : i32
    %dma_start3A_126 = tpu.memref_slice %arg4[%dma_start3A_125] : memref<131072xi16, #tpu.memory_space<vmem>> -> memref<8192xi16, #tpu.memory_space<vmem>>
    %dma_start3A_127 = tpu.memref_slice %arg2[%add3A_124] : memref<8388608xi16, #tpu.memory_space<hbm>> -> memref<8192xi16, #tpu.memory_space<hbm>>
    %dma_start3A_128 = arith.constant 114688 : i32
    %dma_start3A_129 = tpu.memref_slice %arg4[%dma_start3A_128] : memref<131072xi16, #tpu.memory_space<vmem>> -> memref<8192xi16, #tpu.memory_space<vmem>>
    %dma_start3A_130 = tpu.memref_slice %arg2[%add3A_124] : memref<8388608xi16, #tpu.memory_space<hbm>> -> memref<8192xi16, #tpu.memory_space<hbm>>
    tpu.enqueue_dma source(%dma_start3A_130 : memref<8192xi16, #tpu.memory_space<hbm>>) target(%dma_start3A_129 : memref<8192xi16, #tpu.memory_space<vmem>>) target_semaphore(%arg7 : memref<!tpu.dma_semaphore, #tpu.memory_space<semaphore_mem>>)
    %add3A_131 = arith.constant 7340032 : i32
    %add3A_132 = arith.addi %add3A_131, %add3A_74 : i32
    %dma_start3A_133 = arith.constant 122880 : i32
    %dma_start3A_134 = tpu.memref_slice %arg4[%dma_start3A_133] : memref<131072xi16, #tpu.memory_space<vmem>> -> memref<8192xi16, #tpu.memory_space<vmem>>
    %dma_start3A_135 = tpu.memref_slice %arg2[%add3A_132] : memref<8388608xi16, #tpu.memory_space<hbm>> -> memref<8192xi16, #tpu.memory_space<hbm>>
    %dma_start3A_136 = arith.constant 122880 : i32
    %dma_start3A_137 = tpu.memref_slice %arg4[%dma_start3A_136] : memref<131072xi16, #tpu.memory_space<vmem>> -> memref<8192xi16, #tpu.memory_space<vmem>>
    %dma_start3A_138 = tpu.memref_slice %arg2[%add3A_132] : memref<8388608xi16, #tpu.memory_space<hbm>> -> memref<8192xi16, #tpu.memory_space<hbm>>
    tpu.enqueue_dma source(%dma_start3A_138 : memref<8192xi16, #tpu.memory_space<hbm>>) target(%dma_start3A_137 : memref<8192xi16, #tpu.memory_space<vmem>>) target_semaphore(%arg7 : memref<!tpu.dma_semaphore, #tpu.memory_space<semaphore_mem>>)
    %dma_wait3A = arith.constant 0 : i32
    %dma_wait3A_139 = tpu.memref_slice %arg4[%dma_wait3A] : memref<131072xi16, #tpu.memory_space<vmem>> -> memref<8192xi16, #tpu.memory_space<vmem>>
    %dma_wait3A_140 = tpu.memref_slice %arg2[%add3A_9] : memref<8388608xi16, #tpu.memory_space<hbm>> -> memref<8192xi16, #tpu.memory_space<hbm>>
    %dma_wait3A_141 = arith.constant 0 : i32
    %dma_wait3A_142 = tpu.memref_slice %arg4[%dma_wait3A_141] : memref<131072xi16, #tpu.memory_space<vmem>> -> memref<8192xi16, #tpu.memory_space<vmem>>
    %dma_wait3A_143 = tpu.memref_slice %arg2[%add3A_9] : memref<8388608xi16, #tpu.memory_space<hbm>> -> memref<8192xi16, #tpu.memory_space<hbm>>
    tpu.wait_dma2 semaphore(%arg6 : memref<!tpu.dma_semaphore, #tpu.memory_space<semaphore_mem>>) src(%dma_wait3A_143 : memref<8192xi16, #tpu.memory_space<hbm>>) dst(%dma_wait3A_142 : memref<8192xi16, #tpu.memory_space<vmem>>)
    %dma_wait3A_144 = arith.constant 8192 : i32
    %dma_wait3A_145 = tpu.memref_slice %arg4[%dma_wait3A_144] : memref<131072xi16, #tpu.memory_space<vmem>> -> memref<8192xi16, #tpu.memory_space<vmem>>
    %dma_wait3A_146 = tpu.memref_slice %arg2[%add3A_16] : memref<8388608xi16, #tpu.memory_space<hbm>> -> memref<8192xi16, #tpu.memory_space<hbm>>
    %dma_wait3A_147 = arith.constant 8192 : i32
    %dma_wait3A_148 = tpu.memref_slice %arg4[%dma_wait3A_147] : memref<131072xi16, #tpu.memory_space<vmem>> -> memref<8192xi16, #tpu.memory_space<vmem>>
    %dma_wait3A_149 = tpu.memref_slice %arg2[%add3A_16] : memref<8388608xi16, #tpu.memory_space<hbm>> -> memref<8192xi16, #tpu.memory_space<hbm>>
    tpu.wait_dma2 semaphore(%arg6 : memref<!tpu.dma_semaphore, #tpu.memory_space<semaphore_mem>>) src(%dma_wait3A_149 : memref<8192xi16, #tpu.memory_space<hbm>>) dst(%dma_wait3A_148 : memref<8192xi16, #tpu.memory_space<vmem>>)
    %dma_wait3A_150 = arith.constant 16384 : i32
    %dma_wait3A_151 = tpu.memref_slice %arg4[%dma_wait3A_150] : memref<131072xi16, #tpu.memory_space<vmem>> -> memref<8192xi16, #tpu.memory_space<vmem>>
    %dma_wait3A_152 = tpu.memref_slice %arg2[%add3A_24] : memref<8388608xi16, #tpu.memory_space<hbm>> -> memref<8192xi16, #tpu.memory_space<hbm>>
    %dma_wait3A_153 = arith.constant 16384 : i32
    %dma_wait3A_154 = tpu.memref_slice %arg4[%dma_wait3A_153] : memref<131072xi16, #tpu.memory_space<vmem>> -> memref<8192xi16, #tpu.memory_space<vmem>>
    %dma_wait3A_155 = tpu.memref_slice %arg2[%add3A_24] : memref<8388608xi16, #tpu.memory_space<hbm>> -> memref<8192xi16, #tpu.memory_space<hbm>>
    tpu.wait_dma2 semaphore(%arg6 : memref<!tpu.dma_semaphore, #tpu.memory_space<semaphore_mem>>) src(%dma_wait3A_155 : memref<8192xi16, #tpu.memory_space<hbm>>) dst(%dma_wait3A_154 : memref<8192xi16, #tpu.memory_space<vmem>>)
    %dma_wait3A_156 = arith.constant 24576 : i32
    %dma_wait3A_157 = tpu.memref_slice %arg4[%dma_wait3A_156] : memref<131072xi16, #tpu.memory_space<vmem>> -> memref<8192xi16, #tpu.memory_space<vmem>>
    %dma_wait3A_158 = tpu.memref_slice %arg2[%add3A_32] : memref<8388608xi16, #tpu.memory_space<hbm>> -> memref<8192xi16, #tpu.memory_space<hbm>>
    %dma_wait3A_159 = arith.constant 24576 : i32
    %dma_wait3A_160 = tpu.memref_slice %arg4[%dma_wait3A_159] : memref<131072xi16, #tpu.memory_space<vmem>> -> memref<8192xi16, #tpu.memory_space<vmem>>
    %dma_wait3A_161 = tpu.memref_slice %arg2[%add3A_32] : memref<8388608xi16, #tpu.memory_space<hbm>> -> memref<8192xi16, #tpu.memory_space<hbm>>
    tpu.wait_dma2 semaphore(%arg6 : memref<!tpu.dma_semaphore, #tpu.memory_space<semaphore_mem>>) src(%dma_wait3A_161 : memref<8192xi16, #tpu.memory_space<hbm>>) dst(%dma_wait3A_160 : memref<8192xi16, #tpu.memory_space<vmem>>)
    %dma_wait3A_162 = arith.constant 32768 : i32
    %dma_wait3A_163 = tpu.memref_slice %arg4[%dma_wait3A_162] : memref<131072xi16, #tpu.memory_space<vmem>> -> memref<8192xi16, #tpu.memory_space<vmem>>
    %dma_wait3A_164 = tpu.memref_slice %arg2[%add3A_40] : memref<8388608xi16, #tpu.memory_space<hbm>> -> memref<8192xi16, #tpu.memory_space<hbm>>
    %dma_wait3A_165 = arith.constant 32768 : i32
    %dma_wait3A_166 = tpu.memref_slice %arg4[%dma_wait3A_165] : memref<131072xi16, #tpu.memory_space<vmem>> -> memref<8192xi16, #tpu.memory_space<vmem>>
    %dma_wait3A_167 = tpu.memref_slice %arg2[%add3A_40] : memref<8388608xi16, #tpu.memory_space<hbm>> -> memref<8192xi16, #tpu.memory_space<hbm>>
    tpu.wait_dma2 semaphore(%arg6 : memref<!tpu.dma_semaphore, #tpu.memory_space<semaphore_mem>>) src(%dma_wait3A_167 : memref<8192xi16, #tpu.memory_space<hbm>>) dst(%dma_wait3A_166 : memref<8192xi16, #tpu.memory_space<vmem>>)
    %dma_wait3A_168 = arith.constant 40960 : i32
    %dma_wait3A_169 = tpu.memref_slice %arg4[%dma_wait3A_168] : memref<131072xi16, #tpu.memory_space<vmem>> -> memref<8192xi16, #tpu.memory_space<vmem>>
    %dma_wait3A_170 = tpu.memref_slice %arg2[%add3A_48] : memref<8388608xi16, #tpu.memory_space<hbm>> -> memref<8192xi16, #tpu.memory_space<hbm>>
    %dma_wait3A_171 = arith.constant 40960 : i32
    %dma_wait3A_172 = tpu.memref_slice %arg4[%dma_wait3A_171] : memref<131072xi16, #tpu.memory_space<vmem>> -> memref<8192xi16, #tpu.memory_space<vmem>>
    %dma_wait3A_173 = tpu.memref_slice %arg2[%add3A_48] : memref<8388608xi16, #tpu.memory_space<hbm>> -> memref<8192xi16, #tpu.memory_space<hbm>>
    tpu.wait_dma2 semaphore(%arg6 : memref<!tpu.dma_semaphore, #tpu.memory_space<semaphore_mem>>) src(%dma_wait3A_173 : memref<8192xi16, #tpu.memory_space<hbm>>) dst(%dma_wait3A_172 : memref<8192xi16, #tpu.memory_space<vmem>>)
    %dma_wait3A_174 = arith.constant 49152 : i32
    %dma_wait3A_175 = tpu.memref_slice %arg4[%dma_wait3A_174] : memref<131072xi16, #tpu.memory_space<vmem>> -> memref<8192xi16, #tpu.memory_space<vmem>>
    %dma_wait3A_176 = tpu.memref_slice %arg2[%add3A_56] : memref<8388608xi16, #tpu.memory_space<hbm>> -> memref<8192xi16, #tpu.memory_space<hbm>>
    %dma_wait3A_177 = arith.constant 49152 : i32
    %dma_wait3A_178 = tpu.memref_slice %arg4[%dma_wait3A_177] : memref<131072xi16, #tpu.memory_space<vmem>> -> memref<8192xi16, #tpu.memory_space<vmem>>
    %dma_wait3A_179 = tpu.memref_slice %arg2[%add3A_56] : memref<8388608xi16, #tpu.memory_space<hbm>> -> memref<8192xi16, #tpu.memory_space<hbm>>
    tpu.wait_dma2 semaphore(%arg6 : memref<!tpu.dma_semaphore, #tpu.memory_space<semaphore_mem>>) src(%dma_wait3A_179 : memref<8192xi16, #tpu.memory_space<hbm>>) dst(%dma_wait3A_178 : memref<8192xi16, #tpu.memory_space<vmem>>)
    %dma_wait3A_180 = arith.constant 57344 : i32
    %dma_wait3A_181 = tpu.memref_slice %arg4[%dma_wait3A_180] : memref<131072xi16, #tpu.memory_space<vmem>> -> memref<8192xi16, #tpu.memory_space<vmem>>
    %dma_wait3A_182 = tpu.memref_slice %arg2[%add3A_64] : memref<8388608xi16, #tpu.memory_space<hbm>> -> memref<8192xi16, #tpu.memory_space<hbm>>
    %dma_wait3A_183 = arith.constant 57344 : i32
    %dma_wait3A_184 = tpu.memref_slice %arg4[%dma_wait3A_183] : memref<131072xi16, #tpu.memory_space<vmem>> -> memref<8192xi16, #tpu.memory_space<vmem>>
    %dma_wait3A_185 = tpu.memref_slice %arg2[%add3A_64] : memref<8388608xi16, #tpu.memory_space<hbm>> -> memref<8192xi16, #tpu.memory_space<hbm>>
    tpu.wait_dma2 semaphore(%arg6 : memref<!tpu.dma_semaphore, #tpu.memory_space<semaphore_mem>>) src(%dma_wait3A_185 : memref<8192xi16, #tpu.memory_space<hbm>>) dst(%dma_wait3A_184 : memref<8192xi16, #tpu.memory_space<vmem>>)
    %parallel_loop3A_186 = arith.constant 0 : i32
    %parallel_loop3A_187 = arith.constant 256 : i32
    %parallel_loop3A_188 = arith.constant 1 : i32
    scf.for %parallel_loop3A_476 = %parallel_loop3A_186 to %parallel_loop3A_187 step %parallel_loop3A_188  : i32 {
      %parallel_loop3A_477 = arith.constant 32 : i32
      %parallel_loop3A_478 = arith.muli %parallel_loop3A_476, %parallel_loop3A_477 : i32
      %parallel_loop3A_479 = arith.constant 0 : i32
      %parallel_loop3A_480 = arith.addi %parallel_loop3A_479, %parallel_loop3A_478 : i32
      %parallel_loop3A_481 = arith.index_cast %parallel_loop3A_480 : i32 to index
      %parallel_loop3A_482 = tpu.vector_load %arg4[%parallel_loop3A_481] {strides = array<i32>} : memref<131072xi16, #tpu.memory_space<vmem>>, vector<32xi16>,
      %parallel_loop3A_483 = tpu.unpack_subelements %parallel_loop3A_482, 0 {pack_format = #tpu.pack_format<interleaved>} : vector<32xi16> -> vector<16xi32>
      %parallel_loop3A_484 = tpu.unpack_subelements %parallel_loop3A_482, 1 {pack_format = #tpu.pack_format<interleaved>} : vector<32xi16> -> vector<16xi32>
      %parallel_loop3A_485 = vector.bitcast %parallel_loop3A_483 : vector<16xi32> to vector<16xi32>
      %parallel_loop3A_486 = arith.constant 2048 : i32
      %parallel_loop3A_487 = vector.broadcast %parallel_loop3A_486 : i32 to vector<16xi32>
      %parallel_loop3A_488 = arith.cmpi ne, %parallel_loop3A_485, %parallel_loop3A_487 : vector<16xi32>
      tpu.vector_store_idx %arg5[%parallel_loop3A_485], %broadcast_in_dim3A_3 masked %parallel_loop3A_488 {add = true} : memref<28784xf32, #tpu.memory_space<vmem>>[vector<16xi32>], vector<16xf32>, vector<16xi1>
      %parallel_loop3A_489 = vector.bitcast %parallel_loop3A_484 : vector<16xi32> to vector<16xi32>
      %parallel_loop3A_490 = arith.constant 2048 : i32
      %parallel_loop3A_491 = vector.broadcast %parallel_loop3A_490 : i32 to vector<16xi32>
      %parallel_loop3A_492 = arith.cmpi ne, %parallel_loop3A_489, %parallel_loop3A_491 : vector<16xi32>
      tpu.vector_store_idx %arg5[%parallel_loop3A_489], %broadcast_in_dim3A_3 masked %parallel_loop3A_492 {add = true} : memref<28784xf32, #tpu.memory_space<vmem>>[vector<16xi32>], vector<16xf32>, vector<16xi1>
      %parallel_loop3A_493 = arith.constant 8192 : i32
      %parallel_loop3A_494 = arith.addi %parallel_loop3A_493, %parallel_loop3A_478 : i32
      %parallel_loop3A_495 = arith.index_cast %parallel_loop3A_494 : i32 to index
      %parallel_loop3A_496 = tpu.vector_load %arg4[%parallel_loop3A_495] {strides = array<i32>} : memref<131072xi16, #tpu.memory_space<vmem>>, vector<32xi16>,
      %parallel_loop3A_497 = tpu.unpack_subelements %parallel_loop3A_496, 0 {pack_format = #tpu.pack_format<interleaved>} : vector<32xi16> -> vector<16xi32>
      %parallel_loop3A_498 = tpu.unpack_subelements %parallel_loop3A_496, 1 {pack_format = #tpu.pack_format<interleaved>} : vector<32xi16> -> vector<16xi32>
      %parallel_loop3A_499 = vector.bitcast %parallel_loop3A_497 : vector<16xi32> to vector<16xi32>
      %parallel_loop3A_500 = arith.constant 4104 : i32
      %parallel_loop3A_501 = vector.broadcast %parallel_loop3A_500 : i32 to vector<16xi32>
      %parallel_loop3A_502 = arith.cmpi ne, %parallel_loop3A_499, %parallel_loop3A_501 : vector<16xi32>
      tpu.vector_store_idx %arg5[%parallel_loop3A_499], %broadcast_in_dim3A_3 masked %parallel_loop3A_502 {add = true} : memref<28784xf32, #tpu.memory_space<vmem>>[vector<16xi32>], vector<16xf32>, vector<16xi1>
      %parallel_loop3A_503 = vector.bitcast %parallel_loop3A_498 : vector<16xi32> to vector<16xi32>
      %parallel_loop3A_504 = arith.constant 4104 : i32
      %parallel_loop3A_505 = vector.broadcast %parallel_loop3A_504 : i32 to vector<16xi32>
      %parallel_loop3A_506 = arith.cmpi ne, %parallel_loop3A_503, %parallel_loop3A_505 : vector<16xi32>
      tpu.vector_store_idx %arg5[%parallel_loop3A_503], %broadcast_in_dim3A_3 masked %parallel_loop3A_506 {add = true} : memref<28784xf32, #tpu.memory_space<vmem>>[vector<16xi32>], vector<16xf32>, vector<16xi1>
      %parallel_loop3A_507 = arith.constant 16384 : i32
      %parallel_loop3A_508 = arith.addi %parallel_loop3A_507, %parallel_loop3A_478 : i32
      %parallel_loop3A_509 = arith.index_cast %parallel_loop3A_508 : i32 to index
      %parallel_loop3A_510 = tpu.vector_load %arg4[%parallel_loop3A_509] {strides = array<i32>} : memref<131072xi16, #tpu.memory_space<vmem>>, vector<32xi16>,
      %parallel_loop3A_511 = tpu.unpack_subelements %parallel_loop3A_510, 0 {pack_format = #tpu.pack_format<interleaved>} : vector<32xi16> -> vector<16xi32>
      %parallel_loop3A_512 = tpu.unpack_subelements %parallel_loop3A_510, 1 {pack_format = #tpu.pack_format<interleaved>} : vector<32xi16> -> vector<16xi32>
      %parallel_loop3A_513 = vector.bitcast %parallel_loop3A_511 : vector<16xi32> to vector<16xi32>
      %parallel_loop3A_514 = arith.constant 6160 : i32
      %parallel_loop3A_515 = vector.broadcast %parallel_loop3A_514 : i32 to vector<16xi32>
      %parallel_loop3A_516 = arith.cmpi ne, %parallel_loop3A_513, %parallel_loop3A_515 : vector<16xi32>
      tpu.vector_store_idx %arg5[%parallel_loop3A_513], %broadcast_in_dim3A_3 masked %parallel_loop3A_516 {add = true} : memref<28784xf32, #tpu.memory_space<vmem>>[vector<16xi32>], vector<16xf32>, vector<16xi1>
      %parallel_loop3A_517 = vector.bitcast %parallel_loop3A_512 : vector<16xi32> to vector<16xi32>
      %parallel_loop3A_518 = arith.constant 6160 : i32
      %parallel_loop3A_519 = vector.broadcast %parallel_loop3A_518 : i32 to vector<16xi32>
      %parallel_loop3A_520 = arith.cmpi ne, %parallel_loop3A_517, %parallel_loop3A_519 : vector<16xi32>
      tpu.vector_store_idx %arg5[%parallel_loop3A_517], %broadcast_in_dim3A_3 masked %parallel_loop3A_520 {add = true} : memref<28784xf32, #tpu.memory_space<vmem>>[vector<16xi32>], vector<16xf32>, vector<16xi1>
      %parallel_loop3A_521 = arith.constant 24576 : i32
      %parallel_loop3A_522 = arith.addi %parallel_loop3A_521, %parallel_loop3A_478 : i32
      %parallel_loop3A_523 = arith.index_cast %parallel_loop3A_522 : i32 to index
      %parallel_loop3A_524 = tpu.vector_load %arg4[%parallel_loop3A_523] {strides = array<i32>} : memref<131072xi16, #tpu.memory_space<vmem>>, vector<32xi16>,
      %parallel_loop3A_525 = tpu.unpack_subelements %parallel_loop3A_524, 0 {pack_format = #tpu.pack_format<interleaved>} : vector<32xi16> -> vector<16xi32>
      %parallel_loop3A_526 = tpu.unpack_subelements %parallel_loop3A_524, 1 {pack_format = #tpu.pack_format<interleaved>} : vector<32xi16> -> vector<16xi32>
      %parallel_loop3A_527 = vector.bitcast %parallel_loop3A_525 : vector<16xi32> to vector<16xi32>
      %parallel_loop3A_528 = arith.constant 8216 : i32
      %parallel_loop3A_529 = vector.broadcast %parallel_loop3A_528 : i32 to vector<16xi32>
      %parallel_loop3A_530 = arith.cmpi ne, %parallel_loop3A_527, %parallel_loop3A_529 : vector<16xi32>
      tpu.vector_store_idx %arg5[%parallel_loop3A_527], %broadcast_in_dim3A_3 masked %parallel_loop3A_530 {add = true} : memref<28784xf32, #tpu.memory_space<vmem>>[vector<16xi32>], vector<16xf32>, vector<16xi1>
      %parallel_loop3A_531 = vector.bitcast %parallel_loop3A_526 : vector<16xi32> to vector<16xi32>
      %parallel_loop3A_532 = arith.constant 8216 : i32
      %parallel_loop3A_533 = vector.broadcast %parallel_loop3A_532 : i32 to vector<16xi32>
      %parallel_loop3A_534 = arith.cmpi ne, %parallel_loop3A_531, %parallel_loop3A_533 : vector<16xi32>
      tpu.vector_store_idx %arg5[%parallel_loop3A_531], %broadcast_in_dim3A_3 masked %parallel_loop3A_534 {add = true} : memref<28784xf32, #tpu.memory_space<vmem>>[vector<16xi32>], vector<16xf32>, vector<16xi1>
      %parallel_loop3A_535 = arith.constant 32768 : i32
      %parallel_loop3A_536 = arith.addi %parallel_loop3A_535, %parallel_loop3A_478 : i32
      %parallel_loop3A_537 = arith.index_cast %parallel_loop3A_536 : i32 to index
      %parallel_loop3A_538 = tpu.vector_load %arg4[%parallel_loop3A_537] {strides = array<i32>} : memref<131072xi16, #tpu.memory_space<vmem>>, vector<32xi16>,
      %parallel_loop3A_539 = tpu.unpack_subelements %parallel_loop3A_538, 0 {pack_format = #tpu.pack_format<interleaved>} : vector<32xi16> -> vector<16xi32>
      %parallel_loop3A_540 = tpu.unpack_subelements %parallel_loop3A_538, 1 {pack_format = #tpu.pack_format<interleaved>} : vector<32xi16> -> vector<16xi32>
      %parallel_loop3A_541 = vector.bitcast %parallel_loop3A_539 : vector<16xi32> to vector<16xi32>
      %parallel_loop3A_542 = arith.constant 10272 : i32
      %parallel_loop3A_543 = vector.broadcast %parallel_loop3A_542 : i32 to vector<16xi32>
      %parallel_loop3A_544 = arith.cmpi ne, %parallel_loop3A_541, %parallel_loop3A_543 : vector<16xi32>
      tpu.vector_store_idx %arg5[%parallel_loop3A_541], %broadcast_in_dim3A_3 masked %parallel_loop3A_544 {add = true} : memref<28784xf32, #tpu.memory_space<vmem>>[vector<16xi32>], vector<16xf32>, vector<16xi1>
      %parallel_loop3A_545 = vector.bitcast %parallel_loop3A_540 : vector<16xi32> to vector<16xi32>
      %parallel_loop3A_546 = arith.constant 10272 : i32
      %parallel_loop3A_547 = vector.broadcast %parallel_loop3A_546 : i32 to vector<16xi32>
      %parallel_loop3A_548 = arith.cmpi ne, %parallel_loop3A_545, %parallel_loop3A_547 : vector<16xi32>
      tpu.vector_store_idx %arg5[%parallel_loop3A_545], %broadcast_in_dim3A_3 masked %parallel_loop3A_548 {add = true} : memref<28784xf32, #tpu.memory_space<vmem>>[vector<16xi32>], vector<16xf32>, vector<16xi1>
      %parallel_loop3A_549 = arith.constant 40960 : i32
      %parallel_loop3A_550 = arith.addi %parallel_loop3A_549, %parallel_loop3A_478 : i32
      %parallel_loop3A_551 = arith.index_cast %parallel_loop3A_550 : i32 to index
      %parallel_loop3A_552 = tpu.vector_load %arg4[%parallel_loop3A_551] {strides = array<i32>} : memref<131072xi16, #tpu.memory_space<vmem>>, vector<32xi16>,
      %parallel_loop3A_553 = tpu.unpack_subelements %parallel_loop3A_552, 0 {pack_format = #tpu.pack_format<interleaved>} : vector<32xi16> -> vector<16xi32>
      %parallel_loop3A_554 = tpu.unpack_subelements %parallel_loop3A_552, 1 {pack_format = #tpu.pack_format<interleaved>} : vector<32xi16> -> vector<16xi32>
      %parallel_loop3A_555 = vector.bitcast %parallel_loop3A_553 : vector<16xi32> to vector<16xi32>
      %parallel_loop3A_556 = arith.constant 12328 : i32
      %parallel_loop3A_557 = vector.broadcast %parallel_loop3A_556 : i32 to vector<16xi32>
      %parallel_loop3A_558 = arith.cmpi ne, %parallel_loop3A_555, %parallel_loop3A_557 : vector<16xi32>
      tpu.vector_store_idx %arg5[%parallel_loop3A_555], %broadcast_in_dim3A_3 masked %parallel_loop3A_558 {add = true} : memref<28784xf32, #tpu.memory_space<vmem>>[vector<16xi32>], vector<16xf32>, vector<16xi1>
      %parallel_loop3A_559 = vector.bitcast %parallel_loop3A_554 : vector<16xi32> to vector<16xi32>
      %parallel_loop3A_560 = arith.constant 12328 : i32
      %parallel_loop3A_561 = vector.broadcast %parallel_loop3A_560 : i32 to vector<16xi32>
      %parallel_loop3A_562 = arith.cmpi ne, %parallel_loop3A_559, %parallel_loop3A_561 : vector<16xi32>
      tpu.vector_store_idx %arg5[%parallel_loop3A_559], %broadcast_in_dim3A_3 masked %parallel_loop3A_562 {add = true} : memref<28784xf32, #tpu.memory_space<vmem>>[vector<16xi32>], vector<16xf32>, vector<16xi1>
      %parallel_loop3A_563 = arith.constant 49152 : i32
      %parallel_loop3A_564 = arith.addi %parallel_loop3A_563, %parallel_loop3A_478 : i32
      %parallel_loop3A_565 = arith.index_cast %parallel_loop3A_564 : i32 to index
      %parallel_loop3A_566 = tpu.vector_load %arg4[%parallel_loop3A_565] {strides = array<i32>} : memref<131072xi16, #tpu.memory_space<vmem>>, vector<32xi16>,
      %parallel_loop3A_567 = tpu.unpack_subelements %parallel_loop3A_566, 0 {pack_format = #tpu.pack_format<interleaved>} : vector<32xi16> -> vector<16xi32>
      %parallel_loop3A_568 = tpu.unpack_subelements %parallel_loop3A_566, 1 {pack_format = #tpu.pack_format<interleaved>} : vector<32xi16> -> vector<16xi32>
      %parallel_loop3A_569 = vector.bitcast %parallel_loop3A_567 : vector<16xi32> to vector<16xi32>
      %parallel_loop3A_570 = arith.constant 14384 : i32
      %parallel_loop3A_571 = vector.broadcast %parallel_loop3A_570 : i32 to vector<16xi32>
      %parallel_loop3A_572 = arith.cmpi ne, %parallel_loop3A_569, %parallel_loop3A_571 : vector<16xi32>
      tpu.vector_store_idx %arg5[%parallel_loop3A_569], %broadcast_in_dim3A_3 masked %parallel_loop3A_572 {add = true} : memref<28784xf32, #tpu.memory_space<vmem>>[vector<16xi32>], vector<16xf32>, vector<16xi1>
      %parallel_loop3A_573 = vector.bitcast %parallel_loop3A_568 : vector<16xi32> to vector<16xi32>
      %parallel_loop3A_574 = arith.constant 14384 : i32
      %parallel_loop3A_575 = vector.broadcast %parallel_loop3A_574 : i32 to vector<16xi32>
      %parallel_loop3A_576 = arith.cmpi ne, %parallel_loop3A_573, %parallel_loop3A_575 : vector<16xi32>
      tpu.vector_store_idx %arg5[%parallel_loop3A_573], %broadcast_in_dim3A_3 masked %parallel_loop3A_576 {add = true} : memref<28784xf32, #tpu.memory_space<vmem>>[vector<16xi32>], vector<16xf32>, vector<16xi1>
      %parallel_loop3A_577 = arith.constant 57344 : i32
      %parallel_loop3A_578 = arith.addi %parallel_loop3A_577, %parallel_loop3A_478 : i32
      %parallel_loop3A_579 = arith.index_cast %parallel_loop3A_578 : i32 to index
      %parallel_loop3A_580 = tpu.vector_load %arg4[%parallel_loop3A_579] {strides = array<i32>} : memref<131072xi16, #tpu.memory_space<vmem>>, vector<32xi16>,
      %parallel_loop3A_581 = tpu.unpack_subelements %parallel_loop3A_580, 0 {pack_format = #tpu.pack_format<interleaved>} : vector<32xi16> -> vector<16xi32>
      %parallel_loop3A_582 = tpu.unpack_subelements %parallel_loop3A_580, 1 {pack_format = #tpu.pack_format<interleaved>} : vector<32xi16> -> vector<16xi32>
      %parallel_loop3A_583 = vector.bitcast %parallel_loop3A_581 : vector<16xi32> to vector<16xi32>
      %parallel_loop3A_584 = arith.constant 16440 : i32
      %parallel_loop3A_585 = vector.broadcast %parallel_loop3A_584 : i32 to vector<16xi32>
      %parallel_loop3A_586 = arith.cmpi ne, %parallel_loop3A_583, %parallel_loop3A_585 : vector<16xi32>
      tpu.vector_store_idx %arg5[%parallel_loop3A_583], %broadcast_in_dim3A_3 masked %parallel_loop3A_586 {add = true} : memref<28784xf32, #tpu.memory_space<vmem>>[vector<16xi32>], vector<16xf32>, vector<16xi1>
      %parallel_loop3A_587 = vector.bitcast %parallel_loop3A_582 : vector<16xi32> to vector<16xi32>
      %parallel_loop3A_588 = arith.constant 16440 : i32
      %parallel_loop3A_589 = vector.broadcast %parallel_loop3A_588 : i32 to vector<16xi32>
      %parallel_loop3A_590 = arith.cmpi ne, %parallel_loop3A_587, %parallel_loop3A_589 : vector<16xi32>
      tpu.vector_store_idx %arg5[%parallel_loop3A_587], %broadcast_in_dim3A_3 masked %parallel_loop3A_590 {add = true} : memref<28784xf32, #tpu.memory_space<vmem>>[vector<16xi32>], vector<16xf32>, vector<16xi1>
    } {sc.loop_unroll_factor = 4 : i64, sc.parallel_access}
    %add3A_189 = arith.constant 16384 : i32
    %add3A_190 = arith.addi %mul3A_5, %add3A_189 : i32
    %add3A_191 = arith.constant 0 : i32
    %add3A_192 = arith.addi %add3A_191, %add3A_190 : i32
    %dma_start3A_193 = arith.constant 0 : i32
    %dma_start3A_194 = tpu.memref_slice %arg4[%dma_start3A_193] : memref<131072xi16, #tpu.memory_space<vmem>> -> memref<8192xi16, #tpu.memory_space<vmem>>
    %dma_start3A_195 = tpu.memref_slice %arg2[%add3A_192] : memref<8388608xi16, #tpu.memory_space<hbm>> -> memref<8192xi16, #tpu.memory_space<hbm>>
    %dma_start3A_196 = arith.constant 0 : i32
    %dma_start3A_197 = tpu.memref_slice %arg4[%dma_start3A_196] : memref<131072xi16, #tpu.memory_space<vmem>> -> memref<8192xi16, #tpu.memory_space<vmem>>
    %dma_start3A_198 = tpu.memref_slice %arg2[%add3A_192] : memref<8388608xi16, #tpu.memory_space<hbm>> -> memref<8192xi16, #tpu.memory_space<hbm>>
    tpu.enqueue_dma source(%dma_start3A_198 : memref<8192xi16, #tpu.memory_space<hbm>>) target(%dma_start3A_197 : memref<8192xi16, #tpu.memory_space<vmem>>) target_semaphore(%arg6 : memref<!tpu.dma_semaphore, #tpu.memory_space<semaphore_mem>>)
    %add3A_199 = arith.constant 1048576 : i32
    %add3A_200 = arith.addi %add3A_199, %add3A_190 : i32
    %dma_start3A_201 = arith.constant 8192 : i32
    %dma_start3A_202 = tpu.memref_slice %arg4[%dma_start3A_201] : memref<131072xi16, #tpu.memory_space<vmem>> -> memref<8192xi16, #tpu.memory_space<vmem>>
    %dma_start3A_203 = tpu.memref_slice %arg2[%add3A_200] : memref<8388608xi16, #tpu.memory_space<hbm>> -> memref<8192xi16, #tpu.memory_space<hbm>>
    %dma_start3A_204 = arith.constant 8192 : i32
    %dma_start3A_205 = tpu.memref_slice %arg4[%dma_start3A_204] : memref<131072xi16, #tpu.memory_space<vmem>> -> memref<8192xi16, #tpu.memory_space<vmem>>
    %dma_start3A_206 = tpu.memref_slice %arg2[%add3A_200] : memref<8388608xi16, #tpu.memory_space<hbm>> -> memref<8192xi16, #tpu.memory_space<hbm>>
    tpu.enqueue_dma source(%dma_start3A_206 : memref<8192xi16, #tpu.memory_space<hbm>>) target(%dma_start3A_205 : memref<8192xi16, #tpu.memory_space<vmem>>) target_semaphore(%arg6 : memref<!tpu.dma_semaphore, #tpu.memory_space<semaphore_mem>>)
    %add3A_207 = arith.constant 2097152 : i32
    %add3A_208 = arith.addi %add3A_207, %add3A_190 : i32
    %dma_start3A_209 = arith.constant 16384 : i32
    %dma_start3A_210 = tpu.memref_slice %arg4[%dma_start3A_209] : memref<131072xi16, #tpu.memory_space<vmem>> -> memref<8192xi16, #tpu.memory_space<vmem>>
    %dma_start3A_211 = tpu.memref_slice %arg2[%add3A_208] : memref<8388608xi16, #tpu.memory_space<hbm>> -> memref<8192xi16, #tpu.memory_space<hbm>>
    %dma_start3A_212 = arith.constant 16384 : i32
    %dma_start3A_213 = tpu.memref_slice %arg4[%dma_start3A_212] : memref<131072xi16, #tpu.memory_space<vmem>> -> memref<8192xi16, #tpu.memory_space<vmem>>
    %dma_start3A_214 = tpu.memref_slice %arg2[%add3A_208] : memref<8388608xi16, #tpu.memory_space<hbm>> -> memref<8192xi16, #tpu.memory_space<hbm>>
    tpu.enqueue_dma source(%dma_start3A_214 : memref<8192xi16, #tpu.memory_space<hbm>>) target(%dma_start3A_213 : memref<8192xi16, #tpu.memory_space<vmem>>) target_semaphore(%arg6 : memref<!tpu.dma_semaphore, #tpu.memory_space<semaphore_mem>>)
    %add3A_215 = arith.constant 3145728 : i32
    %add3A_216 = arith.addi %add3A_215, %add3A_190 : i32
    %dma_start3A_217 = arith.constant 24576 : i32
    %dma_start3A_218 = tpu.memref_slice %arg4[%dma_start3A_217] : memref<131072xi16, #tpu.memory_space<vmem>> -> memref<8192xi16, #tpu.memory_space<vmem>>
    %dma_start3A_219 = tpu.memref_slice %arg2[%add3A_216] : memref<8388608xi16, #tpu.memory_space<hbm>> -> memref<8192xi16, #tpu.memory_space<hbm>>
    %dma_start3A_220 = arith.constant 24576 : i32
    %dma_start3A_221 = tpu.memref_slice %arg4[%dma_start3A_220] : memref<131072xi16, #tpu.memory_space<vmem>> -> memref<8192xi16, #tpu.memory_space<vmem>>
    %dma_start3A_222 = tpu.memref_slice %arg2[%add3A_216] : memref<8388608xi16, #tpu.memory_space<hbm>> -> memref<8192xi16, #tpu.memory_space<hbm>>
    tpu.enqueue_dma source(%dma_start3A_222 : memref<8192xi16, #tpu.memory_space<hbm>>) target(%dma_start3A_221 : memref<8192xi16, #tpu.memory_space<vmem>>) target_semaphore(%arg6 : memref<!tpu.dma_semaphore, #tpu.memory_space<semaphore_mem>>)
    %add3A_223 = arith.constant 4194304 : i32
    %add3A_224 = arith.addi %add3A_223, %add3A_190 : i32
    %dma_start3A_225 = arith.constant 32768 : i32
    %dma_start3A_226 = tpu.memref_slice %arg4[%dma_start3A_225] : memref<131072xi16, #tpu.memory_space<vmem>> -> memref<8192xi16, #tpu.memory_space<vmem>>
    %dma_start3A_227 = tpu.memref_slice %arg2[%add3A_224] : memref<8388608xi16, #tpu.memory_space<hbm>> -> memref<8192xi16, #tpu.memory_space<hbm>>
    %dma_start3A_228 = arith.constant 32768 : i32
    %dma_start3A_229 = tpu.memref_slice %arg4[%dma_start3A_228] : memref<131072xi16, #tpu.memory_space<vmem>> -> memref<8192xi16, #tpu.memory_space<vmem>>
    %dma_start3A_230 = tpu.memref_slice %arg2[%add3A_224] : memref<8388608xi16, #tpu.memory_space<hbm>> -> memref<8192xi16, #tpu.memory_space<hbm>>
    tpu.enqueue_dma source(%dma_start3A_230 : memref<8192xi16, #tpu.memory_space<hbm>>) target(%dma_start3A_229 : memref<8192xi16, #tpu.memory_space<vmem>>) target_semaphore(%arg6 : memref<!tpu.dma_semaphore, #tpu.memory_space<semaphore_mem>>)
    %add3A_231 = arith.constant 5242880 : i32
    %add3A_232 = arith.addi %add3A_231, %add3A_190 : i32
    %dma_start3A_233 = arith.constant 40960 : i32
    %dma_start3A_234 = tpu.memref_slice %arg4[%dma_start3A_233] : memref<131072xi16, #tpu.memory_space<vmem>> -> memref<8192xi16, #tpu.memory_space<vmem>>
    %dma_start3A_235 = tpu.memref_slice %arg2[%add3A_232] : memref<8388608xi16, #tpu.memory_space<hbm>> -> memref<8192xi16, #tpu.memory_space<hbm>>
    %dma_start3A_236 = arith.constant 40960 : i32
    %dma_start3A_237 = tpu.memref_slice %arg4[%dma_start3A_236] : memref<131072xi16, #tpu.memory_space<vmem>> -> memref<8192xi16, #tpu.memory_space<vmem>>
    %dma_start3A_238 = tpu.memref_slice %arg2[%add3A_232] : memref<8388608xi16, #tpu.memory_space<hbm>> -> memref<8192xi16, #tpu.memory_space<hbm>>
    tpu.enqueue_dma source(%dma_start3A_238 : memref<8192xi16, #tpu.memory_space<hbm>>) target(%dma_start3A_237 : memref<8192xi16, #tpu.memory_space<vmem>>) target_semaphore(%arg6 : memref<!tpu.dma_semaphore, #tpu.memory_space<semaphore_mem>>)
    %add3A_239 = arith.constant 6291456 : i32
    %add3A_240 = arith.addi %add3A_239, %add3A_190 : i32
    %dma_start3A_241 = arith.constant 49152 : i32
    %dma_start3A_242 = tpu.memref_slice %arg4[%dma_start3A_241] : memref<131072xi16, #tpu.memory_space<vmem>> -> memref<8192xi16, #tpu.memory_space<vmem>>
    %dma_start3A_243 = tpu.memref_slice %arg2[%add3A_240] : memref<8388608xi16, #tpu.memory_space<hbm>> -> memref<8192xi16, #tpu.memory_space<hbm>>
    %dma_start3A_244 = arith.constant 49152 : i32
    %dma_start3A_245 = tpu.memref_slice %arg4[%dma_start3A_244] : memref<131072xi16, #tpu.memory_space<vmem>> -> memref<8192xi16, #tpu.memory_space<vmem>>
    %dma_start3A_246 = tpu.memref_slice %arg2[%add3A_240] : memref<8388608xi16, #tpu.memory_space<hbm>> -> memref<8192xi16, #tpu.memory_space<hbm>>
    tpu.enqueue_dma source(%dma_start3A_246 : memref<8192xi16, #tpu.memory_space<hbm>>) target(%dma_start3A_245 : memref<8192xi16, #tpu.memory_space<vmem>>) target_semaphore(%arg6 : memref<!tpu.dma_semaphore, #tpu.memory_space<semaphore_mem>>)
    %add3A_247 = arith.constant 7340032 : i32
    %add3A_248 = arith.addi %add3A_247, %add3A_190 : i32
    %dma_start3A_249 = arith.constant 57344 : i32
    %dma_start3A_250 = tpu.memref_slice %arg4[%dma_start3A_249] : memref<131072xi16, #tpu.memory_space<vmem>> -> memref<8192xi16, #tpu.memory_space<vmem>>
    %dma_start3A_251 = tpu.memref_slice %arg2[%add3A_248] : memref<8388608xi16, #tpu.memory_space<hbm>> -> memref<8192xi16, #tpu.memory_space<hbm>>
    %dma_start3A_252 = arith.constant 57344 : i32
    %dma_start3A_253 = tpu.memref_slice %arg4[%dma_start3A_252] : memref<131072xi16, #tpu.memory_space<vmem>> -> memref<8192xi16, #tpu.memory_space<vmem>>
    %dma_start3A_254 = tpu.memref_slice %arg2[%add3A_248] : memref<8388608xi16, #tpu.memory_space<hbm>> -> memref<8192xi16, #tpu.memory_space<hbm>>
    tpu.enqueue_dma source(%dma_start3A_254 : memref<8192xi16, #tpu.memory_space<hbm>>) target(%dma_start3A_253 : memref<8192xi16, #tpu.memory_space<vmem>>) target_semaphore(%arg6 : memref<!tpu.dma_semaphore, #tpu.memory_space<semaphore_mem>>)
    %dma_wait3A_255 = arith.constant 65536 : i32
    %dma_wait3A_256 = tpu.memref_slice %arg4[%dma_wait3A_255] : memref<131072xi16, #tpu.memory_space<vmem>> -> memref<8192xi16, #tpu.memory_space<vmem>>
    %dma_wait3A_257 = tpu.memref_slice %arg2[%add3A_76] : memref<8388608xi16, #tpu.memory_space<hbm>> -> memref<8192xi16, #tpu.memory_space<hbm>>
    %dma_wait3A_258 = arith.constant 65536 : i32
    %dma_wait3A_259 = tpu.memref_slice %arg4[%dma_wait3A_258] : memref<131072xi16, #tpu.memory_space<vmem>> -> memref<8192xi16, #tpu.memory_space<vmem>>
    %dma_wait3A_260 = tpu.memref_slice %arg2[%add3A_76] : memref<8388608xi16, #tpu.memory_space<hbm>> -> memref<8192xi16, #tpu.memory_space<hbm>>
    tpu.wait_dma2 semaphore(%arg7 : memref<!tpu.dma_semaphore, #tpu.memory_space<semaphore_mem>>) src(%dma_wait3A_260 : memref<8192xi16, #tpu.memory_space<hbm>>) dst(%dma_wait3A_259 : memref<8192xi16, #tpu.memory_space<vmem>>)
    %dma_wait3A_261 = arith.constant 73728 : i32
    %dma_wait3A_262 = tpu.memref_slice %arg4[%dma_wait3A_261] : memref<131072xi16, #tpu.memory_space<vmem>> -> memref<8192xi16, #tpu.memory_space<vmem>>
    %dma_wait3A_263 = tpu.memref_slice %arg2[%add3A_84] : memref<8388608xi16, #tpu.memory_space<hbm>> -> memref<8192xi16, #tpu.memory_space<hbm>>
    %dma_wait3A_264 = arith.constant 73728 : i32
    %dma_wait3A_265 = tpu.memref_slice %arg4[%dma_wait3A_264] : memref<131072xi16, #tpu.memory_space<vmem>> -> memref<8192xi16, #tpu.memory_space<vmem>>
    %dma_wait3A_266 = tpu.memref_slice %arg2[%add3A_84] : memref<8388608xi16, #tpu.memory_space<hbm>> -> memref<8192xi16, #tpu.memory_space<hbm>>
    tpu.wait_dma2 semaphore(%arg7 : memref<!tpu.dma_semaphore, #tpu.memory_space<semaphore_mem>>) src(%dma_wait3A_266 : memref<8192xi16, #tpu.memory_space<hbm>>) dst(%dma_wait3A_265 : memref<8192xi16, #tpu.memory_space<vmem>>)
    %dma_wait3A_267 = arith.constant 81920 : i32
    %dma_wait3A_268 = tpu.memref_slice %arg4[%dma_wait3A_267] : memref<131072xi16, #tpu.memory_space<vmem>> -> memref<8192xi16, #tpu.memory_space<vmem>>
    %dma_wait3A_269 = tpu.memref_slice %arg2[%add3A_92] : memref<8388608xi16, #tpu.memory_space<hbm>> -> memref<8192xi16, #tpu.memory_space<hbm>>
    %dma_wait3A_270 = arith.constant 81920 : i32
    %dma_wait3A_271 = tpu.memref_slice %arg4[%dma_wait3A_270] : memref<131072xi16, #tpu.memory_space<vmem>> -> memref<8192xi16, #tpu.memory_space<vmem>>
    %dma_wait3A_272 = tpu.memref_slice %arg2[%add3A_92] : memref<8388608xi16, #tpu.memory_space<hbm>> -> memref<8192xi16, #tpu.memory_space<hbm>>
    tpu.wait_dma2 semaphore(%arg7 : memref<!tpu.dma_semaphore, #tpu.memory_space<semaphore_mem>>) src(%dma_wait3A_272 : memref<8192xi16, #tpu.memory_space<hbm>>) dst(%dma_wait3A_271 : memref<8192xi16, #tpu.memory_space<vmem>>)
    %dma_wait3A_273 = arith.constant 90112 : i32
    %dma_wait3A_274 = tpu.memref_slice %arg4[%dma_wait3A_273] : memref<131072xi16, #tpu.memory_space<vmem>> -> memref<8192xi16, #tpu.memory_space<vmem>>
    %dma_wait3A_275 = tpu.memref_slice %arg2[%add3A_100] : memref<8388608xi16, #tpu.memory_space<hbm>> -> memref<8192xi16, #tpu.memory_space<hbm>>
    %dma_wait3A_276 = arith.constant 90112 : i32
    %dma_wait3A_277 = tpu.memref_slice %arg4[%dma_wait3A_276] : memref<131072xi16, #tpu.memory_space<vmem>> -> memref<8192xi16, #tpu.memory_space<vmem>>
    %dma_wait3A_278 = tpu.memref_slice %arg2[%add3A_100] : memref<8388608xi16, #tpu.memory_space<hbm>> -> memref<8192xi16, #tpu.memory_space<hbm>>
    tpu.wait_dma2 semaphore(%arg7 : memref<!tpu.dma_semaphore, #tpu.memory_space<semaphore_mem>>) src(%dma_wait3A_278 : memref<8192xi16, #tpu.memory_space<hbm>>) dst(%dma_wait3A_277 : memref<8192xi16, #tpu.memory_space<vmem>>)
    %dma_wait3A_279 = arith.constant 98304 : i32
    %dma_wait3A_280 = tpu.memref_slice %arg4[%dma_wait3A_279] : memref<131072xi16, #tpu.memory_space<vmem>> -> memref<8192xi16, #tpu.memory_space<vmem>>
    %dma_wait3A_281 = tpu.memref_slice %arg2[%add3A_108] : memref<8388608xi16, #tpu.memory_space<hbm>> -> memref<8192xi16, #tpu.memory_space<hbm>>
    %dma_wait3A_282 = arith.constant 98304 : i32
    %dma_wait3A_283 = tpu.memref_slice %arg4[%dma_wait3A_282] : memref<131072xi16, #tpu.memory_space<vmem>> -> memref<8192xi16, #tpu.memory_space<vmem>>
    %dma_wait3A_284 = tpu.memref_slice %arg2[%add3A_108] : memref<8388608xi16, #tpu.memory_space<hbm>> -> memref<8192xi16, #tpu.memory_space<hbm>>
    tpu.wait_dma2 semaphore(%arg7 : memref<!tpu.dma_semaphore, #tpu.memory_space<semaphore_mem>>) src(%dma_wait3A_284 : memref<8192xi16, #tpu.memory_space<hbm>>) dst(%dma_wait3A_283 : memref<8192xi16, #tpu.memory_space<vmem>>)
    %dma_wait3A_285 = arith.constant 106496 : i32
    %dma_wait3A_286 = tpu.memref_slice %arg4[%dma_wait3A_285] : memref<131072xi16, #tpu.memory_space<vmem>> -> memref<8192xi16, #tpu.memory_space<vmem>>
    %dma_wait3A_287 = tpu.memref_slice %arg2[%add3A_116] : memref<8388608xi16, #tpu.memory_space<hbm>> -> memref<8192xi16, #tpu.memory_space<hbm>>
    %dma_wait3A_288 = arith.constant 106496 : i32
    %dma_wait3A_289 = tpu.memref_slice %arg4[%dma_wait3A_288] : memref<131072xi16, #tpu.memory_space<vmem>> -> memref<8192xi16, #tpu.memory_space<vmem>>
    %dma_wait3A_290 = tpu.memref_slice %arg2[%add3A_116] : memref<8388608xi16, #tpu.memory_space<hbm>> -> memref<8192xi16, #tpu.memory_space<hbm>>
    tpu.wait_dma2 semaphore(%arg7 : memref<!tpu.dma_semaphore, #tpu.memory_space<semaphore_mem>>) src(%dma_wait3A_290 : memref<8192xi16, #tpu.memory_space<hbm>>) dst(%dma_wait3A_289 : memref<8192xi16, #tpu.memory_space<vmem>>)
    %dma_wait3A_291 = arith.constant 114688 : i32
    %dma_wait3A_292 = tpu.memref_slice %arg4[%dma_wait3A_291] : memref<131072xi16, #tpu.memory_space<vmem>> -> memref<8192xi16, #tpu.memory_space<vmem>>
    %dma_wait3A_293 = tpu.memref_slice %arg2[%add3A_124] : memref<8388608xi16, #tpu.memory_space<hbm>> -> memref<8192xi16, #tpu.memory_space<hbm>>
    %dma_wait3A_294 = arith.constant 114688 : i32
    %dma_wait3A_295 = tpu.memref_slice %arg4[%dma_wait3A_294] : memref<131072xi16, #tpu.memory_space<vmem>> -> memref<8192xi16, #tpu.memory_space<vmem>>
    %dma_wait3A_296 = tpu.memref_slice %arg2[%add3A_124] : memref<8388608xi16, #tpu.memory_space<hbm>> -> memref<8192xi16, #tpu.memory_space<hbm>>
    tpu.wait_dma2 semaphore(%arg7 : memref<!tpu.dma_semaphore, #tpu.memory_space<semaphore_mem>>) src(%dma_wait3A_296 : memref<8192xi16, #tpu.memory_space<hbm>>) dst(%dma_wait3A_295 : memref<8192xi16, #tpu.memory_space<vmem>>)
    %dma_wait3A_297 = arith.constant 122880 : i32
    %dma_wait3A_298 = tpu.memref_slice %arg4[%dma_wait3A_297] : memref<131072xi16, #tpu.memory_space<vmem>> -> memref<8192xi16, #tpu.memory_space<vmem>>
    %dma_wait3A_299 = tpu.memref_slice %arg2[%add3A_132] : memref<8388608xi16, #tpu.memory_space<hbm>> -> memref<8192xi16, #tpu.memory_space<hbm>>
    %dma_wait3A_300 = arith.constant 122880 : i32
    %dma_wait3A_301 = tpu.memref_slice %arg4[%dma_wait3A_300] : memref<131072xi16, #tpu.memory_space<vmem>> -> memref<8192xi16, #tpu.memory_space<vmem>>
    %dma_wait3A_302 = tpu.memref_slice %arg2[%add3A_132] : memref<8388608xi16, #tpu.memory_space<hbm>> -> memref<8192xi16, #tpu.memory_space<hbm>>
    tpu.wait_dma2 semaphore(%arg7 : memref<!tpu.dma_semaphore, #tpu.memory_space<semaphore_mem>>) src(%dma_wait3A_302 : memref<8192xi16, #tpu.memory_space<hbm>>) dst(%dma_wait3A_301 : memref<8192xi16, #tpu.memory_space<vmem>>)
    %parallel_loop3A_303 = arith.constant 0 : i32
    %parallel_loop3A_304 = arith.constant 256 : i32
    %parallel_loop3A_305 = arith.constant 1 : i32
    scf.for %parallel_loop3A_476 = %parallel_loop3A_303 to %parallel_loop3A_304 step %parallel_loop3A_305  : i32 {
      %parallel_loop3A_477 = arith.constant 32 : i32
      %parallel_loop3A_478 = arith.muli %parallel_loop3A_476, %parallel_loop3A_477 : i32
      %parallel_loop3A_479 = arith.constant 65536 : i32
      %parallel_loop3A_480 = arith.addi %parallel_loop3A_479, %parallel_loop3A_478 : i32
      %parallel_loop3A_481 = arith.index_cast %parallel_loop3A_480 : i32 to index
      %parallel_loop3A_482 = tpu.vector_load %arg4[%parallel_loop3A_481] {strides = array<i32>} : memref<131072xi16, #tpu.memory_space<vmem>>, vector<32xi16>,
      %parallel_loop3A_483 = tpu.unpack_subelements %parallel_loop3A_482, 0 {pack_format = #tpu.pack_format<interleaved>} : vector<32xi16> -> vector<16xi32>
      %parallel_loop3A_484 = tpu.unpack_subelements %parallel_loop3A_482, 1 {pack_format = #tpu.pack_format<interleaved>} : vector<32xi16> -> vector<16xi32>
      %parallel_loop3A_485 = vector.bitcast %parallel_loop3A_483 : vector<16xi32> to vector<16xi32>
      %parallel_loop3A_486 = arith.constant 2048 : i32
      %parallel_loop3A_487 = vector.broadcast %parallel_loop3A_486 : i32 to vector<16xi32>
      %parallel_loop3A_488 = arith.cmpi ne, %parallel_loop3A_485, %parallel_loop3A_487 : vector<16xi32>
      tpu.vector_store_idx %arg5[%parallel_loop3A_485], %broadcast_in_dim3A_3 masked %parallel_loop3A_488 {add = true} : memref<28784xf32, #tpu.memory_space<vmem>>[vector<16xi32>], vector<16xf32>, vector<16xi1>
      %parallel_loop3A_489 = vector.bitcast %parallel_loop3A_484 : vector<16xi32> to vector<16xi32>
      %parallel_loop3A_490 = arith.constant 2048 : i32
      %parallel_loop3A_491 = vector.broadcast %parallel_loop3A_490 : i32 to vector<16xi32>
      %parallel_loop3A_492 = arith.cmpi ne, %parallel_loop3A_489, %parallel_loop3A_491 : vector<16xi32>
      tpu.vector_store_idx %arg5[%parallel_loop3A_489], %broadcast_in_dim3A_3 masked %parallel_loop3A_492 {add = true} : memref<28784xf32, #tpu.memory_space<vmem>>[vector<16xi32>], vector<16xf32>, vector<16xi1>
      %parallel_loop3A_493 = arith.constant 73728 : i32
      %parallel_loop3A_494 = arith.addi %parallel_loop3A_493, %parallel_loop3A_478 : i32
      %parallel_loop3A_495 = arith.index_cast %parallel_loop3A_494 : i32 to index
      %parallel_loop3A_496 = tpu.vector_load %arg4[%parallel_loop3A_495] {strides = array<i32>} : memref<131072xi16, #tpu.memory_space<vmem>>, vector<32xi16>,
      %parallel_loop3A_497 = tpu.unpack_subelements %parallel_loop3A_496, 0 {pack_format = #tpu.pack_format<interleaved>} : vector<32xi16> -> vector<16xi32>
      %parallel_loop3A_498 = tpu.unpack_subelements %parallel_loop3A_496, 1 {pack_format = #tpu.pack_format<interleaved>} : vector<32xi16> -> vector<16xi32>
      %parallel_loop3A_499 = vector.bitcast %parallel_loop3A_497 : vector<16xi32> to vector<16xi32>
      %parallel_loop3A_500 = arith.constant 4104 : i32
      %parallel_loop3A_501 = vector.broadcast %parallel_loop3A_500 : i32 to vector<16xi32>
      %parallel_loop3A_502 = arith.cmpi ne, %parallel_loop3A_499, %parallel_loop3A_501 : vector<16xi32>
      tpu.vector_store_idx %arg5[%parallel_loop3A_499], %broadcast_in_dim3A_3 masked %parallel_loop3A_502 {add = true} : memref<28784xf32, #tpu.memory_space<vmem>>[vector<16xi32>], vector<16xf32>, vector<16xi1>
      %parallel_loop3A_503 = vector.bitcast %parallel_loop3A_498 : vector<16xi32> to vector<16xi32>
      %parallel_loop3A_504 = arith.constant 4104 : i32
      %parallel_loop3A_505 = vector.broadcast %parallel_loop3A_504 : i32 to vector<16xi32>
      %parallel_loop3A_506 = arith.cmpi ne, %parallel_loop3A_503, %parallel_loop3A_505 : vector<16xi32>
      tpu.vector_store_idx %arg5[%parallel_loop3A_503], %broadcast_in_dim3A_3 masked %parallel_loop3A_506 {add = true} : memref<28784xf32, #tpu.memory_space<vmem>>[vector<16xi32>], vector<16xf32>, vector<16xi1>
      %parallel_loop3A_507 = arith.constant 81920 : i32
      %parallel_loop3A_508 = arith.addi %parallel_loop3A_507, %parallel_loop3A_478 : i32
      %parallel_loop3A_509 = arith.index_cast %parallel_loop3A_508 : i32 to index
      %parallel_loop3A_510 = tpu.vector_load %arg4[%parallel_loop3A_509] {strides = array<i32>} : memref<131072xi16, #tpu.memory_space<vmem>>, vector<32xi16>,
      %parallel_loop3A_511 = tpu.unpack_subelements %parallel_loop3A_510, 0 {pack_format = #tpu.pack_format<interleaved>} : vector<32xi16> -> vector<16xi32>
      %parallel_loop3A_512 = tpu.unpack_subelements %parallel_loop3A_510, 1 {pack_format = #tpu.pack_format<interleaved>} : vector<32xi16> -> vector<16xi32>
      %parallel_loop3A_513 = vector.bitcast %parallel_loop3A_511 : vector<16xi32> to vector<16xi32>
      %parallel_loop3A_514 = arith.constant 6160 : i32
      %parallel_loop3A_515 = vector.broadcast %parallel_loop3A_514 : i32 to vector<16xi32>
      %parallel_loop3A_516 = arith.cmpi ne, %parallel_loop3A_513, %parallel_loop3A_515 : vector<16xi32>
      tpu.vector_store_idx %arg5[%parallel_loop3A_513], %broadcast_in_dim3A_3 masked %parallel_loop3A_516 {add = true} : memref<28784xf32, #tpu.memory_space<vmem>>[vector<16xi32>], vector<16xf32>, vector<16xi1>
      %parallel_loop3A_517 = vector.bitcast %parallel_loop3A_512 : vector<16xi32> to vector<16xi32>
      %parallel_loop3A_518 = arith.constant 6160 : i32
      %parallel_loop3A_519 = vector.broadcast %parallel_loop3A_518 : i32 to vector<16xi32>
      %parallel_loop3A_520 = arith.cmpi ne, %parallel_loop3A_517, %parallel_loop3A_519 : vector<16xi32>
      tpu.vector_store_idx %arg5[%parallel_loop3A_517], %broadcast_in_dim3A_3 masked %parallel_loop3A_520 {add = true} : memref<28784xf32, #tpu.memory_space<vmem>>[vector<16xi32>], vector<16xf32>, vector<16xi1>
      %parallel_loop3A_521 = arith.constant 90112 : i32
      %parallel_loop3A_522 = arith.addi %parallel_loop3A_521, %parallel_loop3A_478 : i32
      %parallel_loop3A_523 = arith.index_cast %parallel_loop3A_522 : i32 to index
      %parallel_loop3A_524 = tpu.vector_load %arg4[%parallel_loop3A_523] {strides = array<i32>} : memref<131072xi16, #tpu.memory_space<vmem>>, vector<32xi16>,
      %parallel_loop3A_525 = tpu.unpack_subelements %parallel_loop3A_524, 0 {pack_format = #tpu.pack_format<interleaved>} : vector<32xi16> -> vector<16xi32>
      %parallel_loop3A_526 = tpu.unpack_subelements %parallel_loop3A_524, 1 {pack_format = #tpu.pack_format<interleaved>} : vector<32xi16> -> vector<16xi32>
      %parallel_loop3A_527 = vector.bitcast %parallel_loop3A_525 : vector<16xi32> to vector<16xi32>
      %parallel_loop3A_528 = arith.constant 8216 : i32
      %parallel_loop3A_529 = vector.broadcast %parallel_loop3A_528 : i32 to vector<16xi32>
      %parallel_loop3A_530 = arith.cmpi ne, %parallel_loop3A_527, %parallel_loop3A_529 : vector<16xi32>
      tpu.vector_store_idx %arg5[%parallel_loop3A_527], %broadcast_in_dim3A_3 masked %parallel_loop3A_530 {add = true} : memref<28784xf32, #tpu.memory_space<vmem>>[vector<16xi32>], vector<16xf32>, vector<16xi1>
      %parallel_loop3A_531 = vector.bitcast %parallel_loop3A_526 : vector<16xi32> to vector<16xi32>
      %parallel_loop3A_532 = arith.constant 8216 : i32
      %parallel_loop3A_533 = vector.broadcast %parallel_loop3A_532 : i32 to vector<16xi32>
      %parallel_loop3A_534 = arith.cmpi ne, %parallel_loop3A_531, %parallel_loop3A_533 : vector<16xi32>
      tpu.vector_store_idx %arg5[%parallel_loop3A_531], %broadcast_in_dim3A_3 masked %parallel_loop3A_534 {add = true} : memref<28784xf32, #tpu.memory_space<vmem>>[vector<16xi32>], vector<16xf32>, vector<16xi1>
      %parallel_loop3A_535 = arith.constant 98304 : i32
      %parallel_loop3A_536 = arith.addi %parallel_loop3A_535, %parallel_loop3A_478 : i32
      %parallel_loop3A_537 = arith.index_cast %parallel_loop3A_536 : i32 to index
      %parallel_loop3A_538 = tpu.vector_load %arg4[%parallel_loop3A_537] {strides = array<i32>} : memref<131072xi16, #tpu.memory_space<vmem>>, vector<32xi16>,
      %parallel_loop3A_539 = tpu.unpack_subelements %parallel_loop3A_538, 0 {pack_format = #tpu.pack_format<interleaved>} : vector<32xi16> -> vector<16xi32>
      %parallel_loop3A_540 = tpu.unpack_subelements %parallel_loop3A_538, 1 {pack_format = #tpu.pack_format<interleaved>} : vector<32xi16> -> vector<16xi32>
      %parallel_loop3A_541 = vector.bitcast %parallel_loop3A_539 : vector<16xi32> to vector<16xi32>
      %parallel_loop3A_542 = arith.constant 10272 : i32
      %parallel_loop3A_543 = vector.broadcast %parallel_loop3A_542 : i32 to vector<16xi32>
      %parallel_loop3A_544 = arith.cmpi ne, %parallel_loop3A_541, %parallel_loop3A_543 : vector<16xi32>
      tpu.vector_store_idx %arg5[%parallel_loop3A_541], %broadcast_in_dim3A_3 masked %parallel_loop3A_544 {add = true} : memref<28784xf32, #tpu.memory_space<vmem>>[vector<16xi32>], vector<16xf32>, vector<16xi1>
      %parallel_loop3A_545 = vector.bitcast %parallel_loop3A_540 : vector<16xi32> to vector<16xi32>
      %parallel_loop3A_546 = arith.constant 10272 : i32
      %parallel_loop3A_547 = vector.broadcast %parallel_loop3A_546 : i32 to vector<16xi32>
      %parallel_loop3A_548 = arith.cmpi ne, %parallel_loop3A_545, %parallel_loop3A_547 : vector<16xi32>
      tpu.vector_store_idx %arg5[%parallel_loop3A_545], %broadcast_in_dim3A_3 masked %parallel_loop3A_548 {add = true} : memref<28784xf32, #tpu.memory_space<vmem>>[vector<16xi32>], vector<16xf32>, vector<16xi1>
      %parallel_loop3A_549 = arith.constant 106496 : i32
      %parallel_loop3A_550 = arith.addi %parallel_loop3A_549, %parallel_loop3A_478 : i32
      %parallel_loop3A_551 = arith.index_cast %parallel_loop3A_550 : i32 to index
      %parallel_loop3A_552 = tpu.vector_load %arg4[%parallel_loop3A_551] {strides = array<i32>} : memref<131072xi16, #tpu.memory_space<vmem>>, vector<32xi16>,
      %parallel_loop3A_553 = tpu.unpack_subelements %parallel_loop3A_552, 0 {pack_format = #tpu.pack_format<interleaved>} : vector<32xi16> -> vector<16xi32>
      %parallel_loop3A_554 = tpu.unpack_subelements %parallel_loop3A_552, 1 {pack_format = #tpu.pack_format<interleaved>} : vector<32xi16> -> vector<16xi32>
      %parallel_loop3A_555 = vector.bitcast %parallel_loop3A_553 : vector<16xi32> to vector<16xi32>
      %parallel_loop3A_556 = arith.constant 12328 : i32
      %parallel_loop3A_557 = vector.broadcast %parallel_loop3A_556 : i32 to vector<16xi32>
      %parallel_loop3A_558 = arith.cmpi ne, %parallel_loop3A_555, %parallel_loop3A_557 : vector<16xi32>
      tpu.vector_store_idx %arg5[%parallel_loop3A_555], %broadcast_in_dim3A_3 masked %parallel_loop3A_558 {add = true} : memref<28784xf32, #tpu.memory_space<vmem>>[vector<16xi32>], vector<16xf32>, vector<16xi1>
      %parallel_loop3A_559 = vector.bitcast %parallel_loop3A_554 : vector<16xi32> to vector<16xi32>
      %parallel_loop3A_560 = arith.constant 12328 : i32
      %parallel_loop3A_561 = vector.broadcast %parallel_loop3A_560 : i32 to vector<16xi32>
      %parallel_loop3A_562 = arith.cmpi ne, %parallel_loop3A_559, %parallel_loop3A_561 : vector<16xi32>
      tpu.vector_store_idx %arg5[%parallel_loop3A_559], %broadcast_in_dim3A_3 masked %parallel_loop3A_562 {add = true} : memref<28784xf32, #tpu.memory_space<vmem>>[vector<16xi32>], vector<16xf32>, vector<16xi1>
      %parallel_loop3A_563 = arith.constant 114688 : i32
      %parallel_loop3A_564 = arith.addi %parallel_loop3A_563, %parallel_loop3A_478 : i32
      %parallel_loop3A_565 = arith.index_cast %parallel_loop3A_564 : i32 to index
      %parallel_loop3A_566 = tpu.vector_load %arg4[%parallel_loop3A_565] {strides = array<i32>} : memref<131072xi16, #tpu.memory_space<vmem>>, vector<32xi16>,
      %parallel_loop3A_567 = tpu.unpack_subelements %parallel_loop3A_566, 0 {pack_format = #tpu.pack_format<interleaved>} : vector<32xi16> -> vector<16xi32>
      %parallel_loop3A_568 = tpu.unpack_subelements %parallel_loop3A_566, 1 {pack_format = #tpu.pack_format<interleaved>} : vector<32xi16> -> vector<16xi32>
      %parallel_loop3A_569 = vector.bitcast %parallel_loop3A_567 : vector<16xi32> to vector<16xi32>
      %parallel_loop3A_570 = arith.constant 14384 : i32
      %parallel_loop3A_571 = vector.broadcast %parallel_loop3A_570 : i32 to vector<16xi32>
      %parallel_loop3A_572 = arith.cmpi ne, %parallel_loop3A_569, %parallel_loop3A_571 : vector<16xi32>
      tpu.vector_store_idx %arg5[%parallel_loop3A_569], %broadcast_in_dim3A_3 masked %parallel_loop3A_572 {add = true} : memref<28784xf32, #tpu.memory_space<vmem>>[vector<16xi32>], vector<16xf32>, vector<16xi1>
      %parallel_loop3A_573 = vector.bitcast %parallel_loop3A_568 : vector<16xi32> to vector<16xi32>
      %parallel_loop3A_574 = arith.constant 14384 : i32
      %parallel_loop3A_575 = vector.broadcast %parallel_loop3A_574 : i32 to vector<16xi32>
      %parallel_loop3A_576 = arith.cmpi ne, %parallel_loop3A_573, %parallel_loop3A_575 : vector<16xi32>
      tpu.vector_store_idx %arg5[%parallel_loop3A_573], %broadcast_in_dim3A_3 masked %parallel_loop3A_576 {add = true} : memref<28784xf32, #tpu.memory_space<vmem>>[vector<16xi32>], vector<16xf32>, vector<16xi1>
      %parallel_loop3A_577 = arith.constant 122880 : i32
      %parallel_loop3A_578 = arith.addi %parallel_loop3A_577, %parallel_loop3A_478 : i32
      %parallel_loop3A_579 = arith.index_cast %parallel_loop3A_578 : i32 to index
      %parallel_loop3A_580 = tpu.vector_load %arg4[%parallel_loop3A_579] {strides = array<i32>} : memref<131072xi16, #tpu.memory_space<vmem>>, vector<32xi16>,
      %parallel_loop3A_581 = tpu.unpack_subelements %parallel_loop3A_580, 0 {pack_format = #tpu.pack_format<interleaved>} : vector<32xi16> -> vector<16xi32>
      %parallel_loop3A_582 = tpu.unpack_subelements %parallel_loop3A_580, 1 {pack_format = #tpu.pack_format<interleaved>} : vector<32xi16> -> vector<16xi32>
      %parallel_loop3A_583 = vector.bitcast %parallel_loop3A_581 : vector<16xi32> to vector<16xi32>
      %parallel_loop3A_584 = arith.constant 16440 : i32
      %parallel_loop3A_585 = vector.broadcast %parallel_loop3A_584 : i32 to vector<16xi32>
      %parallel_loop3A_586 = arith.cmpi ne, %parallel_loop3A_583, %parallel_loop3A_585 : vector<16xi32>
      tpu.vector_store_idx %arg5[%parallel_loop3A_583], %broadcast_in_dim3A_3 masked %parallel_loop3A_586 {add = true} : memref<28784xf32, #tpu.memory_space<vmem>>[vector<16xi32>], vector<16xf32>, vector<16xi1>
      %parallel_loop3A_587 = vector.bitcast %parallel_loop3A_582 : vector<16xi32> to vector<16xi32>
      %parallel_loop3A_588 = arith.constant 16440 : i32
      %parallel_loop3A_589 = vector.broadcast %parallel_loop3A_588 : i32 to vector<16xi32>
      %parallel_loop3A_590 = arith.cmpi ne, %parallel_loop3A_587, %parallel_loop3A_589 : vector<16xi32>
      tpu.vector_store_idx %arg5[%parallel_loop3A_587], %broadcast_in_dim3A_3 masked %parallel_loop3A_590 {add = true} : memref<28784xf32, #tpu.memory_space<vmem>>[vector<16xi32>], vector<16xf32>, vector<16xi1>
    } {sc.loop_unroll_factor = 4 : i64, sc.parallel_access}
    %add3A_306 = arith.constant 24576 : i32
    %add3A_307 = arith.addi %mul3A_5, %add3A_306 : i32
    %add3A_308 = arith.constant 0 : i32
    %add3A_309 = arith.addi %add3A_308, %add3A_307 : i32
    %dma_start3A_310 = arith.constant 65536 : i32
    %dma_start3A_311 = tpu.memref_slice %arg4[%dma_start3A_310] : memref<131072xi16, #tpu.memory_space<vmem>> -> memref<8192xi16, #tpu.memory_space<vmem>>
    %dma_start3A_312 = tpu.memref_slice %arg2[%add3A_309] : memref<8388608xi16, #tpu.memory_space<hbm>> -> memref<8192xi16, #tpu.memory_space<hbm>>
    %dma_start3A_313 = arith.constant 65536 : i32
    %dma_start3A_314 = tpu.memref_slice %arg4[%dma_start3A_313] : memref<131072xi16, #tpu.memory_space<vmem>> -> memref<8192xi16, #tpu.memory_space<vmem>>
    %dma_start3A_315 = tpu.memref_slice %arg2[%add3A_309] : memref<8388608xi16, #tpu.memory_space<hbm>> -> memref<8192xi16, #tpu.memory_space<hbm>>
    tpu.enqueue_dma source(%dma_start3A_315 : memref<8192xi16, #tpu.memory_space<hbm>>) target(%dma_start3A_314 : memref<8192xi16, #tpu.memory_space<vmem>>) target_semaphore(%arg7 : memref<!tpu.dma_semaphore, #tpu.memory_space<semaphore_mem>>)
    %add3A_316 = arith.constant 1048576 : i32
    %add3A_317 = arith.addi %add3A_316, %add3A_307 : i32
    %dma_start3A_318 = arith.constant 73728 : i32
    %dma_start3A_319 = tpu.memref_slice %arg4[%dma_start3A_318] : memref<131072xi16, #tpu.memory_space<vmem>> -> memref<8192xi16, #tpu.memory_space<vmem>>
    %dma_start3A_320 = tpu.memref_slice %arg2[%add3A_317] : memref<8388608xi16, #tpu.memory_space<hbm>> -> memref<8192xi16, #tpu.memory_space<hbm>>
    %dma_start3A_321 = arith.constant 73728 : i32
    %dma_start3A_322 = tpu.memref_slice %arg4[%dma_start3A_321] : memref<131072xi16, #tpu.memory_space<vmem>> -> memref<8192xi16, #tpu.memory_space<vmem>>
    %dma_start3A_323 = tpu.memref_slice %arg2[%add3A_317] : memref<8388608xi16, #tpu.memory_space<hbm>> -> memref<8192xi16, #tpu.memory_space<hbm>>
    tpu.enqueue_dma source(%dma_start3A_323 : memref<8192xi16, #tpu.memory_space<hbm>>) target(%dma_start3A_322 : memref<8192xi16, #tpu.memory_space<vmem>>) target_semaphore(%arg7 : memref<!tpu.dma_semaphore, #tpu.memory_space<semaphore_mem>>)
    %add3A_324 = arith.constant 2097152 : i32
    %add3A_325 = arith.addi %add3A_324, %add3A_307 : i32
    %dma_start3A_326 = arith.constant 81920 : i32
    %dma_start3A_327 = tpu.memref_slice %arg4[%dma_start3A_326] : memref<131072xi16, #tpu.memory_space<vmem>> -> memref<8192xi16, #tpu.memory_space<vmem>>
    %dma_start3A_328 = tpu.memref_slice %arg2[%add3A_325] : memref<8388608xi16, #tpu.memory_space<hbm>> -> memref<8192xi16, #tpu.memory_space<hbm>>
    %dma_start3A_329 = arith.constant 81920 : i32
    %dma_start3A_330 = tpu.memref_slice %arg4[%dma_start3A_329] : memref<131072xi16, #tpu.memory_space<vmem>> -> memref<8192xi16, #tpu.memory_space<vmem>>
    %dma_start3A_331 = tpu.memref_slice %arg2[%add3A_325] : memref<8388608xi16, #tpu.memory_space<hbm>> -> memref<8192xi16, #tpu.memory_space<hbm>>
    tpu.enqueue_dma source(%dma_start3A_331 : memref<8192xi16, #tpu.memory_space<hbm>>) target(%dma_start3A_330 : memref<8192xi16, #tpu.memory_space<vmem>>) target_semaphore(%arg7 : memref<!tpu.dma_semaphore, #tpu.memory_space<semaphore_mem>>)
    %add3A_332 = arith.constant 3145728 : i32
    %add3A_333 = arith.addi %add3A_332, %add3A_307 : i32
    %dma_start3A_334 = arith.constant 90112 : i32
    %dma_start3A_335 = tpu.memref_slice %arg4[%dma_start3A_334] : memref<131072xi16, #tpu.memory_space<vmem>> -> memref<8192xi16, #tpu.memory_space<vmem>>
    %dma_start3A_336 = tpu.memref_slice %arg2[%add3A_333] : memref<8388608xi16, #tpu.memory_space<hbm>> -> memref<8192xi16, #tpu.memory_space<hbm>>
    %dma_start3A_337 = arith.constant 90112 : i32
    %dma_start3A_338 = tpu.memref_slice %arg4[%dma_start3A_337] : memref<131072xi16, #tpu.memory_space<vmem>> -> memref<8192xi16, #tpu.memory_space<vmem>>
    %dma_start3A_339 = tpu.memref_slice %arg2[%add3A_333] : memref<8388608xi16, #tpu.memory_space<hbm>> -> memref<8192xi16, #tpu.memory_space<hbm>>
    tpu.enqueue_dma source(%dma_start3A_339 : memref<8192xi16, #tpu.memory_space<hbm>>) target(%dma_start3A_338 : memref<8192xi16, #tpu.memory_space<vmem>>) target_semaphore(%arg7 : memref<!tpu.dma_semaphore, #tpu.memory_space<semaphore_mem>>)
    %add3A_340 = arith.constant 4194304 : i32
    %add3A_341 = arith.addi %add3A_340, %add3A_307 : i32
    %dma_start3A_342 = arith.constant 98304 : i32
    %dma_start3A_343 = tpu.memref_slice %arg4[%dma_start3A_342] : memref<131072xi16, #tpu.memory_space<vmem>> -> memref<8192xi16, #tpu.memory_space<vmem>>
    %dma_start3A_344 = tpu.memref_slice %arg2[%add3A_341] : memref<8388608xi16, #tpu.memory_space<hbm>> -> memref<8192xi16, #tpu.memory_space<hbm>>
    %dma_start3A_345 = arith.constant 98304 : i32
    %dma_start3A_346 = tpu.memref_slice %arg4[%dma_start3A_345] : memref<131072xi16, #tpu.memory_space<vmem>> -> memref<8192xi16, #tpu.memory_space<vmem>>
    %dma_start3A_347 = tpu.memref_slice %arg2[%add3A_341] : memref<8388608xi16, #tpu.memory_space<hbm>> -> memref<8192xi16, #tpu.memory_space<hbm>>
    tpu.enqueue_dma source(%dma_start3A_347 : memref<8192xi16, #tpu.memory_space<hbm>>) target(%dma_start3A_346 : memref<8192xi16, #tpu.memory_space<vmem>>) target_semaphore(%arg7 : memref<!tpu.dma_semaphore, #tpu.memory_space<semaphore_mem>>)
    %add3A_348 = arith.constant 5242880 : i32
    %add3A_349 = arith.addi %add3A_348, %add3A_307 : i32
    %dma_start3A_350 = arith.constant 106496 : i32
    %dma_start3A_351 = tpu.memref_slice %arg4[%dma_start3A_350] : memref<131072xi16, #tpu.memory_space<vmem>> -> memref<8192xi16, #tpu.memory_space<vmem>>
    %dma_start3A_352 = tpu.memref_slice %arg2[%add3A_349] : memref<8388608xi16, #tpu.memory_space<hbm>> -> memref<8192xi16, #tpu.memory_space<hbm>>
    %dma_start3A_353 = arith.constant 106496 : i32
    %dma_start3A_354 = tpu.memref_slice %arg4[%dma_start3A_353] : memref<131072xi16, #tpu.memory_space<vmem>> -> memref<8192xi16, #tpu.memory_space<vmem>>
    %dma_start3A_355 = tpu.memref_slice %arg2[%add3A_349] : memref<8388608xi16, #tpu.memory_space<hbm>> -> memref<8192xi16, #tpu.memory_space<hbm>>
    tpu.enqueue_dma source(%dma_start3A_355 : memref<8192xi16, #tpu.memory_space<hbm>>) target(%dma_start3A_354 : memref<8192xi16, #tpu.memory_space<vmem>>) target_semaphore(%arg7 : memref<!tpu.dma_semaphore, #tpu.memory_space<semaphore_mem>>)
    %add3A_356 = arith.constant 6291456 : i32
    %add3A_357 = arith.addi %add3A_356, %add3A_307 : i32
    %dma_start3A_358 = arith.constant 114688 : i32
    %dma_start3A_359 = tpu.memref_slice %arg4[%dma_start3A_358] : memref<131072xi16, #tpu.memory_space<vmem>> -> memref<8192xi16, #tpu.memory_space<vmem>>
    %dma_start3A_360 = tpu.memref_slice %arg2[%add3A_357] : memref<8388608xi16, #tpu.memory_space<hbm>> -> memref<8192xi16, #tpu.memory_space<hbm>>
    %dma_start3A_361 = arith.constant 114688 : i32
    %dma_start3A_362 = tpu.memref_slice %arg4[%dma_start3A_361] : memref<131072xi16, #tpu.memory_space<vmem>> -> memref<8192xi16, #tpu.memory_space<vmem>>
    %dma_start3A_363 = tpu.memref_slice %arg2[%add3A_357] : memref<8388608xi16, #tpu.memory_space<hbm>> -> memref<8192xi16, #tpu.memory_space<hbm>>
    tpu.enqueue_dma source(%dma_start3A_363 : memref<8192xi16, #tpu.memory_space<hbm>>) target(%dma_start3A_362 : memref<8192xi16, #tpu.memory_space<vmem>>) target_semaphore(%arg7 : memref<!tpu.dma_semaphore, #tpu.memory_space<semaphore_mem>>)
    %add3A_364 = arith.constant 7340032 : i32
    %add3A_365 = arith.addi %add3A_364, %add3A_307 : i32
    %dma_start3A_366 = arith.constant 122880 : i32
    %dma_start3A_367 = tpu.memref_slice %arg4[%dma_start3A_366] : memref<131072xi16, #tpu.memory_space<vmem>> -> memref<8192xi16, #tpu.memory_space<vmem>>
    %dma_start3A_368 = tpu.memref_slice %arg2[%add3A_365] : memref<8388608xi16, #tpu.memory_space<hbm>> -> memref<8192xi16, #tpu.memory_space<hbm>>
    %dma_start3A_369 = arith.constant 122880 : i32
    %dma_start3A_370 = tpu.memref_slice %arg4[%dma_start3A_369] : memref<131072xi16, #tpu.memory_space<vmem>> -> memref<8192xi16, #tpu.memory_space<vmem>>
    %dma_start3A_371 = tpu.memref_slice %arg2[%add3A_365] : memref<8388608xi16, #tpu.memory_space<hbm>> -> memref<8192xi16, #tpu.memory_space<hbm>>
    tpu.enqueue_dma source(%dma_start3A_371 : memref<8192xi16, #tpu.memory_space<hbm>>) target(%dma_start3A_370 : memref<8192xi16, #tpu.memory_space<vmem>>) target_semaphore(%arg7 : memref<!tpu.dma_semaphore, #tpu.memory_space<semaphore_mem>>)
    %dma_wait3A_372 = arith.constant 0 : i32
    %dma_wait3A_373 = tpu.memref_slice %arg4[%dma_wait3A_372] : memref<131072xi16, #tpu.memory_space<vmem>> -> memref<8192xi16, #tpu.memory_space<vmem>>
    %dma_wait3A_374 = tpu.memref_slice %arg2[%add3A_192] : memref<8388608xi16, #tpu.memory_space<hbm>> -> memref<8192xi16, #tpu.memory_space<hbm>>
    %dma_wait3A_375 = arith.constant 0 : i32
    %dma_wait3A_376 = tpu.memref_slice %arg4[%dma_wait3A_375] : memref<131072xi16, #tpu.memory_space<vmem>> -> memref<8192xi16, #tpu.memory_space<vmem>>
    %dma_wait3A_377 = tpu.memref_slice %arg2[%add3A_192] : memref<8388608xi16, #tpu.memory_space<hbm>> -> memref<8192xi16, #tpu.memory_space<hbm>>
    tpu.wait_dma2 semaphore(%arg6 : memref<!tpu.dma_semaphore, #tpu.memory_space<semaphore_mem>>) src(%dma_wait3A_377 : memref<8192xi16, #tpu.memory_space<hbm>>) dst(%dma_wait3A_376 : memref<8192xi16, #tpu.memory_space<vmem>>)
    %dma_wait3A_378 = arith.constant 8192 : i32
    %dma_wait3A_379 = tpu.memref_slice %arg4[%dma_wait3A_378] : memref<131072xi16, #tpu.memory_space<vmem>> -> memref<8192xi16, #tpu.memory_space<vmem>>
    %dma_wait3A_380 = tpu.memref_slice %arg2[%add3A_200] : memref<8388608xi16, #tpu.memory_space<hbm>> -> memref<8192xi16, #tpu.memory_space<hbm>>
    %dma_wait3A_381 = arith.constant 8192 : i32
    %dma_wait3A_382 = tpu.memref_slice %arg4[%dma_wait3A_381] : memref<131072xi16, #tpu.memory_space<vmem>> -> memref<8192xi16, #tpu.memory_space<vmem>>
    %dma_wait3A_383 = tpu.memref_slice %arg2[%add3A_200] : memref<8388608xi16, #tpu.memory_space<hbm>> -> memref<8192xi16, #tpu.memory_space<hbm>>
    tpu.wait_dma2 semaphore(%arg6 : memref<!tpu.dma_semaphore, #tpu.memory_space<semaphore_mem>>) src(%dma_wait3A_383 : memref<8192xi16, #tpu.memory_space<hbm>>) dst(%dma_wait3A_382 : memref<8192xi16, #tpu.memory_space<vmem>>)
    %dma_wait3A_384 = arith.constant 16384 : i32
    %dma_wait3A_385 = tpu.memref_slice %arg4[%dma_wait3A_384] : memref<131072xi16, #tpu.memory_space<vmem>> -> memref<8192xi16, #tpu.memory_space<vmem>>
    %dma_wait3A_386 = tpu.memref_slice %arg2[%add3A_208] : memref<8388608xi16, #tpu.memory_space<hbm>> -> memref<8192xi16, #tpu.memory_space<hbm>>
    %dma_wait3A_387 = arith.constant 16384 : i32
    %dma_wait3A_388 = tpu.memref_slice %arg4[%dma_wait3A_387] : memref<131072xi16, #tpu.memory_space<vmem>> -> memref<8192xi16, #tpu.memory_space<vmem>>
    %dma_wait3A_389 = tpu.memref_slice %arg2[%add3A_208] : memref<8388608xi16, #tpu.memory_space<hbm>> -> memref<8192xi16, #tpu.memory_space<hbm>>
    tpu.wait_dma2 semaphore(%arg6 : memref<!tpu.dma_semaphore, #tpu.memory_space<semaphore_mem>>) src(%dma_wait3A_389 : memref<8192xi16, #tpu.memory_space<hbm>>) dst(%dma_wait3A_388 : memref<8192xi16, #tpu.memory_space<vmem>>)
    %dma_wait3A_390 = arith.constant 24576 : i32
    %dma_wait3A_391 = tpu.memref_slice %arg4[%dma_wait3A_390] : memref<131072xi16, #tpu.memory_space<vmem>> -> memref<8192xi16, #tpu.memory_space<vmem>>
    %dma_wait3A_392 = tpu.memref_slice %arg2[%add3A_216] : memref<8388608xi16, #tpu.memory_space<hbm>> -> memref<8192xi16, #tpu.memory_space<hbm>>
    %dma_wait3A_393 = arith.constant 24576 : i32
    %dma_wait3A_394 = tpu.memref_slice %arg4[%dma_wait3A_393] : memref<131072xi16, #tpu.memory_space<vmem>> -> memref<8192xi16, #tpu.memory_space<vmem>>
    %dma_wait3A_395 = tpu.memref_slice %arg2[%add3A_216] : memref<8388608xi16, #tpu.memory_space<hbm>> -> memref<8192xi16, #tpu.memory_space<hbm>>
    tpu.wait_dma2 semaphore(%arg6 : memref<!tpu.dma_semaphore, #tpu.memory_space<semaphore_mem>>) src(%dma_wait3A_395 : memref<8192xi16, #tpu.memory_space<hbm>>) dst(%dma_wait3A_394 : memref<8192xi16, #tpu.memory_space<vmem>>)
    %dma_wait3A_396 = arith.constant 32768 : i32
    %dma_wait3A_397 = tpu.memref_slice %arg4[%dma_wait3A_396] : memref<131072xi16, #tpu.memory_space<vmem>> -> memref<8192xi16, #tpu.memory_space<vmem>>
    %dma_wait3A_398 = tpu.memref_slice %arg2[%add3A_224] : memref<8388608xi16, #tpu.memory_space<hbm>> -> memref<8192xi16, #tpu.memory_space<hbm>>
    %dma_wait3A_399 = arith.constant 32768 : i32
    %dma_wait3A_400 = tpu.memref_slice %arg4[%dma_wait3A_399] : memref<131072xi16, #tpu.memory_space<vmem>> -> memref<8192xi16, #tpu.memory_space<vmem>>
    %dma_wait3A_401 = tpu.memref_slice %arg2[%add3A_224] : memref<8388608xi16, #tpu.memory_space<hbm>> -> memref<8192xi16, #tpu.memory_space<hbm>>
    tpu.wait_dma2 semaphore(%arg6 : memref<!tpu.dma_semaphore, #tpu.memory_space<semaphore_mem>>) src(%dma_wait3A_401 : memref<8192xi16, #tpu.memory_space<hbm>>) dst(%dma_wait3A_400 : memref<8192xi16, #tpu.memory_space<vmem>>)
    %dma_wait3A_402 = arith.constant 40960 : i32
    %dma_wait3A_403 = tpu.memref_slice %arg4[%dma_wait3A_402] : memref<131072xi16, #tpu.memory_space<vmem>> -> memref<8192xi16, #tpu.memory_space<vmem>>
    %dma_wait3A_404 = tpu.memref_slice %arg2[%add3A_232] : memref<8388608xi16, #tpu.memory_space<hbm>> -> memref<8192xi16, #tpu.memory_space<hbm>>
    %dma_wait3A_405 = arith.constant 40960 : i32
    %dma_wait3A_406 = tpu.memref_slice %arg4[%dma_wait3A_405] : memref<131072xi16, #tpu.memory_space<vmem>> -> memref<8192xi16, #tpu.memory_space<vmem>>
    %dma_wait3A_407 = tpu.memref_slice %arg2[%add3A_232] : memref<8388608xi16, #tpu.memory_space<hbm>> -> memref<8192xi16, #tpu.memory_space<hbm>>
    tpu.wait_dma2 semaphore(%arg6 : memref<!tpu.dma_semaphore, #tpu.memory_space<semaphore_mem>>) src(%dma_wait3A_407 : memref<8192xi16, #tpu.memory_space<hbm>>) dst(%dma_wait3A_406 : memref<8192xi16, #tpu.memory_space<vmem>>)
    %dma_wait3A_408 = arith.constant 49152 : i32
    %dma_wait3A_409 = tpu.memref_slice %arg4[%dma_wait3A_408] : memref<131072xi16, #tpu.memory_space<vmem>> -> memref<8192xi16, #tpu.memory_space<vmem>>
    %dma_wait3A_410 = tpu.memref_slice %arg2[%add3A_240] : memref<8388608xi16, #tpu.memory_space<hbm>> -> memref<8192xi16, #tpu.memory_space<hbm>>
    %dma_wait3A_411 = arith.constant 49152 : i32
    %dma_wait3A_412 = tpu.memref_slice %arg4[%dma_wait3A_411] : memref<131072xi16, #tpu.memory_space<vmem>> -> memref<8192xi16, #tpu.memory_space<vmem>>
    %dma_wait3A_413 = tpu.memref_slice %arg2[%add3A_240] : memref<8388608xi16, #tpu.memory_space<hbm>> -> memref<8192xi16, #tpu.memory_space<hbm>>
    tpu.wait_dma2 semaphore(%arg6 : memref<!tpu.dma_semaphore, #tpu.memory_space<semaphore_mem>>) src(%dma_wait3A_413 : memref<8192xi16, #tpu.memory_space<hbm>>) dst(%dma_wait3A_412 : memref<8192xi16, #tpu.memory_space<vmem>>)
    %dma_wait3A_414 = arith.constant 57344 : i32
    %dma_wait3A_415 = tpu.memref_slice %arg4[%dma_wait3A_414] : memref<131072xi16, #tpu.memory_space<vmem>> -> memref<8192xi16, #tpu.memory_space<vmem>>
    %dma_wait3A_416 = tpu.memref_slice %arg2[%add3A_248] : memref<8388608xi16, #tpu.memory_space<hbm>> -> memref<8192xi16, #tpu.memory_space<hbm>>
    %dma_wait3A_417 = arith.constant 57344 : i32
    %dma_wait3A_418 = tpu.memref_slice %arg4[%dma_wait3A_417] : memref<131072xi16, #tpu.memory_space<vmem>> -> memref<8192xi16, #tpu.memory_space<vmem>>
    %dma_wait3A_419 = tpu.memref_slice %arg2[%add3A_248] : memref<8388608xi16, #tpu.memory_space<hbm>> -> memref<8192xi16, #tpu.memory_space<hbm>>
    tpu.wait_dma2 semaphore(%arg6 : memref<!tpu.dma_semaphore, #tpu.memory_space<semaphore_mem>>) src(%dma_wait3A_419 : memref<8192xi16, #tpu.memory_space<hbm>>) dst(%dma_wait3A_418 : memref<8192xi16, #tpu.memory_space<vmem>>)
    %parallel_loop3A_420 = arith.constant 0 : i32
    %parallel_loop3A_421 = arith.constant 256 : i32
    %parallel_loop3A_422 = arith.constant 1 : i32
    scf.for %parallel_loop3A_476 = %parallel_loop3A_420 to %parallel_loop3A_421 step %parallel_loop3A_422  : i32 {
      %parallel_loop3A_477 = arith.constant 32 : i32
      %parallel_loop3A_478 = arith.muli %parallel_loop3A_476, %parallel_loop3A_477 : i32
      %parallel_loop3A_479 = arith.constant 0 : i32
      %parallel_loop3A_480 = arith.addi %parallel_loop3A_479, %parallel_loop3A_478 : i32
      %parallel_loop3A_481 = arith.index_cast %parallel_loop3A_480 : i32 to index
      %parallel_loop3A_482 = tpu.vector_load %arg4[%parallel_loop3A_481] {strides = array<i32>} : memref<131072xi16, #tpu.memory_space<vmem>>, vector<32xi16>,
      %parallel_loop3A_483 = tpu.unpack_subelements %parallel_loop3A_482, 0 {pack_format = #tpu.pack_format<interleaved>} : vector<32xi16> -> vector<16xi32>
      %parallel_loop3A_484 = tpu.unpack_subelements %parallel_loop3A_482, 1 {pack_format = #tpu.pack_format<interleaved>} : vector<32xi16> -> vector<16xi32>
      %parallel_loop3A_485 = vector.bitcast %parallel_loop3A_483 : vector<16xi32> to vector<16xi32>
      %parallel_loop3A_486 = arith.constant 2048 : i32
      %parallel_loop3A_487 = vector.broadcast %parallel_loop3A_486 : i32 to vector<16xi32>
      %parallel_loop3A_488 = arith.cmpi ne, %parallel_loop3A_485, %parallel_loop3A_487 : vector<16xi32>
      tpu.vector_store_idx %arg5[%parallel_loop3A_485], %broadcast_in_dim3A_3 masked %parallel_loop3A_488 {add = true} : memref<28784xf32, #tpu.memory_space<vmem>>[vector<16xi32>], vector<16xf32>, vector<16xi1>
      %parallel_loop3A_489 = vector.bitcast %parallel_loop3A_484 : vector<16xi32> to vector<16xi32>
      %parallel_loop3A_490 = arith.constant 2048 : i32
      %parallel_loop3A_491 = vector.broadcast %parallel_loop3A_490 : i32 to vector<16xi32>
      %parallel_loop3A_492 = arith.cmpi ne, %parallel_loop3A_489, %parallel_loop3A_491 : vector<16xi32>
      tpu.vector_store_idx %arg5[%parallel_loop3A_489], %broadcast_in_dim3A_3 masked %parallel_loop3A_492 {add = true} : memref<28784xf32, #tpu.memory_space<vmem>>[vector<16xi32>], vector<16xf32>, vector<16xi1>
      %parallel_loop3A_493 = arith.constant 8192 : i32
      %parallel_loop3A_494 = arith.addi %parallel_loop3A_493, %parallel_loop3A_478 : i32
      %parallel_loop3A_495 = arith.index_cast %parallel_loop3A_494 : i32 to index
      %parallel_loop3A_496 = tpu.vector_load %arg4[%parallel_loop3A_495] {strides = array<i32>} : memref<131072xi16, #tpu.memory_space<vmem>>, vector<32xi16>,
      %parallel_loop3A_497 = tpu.unpack_subelements %parallel_loop3A_496, 0 {pack_format = #tpu.pack_format<interleaved>} : vector<32xi16> -> vector<16xi32>
      %parallel_loop3A_498 = tpu.unpack_subelements %parallel_loop3A_496, 1 {pack_format = #tpu.pack_format<interleaved>} : vector<32xi16> -> vector<16xi32>
      %parallel_loop3A_499 = vector.bitcast %parallel_loop3A_497 : vector<16xi32> to vector<16xi32>
      %parallel_loop3A_500 = arith.constant 4104 : i32
      %parallel_loop3A_501 = vector.broadcast %parallel_loop3A_500 : i32 to vector<16xi32>
      %parallel_loop3A_502 = arith.cmpi ne, %parallel_loop3A_499, %parallel_loop3A_501 : vector<16xi32>
      tpu.vector_store_idx %arg5[%parallel_loop3A_499], %broadcast_in_dim3A_3 masked %parallel_loop3A_502 {add = true} : memref<28784xf32, #tpu.memory_space<vmem>>[vector<16xi32>], vector<16xf32>, vector<16xi1>
      %parallel_loop3A_503 = vector.bitcast %parallel_loop3A_498 : vector<16xi32> to vector<16xi32>
      %parallel_loop3A_504 = arith.constant 4104 : i32
      %parallel_loop3A_505 = vector.broadcast %parallel_loop3A_504 : i32 to vector<16xi32>
      %parallel_loop3A_506 = arith.cmpi ne, %parallel_loop3A_503, %parallel_loop3A_505 : vector<16xi32>
      tpu.vector_store_idx %arg5[%parallel_loop3A_503], %broadcast_in_dim3A_3 masked %parallel_loop3A_506 {add = true} : memref<28784xf32, #tpu.memory_space<vmem>>[vector<16xi32>], vector<16xf32>, vector<16xi1>
      %parallel_loop3A_507 = arith.constant 16384 : i32
      %parallel_loop3A_508 = arith.addi %parallel_loop3A_507, %parallel_loop3A_478 : i32
      %parallel_loop3A_509 = arith.index_cast %parallel_loop3A_508 : i32 to index
      %parallel_loop3A_510 = tpu.vector_load %arg4[%parallel_loop3A_509] {strides = array<i32>} : memref<131072xi16, #tpu.memory_space<vmem>>, vector<32xi16>,
      %parallel_loop3A_511 = tpu.unpack_subelements %parallel_loop3A_510, 0 {pack_format = #tpu.pack_format<interleaved>} : vector<32xi16> -> vector<16xi32>
      %parallel_loop3A_512 = tpu.unpack_subelements %parallel_loop3A_510, 1 {pack_format = #tpu.pack_format<interleaved>} : vector<32xi16> -> vector<16xi32>
      %parallel_loop3A_513 = vector.bitcast %parallel_loop3A_511 : vector<16xi32> to vector<16xi32>
      %parallel_loop3A_514 = arith.constant 6160 : i32
      %parallel_loop3A_515 = vector.broadcast %parallel_loop3A_514 : i32 to vector<16xi32>
      %parallel_loop3A_516 = arith.cmpi ne, %parallel_loop3A_513, %parallel_loop3A_515 : vector<16xi32>
      tpu.vector_store_idx %arg5[%parallel_loop3A_513], %broadcast_in_dim3A_3 masked %parallel_loop3A_516 {add = true} : memref<28784xf32, #tpu.memory_space<vmem>>[vector<16xi32>], vector<16xf32>, vector<16xi1>
      %parallel_loop3A_517 = vector.bitcast %parallel_loop3A_512 : vector<16xi32> to vector<16xi32>
      %parallel_loop3A_518 = arith.constant 6160 : i32
      %parallel_loop3A_519 = vector.broadcast %parallel_loop3A_518 : i32 to vector<16xi32>
      %parallel_loop3A_520 = arith.cmpi ne, %parallel_loop3A_517, %parallel_loop3A_519 : vector<16xi32>
      tpu.vector_store_idx %arg5[%parallel_loop3A_517], %broadcast_in_dim3A_3 masked %parallel_loop3A_520 {add = true} : memref<28784xf32, #tpu.memory_space<vmem>>[vector<16xi32>], vector<16xf32>, vector<16xi1>
      %parallel_loop3A_521 = arith.constant 24576 : i32
      %parallel_loop3A_522 = arith.addi %parallel_loop3A_521, %parallel_loop3A_478 : i32
      %parallel_loop3A_523 = arith.index_cast %parallel_loop3A_522 : i32 to index
      %parallel_loop3A_524 = tpu.vector_load %arg4[%parallel_loop3A_523] {strides = array<i32>} : memref<131072xi16, #tpu.memory_space<vmem>>, vector<32xi16>,
      %parallel_loop3A_525 = tpu.unpack_subelements %parallel_loop3A_524, 0 {pack_format = #tpu.pack_format<interleaved>} : vector<32xi16> -> vector<16xi32>
      %parallel_loop3A_526 = tpu.unpack_subelements %parallel_loop3A_524, 1 {pack_format = #tpu.pack_format<interleaved>} : vector<32xi16> -> vector<16xi32>
      %parallel_loop3A_527 = vector.bitcast %parallel_loop3A_525 : vector<16xi32> to vector<16xi32>
      %parallel_loop3A_528 = arith.constant 8216 : i32
      %parallel_loop3A_529 = vector.broadcast %parallel_loop3A_528 : i32 to vector<16xi32>
      %parallel_loop3A_530 = arith.cmpi ne, %parallel_loop3A_527, %parallel_loop3A_529 : vector<16xi32>
      tpu.vector_store_idx %arg5[%parallel_loop3A_527], %broadcast_in_dim3A_3 masked %parallel_loop3A_530 {add = true} : memref<28784xf32, #tpu.memory_space<vmem>>[vector<16xi32>], vector<16xf32>, vector<16xi1>
      %parallel_loop3A_531 = vector.bitcast %parallel_loop3A_526 : vector<16xi32> to vector<16xi32>
      %parallel_loop3A_532 = arith.constant 8216 : i32
      %parallel_loop3A_533 = vector.broadcast %parallel_loop3A_532 : i32 to vector<16xi32>
      %parallel_loop3A_534 = arith.cmpi ne, %parallel_loop3A_531, %parallel_loop3A_533 : vector<16xi32>
      tpu.vector_store_idx %arg5[%parallel_loop3A_531], %broadcast_in_dim3A_3 masked %parallel_loop3A_534 {add = true} : memref<28784xf32, #tpu.memory_space<vmem>>[vector<16xi32>], vector<16xf32>, vector<16xi1>
      %parallel_loop3A_535 = arith.constant 32768 : i32
      %parallel_loop3A_536 = arith.addi %parallel_loop3A_535, %parallel_loop3A_478 : i32
      %parallel_loop3A_537 = arith.index_cast %parallel_loop3A_536 : i32 to index
      %parallel_loop3A_538 = tpu.vector_load %arg4[%parallel_loop3A_537] {strides = array<i32>} : memref<131072xi16, #tpu.memory_space<vmem>>, vector<32xi16>,
      %parallel_loop3A_539 = tpu.unpack_subelements %parallel_loop3A_538, 0 {pack_format = #tpu.pack_format<interleaved>} : vector<32xi16> -> vector<16xi32>
      %parallel_loop3A_540 = tpu.unpack_subelements %parallel_loop3A_538, 1 {pack_format = #tpu.pack_format<interleaved>} : vector<32xi16> -> vector<16xi32>
      %parallel_loop3A_541 = vector.bitcast %parallel_loop3A_539 : vector<16xi32> to vector<16xi32>
      %parallel_loop3A_542 = arith.constant 10272 : i32
      %parallel_loop3A_543 = vector.broadcast %parallel_loop3A_542 : i32 to vector<16xi32>
      %parallel_loop3A_544 = arith.cmpi ne, %parallel_loop3A_541, %parallel_loop3A_543 : vector<16xi32>
      tpu.vector_store_idx %arg5[%parallel_loop3A_541], %broadcast_in_dim3A_3 masked %parallel_loop3A_544 {add = true} : memref<28784xf32, #tpu.memory_space<vmem>>[vector<16xi32>], vector<16xf32>, vector<16xi1>
      %parallel_loop3A_545 = vector.bitcast %parallel_loop3A_540 : vector<16xi32> to vector<16xi32>
      %parallel_loop3A_546 = arith.constant 10272 : i32
      %parallel_loop3A_547 = vector.broadcast %parallel_loop3A_546 : i32 to vector<16xi32>
      %parallel_loop3A_548 = arith.cmpi ne, %parallel_loop3A_545, %parallel_loop3A_547 : vector<16xi32>
      tpu.vector_store_idx %arg5[%parallel_loop3A_545], %broadcast_in_dim3A_3 masked %parallel_loop3A_548 {add = true} : memref<28784xf32, #tpu.memory_space<vmem>>[vector<16xi32>], vector<16xf32>, vector<16xi1>
      %parallel_loop3A_549 = arith.constant 40960 : i32
      %parallel_loop3A_550 = arith.addi %parallel_loop3A_549, %parallel_loop3A_478 : i32
      %parallel_loop3A_551 = arith.index_cast %parallel_loop3A_550 : i32 to index
      %parallel_loop3A_552 = tpu.vector_load %arg4[%parallel_loop3A_551] {strides = array<i32>} : memref<131072xi16, #tpu.memory_space<vmem>>, vector<32xi16>,
      %parallel_loop3A_553 = tpu.unpack_subelements %parallel_loop3A_552, 0 {pack_format = #tpu.pack_format<interleaved>} : vector<32xi16> -> vector<16xi32>
      %parallel_loop3A_554 = tpu.unpack_subelements %parallel_loop3A_552, 1 {pack_format = #tpu.pack_format<interleaved>} : vector<32xi16> -> vector<16xi32>
      %parallel_loop3A_555 = vector.bitcast %parallel_loop3A_553 : vector<16xi32> to vector<16xi32>
      %parallel_loop3A_556 = arith.constant 12328 : i32
      %parallel_loop3A_557 = vector.broadcast %parallel_loop3A_556 : i32 to vector<16xi32>
      %parallel_loop3A_558 = arith.cmpi ne, %parallel_loop3A_555, %parallel_loop3A_557 : vector<16xi32>
      tpu.vector_store_idx %arg5[%parallel_loop3A_555], %broadcast_in_dim3A_3 masked %parallel_loop3A_558 {add = true} : memref<28784xf32, #tpu.memory_space<vmem>>[vector<16xi32>], vector<16xf32>, vector<16xi1>
      %parallel_loop3A_559 = vector.bitcast %parallel_loop3A_554 : vector<16xi32> to vector<16xi32>
      %parallel_loop3A_560 = arith.constant 12328 : i32
      %parallel_loop3A_561 = vector.broadcast %parallel_loop3A_560 : i32 to vector<16xi32>
      %parallel_loop3A_562 = arith.cmpi ne, %parallel_loop3A_559, %parallel_loop3A_561 : vector<16xi32>
      tpu.vector_store_idx %arg5[%parallel_loop3A_559], %broadcast_in_dim3A_3 masked %parallel_loop3A_562 {add = true} : memref<28784xf32, #tpu.memory_space<vmem>>[vector<16xi32>], vector<16xf32>, vector<16xi1>
      %parallel_loop3A_563 = arith.constant 49152 : i32
      %parallel_loop3A_564 = arith.addi %parallel_loop3A_563, %parallel_loop3A_478 : i32
      %parallel_loop3A_565 = arith.index_cast %parallel_loop3A_564 : i32 to index
      %parallel_loop3A_566 = tpu.vector_load %arg4[%parallel_loop3A_565] {strides = array<i32>} : memref<131072xi16, #tpu.memory_space<vmem>>, vector<32xi16>,
      %parallel_loop3A_567 = tpu.unpack_subelements %parallel_loop3A_566, 0 {pack_format = #tpu.pack_format<interleaved>} : vector<32xi16> -> vector<16xi32>
      %parallel_loop3A_568 = tpu.unpack_subelements %parallel_loop3A_566, 1 {pack_format = #tpu.pack_format<interleaved>} : vector<32xi16> -> vector<16xi32>
      %parallel_loop3A_569 = vector.bitcast %parallel_loop3A_567 : vector<16xi32> to vector<16xi32>
      %parallel_loop3A_570 = arith.constant 14384 : i32
      %parallel_loop3A_571 = vector.broadcast %parallel_loop3A_570 : i32 to vector<16xi32>
      %parallel_loop3A_572 = arith.cmpi ne, %parallel_loop3A_569, %parallel_loop3A_571 : vector<16xi32>
      tpu.vector_store_idx %arg5[%parallel_loop3A_569], %broadcast_in_dim3A_3 masked %parallel_loop3A_572 {add = true} : memref<28784xf32, #tpu.memory_space<vmem>>[vector<16xi32>], vector<16xf32>, vector<16xi1>
      %parallel_loop3A_573 = vector.bitcast %parallel_loop3A_568 : vector<16xi32> to vector<16xi32>
      %parallel_loop3A_574 = arith.constant 14384 : i32
      %parallel_loop3A_575 = vector.broadcast %parallel_loop3A_574 : i32 to vector<16xi32>
      %parallel_loop3A_576 = arith.cmpi ne, %parallel_loop3A_573, %parallel_loop3A_575 : vector<16xi32>
      tpu.vector_store_idx %arg5[%parallel_loop3A_573], %broadcast_in_dim3A_3 masked %parallel_loop3A_576 {add = true} : memref<28784xf32, #tpu.memory_space<vmem>>[vector<16xi32>], vector<16xf32>, vector<16xi1>
      %parallel_loop3A_577 = arith.constant 57344 : i32
      %parallel_loop3A_578 = arith.addi %parallel_loop3A_577, %parallel_loop3A_478 : i32
      %parallel_loop3A_579 = arith.index_cast %parallel_loop3A_578 : i32 to index
      %parallel_loop3A_580 = tpu.vector_load %arg4[%parallel_loop3A_579] {strides = array<i32>} : memref<131072xi16, #tpu.memory_space<vmem>>, vector<32xi16>,
      %parallel_loop3A_581 = tpu.unpack_subelements %parallel_loop3A_580, 0 {pack_format = #tpu.pack_format<interleaved>} : vector<32xi16> -> vector<16xi32>
      %parallel_loop3A_582 = tpu.unpack_subelements %parallel_loop3A_580, 1 {pack_format = #tpu.pack_format<interleaved>} : vector<32xi16> -> vector<16xi32>
      %parallel_loop3A_583 = vector.bitcast %parallel_loop3A_581 : vector<16xi32> to vector<16xi32>
      %parallel_loop3A_584 = arith.constant 16440 : i32
      %parallel_loop3A_585 = vector.broadcast %parallel_loop3A_584 : i32 to vector<16xi32>
      %parallel_loop3A_586 = arith.cmpi ne, %parallel_loop3A_583, %parallel_loop3A_585 : vector<16xi32>
      tpu.vector_store_idx %arg5[%parallel_loop3A_583], %broadcast_in_dim3A_3 masked %parallel_loop3A_586 {add = true} : memref<28784xf32, #tpu.memory_space<vmem>>[vector<16xi32>], vector<16xf32>, vector<16xi1>
      %parallel_loop3A_587 = vector.bitcast %parallel_loop3A_582 : vector<16xi32> to vector<16xi32>
      %parallel_loop3A_588 = arith.constant 16440 : i32
      %parallel_loop3A_589 = vector.broadcast %parallel_loop3A_588 : i32 to vector<16xi32>
      %parallel_loop3A_590 = arith.cmpi ne, %parallel_loop3A_587, %parallel_loop3A_589 : vector<16xi32>
      tpu.vector_store_idx %arg5[%parallel_loop3A_587], %broadcast_in_dim3A_3 masked %parallel_loop3A_590 {add = true} : memref<28784xf32, #tpu.memory_space<vmem>>[vector<16xi32>], vector<16xf32>, vector<16xi1>
    } {sc.loop_unroll_factor = 4 : i64, sc.parallel_access}
    %dma_wait3A_423 = arith.constant 65536 : i32
    %dma_wait3A_424 = tpu.memref_slice %arg4[%dma_wait3A_423] : memref<131072xi16, #tpu.memory_space<vmem>> -> memref<8192xi16, #tpu.memory_space<vmem>>
    %dma_wait3A_425 = tpu.memref_slice %arg2[%add3A_309] : memref<8388608xi16, #tpu.memory_space<hbm>> -> memref<8192xi16, #tpu.memory_space<hbm>>
    %dma_wait3A_426 = arith.constant 65536 : i32
    %dma_wait3A_427 = tpu.memref_slice %arg4[%dma_wait3A_426] : memref<131072xi16, #tpu.memory_space<vmem>> -> memref<8192xi16, #tpu.memory_space<vmem>>
    %dma_wait3A_428 = tpu.memref_slice %arg2[%add3A_309] : memref<8388608xi16, #tpu.memory_space<hbm>> -> memref<8192xi16, #tpu.memory_space<hbm>>
    tpu.wait_dma2 semaphore(%arg7 : memref<!tpu.dma_semaphore, #tpu.memory_space<semaphore_mem>>) src(%dma_wait3A_428 : memref<8192xi16, #tpu.memory_space<hbm>>) dst(%dma_wait3A_427 : memref<8192xi16, #tpu.memory_space<vmem>>)
    %dma_wait3A_429 = arith.constant 73728 : i32
    %dma_wait3A_430 = tpu.memref_slice %arg4[%dma_wait3A_429] : memref<131072xi16, #tpu.memory_space<vmem>> -> memref<8192xi16, #tpu.memory_space<vmem>>
    %dma_wait3A_431 = tpu.memref_slice %arg2[%add3A_317] : memref<8388608xi16, #tpu.memory_space<hbm>> -> memref<8192xi16, #tpu.memory_space<hbm>>
    %dma_wait3A_432 = arith.constant 73728 : i32
    %dma_wait3A_433 = tpu.memref_slice %arg4[%dma_wait3A_432] : memref<131072xi16, #tpu.memory_space<vmem>> -> memref<8192xi16, #tpu.memory_space<vmem>>
    %dma_wait3A_434 = tpu.memref_slice %arg2[%add3A_317] : memref<8388608xi16, #tpu.memory_space<hbm>> -> memref<8192xi16, #tpu.memory_space<hbm>>
    tpu.wait_dma2 semaphore(%arg7 : memref<!tpu.dma_semaphore, #tpu.memory_space<semaphore_mem>>) src(%dma_wait3A_434 : memref<8192xi16, #tpu.memory_space<hbm>>) dst(%dma_wait3A_433 : memref<8192xi16, #tpu.memory_space<vmem>>)
    %dma_wait3A_435 = arith.constant 81920 : i32
    %dma_wait3A_436 = tpu.memref_slice %arg4[%dma_wait3A_435] : memref<131072xi16, #tpu.memory_space<vmem>> -> memref<8192xi16, #tpu.memory_space<vmem>>
    %dma_wait3A_437 = tpu.memref_slice %arg2[%add3A_325] : memref<8388608xi16, #tpu.memory_space<hbm>> -> memref<8192xi16, #tpu.memory_space<hbm>>
    %dma_wait3A_438 = arith.constant 81920 : i32
    %dma_wait3A_439 = tpu.memref_slice %arg4[%dma_wait3A_438] : memref<131072xi16, #tpu.memory_space<vmem>> -> memref<8192xi16, #tpu.memory_space<vmem>>
    %dma_wait3A_440 = tpu.memref_slice %arg2[%add3A_325] : memref<8388608xi16, #tpu.memory_space<hbm>> -> memref<8192xi16, #tpu.memory_space<hbm>>
    tpu.wait_dma2 semaphore(%arg7 : memref<!tpu.dma_semaphore, #tpu.memory_space<semaphore_mem>>) src(%dma_wait3A_440 : memref<8192xi16, #tpu.memory_space<hbm>>) dst(%dma_wait3A_439 : memref<8192xi16, #tpu.memory_space<vmem>>)
    %dma_wait3A_441 = arith.constant 90112 : i32
    %dma_wait3A_442 = tpu.memref_slice %arg4[%dma_wait3A_441] : memref<131072xi16, #tpu.memory_space<vmem>> -> memref<8192xi16, #tpu.memory_space<vmem>>
    %dma_wait3A_443 = tpu.memref_slice %arg2[%add3A_333] : memref<8388608xi16, #tpu.memory_space<hbm>> -> memref<8192xi16, #tpu.memory_space<hbm>>
    %dma_wait3A_444 = arith.constant 90112 : i32
    %dma_wait3A_445 = tpu.memref_slice %arg4[%dma_wait3A_444] : memref<131072xi16, #tpu.memory_space<vmem>> -> memref<8192xi16, #tpu.memory_space<vmem>>
    %dma_wait3A_446 = tpu.memref_slice %arg2[%add3A_333] : memref<8388608xi16, #tpu.memory_space<hbm>> -> memref<8192xi16, #tpu.memory_space<hbm>>
    tpu.wait_dma2 semaphore(%arg7 : memref<!tpu.dma_semaphore, #tpu.memory_space<semaphore_mem>>) src(%dma_wait3A_446 : memref<8192xi16, #tpu.memory_space<hbm>>) dst(%dma_wait3A_445 : memref<8192xi16, #tpu.memory_space<vmem>>)
    %dma_wait3A_447 = arith.constant 98304 : i32
    %dma_wait3A_448 = tpu.memref_slice %arg4[%dma_wait3A_447] : memref<131072xi16, #tpu.memory_space<vmem>> -> memref<8192xi16, #tpu.memory_space<vmem>>
    %dma_wait3A_449 = tpu.memref_slice %arg2[%add3A_341] : memref<8388608xi16, #tpu.memory_space<hbm>> -> memref<8192xi16, #tpu.memory_space<hbm>>
    %dma_wait3A_450 = arith.constant 98304 : i32
    %dma_wait3A_451 = tpu.memref_slice %arg4[%dma_wait3A_450] : memref<131072xi16, #tpu.memory_space<vmem>> -> memref<8192xi16, #tpu.memory_space<vmem>>
    %dma_wait3A_452 = tpu.memref_slice %arg2[%add3A_341] : memref<8388608xi16, #tpu.memory_space<hbm>> -> memref<8192xi16, #tpu.memory_space<hbm>>
    tpu.wait_dma2 semaphore(%arg7 : memref<!tpu.dma_semaphore, #tpu.memory_space<semaphore_mem>>) src(%dma_wait3A_452 : memref<8192xi16, #tpu.memory_space<hbm>>) dst(%dma_wait3A_451 : memref<8192xi16, #tpu.memory_space<vmem>>)
    %dma_wait3A_453 = arith.constant 106496 : i32
    %dma_wait3A_454 = tpu.memref_slice %arg4[%dma_wait3A_453] : memref<131072xi16, #tpu.memory_space<vmem>> -> memref<8192xi16, #tpu.memory_space<vmem>>
    %dma_wait3A_455 = tpu.memref_slice %arg2[%add3A_349] : memref<8388608xi16, #tpu.memory_space<hbm>> -> memref<8192xi16, #tpu.memory_space<hbm>>
    %dma_wait3A_456 = arith.constant 106496 : i32
    %dma_wait3A_457 = tpu.memref_slice %arg4[%dma_wait3A_456] : memref<131072xi16, #tpu.memory_space<vmem>> -> memref<8192xi16, #tpu.memory_space<vmem>>
    %dma_wait3A_458 = tpu.memref_slice %arg2[%add3A_349] : memref<8388608xi16, #tpu.memory_space<hbm>> -> memref<8192xi16, #tpu.memory_space<hbm>>
    tpu.wait_dma2 semaphore(%arg7 : memref<!tpu.dma_semaphore, #tpu.memory_space<semaphore_mem>>) src(%dma_wait3A_458 : memref<8192xi16, #tpu.memory_space<hbm>>) dst(%dma_wait3A_457 : memref<8192xi16, #tpu.memory_space<vmem>>)
    %dma_wait3A_459 = arith.constant 114688 : i32
    %dma_wait3A_460 = tpu.memref_slice %arg4[%dma_wait3A_459] : memref<131072xi16, #tpu.memory_space<vmem>> -> memref<8192xi16, #tpu.memory_space<vmem>>
    %dma_wait3A_461 = tpu.memref_slice %arg2[%add3A_357] : memref<8388608xi16, #tpu.memory_space<hbm>> -> memref<8192xi16, #tpu.memory_space<hbm>>
    %dma_wait3A_462 = arith.constant 114688 : i32
    %dma_wait3A_463 = tpu.memref_slice %arg4[%dma_wait3A_462] : memref<131072xi16, #tpu.memory_space<vmem>> -> memref<8192xi16, #tpu.memory_space<vmem>>
    %dma_wait3A_464 = tpu.memref_slice %arg2[%add3A_357] : memref<8388608xi16, #tpu.memory_space<hbm>> -> memref<8192xi16, #tpu.memory_space<hbm>>
    tpu.wait_dma2 semaphore(%arg7 : memref<!tpu.dma_semaphore, #tpu.memory_space<semaphore_mem>>) src(%dma_wait3A_464 : memref<8192xi16, #tpu.memory_space<hbm>>) dst(%dma_wait3A_463 : memref<8192xi16, #tpu.memory_space<vmem>>)
    %dma_wait3A_465 = arith.constant 122880 : i32
    %dma_wait3A_466 = tpu.memref_slice %arg4[%dma_wait3A_465] : memref<131072xi16, #tpu.memory_space<vmem>> -> memref<8192xi16, #tpu.memory_space<vmem>>
    %dma_wait3A_467 = tpu.memref_slice %arg2[%add3A_365] : memref<8388608xi16, #tpu.memory_space<hbm>> -> memref<8192xi16, #tpu.memory_space<hbm>>
    %dma_wait3A_468 = arith.constant 122880 : i32
    %dma_wait3A_469 = tpu.memref_slice %arg4[%dma_wait3A_468] : memref<131072xi16, #tpu.memory_space<vmem>> -> memref<8192xi16, #tpu.memory_space<vmem>>
    %dma_wait3A_470 = tpu.memref_slice %arg2[%add3A_365] : memref<8388608xi16, #tpu.memory_space<hbm>> -> memref<8192xi16, #tpu.memory_space<hbm>>
    tpu.wait_dma2 semaphore(%arg7 : memref<!tpu.dma_semaphore, #tpu.memory_space<semaphore_mem>>) src(%dma_wait3A_470 : memref<8192xi16, #tpu.memory_space<hbm>>) dst(%dma_wait3A_469 : memref<8192xi16, #tpu.memory_space<vmem>>)
    %parallel_loop3A_471 = arith.constant 0 : i32
    %parallel_loop3A_472 = arith.constant 256 : i32
    %parallel_loop3A_473 = arith.constant 1 : i32
    scf.for %parallel_loop3A_476 = %parallel_loop3A_471 to %parallel_loop3A_472 step %parallel_loop3A_473  : i32 {
      %parallel_loop3A_477 = arith.constant 32 : i32
      %parallel_loop3A_478 = arith.muli %parallel_loop3A_476, %parallel_loop3A_477 : i32
      %parallel_loop3A_479 = arith.constant 65536 : i32
      %parallel_loop3A_480 = arith.addi %parallel_loop3A_479, %parallel_loop3A_478 : i32
      %parallel_loop3A_481 = arith.index_cast %parallel_loop3A_480 : i32 to index
      %parallel_loop3A_482 = tpu.vector_load %arg4[%parallel_loop3A_481] {strides = array<i32>} : memref<131072xi16, #tpu.memory_space<vmem>>, vector<32xi16>,
      %parallel_loop3A_483 = tpu.unpack_subelements %parallel_loop3A_482, 0 {pack_format = #tpu.pack_format<interleaved>} : vector<32xi16> -> vector<16xi32>
      %parallel_loop3A_484 = tpu.unpack_subelements %parallel_loop3A_482, 1 {pack_format = #tpu.pack_format<interleaved>} : vector<32xi16> -> vector<16xi32>
      %parallel_loop3A_485 = vector.bitcast %parallel_loop3A_483 : vector<16xi32> to vector<16xi32>
      %parallel_loop3A_486 = arith.constant 2048 : i32
      %parallel_loop3A_487 = vector.broadcast %parallel_loop3A_486 : i32 to vector<16xi32>
      %parallel_loop3A_488 = arith.cmpi ne, %parallel_loop3A_485, %parallel_loop3A_487 : vector<16xi32>
      tpu.vector_store_idx %arg5[%parallel_loop3A_485], %broadcast_in_dim3A_3 masked %parallel_loop3A_488 {add = true} : memref<28784xf32, #tpu.memory_space<vmem>>[vector<16xi32>], vector<16xf32>, vector<16xi1>
      %parallel_loop3A_489 = vector.bitcast %parallel_loop3A_484 : vector<16xi32> to vector<16xi32>
      %parallel_loop3A_490 = arith.constant 2048 : i32
      %parallel_loop3A_491 = vector.broadcast %parallel_loop3A_490 : i32 to vector<16xi32>
      %parallel_loop3A_492 = arith.cmpi ne, %parallel_loop3A_489, %parallel_loop3A_491 : vector<16xi32>
      tpu.vector_store_idx %arg5[%parallel_loop3A_489], %broadcast_in_dim3A_3 masked %parallel_loop3A_492 {add = true} : memref<28784xf32, #tpu.memory_space<vmem>>[vector<16xi32>], vector<16xf32>, vector<16xi1>
      %parallel_loop3A_493 = arith.constant 73728 : i32
      %parallel_loop3A_494 = arith.addi %parallel_loop3A_493, %parallel_loop3A_478 : i32
      %parallel_loop3A_495 = arith.index_cast %parallel_loop3A_494 : i32 to index
      %parallel_loop3A_496 = tpu.vector_load %arg4[%parallel_loop3A_495] {strides = array<i32>} : memref<131072xi16, #tpu.memory_space<vmem>>, vector<32xi16>,
      %parallel_loop3A_497 = tpu.unpack_subelements %parallel_loop3A_496, 0 {pack_format = #tpu.pack_format<interleaved>} : vector<32xi16> -> vector<16xi32>
      %parallel_loop3A_498 = tpu.unpack_subelements %parallel_loop3A_496, 1 {pack_format = #tpu.pack_format<interleaved>} : vector<32xi16> -> vector<16xi32>
      %parallel_loop3A_499 = vector.bitcast %parallel_loop3A_497 : vector<16xi32> to vector<16xi32>
      %parallel_loop3A_500 = arith.constant 4104 : i32
      %parallel_loop3A_501 = vector.broadcast %parallel_loop3A_500 : i32 to vector<16xi32>
      %parallel_loop3A_502 = arith.cmpi ne, %parallel_loop3A_499, %parallel_loop3A_501 : vector<16xi32>
      tpu.vector_store_idx %arg5[%parallel_loop3A_499], %broadcast_in_dim3A_3 masked %parallel_loop3A_502 {add = true} : memref<28784xf32, #tpu.memory_space<vmem>>[vector<16xi32>], vector<16xf32>, vector<16xi1>
      %parallel_loop3A_503 = vector.bitcast %parallel_loop3A_498 : vector<16xi32> to vector<16xi32>
      %parallel_loop3A_504 = arith.constant 4104 : i32
      %parallel_loop3A_505 = vector.broadcast %parallel_loop3A_504 : i32 to vector<16xi32>
      %parallel_loop3A_506 = arith.cmpi ne, %parallel_loop3A_503, %parallel_loop3A_505 : vector<16xi32>
      tpu.vector_store_idx %arg5[%parallel_loop3A_503], %broadcast_in_dim3A_3 masked %parallel_loop3A_506 {add = true} : memref<28784xf32, #tpu.memory_space<vmem>>[vector<16xi32>], vector<16xf32>, vector<16xi1>
      %parallel_loop3A_507 = arith.constant 81920 : i32
      %parallel_loop3A_508 = arith.addi %parallel_loop3A_507, %parallel_loop3A_478 : i32
      %parallel_loop3A_509 = arith.index_cast %parallel_loop3A_508 : i32 to index
      %parallel_loop3A_510 = tpu.vector_load %arg4[%parallel_loop3A_509] {strides = array<i32>} : memref<131072xi16, #tpu.memory_space<vmem>>, vector<32xi16>,
      %parallel_loop3A_511 = tpu.unpack_subelements %parallel_loop3A_510, 0 {pack_format = #tpu.pack_format<interleaved>} : vector<32xi16> -> vector<16xi32>
      %parallel_loop3A_512 = tpu.unpack_subelements %parallel_loop3A_510, 1 {pack_format = #tpu.pack_format<interleaved>} : vector<32xi16> -> vector<16xi32>
      %parallel_loop3A_513 = vector.bitcast %parallel_loop3A_511 : vector<16xi32> to vector<16xi32>
      %parallel_loop3A_514 = arith.constant 6160 : i32
      %parallel_loop3A_515 = vector.broadcast %parallel_loop3A_514 : i32 to vector<16xi32>
      %parallel_loop3A_516 = arith.cmpi ne, %parallel_loop3A_513, %parallel_loop3A_515 : vector<16xi32>
      tpu.vector_store_idx %arg5[%parallel_loop3A_513], %broadcast_in_dim3A_3 masked %parallel_loop3A_516 {add = true} : memref<28784xf32, #tpu.memory_space<vmem>>[vector<16xi32>], vector<16xf32>, vector<16xi1>
      %parallel_loop3A_517 = vector.bitcast %parallel_loop3A_512 : vector<16xi32> to vector<16xi32>
      %parallel_loop3A_518 = arith.constant 6160 : i32
      %parallel_loop3A_519 = vector.broadcast %parallel_loop3A_518 : i32 to vector<16xi32>
      %parallel_loop3A_520 = arith.cmpi ne, %parallel_loop3A_517, %parallel_loop3A_519 : vector<16xi32>
      tpu.vector_store_idx %arg5[%parallel_loop3A_517], %broadcast_in_dim3A_3 masked %parallel_loop3A_520 {add = true} : memref<28784xf32, #tpu.memory_space<vmem>>[vector<16xi32>], vector<16xf32>, vector<16xi1>
      %parallel_loop3A_521 = arith.constant 90112 : i32
      %parallel_loop3A_522 = arith.addi %parallel_loop3A_521, %parallel_loop3A_478 : i32
      %parallel_loop3A_523 = arith.index_cast %parallel_loop3A_522 : i32 to index
      %parallel_loop3A_524 = tpu.vector_load %arg4[%parallel_loop3A_523] {strides = array<i32>} : memref<131072xi16, #tpu.memory_space<vmem>>, vector<32xi16>,
      %parallel_loop3A_525 = tpu.unpack_subelements %parallel_loop3A_524, 0 {pack_format = #tpu.pack_format<interleaved>} : vector<32xi16> -> vector<16xi32>
      %parallel_loop3A_526 = tpu.unpack_subelements %parallel_loop3A_524, 1 {pack_format = #tpu.pack_format<interleaved>} : vector<32xi16> -> vector<16xi32>
      %parallel_loop3A_527 = vector.bitcast %parallel_loop3A_525 : vector<16xi32> to vector<16xi32>
      %parallel_loop3A_528 = arith.constant 8216 : i32
      %parallel_loop3A_529 = vector.broadcast %parallel_loop3A_528 : i32 to vector<16xi32>
      %parallel_loop3A_530 = arith.cmpi ne, %parallel_loop3A_527, %parallel_loop3A_529 : vector<16xi32>
      tpu.vector_store_idx %arg5[%parallel_loop3A_527], %broadcast_in_dim3A_3 masked %parallel_loop3A_530 {add = true} : memref<28784xf32, #tpu.memory_space<vmem>>[vector<16xi32>], vector<16xf32>, vector<16xi1>
      %parallel_loop3A_531 = vector.bitcast %parallel_loop3A_526 : vector<16xi32> to vector<16xi32>
      %parallel_loop3A_532 = arith.constant 8216 : i32
      %parallel_loop3A_533 = vector.broadcast %parallel_loop3A_532 : i32 to vector<16xi32>
      %parallel_loop3A_534 = arith.cmpi ne, %parallel_loop3A_531, %parallel_loop3A_533 : vector<16xi32>
      tpu.vector_store_idx %arg5[%parallel_loop3A_531], %broadcast_in_dim3A_3 masked %parallel_loop3A_534 {add = true} : memref<28784xf32, #tpu.memory_space<vmem>>[vector<16xi32>], vector<16xf32>, vector<16xi1>
      %parallel_loop3A_535 = arith.constant 98304 : i32
      %parallel_loop3A_536 = arith.addi %parallel_loop3A_535, %parallel_loop3A_478 : i32
      %parallel_loop3A_537 = arith.index_cast %parallel_loop3A_536 : i32 to index
      %parallel_loop3A_538 = tpu.vector_load %arg4[%parallel_loop3A_537] {strides = array<i32>} : memref<131072xi16, #tpu.memory_space<vmem>>, vector<32xi16>,
      %parallel_loop3A_539 = tpu.unpack_subelements %parallel_loop3A_538, 0 {pack_format = #tpu.pack_format<interleaved>} : vector<32xi16> -> vector<16xi32>
      %parallel_loop3A_540 = tpu.unpack_subelements %parallel_loop3A_538, 1 {pack_format = #tpu.pack_format<interleaved>} : vector<32xi16> -> vector<16xi32>
      %parallel_loop3A_541 = vector.bitcast %parallel_loop3A_539 : vector<16xi32> to vector<16xi32>
      %parallel_loop3A_542 = arith.constant 10272 : i32
      %parallel_loop3A_543 = vector.broadcast %parallel_loop3A_542 : i32 to vector<16xi32>
      %parallel_loop3A_544 = arith.cmpi ne, %parallel_loop3A_541, %parallel_loop3A_543 : vector<16xi32>
      tpu.vector_store_idx %arg5[%parallel_loop3A_541], %broadcast_in_dim3A_3 masked %parallel_loop3A_544 {add = true} : memref<28784xf32, #tpu.memory_space<vmem>>[vector<16xi32>], vector<16xf32>, vector<16xi1>
      %parallel_loop3A_545 = vector.bitcast %parallel_loop3A_540 : vector<16xi32> to vector<16xi32>
      %parallel_loop3A_546 = arith.constant 10272 : i32
      %parallel_loop3A_547 = vector.broadcast %parallel_loop3A_546 : i32 to vector<16xi32>
      %parallel_loop3A_548 = arith.cmpi ne, %parallel_loop3A_545, %parallel_loop3A_547 : vector<16xi32>
      tpu.vector_store_idx %arg5[%parallel_loop3A_545], %broadcast_in_dim3A_3 masked %parallel_loop3A_548 {add = true} : memref<28784xf32, #tpu.memory_space<vmem>>[vector<16xi32>], vector<16xf32>, vector<16xi1>
      %parallel_loop3A_549 = arith.constant 106496 : i32
      %parallel_loop3A_550 = arith.addi %parallel_loop3A_549, %parallel_loop3A_478 : i32
      %parallel_loop3A_551 = arith.index_cast %parallel_loop3A_550 : i32 to index
      %parallel_loop3A_552 = tpu.vector_load %arg4[%parallel_loop3A_551] {strides = array<i32>} : memref<131072xi16, #tpu.memory_space<vmem>>, vector<32xi16>,
      %parallel_loop3A_553 = tpu.unpack_subelements %parallel_loop3A_552, 0 {pack_format = #tpu.pack_format<interleaved>} : vector<32xi16> -> vector<16xi32>
      %parallel_loop3A_554 = tpu.unpack_subelements %parallel_loop3A_552, 1 {pack_format = #tpu.pack_format<interleaved>} : vector<32xi16> -> vector<16xi32>
      %parallel_loop3A_555 = vector.bitcast %parallel_loop3A_553 : vector<16xi32> to vector<16xi32>
      %parallel_loop3A_556 = arith.constant 12328 : i32
      %parallel_loop3A_557 = vector.broadcast %parallel_loop3A_556 : i32 to vector<16xi32>
      %parallel_loop3A_558 = arith.cmpi ne, %parallel_loop3A_555, %parallel_loop3A_557 : vector<16xi32>
      tpu.vector_store_idx %arg5[%parallel_loop3A_555], %broadcast_in_dim3A_3 masked %parallel_loop3A_558 {add = true} : memref<28784xf32, #tpu.memory_space<vmem>>[vector<16xi32>], vector<16xf32>, vector<16xi1>
      %parallel_loop3A_559 = vector.bitcast %parallel_loop3A_554 : vector<16xi32> to vector<16xi32>
      %parallel_loop3A_560 = arith.constant 12328 : i32
      %parallel_loop3A_561 = vector.broadcast %parallel_loop3A_560 : i32 to vector<16xi32>
      %parallel_loop3A_562 = arith.cmpi ne, %parallel_loop3A_559, %parallel_loop3A_561 : vector<16xi32>
      tpu.vector_store_idx %arg5[%parallel_loop3A_559], %broadcast_in_dim3A_3 masked %parallel_loop3A_562 {add = true} : memref<28784xf32, #tpu.memory_space<vmem>>[vector<16xi32>], vector<16xf32>, vector<16xi1>
      %parallel_loop3A_563 = arith.constant 114688 : i32
      %parallel_loop3A_564 = arith.addi %parallel_loop3A_563, %parallel_loop3A_478 : i32
      %parallel_loop3A_565 = arith.index_cast %parallel_loop3A_564 : i32 to index
      %parallel_loop3A_566 = tpu.vector_load %arg4[%parallel_loop3A_565] {strides = array<i32>} : memref<131072xi16, #tpu.memory_space<vmem>>, vector<32xi16>,
      %parallel_loop3A_567 = tpu.unpack_subelements %parallel_loop3A_566, 0 {pack_format = #tpu.pack_format<interleaved>} : vector<32xi16> -> vector<16xi32>
      %parallel_loop3A_568 = tpu.unpack_subelements %parallel_loop3A_566, 1 {pack_format = #tpu.pack_format<interleaved>} : vector<32xi16> -> vector<16xi32>
      %parallel_loop3A_569 = vector.bitcast %parallel_loop3A_567 : vector<16xi32> to vector<16xi32>
      %parallel_loop3A_570 = arith.constant 14384 : i32
      %parallel_loop3A_571 = vector.broadcast %parallel_loop3A_570 : i32 to vector<16xi32>
      %parallel_loop3A_572 = arith.cmpi ne, %parallel_loop3A_569, %parallel_loop3A_571 : vector<16xi32>
      tpu.vector_store_idx %arg5[%parallel_loop3A_569], %broadcast_in_dim3A_3 masked %parallel_loop3A_572 {add = true} : memref<28784xf32, #tpu.memory_space<vmem>>[vector<16xi32>], vector<16xf32>, vector<16xi1>
      %parallel_loop3A_573 = vector.bitcast %parallel_loop3A_568 : vector<16xi32> to vector<16xi32>
      %parallel_loop3A_574 = arith.constant 14384 : i32
      %parallel_loop3A_575 = vector.broadcast %parallel_loop3A_574 : i32 to vector<16xi32>
      %parallel_loop3A_576 = arith.cmpi ne, %parallel_loop3A_573, %parallel_loop3A_575 : vector<16xi32>
      tpu.vector_store_idx %arg5[%parallel_loop3A_573], %broadcast_in_dim3A_3 masked %parallel_loop3A_576 {add = true} : memref<28784xf32, #tpu.memory_space<vmem>>[vector<16xi32>], vector<16xf32>, vector<16xi1>
      %parallel_loop3A_577 = arith.constant 122880 : i32
      %parallel_loop3A_578 = arith.addi %parallel_loop3A_577, %parallel_loop3A_478 : i32
      %parallel_loop3A_579 = arith.index_cast %parallel_loop3A_578 : i32 to index
      %parallel_loop3A_580 = tpu.vector_load %arg4[%parallel_loop3A_579] {strides = array<i32>} : memref<131072xi16, #tpu.memory_space<vmem>>, vector<32xi16>,
      %parallel_loop3A_581 = tpu.unpack_subelements %parallel_loop3A_580, 0 {pack_format = #tpu.pack_format<interleaved>} : vector<32xi16> -> vector<16xi32>
      %parallel_loop3A_582 = tpu.unpack_subelements %parallel_loop3A_580, 1 {pack_format = #tpu.pack_format<interleaved>} : vector<32xi16> -> vector<16xi32>
      %parallel_loop3A_583 = vector.bitcast %parallel_loop3A_581 : vector<16xi32> to vector<16xi32>
      %parallel_loop3A_584 = arith.constant 16440 : i32
      %parallel_loop3A_585 = vector.broadcast %parallel_loop3A_584 : i32 to vector<16xi32>
      %parallel_loop3A_586 = arith.cmpi ne, %parallel_loop3A_583, %parallel_loop3A_585 : vector<16xi32>
      tpu.vector_store_idx %arg5[%parallel_loop3A_583], %broadcast_in_dim3A_3 masked %parallel_loop3A_586 {add = true} : memref<28784xf32, #tpu.memory_space<vmem>>[vector<16xi32>], vector<16xf32>, vector<16xi1>
      %parallel_loop3A_587 = vector.bitcast %parallel_loop3A_582 : vector<16xi32> to vector<16xi32>
      %parallel_loop3A_588 = arith.constant 16440 : i32
      %parallel_loop3A_589 = vector.broadcast %parallel_loop3A_588 : i32 to vector<16xi32>
      %parallel_loop3A_590 = arith.cmpi ne, %parallel_loop3A_587, %parallel_loop3A_589 : vector<16xi32>
      tpu.vector_store_idx %arg5[%parallel_loop3A_587], %broadcast_in_dim3A_3 masked %parallel_loop3A_590 {add = true} : memref<28784xf32, #tpu.memory_space<vmem>>[vector<16xi32>], vector<16xf32>, vector<16xi1>
    } {sc.loop_unroll_factor = 4 : i64, sc.parallel_access}
    %mul3A_474 = arith.constant 28784 : i32
    %mul3A_475 = arith.muli %add3A, %mul3A_474 : i32
    "tpu.region"() ({
      %run_scoped3A = tpu.sem_alloc : memref<!tpu.dma_semaphore, #tpu.memory_space<semaphore_mem>>
      %dma_start3A_476 = tpu.memref_slice %arg3[%mul3A_475] : memref<921088xf32, #tpu.memory_space<hbm>> -> memref<28784xf32, #tpu.memory_space<hbm>>
      %dma_start3A_477 = tpu.memref_slice %arg3[%mul3A_475] : memref<921088xf32, #tpu.memory_space<hbm>> -> memref<28784xf32, #tpu.memory_space<hbm>>
      tpu.enqueue_dma source(%arg5 : memref<28784xf32, #tpu.memory_space<vmem>>) target(%dma_start3A_477 : memref<28784xf32, #tpu.memory_space<hbm>>) target_semaphore(%run_scoped3A : memref<!tpu.dma_semaphore, #tpu.memory_space<semaphore_mem>>)
      %dma_wait3A_478 = tpu.memref_slice %arg3[%mul3A_475] : memref<921088xf32, #tpu.memory_space<hbm>> -> memref<28784xf32, #tpu.memory_space<hbm>>
      %dma_wait3A_479 = tpu.memref_slice %arg3[%mul3A_475] : memref<921088xf32, #tpu.memory_space<hbm>> -> memref<28784xf32, #tpu.memory_space<hbm>>
      tpu.wait_dma2 semaphore(%run_scoped3A : memref<!tpu.dma_semaphore, #tpu.memory_space<semaphore_mem>>) src(%arg5 : memref<28784xf32, #tpu.memory_space<vmem>>) dst(%dma_wait3A_479 : memref<28784xf32, #tpu.memory_space<hbm>>)
      tpu.yield
    }) : () -> ()
    return
  }
}

module attributes {stable_mosaic.version = 14 : i64} {
  func.func @_bin_kernel(%arg0: i32, %arg1: i32, %arg2: memref<1x8x128x512xf32, #tpu.memory_space<vmem>>, %arg3: memref<1x128x512xi32, #tpu.memory_space<vmem>>, %arg4: memref<8x128x512xi16, #tpu.memory_space<vmem>>) attributes {dimension_semantics = [#tpu.dimension_semantics<arbitrary>, #tpu.dimension_semantics<arbitrary>], iteration_bounds = array<i64: 4, 4>, scalar_prefetch = 0 : i64, scratch_operands = 0 : i64, tpu.core_type = #tpu.core_type<tc>, window_params = [{transform_indices = @transform_0, window_bounds = array<i64: 1, 8, 128, 512>}, {transform_indices = @transform_1, window_bounds = array<i64: 1, 128, 512>}, {transform_indices = @transform_2, window_bounds = array<i64: 8, 128, 512>}]} {
    %get3A = arith.constant 0 : index
    %get3A_0 = arith.constant 0 : index
    %get3A_1 = arith.constant 0 : index
    %get3A_2 = arith.constant 0 : index
    %get3A_3 = vector.load %arg2[%get3A, %get3A_0, %get3A_1, %get3A_2] : memref<1x8x128x512xf32, #tpu.memory_space<vmem>>, vector<1x8x128x512xf32>
    %get3A_4 = vector.shape_cast %get3A_3 : vector<1x8x128x512xf32> to vector<8x128x512xf32>
    %get3A_5 = arith.constant 0 : index
    %get3A_6 = arith.constant 0 : index
    %get3A_7 = arith.constant 0 : index
    %get3A_8 = vector.load %arg3[%get3A_5, %get3A_6, %get3A_7] : memref<1x128x512xi32, #tpu.memory_space<vmem>>, vector<1x128x512xi32>
    %get3A_9 = vector.shape_cast %get3A_8 : vector<1x128x512xi32> to vector<128x512xi32>
    %slice3A = vector.extract_strided_slice %get3A_4 {offsets = [0, 0, 0], sizes = [1, 128, 512], strides = [1, 1, 1]} : vector<8x128x512xf32> to vector<1x128x512xf32>
    %squeeze3A = vector.shape_cast %slice3A : vector<1x128x512xf32> to vector<128x512xf32>
    %slice3A_10 = vector.extract_strided_slice %get3A_4 {offsets = [1, 0, 0], sizes = [1, 128, 512], strides = [1, 1, 1]} : vector<8x128x512xf32> to vector<1x128x512xf32>
    %squeeze3A_11 = vector.shape_cast %slice3A_10 : vector<1x128x512xf32> to vector<128x512xf32>
    %max3A = arith.maximumf %squeeze3A, %squeeze3A_11 : vector<128x512xf32>
    %slice3A_12 = vector.extract_strided_slice %get3A_4 {offsets = [2, 0, 0], sizes = [1, 128, 512], strides = [1, 1, 1]} : vector<8x128x512xf32> to vector<1x128x512xf32>
    %squeeze3A_13 = vector.shape_cast %slice3A_12 : vector<1x128x512xf32> to vector<128x512xf32>
    %max3A_14 = arith.maximumf %max3A, %squeeze3A_13 : vector<128x512xf32>
    %slice3A_15 = vector.extract_strided_slice %get3A_4 {offsets = [3, 0, 0], sizes = [1, 128, 512], strides = [1, 1, 1]} : vector<8x128x512xf32> to vector<1x128x512xf32>
    %squeeze3A_16 = vector.shape_cast %slice3A_15 : vector<1x128x512xf32> to vector<128x512xf32>
    %max3A_17 = arith.maximumf %max3A_14, %squeeze3A_16 : vector<128x512xf32>
    %slice3A_18 = vector.extract_strided_slice %get3A_4 {offsets = [4, 0, 0], sizes = [1, 128, 512], strides = [1, 1, 1]} : vector<8x128x512xf32> to vector<1x128x512xf32>
    %squeeze3A_19 = vector.shape_cast %slice3A_18 : vector<1x128x512xf32> to vector<128x512xf32>
    %max3A_20 = arith.maximumf %max3A_17, %squeeze3A_19 : vector<128x512xf32>
    %slice3A_21 = vector.extract_strided_slice %get3A_4 {offsets = [5, 0, 0], sizes = [1, 128, 512], strides = [1, 1, 1]} : vector<8x128x512xf32> to vector<1x128x512xf32>
    %squeeze3A_22 = vector.shape_cast %slice3A_21 : vector<1x128x512xf32> to vector<128x512xf32>
    %max3A_23 = arith.maximumf %max3A_20, %squeeze3A_22 : vector<128x512xf32>
    %slice3A_24 = vector.extract_strided_slice %get3A_4 {offsets = [6, 0, 0], sizes = [1, 128, 512], strides = [1, 1, 1]} : vector<8x128x512xf32> to vector<1x128x512xf32>
    %squeeze3A_25 = vector.shape_cast %slice3A_24 : vector<1x128x512xf32> to vector<128x512xf32>
    %max3A_26 = arith.maximumf %max3A_23, %squeeze3A_25 : vector<128x512xf32>
    %slice3A_27 = vector.extract_strided_slice %get3A_4 {offsets = [7, 0, 0], sizes = [1, 128, 512], strides = [1, 1, 1]} : vector<8x128x512xf32> to vector<1x128x512xf32>
    %squeeze3A_28 = vector.shape_cast %slice3A_27 : vector<1x128x512xf32> to vector<128x512xf32>
    %max3A_29 = arith.maximumf %max3A_26, %squeeze3A_28 : vector<128x512xf32>
    %slice3A_30 = vector.extract_strided_slice %get3A_4 {offsets = [0, 0, 0], sizes = [1, 128, 512], strides = [1, 1, 1]} : vector<8x128x512xf32> to vector<1x128x512xf32>
    %squeeze3A_31 = vector.shape_cast %slice3A_30 : vector<1x128x512xf32> to vector<128x512xf32>
    %sub3A = arith.subf %squeeze3A_31, %max3A_29 : vector<128x512xf32>
    %exp3A = math.exp %sub3A : vector<128x512xf32>
    %slice3A_32 = vector.extract_strided_slice %get3A_4 {offsets = [1, 0, 0], sizes = [1, 128, 512], strides = [1, 1, 1]} : vector<8x128x512xf32> to vector<1x128x512xf32>
    %squeeze3A_33 = vector.shape_cast %slice3A_32 : vector<1x128x512xf32> to vector<128x512xf32>
    %sub3A_34 = arith.subf %squeeze3A_33, %max3A_29 : vector<128x512xf32>
    %exp3A_35 = math.exp %sub3A_34 : vector<128x512xf32>
    %slice3A_36 = vector.extract_strided_slice %get3A_4 {offsets = [2, 0, 0], sizes = [1, 128, 512], strides = [1, 1, 1]} : vector<8x128x512xf32> to vector<1x128x512xf32>
    %squeeze3A_37 = vector.shape_cast %slice3A_36 : vector<1x128x512xf32> to vector<128x512xf32>
    %sub3A_38 = arith.subf %squeeze3A_37, %max3A_29 : vector<128x512xf32>
    %exp3A_39 = math.exp %sub3A_38 : vector<128x512xf32>
    %slice3A_40 = vector.extract_strided_slice %get3A_4 {offsets = [3, 0, 0], sizes = [1, 128, 512], strides = [1, 1, 1]} : vector<8x128x512xf32> to vector<1x128x512xf32>
    %squeeze3A_41 = vector.shape_cast %slice3A_40 : vector<1x128x512xf32> to vector<128x512xf32>
    %sub3A_42 = arith.subf %squeeze3A_41, %max3A_29 : vector<128x512xf32>
    %exp3A_43 = math.exp %sub3A_42 : vector<128x512xf32>
    %slice3A_44 = vector.extract_strided_slice %get3A_4 {offsets = [4, 0, 0], sizes = [1, 128, 512], strides = [1, 1, 1]} : vector<8x128x512xf32> to vector<1x128x512xf32>
    %squeeze3A_45 = vector.shape_cast %slice3A_44 : vector<1x128x512xf32> to vector<128x512xf32>
    %sub3A_46 = arith.subf %squeeze3A_45, %max3A_29 : vector<128x512xf32>
    %exp3A_47 = math.exp %sub3A_46 : vector<128x512xf32>
    %slice3A_48 = vector.extract_strided_slice %get3A_4 {offsets = [5, 0, 0], sizes = [1, 128, 512], strides = [1, 1, 1]} : vector<8x128x512xf32> to vector<1x128x512xf32>
    %squeeze3A_49 = vector.shape_cast %slice3A_48 : vector<1x128x512xf32> to vector<128x512xf32>
    %sub3A_50 = arith.subf %squeeze3A_49, %max3A_29 : vector<128x512xf32>
    %exp3A_51 = math.exp %sub3A_50 : vector<128x512xf32>
    %slice3A_52 = vector.extract_strided_slice %get3A_4 {offsets = [6, 0, 0], sizes = [1, 128, 512], strides = [1, 1, 1]} : vector<8x128x512xf32> to vector<1x128x512xf32>
    %squeeze3A_53 = vector.shape_cast %slice3A_52 : vector<1x128x512xf32> to vector<128x512xf32>
    %sub3A_54 = arith.subf %squeeze3A_53, %max3A_29 : vector<128x512xf32>
    %exp3A_55 = math.exp %sub3A_54 : vector<128x512xf32>
    %slice3A_56 = vector.extract_strided_slice %get3A_4 {offsets = [7, 0, 0], sizes = [1, 128, 512], strides = [1, 1, 1]} : vector<8x128x512xf32> to vector<1x128x512xf32>
    %squeeze3A_57 = vector.shape_cast %slice3A_56 : vector<1x128x512xf32> to vector<128x512xf32>
    %sub3A_58 = arith.subf %squeeze3A_57, %max3A_29 : vector<128x512xf32>
    %exp3A_59 = math.exp %sub3A_58 : vector<128x512xf32>
    %add3A = arith.addf %exp3A, %exp3A_35 : vector<128x512xf32>
    %add3A_60 = arith.addf %add3A, %exp3A_39 : vector<128x512xf32>
    %add3A_61 = arith.addf %add3A_60, %exp3A_43 : vector<128x512xf32>
    %add3A_62 = arith.addf %add3A_61, %exp3A_47 : vector<128x512xf32>
    %add3A_63 = arith.addf %add3A_62, %exp3A_51 : vector<128x512xf32>
    %add3A_64 = arith.addf %add3A_63, %exp3A_55 : vector<128x512xf32>
    %add3A_65 = arith.addf %add3A_64, %exp3A_59 : vector<128x512xf32>
    %div3A = arith.constant 1.000000e+00 : f32
    %div3A_66 = vector.broadcast %div3A : f32 to vector<128x512xf32>
    %div3A_67 = arith.divf %div3A_66, %add3A_65 : vector<128x512xf32>
    %ne3A = arith.constant 0 : i32
    %ne3A_68 = vector.broadcast %ne3A : i32 to vector<128x512xi32>
    %ne3A_69 = arith.cmpi ne, %get3A_9, %ne3A_68 : vector<128x512xi32>
    %broadcast_in_dim3A = arith.constant 0 : i32
    %broadcast_in_dim3A_70 = vector.broadcast %broadcast_in_dim3A : i32 to vector<128x512xi32>
    %mul3A = arith.mulf %exp3A_35, %div3A_67 : vector<128x512xf32>
    %eq3A = arith.constant 1 : i32
    %eq3A_71 = vector.broadcast %eq3A : i32 to vector<128x512xi32>
    %eq3A_72 = arith.cmpi eq, %get3A_9, %eq3A_71 : vector<128x512xi32>
    %sub3A_73 = arith.constant 1.000000e+00 : f32
    %sub3A_74 = vector.broadcast %sub3A_73 : f32 to vector<128x512xf32>
    %sub3A_75 = arith.subf %sub3A_74, %mul3A : vector<128x512xf32>
    %select_n3A = arith.select %eq3A_72, %sub3A_75, %mul3A : vector<128x512xi1>, vector<128x512xf32>
    %mul3A_76 = arith.constant 2.048000e+03 : f32
    %mul3A_77 = vector.broadcast %mul3A_76 : f32 to vector<128x512xf32>
    %mul3A_78 = arith.mulf %select_n3A, %mul3A_77 : vector<128x512xf32>
    %convert_element_type3A = arith.fptosi %mul3A_78 : vector<128x512xf32> to vector<128x512xi32>
    %max3A_79 = arith.constant 0 : i32
    %max3A_80 = vector.broadcast %max3A_79 : i32 to vector<128x512xi32>
    %max3A_81 = arith.maxsi %convert_element_type3A, %max3A_80 : vector<128x512xi32>
    %min3A = arith.constant 2047 : i32
    %min3A_82 = vector.broadcast %min3A : i32 to vector<128x512xi32>
    %min3A_83 = arith.minsi %max3A_81, %min3A_82 : vector<128x512xi32>
    %jit3A = arith.constant 2048 : i32
    %broadcast_in_dim3A_84 = vector.broadcast %jit3A : i32 to vector<128x512xi32>
    %select_n3A_85 = arith.select %ne3A_69, %min3A_83, %broadcast_in_dim3A_84 : vector<128x512xi1>, vector<128x512xi32>
    %add3A_86 = arith.constant 0 : i32
    %add3A_87 = vector.broadcast %add3A_86 : i32 to vector<128x512xi32>
    %add3A_88 = arith.addi %add3A_87, %select_n3A_85 : vector<128x512xi32>
    %convert_element_type3A_89 = arith.trunci %add3A_88 : vector<128x512xi32> to vector<128x512xi16>
    %swap3A = arith.constant 0 : index
    %swap3A_90 = arith.constant 0 : index
    %swap3A_91 = arith.constant 0 : index
    %swap3A_92 = vector.load %arg4[%swap3A, %swap3A_90, %swap3A_91] : memref<8x128x512xi16, #tpu.memory_space<vmem>>, vector<1x128x512xi16>
    %swap3A_93 = vector.shape_cast %swap3A_92 : vector<1x128x512xi16> to vector<128x512xi16>
    %swap3A_94 = vector.shape_cast %convert_element_type3A_89 : vector<128x512xi16> to vector<1x128x512xi16>
    tpu.vector_store %arg4[%swap3A, %swap3A_90, %swap3A_91], %swap3A_94 {strides = array<i32>} : memref<8x128x512xi16, #tpu.memory_space<vmem>>, vector<1x128x512xi16>,
    %eq3A_95 = arith.constant 1 : i32
    %eq3A_96 = vector.broadcast %eq3A_95 : i32 to vector<128x512xi32>
    %eq3A_97 = arith.cmpi eq, %get3A_9, %eq3A_96 : vector<128x512xi32>
    %select_n3A_98 = arith.select %eq3A_97, %min3A_83, %broadcast_in_dim3A_70 : vector<128x512xi1>, vector<128x512xi32>
    %mul3A_99 = arith.mulf %exp3A_39, %div3A_67 : vector<128x512xf32>
    %eq3A_100 = arith.constant 2 : i32
    %eq3A_101 = vector.broadcast %eq3A_100 : i32 to vector<128x512xi32>
    %eq3A_102 = arith.cmpi eq, %get3A_9, %eq3A_101 : vector<128x512xi32>
    %sub3A_103 = arith.constant 1.000000e+00 : f32
    %sub3A_104 = vector.broadcast %sub3A_103 : f32 to vector<128x512xf32>
    %sub3A_105 = arith.subf %sub3A_104, %mul3A_99 : vector<128x512xf32>
    %select_n3A_106 = arith.select %eq3A_102, %sub3A_105, %mul3A_99 : vector<128x512xi1>, vector<128x512xf32>
    %mul3A_107 = arith.constant 2.048000e+03 : f32
    %mul3A_108 = vector.broadcast %mul3A_107 : f32 to vector<128x512xf32>
    %mul3A_109 = arith.mulf %select_n3A_106, %mul3A_108 : vector<128x512xf32>
    %convert_element_type3A_110 = arith.fptosi %mul3A_109 : vector<128x512xf32> to vector<128x512xi32>
    %max3A_111 = arith.constant 0 : i32
    %max3A_112 = vector.broadcast %max3A_111 : i32 to vector<128x512xi32>
    %max3A_113 = arith.maxsi %convert_element_type3A_110, %max3A_112 : vector<128x512xi32>
    %min3A_114 = arith.constant 2047 : i32
    %min3A_115 = vector.broadcast %min3A_114 : i32 to vector<128x512xi32>
    %min3A_116 = arith.minsi %max3A_113, %min3A_115 : vector<128x512xi32>
    %jit3A_117 = arith.constant 2048 : i32
    %broadcast_in_dim3A_118 = vector.broadcast %jit3A_117 : i32 to vector<128x512xi32>
    %select_n3A_119 = arith.select %ne3A_69, %min3A_116, %broadcast_in_dim3A_118 : vector<128x512xi1>, vector<128x512xi32>
    %add3A_120 = arith.constant 2056 : i32
    %add3A_121 = vector.broadcast %add3A_120 : i32 to vector<128x512xi32>
    %add3A_122 = arith.addi %add3A_121, %select_n3A_119 : vector<128x512xi32>
    %convert_element_type3A_123 = arith.trunci %add3A_122 : vector<128x512xi32> to vector<128x512xi16>
    %swap3A_124 = arith.constant 1 : index
    %swap3A_125 = arith.constant 0 : index
    %swap3A_126 = arith.constant 0 : index
    %swap3A_127 = vector.load %arg4[%swap3A_124, %swap3A_125, %swap3A_126] : memref<8x128x512xi16, #tpu.memory_space<vmem>>, vector<1x128x512xi16>
    %swap3A_128 = vector.shape_cast %swap3A_127 : vector<1x128x512xi16> to vector<128x512xi16>
    %swap3A_129 = vector.shape_cast %convert_element_type3A_123 : vector<128x512xi16> to vector<1x128x512xi16>
    tpu.vector_store %arg4[%swap3A_124, %swap3A_125, %swap3A_126], %swap3A_129 {strides = array<i32>} : memref<8x128x512xi16, #tpu.memory_space<vmem>>, vector<1x128x512xi16>,
    %eq3A_130 = arith.constant 2 : i32
    %eq3A_131 = vector.broadcast %eq3A_130 : i32 to vector<128x512xi32>
    %eq3A_132 = arith.cmpi eq, %get3A_9, %eq3A_131 : vector<128x512xi32>
    %select_n3A_133 = arith.select %eq3A_132, %min3A_116, %select_n3A_98 : vector<128x512xi1>, vector<128x512xi32>
    %mul3A_134 = arith.mulf %exp3A_43, %div3A_67 : vector<128x512xf32>
    %eq3A_135 = arith.constant 3 : i32
    %eq3A_136 = vector.broadcast %eq3A_135 : i32 to vector<128x512xi32>
    %eq3A_137 = arith.cmpi eq, %get3A_9, %eq3A_136 : vector<128x512xi32>
    %sub3A_138 = arith.constant 1.000000e+00 : f32
    %sub3A_139 = vector.broadcast %sub3A_138 : f32 to vector<128x512xf32>
    %sub3A_140 = arith.subf %sub3A_139, %mul3A_134 : vector<128x512xf32>
    %select_n3A_141 = arith.select %eq3A_137, %sub3A_140, %mul3A_134 : vector<128x512xi1>, vector<128x512xf32>
    %mul3A_142 = arith.constant 2.048000e+03 : f32
    %mul3A_143 = vector.broadcast %mul3A_142 : f32 to vector<128x512xf32>
    %mul3A_144 = arith.mulf %select_n3A_141, %mul3A_143 : vector<128x512xf32>
    %convert_element_type3A_145 = arith.fptosi %mul3A_144 : vector<128x512xf32> to vector<128x512xi32>
    %max3A_146 = arith.constant 0 : i32
    %max3A_147 = vector.broadcast %max3A_146 : i32 to vector<128x512xi32>
    %max3A_148 = arith.maxsi %convert_element_type3A_145, %max3A_147 : vector<128x512xi32>
    %min3A_149 = arith.constant 2047 : i32
    %min3A_150 = vector.broadcast %min3A_149 : i32 to vector<128x512xi32>
    %min3A_151 = arith.minsi %max3A_148, %min3A_150 : vector<128x512xi32>
    %jit3A_152 = arith.constant 2048 : i32
    %broadcast_in_dim3A_153 = vector.broadcast %jit3A_152 : i32 to vector<128x512xi32>
    %select_n3A_154 = arith.select %ne3A_69, %min3A_151, %broadcast_in_dim3A_153 : vector<128x512xi1>, vector<128x512xi32>
    %add3A_155 = arith.constant 4112 : i32
    %add3A_156 = vector.broadcast %add3A_155 : i32 to vector<128x512xi32>
    %add3A_157 = arith.addi %add3A_156, %select_n3A_154 : vector<128x512xi32>
    %convert_element_type3A_158 = arith.trunci %add3A_157 : vector<128x512xi32> to vector<128x512xi16>
    %swap3A_159 = arith.constant 2 : index
    %swap3A_160 = arith.constant 0 : index
    %swap3A_161 = arith.constant 0 : index
    %swap3A_162 = vector.load %arg4[%swap3A_159, %swap3A_160, %swap3A_161] : memref<8x128x512xi16, #tpu.memory_space<vmem>>, vector<1x128x512xi16>
    %swap3A_163 = vector.shape_cast %swap3A_162 : vector<1x128x512xi16> to vector<128x512xi16>
    %swap3A_164 = vector.shape_cast %convert_element_type3A_158 : vector<128x512xi16> to vector<1x128x512xi16>
    tpu.vector_store %arg4[%swap3A_159, %swap3A_160, %swap3A_161], %swap3A_164 {strides = array<i32>} : memref<8x128x512xi16, #tpu.memory_space<vmem>>, vector<1x128x512xi16>,
    %eq3A_165 = arith.constant 3 : i32
    %eq3A_166 = vector.broadcast %eq3A_165 : i32 to vector<128x512xi32>
    %eq3A_167 = arith.cmpi eq, %get3A_9, %eq3A_166 : vector<128x512xi32>
    %select_n3A_168 = arith.select %eq3A_167, %min3A_151, %select_n3A_133 : vector<128x512xi1>, vector<128x512xi32>
    %mul3A_169 = arith.mulf %exp3A_47, %div3A_67 : vector<128x512xf32>
    %eq3A_170 = arith.constant 4 : i32
    %eq3A_171 = vector.broadcast %eq3A_170 : i32 to vector<128x512xi32>
    %eq3A_172 = arith.cmpi eq, %get3A_9, %eq3A_171 : vector<128x512xi32>
    %sub3A_173 = arith.constant 1.000000e+00 : f32
    %sub3A_174 = vector.broadcast %sub3A_173 : f32 to vector<128x512xf32>
    %sub3A_175 = arith.subf %sub3A_174, %mul3A_169 : vector<128x512xf32>
    %select_n3A_176 = arith.select %eq3A_172, %sub3A_175, %mul3A_169 : vector<128x512xi1>, vector<128x512xf32>
    %mul3A_177 = arith.constant 2.048000e+03 : f32
    %mul3A_178 = vector.broadcast %mul3A_177 : f32 to vector<128x512xf32>
    %mul3A_179 = arith.mulf %select_n3A_176, %mul3A_178 : vector<128x512xf32>
    %convert_element_type3A_180 = arith.fptosi %mul3A_179 : vector<128x512xf32> to vector<128x512xi32>
    %max3A_181 = arith.constant 0 : i32
    %max3A_182 = vector.broadcast %max3A_181 : i32 to vector<128x512xi32>
    %max3A_183 = arith.maxsi %convert_element_type3A_180, %max3A_182 : vector<128x512xi32>
    %min3A_184 = arith.constant 2047 : i32
    %min3A_185 = vector.broadcast %min3A_184 : i32 to vector<128x512xi32>
    %min3A_186 = arith.minsi %max3A_183, %min3A_185 : vector<128x512xi32>
    %jit3A_187 = arith.constant 2048 : i32
    %broadcast_in_dim3A_188 = vector.broadcast %jit3A_187 : i32 to vector<128x512xi32>
    %select_n3A_189 = arith.select %ne3A_69, %min3A_186, %broadcast_in_dim3A_188 : vector<128x512xi1>, vector<128x512xi32>
    %add3A_190 = arith.constant 6168 : i32
    %add3A_191 = vector.broadcast %add3A_190 : i32 to vector<128x512xi32>
    %add3A_192 = arith.addi %add3A_191, %select_n3A_189 : vector<128x512xi32>
    %convert_element_type3A_193 = arith.trunci %add3A_192 : vector<128x512xi32> to vector<128x512xi16>
    %swap3A_194 = arith.constant 3 : index
    %swap3A_195 = arith.constant 0 : index
    %swap3A_196 = arith.constant 0 : index
    %swap3A_197 = vector.load %arg4[%swap3A_194, %swap3A_195, %swap3A_196] : memref<8x128x512xi16, #tpu.memory_space<vmem>>, vector<1x128x512xi16>
    %swap3A_198 = vector.shape_cast %swap3A_197 : vector<1x128x512xi16> to vector<128x512xi16>
    %swap3A_199 = vector.shape_cast %convert_element_type3A_193 : vector<128x512xi16> to vector<1x128x512xi16>
    tpu.vector_store %arg4[%swap3A_194, %swap3A_195, %swap3A_196], %swap3A_199 {strides = array<i32>} : memref<8x128x512xi16, #tpu.memory_space<vmem>>, vector<1x128x512xi16>,
    %eq3A_200 = arith.constant 4 : i32
    %eq3A_201 = vector.broadcast %eq3A_200 : i32 to vector<128x512xi32>
    %eq3A_202 = arith.cmpi eq, %get3A_9, %eq3A_201 : vector<128x512xi32>
    %select_n3A_203 = arith.select %eq3A_202, %min3A_186, %select_n3A_168 : vector<128x512xi1>, vector<128x512xi32>
    %mul3A_204 = arith.mulf %exp3A_51, %div3A_67 : vector<128x512xf32>
    %eq3A_205 = arith.constant 5 : i32
    %eq3A_206 = vector.broadcast %eq3A_205 : i32 to vector<128x512xi32>
    %eq3A_207 = arith.cmpi eq, %get3A_9, %eq3A_206 : vector<128x512xi32>
    %sub3A_208 = arith.constant 1.000000e+00 : f32
    %sub3A_209 = vector.broadcast %sub3A_208 : f32 to vector<128x512xf32>
    %sub3A_210 = arith.subf %sub3A_209, %mul3A_204 : vector<128x512xf32>
    %select_n3A_211 = arith.select %eq3A_207, %sub3A_210, %mul3A_204 : vector<128x512xi1>, vector<128x512xf32>
    %mul3A_212 = arith.constant 2.048000e+03 : f32
    %mul3A_213 = vector.broadcast %mul3A_212 : f32 to vector<128x512xf32>
    %mul3A_214 = arith.mulf %select_n3A_211, %mul3A_213 : vector<128x512xf32>
    %convert_element_type3A_215 = arith.fptosi %mul3A_214 : vector<128x512xf32> to vector<128x512xi32>
    %max3A_216 = arith.constant 0 : i32
    %max3A_217 = vector.broadcast %max3A_216 : i32 to vector<128x512xi32>
    %max3A_218 = arith.maxsi %convert_element_type3A_215, %max3A_217 : vector<128x512xi32>
    %min3A_219 = arith.constant 2047 : i32
    %min3A_220 = vector.broadcast %min3A_219 : i32 to vector<128x512xi32>
    %min3A_221 = arith.minsi %max3A_218, %min3A_220 : vector<128x512xi32>
    %jit3A_222 = arith.constant 2048 : i32
    %broadcast_in_dim3A_223 = vector.broadcast %jit3A_222 : i32 to vector<128x512xi32>
    %select_n3A_224 = arith.select %ne3A_69, %min3A_221, %broadcast_in_dim3A_223 : vector<128x512xi1>, vector<128x512xi32>
    %add3A_225 = arith.constant 8224 : i32
    %add3A_226 = vector.broadcast %add3A_225 : i32 to vector<128x512xi32>
    %add3A_227 = arith.addi %add3A_226, %select_n3A_224 : vector<128x512xi32>
    %convert_element_type3A_228 = arith.trunci %add3A_227 : vector<128x512xi32> to vector<128x512xi16>
    %swap3A_229 = arith.constant 4 : index
    %swap3A_230 = arith.constant 0 : index
    %swap3A_231 = arith.constant 0 : index
    %swap3A_232 = vector.load %arg4[%swap3A_229, %swap3A_230, %swap3A_231] : memref<8x128x512xi16, #tpu.memory_space<vmem>>, vector<1x128x512xi16>
    %swap3A_233 = vector.shape_cast %swap3A_232 : vector<1x128x512xi16> to vector<128x512xi16>
    %swap3A_234 = vector.shape_cast %convert_element_type3A_228 : vector<128x512xi16> to vector<1x128x512xi16>
    tpu.vector_store %arg4[%swap3A_229, %swap3A_230, %swap3A_231], %swap3A_234 {strides = array<i32>} : memref<8x128x512xi16, #tpu.memory_space<vmem>>, vector<1x128x512xi16>,
    %eq3A_235 = arith.constant 5 : i32
    %eq3A_236 = vector.broadcast %eq3A_235 : i32 to vector<128x512xi32>
    %eq3A_237 = arith.cmpi eq, %get3A_9, %eq3A_236 : vector<128x512xi32>
    %select_n3A_238 = arith.select %eq3A_237, %min3A_221, %select_n3A_203 : vector<128x512xi1>, vector<128x512xi32>
    %mul3A_239 = arith.mulf %exp3A_55, %div3A_67 : vector<128x512xf32>
    %eq3A_240 = arith.constant 6 : i32
    %eq3A_241 = vector.broadcast %eq3A_240 : i32 to vector<128x512xi32>
    %eq3A_242 = arith.cmpi eq, %get3A_9, %eq3A_241 : vector<128x512xi32>
    %sub3A_243 = arith.constant 1.000000e+00 : f32
    %sub3A_244 = vector.broadcast %sub3A_243 : f32 to vector<128x512xf32>
    %sub3A_245 = arith.subf %sub3A_244, %mul3A_239 : vector<128x512xf32>
    %select_n3A_246 = arith.select %eq3A_242, %sub3A_245, %mul3A_239 : vector<128x512xi1>, vector<128x512xf32>
    %mul3A_247 = arith.constant 2.048000e+03 : f32
    %mul3A_248 = vector.broadcast %mul3A_247 : f32 to vector<128x512xf32>
    %mul3A_249 = arith.mulf %select_n3A_246, %mul3A_248 : vector<128x512xf32>
    %convert_element_type3A_250 = arith.fptosi %mul3A_249 : vector<128x512xf32> to vector<128x512xi32>
    %max3A_251 = arith.constant 0 : i32
    %max3A_252 = vector.broadcast %max3A_251 : i32 to vector<128x512xi32>
    %max3A_253 = arith.maxsi %convert_element_type3A_250, %max3A_252 : vector<128x512xi32>
    %min3A_254 = arith.constant 2047 : i32
    %min3A_255 = vector.broadcast %min3A_254 : i32 to vector<128x512xi32>
    %min3A_256 = arith.minsi %max3A_253, %min3A_255 : vector<128x512xi32>
    %jit3A_257 = arith.constant 2048 : i32
    %broadcast_in_dim3A_258 = vector.broadcast %jit3A_257 : i32 to vector<128x512xi32>
    %select_n3A_259 = arith.select %ne3A_69, %min3A_256, %broadcast_in_dim3A_258 : vector<128x512xi1>, vector<128x512xi32>
    %add3A_260 = arith.constant 10280 : i32
    %add3A_261 = vector.broadcast %add3A_260 : i32 to vector<128x512xi32>
    %add3A_262 = arith.addi %add3A_261, %select_n3A_259 : vector<128x512xi32>
    %convert_element_type3A_263 = arith.trunci %add3A_262 : vector<128x512xi32> to vector<128x512xi16>
    %swap3A_264 = arith.constant 5 : index
    %swap3A_265 = arith.constant 0 : index
    %swap3A_266 = arith.constant 0 : index
    %swap3A_267 = vector.load %arg4[%swap3A_264, %swap3A_265, %swap3A_266] : memref<8x128x512xi16, #tpu.memory_space<vmem>>, vector<1x128x512xi16>
    %swap3A_268 = vector.shape_cast %swap3A_267 : vector<1x128x512xi16> to vector<128x512xi16>
    %swap3A_269 = vector.shape_cast %convert_element_type3A_263 : vector<128x512xi16> to vector<1x128x512xi16>
    tpu.vector_store %arg4[%swap3A_264, %swap3A_265, %swap3A_266], %swap3A_269 {strides = array<i32>} : memref<8x128x512xi16, #tpu.memory_space<vmem>>, vector<1x128x512xi16>,
    %eq3A_270 = arith.constant 6 : i32
    %eq3A_271 = vector.broadcast %eq3A_270 : i32 to vector<128x512xi32>
    %eq3A_272 = arith.cmpi eq, %get3A_9, %eq3A_271 : vector<128x512xi32>
    %select_n3A_273 = arith.select %eq3A_272, %min3A_256, %select_n3A_238 : vector<128x512xi1>, vector<128x512xi32>
    %mul3A_274 = arith.mulf %exp3A_59, %div3A_67 : vector<128x512xf32>
    %eq3A_275 = arith.constant 7 : i32
    %eq3A_276 = vector.broadcast %eq3A_275 : i32 to vector<128x512xi32>
    %eq3A_277 = arith.cmpi eq, %get3A_9, %eq3A_276 : vector<128x512xi32>
    %sub3A_278 = arith.constant 1.000000e+00 : f32
    %sub3A_279 = vector.broadcast %sub3A_278 : f32 to vector<128x512xf32>
    %sub3A_280 = arith.subf %sub3A_279, %mul3A_274 : vector<128x512xf32>
    %select_n3A_281 = arith.select %eq3A_277, %sub3A_280, %mul3A_274 : vector<128x512xi1>, vector<128x512xf32>
    %mul3A_282 = arith.constant 2.048000e+03 : f32
    %mul3A_283 = vector.broadcast %mul3A_282 : f32 to vector<128x512xf32>
    %mul3A_284 = arith.mulf %select_n3A_281, %mul3A_283 : vector<128x512xf32>
    %convert_element_type3A_285 = arith.fptosi %mul3A_284 : vector<128x512xf32> to vector<128x512xi32>
    %max3A_286 = arith.constant 0 : i32
    %max3A_287 = vector.broadcast %max3A_286 : i32 to vector<128x512xi32>
    %max3A_288 = arith.maxsi %convert_element_type3A_285, %max3A_287 : vector<128x512xi32>
    %min3A_289 = arith.constant 2047 : i32
    %min3A_290 = vector.broadcast %min3A_289 : i32 to vector<128x512xi32>
    %min3A_291 = arith.minsi %max3A_288, %min3A_290 : vector<128x512xi32>
    %jit3A_292 = arith.constant 2048 : i32
    %broadcast_in_dim3A_293 = vector.broadcast %jit3A_292 : i32 to vector<128x512xi32>
    %select_n3A_294 = arith.select %ne3A_69, %min3A_291, %broadcast_in_dim3A_293 : vector<128x512xi1>, vector<128x512xi32>
    %add3A_295 = arith.constant 12336 : i32
    %add3A_296 = vector.broadcast %add3A_295 : i32 to vector<128x512xi32>
    %add3A_297 = arith.addi %add3A_296, %select_n3A_294 : vector<128x512xi32>
    %convert_element_type3A_298 = arith.trunci %add3A_297 : vector<128x512xi32> to vector<128x512xi16>
    %swap3A_299 = arith.constant 6 : index
    %swap3A_300 = arith.constant 0 : index
    %swap3A_301 = arith.constant 0 : index
    %swap3A_302 = vector.load %arg4[%swap3A_299, %swap3A_300, %swap3A_301] : memref<8x128x512xi16, #tpu.memory_space<vmem>>, vector<1x128x512xi16>
    %swap3A_303 = vector.shape_cast %swap3A_302 : vector<1x128x512xi16> to vector<128x512xi16>
    %swap3A_304 = vector.shape_cast %convert_element_type3A_298 : vector<128x512xi16> to vector<1x128x512xi16>
    tpu.vector_store %arg4[%swap3A_299, %swap3A_300, %swap3A_301], %swap3A_304 {strides = array<i32>} : memref<8x128x512xi16, #tpu.memory_space<vmem>>, vector<1x128x512xi16>,
    %eq3A_305 = arith.constant 7 : i32
    %eq3A_306 = vector.broadcast %eq3A_305 : i32 to vector<128x512xi32>
    %eq3A_307 = arith.cmpi eq, %get3A_9, %eq3A_306 : vector<128x512xi32>
    %select_n3A_308 = arith.select %eq3A_307, %min3A_291, %select_n3A_273 : vector<128x512xi1>, vector<128x512xi32>
    %add3A_309 = arith.constant 6 : i32
    %add3A_310 = vector.broadcast %add3A_309 : i32 to vector<128x512xi32>
    %add3A_311 = arith.addi %add3A_310, %get3A_9 : vector<128x512xi32>
    %mul3A_312 = arith.constant 2056 : i32
    %mul3A_313 = vector.broadcast %mul3A_312 : i32 to vector<128x512xi32>
    %mul3A_314 = arith.muli %add3A_311, %mul3A_313 : vector<128x512xi32>
    %add3A_315 = arith.addi %mul3A_314, %select_n3A_308 : vector<128x512xi32>
    %jit3A_316 = arith.constant 16440 : i32
    %broadcast_in_dim3A_317 = vector.broadcast %jit3A_316 : i32 to vector<128x512xi32>
    %select_n3A_318 = arith.select %ne3A_69, %add3A_315, %broadcast_in_dim3A_317 : vector<128x512xi1>, vector<128x512xi32>
    %convert_element_type3A_319 = arith.trunci %select_n3A_318 : vector<128x512xi32> to vector<128x512xi16>
    %swap3A_320 = arith.constant 7 : index
    %swap3A_321 = arith.constant 0 : index
    %swap3A_322 = arith.constant 0 : index
    %swap3A_323 = vector.load %arg4[%swap3A_320, %swap3A_321, %swap3A_322] : memref<8x128x512xi16, #tpu.memory_space<vmem>>, vector<1x128x512xi16>
    %swap3A_324 = vector.shape_cast %swap3A_323 : vector<1x128x512xi16> to vector<128x512xi16>
    %swap3A_325 = vector.shape_cast %convert_element_type3A_319 : vector<128x512xi16> to vector<1x128x512xi16>
    tpu.vector_store %arg4[%swap3A_320, %swap3A_321, %swap3A_322], %swap3A_325 {strides = array<i32>} : memref<8x128x512xi16, #tpu.memory_space<vmem>>, vector<1x128x512xi16>,
    return
  }
  func.func @transform_0(%arg0: i32, %arg1: i32) -> (i32, i32, i32, i32) {
    %c0_i32 = arith.constant 0 : i32
    %c0_i32_0 = arith.constant 0 : i32
    %c0_i32_1 = arith.constant 0 : i32
    return %arg0, %c0_i32, %arg1, %c0_i32_0 : i32, i32, i32, i32
  }
  func.func @transform_1(%arg0: i32, %arg1: i32) -> (i32, i32, i32) {
    %c0_i32 = arith.constant 0 : i32
    %c0_i32_0 = arith.constant 0 : i32
    return %arg0, %arg1, %c0_i32 : i32, i32, i32
  }
  func.func @transform_2(%arg0: i32, %arg1: i32) -> (i32, i32, i32) {
    %mul3A = arith.constant 4 : i32
    %mul3A_0 = arith.muli %arg0, %mul3A : i32
    %add3A = arith.addi %mul3A_0, %arg1 : i32
    %c0_i32 = arith.constant 0 : i32
    %c0_i32_1 = arith.constant 0 : i32
    %c0_i32_2 = arith.constant 0 : i32
    return %c0_i32, %add3A, %c0_i32_1 : i32, i32, i32
  }
}

module attributes {stable_mosaic.version = 14 : i64} {
  func.func @_final_kernel(%arg0: memref<32x14x2056xf32, #tpu.memory_space<vmem>>, %arg1: memref<1x1xf32, #tpu.memory_space<vmem>>) attributes {dimension_semantics = [], scalar_prefetch = 0 : i64, scratch_operands = 0 : i64, tpu.core_type = #tpu.core_type<tc>} {
    %get3A = arith.constant 0 : index
    %get3A_0 = arith.constant 0 : index
    %get3A_1 = arith.constant 0 : index
    %get3A_2 = vector.load %arg0[%get3A, %get3A_0, %get3A_1] : memref<32x14x2056xf32, #tpu.memory_space<vmem>>, vector<1x14x2056xf32>
    %get3A_3 = vector.shape_cast %get3A_2 : vector<1x14x2056xf32> to vector<14x2056xf32>
    %get3A_4 = arith.constant 1 : index
    %get3A_5 = arith.constant 0 : index
    %get3A_6 = arith.constant 0 : index
    %get3A_7 = vector.load %arg0[%get3A_4, %get3A_5, %get3A_6] : memref<32x14x2056xf32, #tpu.memory_space<vmem>>, vector<1x14x2056xf32>
    %get3A_8 = vector.shape_cast %get3A_7 : vector<1x14x2056xf32> to vector<14x2056xf32>
    %add3A = arith.addf %get3A_3, %get3A_8 : vector<14x2056xf32>
    %get3A_9 = arith.constant 2 : index
    %get3A_10 = arith.constant 0 : index
    %get3A_11 = arith.constant 0 : index
    %get3A_12 = vector.load %arg0[%get3A_9, %get3A_10, %get3A_11] : memref<32x14x2056xf32, #tpu.memory_space<vmem>>, vector<1x14x2056xf32>
    %get3A_13 = vector.shape_cast %get3A_12 : vector<1x14x2056xf32> to vector<14x2056xf32>
    %add3A_14 = arith.addf %add3A, %get3A_13 : vector<14x2056xf32>
    %get3A_15 = arith.constant 3 : index
    %get3A_16 = arith.constant 0 : index
    %get3A_17 = arith.constant 0 : index
    %get3A_18 = vector.load %arg0[%get3A_15, %get3A_16, %get3A_17] : memref<32x14x2056xf32, #tpu.memory_space<vmem>>, vector<1x14x2056xf32>
    %get3A_19 = vector.shape_cast %get3A_18 : vector<1x14x2056xf32> to vector<14x2056xf32>
    %add3A_20 = arith.addf %add3A_14, %get3A_19 : vector<14x2056xf32>
    %get3A_21 = arith.constant 4 : index
    %get3A_22 = arith.constant 0 : index
    %get3A_23 = arith.constant 0 : index
    %get3A_24 = vector.load %arg0[%get3A_21, %get3A_22, %get3A_23] : memref<32x14x2056xf32, #tpu.memory_space<vmem>>, vector<1x14x2056xf32>
    %get3A_25 = vector.shape_cast %get3A_24 : vector<1x14x2056xf32> to vector<14x2056xf32>
    %add3A_26 = arith.addf %add3A_20, %get3A_25 : vector<14x2056xf32>
    %get3A_27 = arith.constant 5 : index
    %get3A_28 = arith.constant 0 : index
    %get3A_29 = arith.constant 0 : index
    %get3A_30 = vector.load %arg0[%get3A_27, %get3A_28, %get3A_29] : memref<32x14x2056xf32, #tpu.memory_space<vmem>>, vector<1x14x2056xf32>
    %get3A_31 = vector.shape_cast %get3A_30 : vector<1x14x2056xf32> to vector<14x2056xf32>
    %add3A_32 = arith.addf %add3A_26, %get3A_31 : vector<14x2056xf32>
    %get3A_33 = arith.constant 6 : index
    %get3A_34 = arith.constant 0 : index
    %get3A_35 = arith.constant 0 : index
    %get3A_36 = vector.load %arg0[%get3A_33, %get3A_34, %get3A_35] : memref<32x14x2056xf32, #tpu.memory_space<vmem>>, vector<1x14x2056xf32>
    %get3A_37 = vector.shape_cast %get3A_36 : vector<1x14x2056xf32> to vector<14x2056xf32>
    %add3A_38 = arith.addf %add3A_32, %get3A_37 : vector<14x2056xf32>
    %get3A_39 = arith.constant 7 : index
    %get3A_40 = arith.constant 0 : index
    %get3A_41 = arith.constant 0 : index
    %get3A_42 = vector.load %arg0[%get3A_39, %get3A_40, %get3A_41] : memref<32x14x2056xf32, #tpu.memory_space<vmem>>, vector<1x14x2056xf32>
    %get3A_43 = vector.shape_cast %get3A_42 : vector<1x14x2056xf32> to vector<14x2056xf32>
    %add3A_44 = arith.addf %add3A_38, %get3A_43 : vector<14x2056xf32>
    %get3A_45 = arith.constant 8 : index
    %get3A_46 = arith.constant 0 : index
    %get3A_47 = arith.constant 0 : index
    %get3A_48 = vector.load %arg0[%get3A_45, %get3A_46, %get3A_47] : memref<32x14x2056xf32, #tpu.memory_space<vmem>>, vector<1x14x2056xf32>
    %get3A_49 = vector.shape_cast %get3A_48 : vector<1x14x2056xf32> to vector<14x2056xf32>
    %add3A_50 = arith.addf %add3A_44, %get3A_49 : vector<14x2056xf32>
    %get3A_51 = arith.constant 9 : index
    %get3A_52 = arith.constant 0 : index
    %get3A_53 = arith.constant 0 : index
    %get3A_54 = vector.load %arg0[%get3A_51, %get3A_52, %get3A_53] : memref<32x14x2056xf32, #tpu.memory_space<vmem>>, vector<1x14x2056xf32>
    %get3A_55 = vector.shape_cast %get3A_54 : vector<1x14x2056xf32> to vector<14x2056xf32>
    %add3A_56 = arith.addf %add3A_50, %get3A_55 : vector<14x2056xf32>
    %get3A_57 = arith.constant 10 : index
    %get3A_58 = arith.constant 0 : index
    %get3A_59 = arith.constant 0 : index
    %get3A_60 = vector.load %arg0[%get3A_57, %get3A_58, %get3A_59] : memref<32x14x2056xf32, #tpu.memory_space<vmem>>, vector<1x14x2056xf32>
    %get3A_61 = vector.shape_cast %get3A_60 : vector<1x14x2056xf32> to vector<14x2056xf32>
    %add3A_62 = arith.addf %add3A_56, %get3A_61 : vector<14x2056xf32>
    %get3A_63 = arith.constant 11 : index
    %get3A_64 = arith.constant 0 : index
    %get3A_65 = arith.constant 0 : index
    %get3A_66 = vector.load %arg0[%get3A_63, %get3A_64, %get3A_65] : memref<32x14x2056xf32, #tpu.memory_space<vmem>>, vector<1x14x2056xf32>
    %get3A_67 = vector.shape_cast %get3A_66 : vector<1x14x2056xf32> to vector<14x2056xf32>
    %add3A_68 = arith.addf %add3A_62, %get3A_67 : vector<14x2056xf32>
    %get3A_69 = arith.constant 12 : index
    %get3A_70 = arith.constant 0 : index
    %get3A_71 = arith.constant 0 : index
    %get3A_72 = vector.load %arg0[%get3A_69, %get3A_70, %get3A_71] : memref<32x14x2056xf32, #tpu.memory_space<vmem>>, vector<1x14x2056xf32>
    %get3A_73 = vector.shape_cast %get3A_72 : vector<1x14x2056xf32> to vector<14x2056xf32>
    %add3A_74 = arith.addf %add3A_68, %get3A_73 : vector<14x2056xf32>
    %get3A_75 = arith.constant 13 : index
    %get3A_76 = arith.constant 0 : index
    %get3A_77 = arith.constant 0 : index
    %get3A_78 = vector.load %arg0[%get3A_75, %get3A_76, %get3A_77] : memref<32x14x2056xf32, #tpu.memory_space<vmem>>, vector<1x14x2056xf32>
    %get3A_79 = vector.shape_cast %get3A_78 : vector<1x14x2056xf32> to vector<14x2056xf32>
    %add3A_80 = arith.addf %add3A_74, %get3A_79 : vector<14x2056xf32>
    %get3A_81 = arith.constant 14 : index
    %get3A_82 = arith.constant 0 : index
    %get3A_83 = arith.constant 0 : index
    %get3A_84 = vector.load %arg0[%get3A_81, %get3A_82, %get3A_83] : memref<32x14x2056xf32, #tpu.memory_space<vmem>>, vector<1x14x2056xf32>
    %get3A_85 = vector.shape_cast %get3A_84 : vector<1x14x2056xf32> to vector<14x2056xf32>
    %add3A_86 = arith.addf %add3A_80, %get3A_85 : vector<14x2056xf32>
    %get3A_87 = arith.constant 15 : index
    %get3A_88 = arith.constant 0 : index
    %get3A_89 = arith.constant 0 : index
    %get3A_90 = vector.load %arg0[%get3A_87, %get3A_88, %get3A_89] : memref<32x14x2056xf32, #tpu.memory_space<vmem>>, vector<1x14x2056xf32>
    %get3A_91 = vector.shape_cast %get3A_90 : vector<1x14x2056xf32> to vector<14x2056xf32>
    %add3A_92 = arith.addf %add3A_86, %get3A_91 : vector<14x2056xf32>
    %get3A_93 = arith.constant 16 : index
    %get3A_94 = arith.constant 0 : index
    %get3A_95 = arith.constant 0 : index
    %get3A_96 = vector.load %arg0[%get3A_93, %get3A_94, %get3A_95] : memref<32x14x2056xf32, #tpu.memory_space<vmem>>, vector<1x14x2056xf32>
    %get3A_97 = vector.shape_cast %get3A_96 : vector<1x14x2056xf32> to vector<14x2056xf32>
    %add3A_98 = arith.addf %add3A_92, %get3A_97 : vector<14x2056xf32>
    %get3A_99 = arith.constant 17 : index
    %get3A_100 = arith.constant 0 : index
    %get3A_101 = arith.constant 0 : index
    %get3A_102 = vector.load %arg0[%get3A_99, %get3A_100, %get3A_101] : memref<32x14x2056xf32, #tpu.memory_space<vmem>>, vector<1x14x2056xf32>
    %get3A_103 = vector.shape_cast %get3A_102 : vector<1x14x2056xf32> to vector<14x2056xf32>
    %add3A_104 = arith.addf %add3A_98, %get3A_103 : vector<14x2056xf32>
    %get3A_105 = arith.constant 18 : index
    %get3A_106 = arith.constant 0 : index
    %get3A_107 = arith.constant 0 : index
    %get3A_108 = vector.load %arg0[%get3A_105, %get3A_106, %get3A_107] : memref<32x14x2056xf32, #tpu.memory_space<vmem>>, vector<1x14x2056xf32>
    %get3A_109 = vector.shape_cast %get3A_108 : vector<1x14x2056xf32> to vector<14x2056xf32>
    %add3A_110 = arith.addf %add3A_104, %get3A_109 : vector<14x2056xf32>
    %get3A_111 = arith.constant 19 : index
    %get3A_112 = arith.constant 0 : index
    %get3A_113 = arith.constant 0 : index
    %get3A_114 = vector.load %arg0[%get3A_111, %get3A_112, %get3A_113] : memref<32x14x2056xf32, #tpu.memory_space<vmem>>, vector<1x14x2056xf32>
    %get3A_115 = vector.shape_cast %get3A_114 : vector<1x14x2056xf32> to vector<14x2056xf32>
    %add3A_116 = arith.addf %add3A_110, %get3A_115 : vector<14x2056xf32>
    %get3A_117 = arith.constant 20 : index
    %get3A_118 = arith.constant 0 : index
    %get3A_119 = arith.constant 0 : index
    %get3A_120 = vector.load %arg0[%get3A_117, %get3A_118, %get3A_119] : memref<32x14x2056xf32, #tpu.memory_space<vmem>>, vector<1x14x2056xf32>
    %get3A_121 = vector.shape_cast %get3A_120 : vector<1x14x2056xf32> to vector<14x2056xf32>
    %add3A_122 = arith.addf %add3A_116, %get3A_121 : vector<14x2056xf32>
    %get3A_123 = arith.constant 21 : index
    %get3A_124 = arith.constant 0 : index
    %get3A_125 = arith.constant 0 : index
    %get3A_126 = vector.load %arg0[%get3A_123, %get3A_124, %get3A_125] : memref<32x14x2056xf32, #tpu.memory_space<vmem>>, vector<1x14x2056xf32>
    %get3A_127 = vector.shape_cast %get3A_126 : vector<1x14x2056xf32> to vector<14x2056xf32>
    %add3A_128 = arith.addf %add3A_122, %get3A_127 : vector<14x2056xf32>
    %get3A_129 = arith.constant 22 : index
    %get3A_130 = arith.constant 0 : index
    %get3A_131 = arith.constant 0 : index
    %get3A_132 = vector.load %arg0[%get3A_129, %get3A_130, %get3A_131] : memref<32x14x2056xf32, #tpu.memory_space<vmem>>, vector<1x14x2056xf32>
    %get3A_133 = vector.shape_cast %get3A_132 : vector<1x14x2056xf32> to vector<14x2056xf32>
    %add3A_134 = arith.addf %add3A_128, %get3A_133 : vector<14x2056xf32>
    %get3A_135 = arith.constant 23 : index
    %get3A_136 = arith.constant 0 : index
    %get3A_137 = arith.constant 0 : index
    %get3A_138 = vector.load %arg0[%get3A_135, %get3A_136, %get3A_137] : memref<32x14x2056xf32, #tpu.memory_space<vmem>>, vector<1x14x2056xf32>
    %get3A_139 = vector.shape_cast %get3A_138 : vector<1x14x2056xf32> to vector<14x2056xf32>
    %add3A_140 = arith.addf %add3A_134, %get3A_139 : vector<14x2056xf32>
    %get3A_141 = arith.constant 24 : index
    %get3A_142 = arith.constant 0 : index
    %get3A_143 = arith.constant 0 : index
    %get3A_144 = vector.load %arg0[%get3A_141, %get3A_142, %get3A_143] : memref<32x14x2056xf32, #tpu.memory_space<vmem>>, vector<1x14x2056xf32>
    %get3A_145 = vector.shape_cast %get3A_144 : vector<1x14x2056xf32> to vector<14x2056xf32>
    %add3A_146 = arith.addf %add3A_140, %get3A_145 : vector<14x2056xf32>
    %get3A_147 = arith.constant 25 : index
    %get3A_148 = arith.constant 0 : index
    %get3A_149 = arith.constant 0 : index
    %get3A_150 = vector.load %arg0[%get3A_147, %get3A_148, %get3A_149] : memref<32x14x2056xf32, #tpu.memory_space<vmem>>, vector<1x14x2056xf32>
    %get3A_151 = vector.shape_cast %get3A_150 : vector<1x14x2056xf32> to vector<14x2056xf32>
    %add3A_152 = arith.addf %add3A_146, %get3A_151 : vector<14x2056xf32>
    %get3A_153 = arith.constant 26 : index
    %get3A_154 = arith.constant 0 : index
    %get3A_155 = arith.constant 0 : index
    %get3A_156 = vector.load %arg0[%get3A_153, %get3A_154, %get3A_155] : memref<32x14x2056xf32, #tpu.memory_space<vmem>>, vector<1x14x2056xf32>
    %get3A_157 = vector.shape_cast %get3A_156 : vector<1x14x2056xf32> to vector<14x2056xf32>
    %add3A_158 = arith.addf %add3A_152, %get3A_157 : vector<14x2056xf32>
    %get3A_159 = arith.constant 27 : index
    %get3A_160 = arith.constant 0 : index
    %get3A_161 = arith.constant 0 : index
    %get3A_162 = vector.load %arg0[%get3A_159, %get3A_160, %get3A_161] : memref<32x14x2056xf32, #tpu.memory_space<vmem>>, vector<1x14x2056xf32>
    %get3A_163 = vector.shape_cast %get3A_162 : vector<1x14x2056xf32> to vector<14x2056xf32>
    %add3A_164 = arith.addf %add3A_158, %get3A_163 : vector<14x2056xf32>
    %get3A_165 = arith.constant 28 : index
    %get3A_166 = arith.constant 0 : index
    %get3A_167 = arith.constant 0 : index
    %get3A_168 = vector.load %arg0[%get3A_165, %get3A_166, %get3A_167] : memref<32x14x2056xf32, #tpu.memory_space<vmem>>, vector<1x14x2056xf32>
    %get3A_169 = vector.shape_cast %get3A_168 : vector<1x14x2056xf32> to vector<14x2056xf32>
    %add3A_170 = arith.addf %add3A_164, %get3A_169 : vector<14x2056xf32>
    %get3A_171 = arith.constant 29 : index
    %get3A_172 = arith.constant 0 : index
    %get3A_173 = arith.constant 0 : index
    %get3A_174 = vector.load %arg0[%get3A_171, %get3A_172, %get3A_173] : memref<32x14x2056xf32, #tpu.memory_space<vmem>>, vector<1x14x2056xf32>
    %get3A_175 = vector.shape_cast %get3A_174 : vector<1x14x2056xf32> to vector<14x2056xf32>
    %add3A_176 = arith.addf %add3A_170, %get3A_175 : vector<14x2056xf32>
    %get3A_177 = arith.constant 30 : index
    %get3A_178 = arith.constant 0 : index
    %get3A_179 = arith.constant 0 : index
    %get3A_180 = vector.load %arg0[%get3A_177, %get3A_178, %get3A_179] : memref<32x14x2056xf32, #tpu.memory_space<vmem>>, vector<1x14x2056xf32>
    %get3A_181 = vector.shape_cast %get3A_180 : vector<1x14x2056xf32> to vector<14x2056xf32>
    %add3A_182 = arith.addf %add3A_176, %get3A_181 : vector<14x2056xf32>
    %get3A_183 = arith.constant 31 : index
    %get3A_184 = arith.constant 0 : index
    %get3A_185 = arith.constant 0 : index
    %get3A_186 = vector.load %arg0[%get3A_183, %get3A_184, %get3A_185] : memref<32x14x2056xf32, #tpu.memory_space<vmem>>, vector<1x14x2056xf32>
    %get3A_187 = vector.shape_cast %get3A_186 : vector<1x14x2056xf32> to vector<14x2056xf32>
    %add3A_188 = arith.addf %add3A_182, %get3A_187 : vector<14x2056xf32>
    %slice3A = vector.extract_strided_slice %add3A_188 {offsets = [0, 0], sizes = [7, 2048], strides = [1, 1]} : vector<14x2056xf32> to vector<7x2048xf32>
    %slice3A_189 = vector.extract_strided_slice %add3A_188 {offsets = [7, 0], sizes = [7, 2048], strides = [1, 1]} : vector<14x2056xf32> to vector<7x2048xf32>
    %concatenate3A = tpu.concatenate %slice3A, %slice3A_189 in 0 : vector<7x2048xf32>, vector<7x2048xf32> -> vector<14x2048xf32>
    %slice3A_190 = vector.extract_strided_slice %concatenate3A {offsets = [0, 1], sizes = [14, 2047], strides = [1, 1]} : vector<14x2048xf32> to vector<14x2047xf32>
    %broadcast_in_dim3A = arith.constant 0.000000e+00 : f32
    %broadcast_in_dim3A_191 = vector.broadcast %broadcast_in_dim3A : f32 to vector<14x1xf32>
    %concatenate3A_192 = tpu.concatenate %slice3A_190, %broadcast_in_dim3A_191 in 1 : vector<14x2047xf32>, vector<14x1xf32> -> vector<14x2048xf32>
    %add3A_193 = arith.addf %concatenate3A, %concatenate3A_192 : vector<14x2048xf32>
    %slice3A_194 = vector.extract_strided_slice %add3A_193 {offsets = [0, 2], sizes = [14, 2046], strides = [1, 1]} : vector<14x2048xf32> to vector<14x2046xf32>
    %broadcast_in_dim3A_195 = arith.constant 0.000000e+00 : f32
    %broadcast_in_dim3A_196 = vector.broadcast %broadcast_in_dim3A_195 : f32 to vector<14x2xf32>
    %concatenate3A_197 = tpu.concatenate %slice3A_194, %broadcast_in_dim3A_196 in 1 : vector<14x2046xf32>, vector<14x2xf32> -> vector<14x2048xf32>
    %add3A_198 = arith.addf %add3A_193, %concatenate3A_197 : vector<14x2048xf32>
    %slice3A_199 = vector.extract_strided_slice %add3A_198 {offsets = [0, 4], sizes = [14, 2044], strides = [1, 1]} : vector<14x2048xf32> to vector<14x2044xf32>
    %broadcast_in_dim3A_200 = arith.constant 0.000000e+00 : f32
    %broadcast_in_dim3A_201 = vector.broadcast %broadcast_in_dim3A_200 : f32 to vector<14x4xf32>
    %concatenate3A_202 = tpu.concatenate %slice3A_199, %broadcast_in_dim3A_201 in 1 : vector<14x2044xf32>, vector<14x4xf32> -> vector<14x2048xf32>
    %add3A_203 = arith.addf %add3A_198, %concatenate3A_202 : vector<14x2048xf32>
    %slice3A_204 = vector.extract_strided_slice %add3A_203 {offsets = [0, 8], sizes = [14, 2040], strides = [1, 1]} : vector<14x2048xf32> to vector<14x2040xf32>
    %broadcast_in_dim3A_205 = arith.constant 0.000000e+00 : f32
    %broadcast_in_dim3A_206 = vector.broadcast %broadcast_in_dim3A_205 : f32 to vector<14x8xf32>
    %concatenate3A_207 = tpu.concatenate %slice3A_204, %broadcast_in_dim3A_206 in 1 : vector<14x2040xf32>, vector<14x8xf32> -> vector<14x2048xf32>
    %add3A_208 = arith.addf %add3A_203, %concatenate3A_207 : vector<14x2048xf32>
    %slice3A_209 = vector.extract_strided_slice %add3A_208 {offsets = [0, 16], sizes = [14, 2032], strides = [1, 1]} : vector<14x2048xf32> to vector<14x2032xf32>
    %broadcast_in_dim3A_210 = arith.constant 0.000000e+00 : f32
    %broadcast_in_dim3A_211 = vector.broadcast %broadcast_in_dim3A_210 : f32 to vector<14x16xf32>
    %concatenate3A_212 = tpu.concatenate %slice3A_209, %broadcast_in_dim3A_211 in 1 : vector<14x2032xf32>, vector<14x16xf32> -> vector<14x2048xf32>
    %add3A_213 = arith.addf %add3A_208, %concatenate3A_212 : vector<14x2048xf32>
    %slice3A_214 = vector.extract_strided_slice %add3A_213 {offsets = [0, 32], sizes = [14, 2016], strides = [1, 1]} : vector<14x2048xf32> to vector<14x2016xf32>
    %broadcast_in_dim3A_215 = arith.constant 0.000000e+00 : f32
    %broadcast_in_dim3A_216 = vector.broadcast %broadcast_in_dim3A_215 : f32 to vector<14x32xf32>
    %concatenate3A_217 = tpu.concatenate %slice3A_214, %broadcast_in_dim3A_216 in 1 : vector<14x2016xf32>, vector<14x32xf32> -> vector<14x2048xf32>
    %add3A_218 = arith.addf %add3A_213, %concatenate3A_217 : vector<14x2048xf32>
    %slice3A_219 = vector.extract_strided_slice %add3A_218 {offsets = [0, 64], sizes = [14, 1984], strides = [1, 1]} : vector<14x2048xf32> to vector<14x1984xf32>
    %broadcast_in_dim3A_220 = arith.constant 0.000000e+00 : f32
    %broadcast_in_dim3A_221 = vector.broadcast %broadcast_in_dim3A_220 : f32 to vector<14x64xf32>
    %concatenate3A_222 = tpu.concatenate %slice3A_219, %broadcast_in_dim3A_221 in 1 : vector<14x1984xf32>, vector<14x64xf32> -> vector<14x2048xf32>
    %add3A_223 = arith.addf %add3A_218, %concatenate3A_222 : vector<14x2048xf32>
    %slice3A_224 = vector.extract_strided_slice %add3A_223 {offsets = [0, 128], sizes = [14, 1920], strides = [1, 1]} : vector<14x2048xf32> to vector<14x1920xf32>
    %broadcast_in_dim3A_225 = arith.constant 0.000000e+00 : f32
    %broadcast_in_dim3A_226 = vector.broadcast %broadcast_in_dim3A_225 : f32 to vector<14x128xf32>
    %concatenate3A_227 = tpu.concatenate %slice3A_224, %broadcast_in_dim3A_226 in 1 : vector<14x1920xf32>, vector<14x128xf32> -> vector<14x2048xf32>
    %add3A_228 = arith.addf %add3A_223, %concatenate3A_227 : vector<14x2048xf32>
    %slice3A_229 = vector.extract_strided_slice %add3A_228 {offsets = [0, 256], sizes = [14, 1792], strides = [1, 1]} : vector<14x2048xf32> to vector<14x1792xf32>
    %broadcast_in_dim3A_230 = arith.constant 0.000000e+00 : f32
    %broadcast_in_dim3A_231 = vector.broadcast %broadcast_in_dim3A_230 : f32 to vector<14x256xf32>
    %concatenate3A_232 = tpu.concatenate %slice3A_229, %broadcast_in_dim3A_231 in 1 : vector<14x1792xf32>, vector<14x256xf32> -> vector<14x2048xf32>
    %add3A_233 = arith.addf %add3A_228, %concatenate3A_232 : vector<14x2048xf32>
    %slice3A_234 = vector.extract_strided_slice %add3A_233 {offsets = [0, 512], sizes = [14, 1536], strides = [1, 1]} : vector<14x2048xf32> to vector<14x1536xf32>
    %broadcast_in_dim3A_235 = arith.constant 0.000000e+00 : f32
    %broadcast_in_dim3A_236 = vector.broadcast %broadcast_in_dim3A_235 : f32 to vector<14x512xf32>
    %concatenate3A_237 = tpu.concatenate %slice3A_234, %broadcast_in_dim3A_236 in 1 : vector<14x1536xf32>, vector<14x512xf32> -> vector<14x2048xf32>
    %add3A_238 = arith.addf %add3A_233, %concatenate3A_237 : vector<14x2048xf32>
    %slice3A_239 = vector.extract_strided_slice %add3A_238 {offsets = [0, 1024], sizes = [14, 1024], strides = [1, 1]} : vector<14x2048xf32> to vector<14x1024xf32>
    %broadcast_in_dim3A_240 = arith.constant 0.000000e+00 : f32
    %broadcast_in_dim3A_241 = vector.broadcast %broadcast_in_dim3A_240 : f32 to vector<14x1024xf32>
    %concatenate3A_242 = tpu.concatenate %slice3A_239, %broadcast_in_dim3A_241 in 1 : vector<14x1024xf32>, vector<14x1024xf32> -> vector<14x2048xf32>
    %add3A_243 = arith.addf %add3A_238, %concatenate3A_242 : vector<14x2048xf32>
    %slice3A_244 = vector.extract_strided_slice %add3A_243 {offsets = [0, 0], sizes = [7, 2048], strides = [1, 1]} : vector<14x2048xf32> to vector<7x2048xf32>
    %slice3A_245 = vector.extract_strided_slice %add3A_243 {offsets = [7, 0], sizes = [7, 2048], strides = [1, 1]} : vector<14x2048xf32> to vector<7x2048xf32>
    %slice3A_246 = vector.extract_strided_slice %slice3A_245 {offsets = [0, 0], sizes = [7, 1], strides = [1, 1]} : vector<7x2048xf32> to vector<7x1xf32>
    %sub3A = arith.subf %slice3A_244, %slice3A : vector<7x2048xf32>
    %sub3A_247 = arith.subf %slice3A_245, %slice3A_189 : vector<7x2048xf32>
    %add3A_248 = vector.broadcast %slice3A_246 : vector<7x1xf32> to vector<7x2048xf32>
    %add3A_249 = arith.addf %add3A_248, %sub3A : vector<7x2048xf32>
    %sub3A_250 = arith.subf %add3A_249, %sub3A_247 : vector<7x2048xf32>
    %max3A = arith.constant 1.000000e+00 : f32
    %max3A_251 = vector.broadcast %max3A : f32 to vector<7x2048xf32>
    %max3A_252 = arith.maximumf %sub3A_250, %max3A_251 : vector<7x2048xf32>
    %add3A_253 = vector.broadcast %slice3A_246 : vector<7x1xf32> to vector<7x2048xf32>
    %add3A_254 = arith.addf %add3A_253, %slice3A_244 : vector<7x2048xf32>
    %sub3A_255 = arith.subf %add3A_254, %slice3A_245 : vector<7x2048xf32>
    %max3A_256 = arith.constant 1.000000e+00 : f32
    %max3A_257 = vector.broadcast %max3A_256 : f32 to vector<7x2048xf32>
    %max3A_258 = arith.maximumf %sub3A_255, %max3A_257 : vector<7x2048xf32>
    %sub3A_259 = vector.broadcast %slice3A_246 : vector<7x1xf32> to vector<7x2048xf32>
    %sub3A_260 = arith.subf %sub3A_259, %sub3A_247 : vector<7x2048xf32>
    %div3A = arith.divf %sub3A_260, %max3A_252 : vector<7x2048xf32>
    %sub3A_261 = vector.broadcast %slice3A_246 : vector<7x1xf32> to vector<7x2048xf32>
    %sub3A_262 = arith.subf %sub3A_261, %slice3A_245 : vector<7x2048xf32>
    %div3A_263 = arith.divf %sub3A_262, %max3A_258 : vector<7x2048xf32>
    %sub3A_264 = arith.subf %div3A, %div3A_263 : vector<7x2048xf32>
    %iota3A = tpu.iota {dimensions = array<i32: 1>} : vector<7x2048xi32>
    %convert_element_type3A = arith.sitofp %iota3A : vector<7x2048xi32> to vector<7x2048xf32>
    %add3A_265 = arith.constant 5.000000e-01 : f32
    %add3A_266 = vector.broadcast %add3A_265 : f32 to vector<7x2048xf32>
    %add3A_267 = arith.addf %convert_element_type3A, %add3A_266 : vector<7x2048xf32>
    %div3A_268 = arith.constant 2.048000e+03 : f32
    %div3A_269 = vector.broadcast %div3A_268 : f32 to vector<7x2048xf32>
    %div3A_270 = arith.divf %add3A_267, %div3A_269 : vector<7x2048xf32>
    %mul3A = arith.mulf %sub3A_264, %div3A_270 : vector<7x2048xf32>
    %reduce_sum3A = arith.constant dense<0.000000e+00> : vector<7xf32>
    %reduce_sum3A_271 = vector.multi_reduction <add>, %mul3A, %reduce_sum3A [1] : vector<7x2048xf32> to vector<7xf32>
    %broadcast_in_dim3A_272 = vector.shape_cast %reduce_sum3A_271 : vector<7xf32> to vector<7x1xf32>
    %gt3A = arith.constant 0.000000e+00 : f32
    %gt3A_273 = vector.broadcast %gt3A : f32 to vector<7x1xf32>
    %gt3A_274 = arith.cmpf ogt, %slice3A_246, %gt3A_273 : vector<7x1xf32>
    %convert_element_type3A_275 = arith.extui %gt3A_274 : vector<7x1xi1> to vector<7x1xi32>
    %convert_element_type3A_276 = arith.sitofp %convert_element_type3A_275 : vector<7x1xi32> to vector<7x1xf32>
    %mul3A_277 = arith.mulf %broadcast_in_dim3A_272, %convert_element_type3A_276 : vector<7x1xf32>
    %reduce_sum3A_278 = vector.shape_cast %mul3A_277 : vector<7x1xf32> to vector<1x7x1xf32>
    %reduce_sum3A_279 = arith.constant dense<0.000000e+00> : vector<1xf32>
    %reduce_sum3A_280 = vector.multi_reduction <add>, %reduce_sum3A_278, %reduce_sum3A_279 [1, 2] : vector<1x7x1xf32> to vector<1xf32>
    %reduce_sum3A_281 = vector.shape_cast %reduce_sum3A_280 : vector<1xf32> to vector<1x1x1xf32>
    %reduce_sum3A_282 = vector.extract %reduce_sum3A_281[0, 0, 0] : f32 from vector<1x1x1xf32>
    %reduce_sum3A_283 = vector.shape_cast %convert_element_type3A_276 : vector<7x1xf32> to vector<1x7x1xf32>
    %reduce_sum3A_284 = arith.constant dense<0.000000e+00> : vector<1xf32>
    %reduce_sum3A_285 = vector.multi_reduction <add>, %reduce_sum3A_283, %reduce_sum3A_284 [1, 2] : vector<1x7x1xf32> to vector<1xf32>
    %reduce_sum3A_286 = vector.shape_cast %reduce_sum3A_285 : vector<1xf32> to vector<1x1x1xf32>
    %reduce_sum3A_287 = vector.extract %reduce_sum3A_286[0, 0, 0] : f32 from vector<1x1x1xf32>
    %gt3A_288 = arith.constant 0.000000e+00 : f32
    %gt3A_289 = arith.cmpf ogt, %reduce_sum3A_287, %gt3A_288 : f32
    %max3A_290 = arith.constant 1.000000e+00 : f32
    %max3A_291 = arith.maximumf %reduce_sum3A_287, %max3A_290 : f32
    %div3A_292 = arith.divf %reduce_sum3A_282, %max3A_291 : f32
    %jit3A = arith.constant 0.000000e+00 : f32
    %select_n3A = arith.select %gt3A_289, %div3A_292, %jit3A : f32
    %reshape3A = vector.broadcast %select_n3A : f32 to vector<1x1xf32>
    %swap3A = arith.constant 0 : index
    %swap3A_293 = arith.constant 0 : index
    %swap3A_294 = vector.load %arg1[%swap3A, %swap3A_293] : memref<1x1xf32, #tpu.memory_space<vmem>>, vector<1x1xf32>
    tpu.vector_store %arg1[%swap3A, %swap3A_293], %reshape3A {strides = array<i32>} : memref<1x1xf32, #tpu.memory_space<vmem>>, vector<1x1xf32>,
    return
  }
}

</mosaic_0001>

<sc_bundles>
// kernel: kernel.5.cloned.1.call-start
scs
__scs_entry_jumppad:
0x0: {  	(pc) =	sbr.rel $0x88, $3  }
0x1: {  	(tag) =	ssettag $0x0;
	lr =	simm.s32 $0x1  }
0x2: {  	[smem:$0x3F9F] =	sst lr;
	_ =	strace $0xD0000000  }
0x3: {  	_ = 	snop  }
0x4: {  	_ = 	snop  }
0x5: {  	_ = 	snop  }
0x6: {  	_ = 	snop  }
0x7: {  	_ = 	snop  }
__scs_overlays_trampoline_lowered:
0x8: {  	[smem:$0x3FAE] =	sst s0  }
0x9: {  	[smem:$0x3FAF] =	sst s1  }
0xa: {  	[smem:$0x3FB0] =	sst s2  }
0xb: {  	[smem:$0x3FB1] =	sst s3  }
0xc: {  	[smem:$0x3FB2] =	sst s4  }
0xd: {  	[smem:$0x3FB3] =	sst s5  }
0xe: {  	[smem:$0x3FB4] =	sst s6  }
0xf: {  	[smem:$0x3FB5] =	sst s7  }
0x10: {  	[smem:$0x3FB6] =	sst s8  }
0x11: {  	[smem:$0x3FB7] =	sst s9;
	s0 =	simm.s32 @!p0 $0x0  }
0x12: {  	s1 =	sld [smem:$0x3F9D];
	s0 =	simm.s32 @p0 $0x1  }
0x13: {  	[smem:$0x3FB8] =	sst s0;
	s0 =	simm.s32 @!p1 $0x0  }
0x14: {  	s2 =	sld [smem:$0x3F9C];
	s0 =	simm.s32 @p1 $0x1  }
0x15: {  	[smem:$0x3FB9] =	sst s0;
	s0 =	simm.s32 @!p2 $0x0  }
0x16: {  	s3 =	sld [smem:$0x3FDB];
	s0 =	simm.s32 @p2 $0x1  }
0x17: {  	s4 =	simm.s32 $0x1BF5;
	[smem:$0x3FBB] =	sst s0  }
0x18: {  	s0 =	sld [smem:$0x3F9E];
	_ =	swait.ge [sflag:s4], $0x0  }
0x19: {  	s7 =	sld [smem:$0x3F9F]  }
0x1a: {  	s8 =	sadd.s32 $0xFFFFE003, lr  }
0x1b: {  	s9 =	sadd.s32 $0xFFFFFEF7, lr;
	s5 =	simm.s32 $0xFFFFFFFF;
	p2 =	slt.u32 s8, $0xFFFFF086  }
0x1c: {  	p1 =	slt.u32 s9, $0xF7A;
	s5 =	simm.s32 @!p2 $0x0  }
0x1d: {  	s5 =	simm.s32 @p1 $0x1;
	p0 =	seq.s32 s7, s2  }
0x1e: {  	s7 =	smul.u32 @!p0 $0xF7A, s2;
	p2 =	seq.s32 @!p0 s5, $0x0  }
0x1f: {  	s9 =	smul.u32 $0xF7A, s1;
	s8 =	simm.s32 @!p0 $0x1BF5;
	p2 =	por !p2, p0  }
0x20: {  	[sflag:s8] =	ssyncset.s32 @!p0 $0xFFFFF086;
	s6 =	sadd.s32 @!p0 s3, s7;
	s7 =	simm.s32 @!p0 $0x108  }
0x21: {  	s3 =	sadd.s32 s3, s9;
	s6 =	sadd.s32 @!p0 $0x88, s6;
	s7 =	simm.s32 @p2 $0x1082  }
0x22: {  	[simem:s7], [sflag:s8] =	dma.local @!p0 [hbm:s6], $0xF7A  }
0x23: {  	s9 =	sor.u32 $0xD0000000, s2;
	s6 =	simm.s32 $0x108;
	_ =	swait.ge @!p0 [sflag:s8], $0x0  }
0x24: {  	s3 =	sadd.s32 $0x88, s3;
	s6 =	simm.s32 @!p1 $0x1082;
	[sflag:s4] =	ssyncset.s32 $0xFFFFF086  }
0x25: {  	[simem:s6], [sflag:s4] =	dma.local [hbm:s3], $0xF7A  }
0x26: {  	[smem:$0x3F9F] =	sst s1;
	(tag) =	ssettag s2;
	_ =	strace s9  }
0x27: {  	s1 =	sld [smem:$0x3FAF]  }
0x28: {  	s2 =	sld [smem:$0x3FB0]  }
0x29: {  	s4 =	sld [smem:$0x3FB2]  }
0x2a: {  	p0 =	seq.s32 s5, $0x0;
	s5 =	sld [smem:$0x3FB3]  }
0x2b: {  	s6 =	sld [smem:$0x3FB4]  }
0x2c: {  	s7 =	sld [smem:$0x3FB5]  }
0x2d: {  	s3 =	simm.s32 $0x108;
	s8 =	sld [smem:$0x3FB6]  }
0x2e: {  	s3 =	simm.s32 @!p0 $0x1082;
	s9 =	sld [smem:$0x3FB7]  }
0x2f: {  	lr =	sadd.s32 s0, s3;
	s0 =	sld [smem:$0x3FAE]  }
0x30: {  	s3 =	sld [smem:$0x3FB1]  }
0x31: {  	[smem:$0x3FBA] =	sst s10  }
0x32: {  	s10 =	sld [smem:$0x3FB8];
	_ =	sdelay $0x3  }
0x33: {  	p0 =	seq.s32 s10, $0x1;
	s10 =	sld [smem:$0x3FBA];
	_ =	sdelay $0x3  }
0x34: {  	[smem:$0x3FBA] =	sst s10  }
0x35: {  	s10 =	sld [smem:$0x3FB9];
	_ =	sdelay $0x3  }
0x36: {  	p1 =	seq.s32 s10, $0x1;
	s10 =	sld [smem:$0x3FBA];
	_ =	sdelay $0x3  }
0x37: {  	[smem:$0x3FBA] =	sst s10  }
0x38: {  	s10 =	sld [smem:$0x3FBB]  }
0x39: {  	_ = 	snop;
	(pc) =	sbr.ind lr, $3  }
0x3a: {  	_ = 	snop  }
0x3b: {  	_ = 	snop  }
0x3c: {  	p2 =	seq.s32 s10, $0x1;
	s10 =	sld [smem:$0x3FBA]  }
0x3d: {  	_ =	shalt  }
0x3e: {  	_ =	shalt  }
0x3f: {  	_ =	shalt  }
0x40: {  	_ =	shalt  }
0x41: {  	_ =	shalt  }
0x42: {  	_ =	shalt  }
0x43: {  	_ =	shalt  }
0x44: {  	_ =	shalt  }
0x45: {  	_ =	shalt  }
0x46: {  	_ =	shalt  }
0x47: {  	_ =	shalt  }
0x48: {  	_ =	shalt  }
0x49: {  	_ =	shalt  }
0x4a: {  	_ =	shalt  }
0x4b: {  	_ =	shalt  }
0x4c: {  	_ =	shalt  }
0x4d: {  	_ =	shalt  }
0x4e: {  	_ =	shalt  }
0x4f: {  	_ =	shalt  }
0x50: {  	_ =	shalt  }
0x51: {  	_ =	shalt  }
0x52: {  	_ =	shalt  }
0x53: {  	_ =	shalt  }
0x54: {  	_ =	shalt  }
0x55: {  	_ =	shalt  }
0x56: {  	_ =	shalt  }
0x57: {  	_ =	shalt  }
0x58: {  	_ =	shalt  }
0x59: {  	_ =	shalt  }
0x5a: {  	_ =	shalt  }
0x5b: {  	_ =	shalt  }
0x5c: {  	_ =	shalt  }
0x5d: {  	_ =	shalt  }
0x5e: {  	_ =	shalt  }
0x5f: {  	_ =	shalt  }
0x60: {  	_ =	shalt  }
0x61: {  	_ =	shalt  }
0x62: {  	_ =	shalt  }
0x63: {  	_ =	shalt  }
0x64: {  	_ =	shalt  }
0x65: {  	_ =	shalt  }
0x66: {  	_ =	shalt  }
0x67: {  	_ =	shalt  }
0x68: {  	_ =	shalt  }
0x69: {  	_ =	shalt  }
0x6a: {  	_ =	shalt  }
0x6b: {  	_ =	shalt  }
0x6c: {  	_ =	shalt  }
0x6d: {  	_ =	shalt  }
0x6e: {  	_ =	shalt  }
0x6f: {  	_ =	shalt  }
0x70: {  	_ =	shalt  }
0x71: {  	_ =	shalt  }
0x72: {  	_ =	shalt  }
0x73: {  	_ =	shalt  }
0x74: {  	_ =	shalt  }
0x75: {  	_ =	shalt  }
0x76: {  	_ =	shalt  }
0x77: {  	_ =	shalt  }
0x78: {  	_ =	shalt  }
0x79: {  	_ =	shalt  }
0x7a: {  	_ =	shalt  }
0x7b: {  	_ =	shalt  }
0x7c: {  	_ =	shalt  }
0x7d: {  	_ =	shalt  }
0x7e: {  	_ =	shalt  }
0x7f: {  	_ =	shalt  }
0x80: {  	_ =	shalt  }
0x81: {  	_ =	shalt  }
0x82: {  	_ =	shalt  }
0x83: {  	_ =	shalt  }
0x84: {  	_ =	shalt  }
0x85: {  	_ =	shalt  }
0x86: {  	_ =	shalt  }
0x87: {  	_ =	shalt  }
.Lfunc_end0:
.L_simem_size_0:
called_computation_lowered:
.L_overlay_start_0:
0x88: {  	s2 =	sld [smem:$0x3FD9]  }
0x89: {  	s3 =	sld [smem:$0x3FFE];
	_ =	sdelay $0x1  }
0x8a: {  	s1 =	srdreg.scid  }
0x8b: {  	s0 =	sand.u32 $0x1, s1  }
0x8c: {  	s16 =	sshll.u32 s0, $0xA;
	s2 =	sadd.s32 s3, s2  }
0x8d: {  	s2 =	sadd.s32 s2, s16  }
0x8e: {  	[smem:$0x3FC6] =	sst s2  }
0x8f: {  	_ = 	snop  }
0x90: {  	(tm) =	ssettm $0x1  }
0x91: {  	s17 =	sld [smem:$0x3FFB];
	_ =	sdelay $0x3  }
0x92: {  	_ =	strace s17  }
0x93: {  	s2 =	sld [smem:$0x3FFC];
	_ =	sdelay $0x3  }
0x94: {  	_ =	strace s2  }
0x95: {  	s2 =	sld [smem:$0x3FFD];
	_ =	sdelay $0x3  }
0x96: {  	_ =	strace s2  }
0x97: {  	_ =	strace $0x8FFFFFFF  }
0x98: {  	s18 =	sld [smem:$0x3FDB];
	_ =	sdelay $0x1  }
0x99: {  	s19 =	simm.s32 $_scs_section_size  }
0x9a: {  	s4 =	simm.s32 $_size__tile_overlayer_lowered;
	s5 =	simm.s32 $_tile_overlayer_lowered  }
0x9b: {  	s22 =	simm.s32 $0x1BFF;
	s21 =	sshll.u32 s5, $0x1;
	s2 =	sadd.s32 s19, s18  }
0x9c: {  	s6 =	simm.s32 $0x0;
	s20 =	sshll.u32 s4, $0x1;
	s4 =	sadd.s32 s21, s2  }
0x9d: {  	[timem:s6], [sflag:s22] =	dma.local [hbm:s4], s20  }
0x9e: {  	_ =	swait.ge [sflag:s22], s20  }
0x9f: {  	s3 =	ssub.s32 $0x0, s20;
	[sflag:s22] =	ssyncset.done $0x0  }
0xa0: {  	[sflag:s22] =	ssyncadd.s32 s3;
	_ =	sdelay $0x1  }
0xa1: {  	s23 =	simm.s32 $0x1B8B  }
0xa2: {  	_ =	swait.ge [sflag:s23], $0x1  }
0xa3: {  	[sflag:s23] =	ssyncset.done $0x0  }
0xa4: {  	s25 =	simm.s32 $0x1B8E;
	s24 =	sld [smem:$0x3FFE];
	[sflag:s23] =	ssyncadd.s32 $0xFFFFFFFF  }
0xa5: {  	s26 =	simm.s32 $execute0_lowered;
	[smem:$0x3FD2] =	sst s25  }
0xa6: {  	s4 =	sshll.u32 s26, $0x1;
	_ =	strace $0x80000046;
	[dreg:$0x1] =	wrdreg $0xFFFFFFFF  }
0xa7: {  	s28 =	simm.s32 $_size_execute0_lowered;
	s2 =	sadd.s32 s2, s4;
	[dreg:$0x0] =	wrdreg $0x0  }
0xa8: {  	s4 =	sshll.u32 s28, $0x1;
	[dreg:$0x2] =	wrdreg s2  }
0xa9: {  	[dreg:$0x3] =	wrdreg s4  }
0xaa: {  	[dreg:$0x4] =	wrdreg $0xC0  }
0xab: {  	_ =	task [dreg:s6], $0x5FFFF  }
0xac: {  	[dreg:$0x1] =	wrdreg $0xFFFFFFFF  }
0xad: {  	[dreg:$0x0] =	wrdreg $0x60  }
0xae: {  	[dreg:$0x2] =	wrdreg s24  }
0xaf: {  	[dreg:$0x3] =	wrdreg $0x9  }
0xb0: {  	_ =	task.clear_ibuf [dreg:s6], $0x4FFFF;
	_ =	strace $0x90000046  }
0xb1: {  	s29 =	simm.s32 $0x9;
	_ =	strace $0x80000048  }
0xb2: {  	_ =	swait.ge [sflag:s29], $0x1  }
0xb3: {  	[sflag:s29] =	ssyncadd.s32 $0xFFFFFFFF  }
0xb4: {  	_ =	strace $0x90000048  }
0xb5: {  	_ =	sfence  }
0xb6: {  	s30 =	sld [smem:$0x0];
	_ =	sdelay $0x2  }
0xb7: {  	s31 =	sshll.u32 s1, $0xD;
	s1 =	sshrl.u32 s1, $0x2  }
0xb8: {  	s3 =	sand.u32 $0x4000, s31;
	s1 =	sadd.s32 s1, s30  }
0xb9: {  	s0 =	sor.u32 s3, s0;
	s1 =	sshll.u32 s1, $0x11  }
0xba: {  	s0 =	sor.u32 s1, s0  }
0xbb: {  	s0 =	sadd.s32 $0x8F2B, s0  }
0xbc: {  	[sflag:s0] =	ssyncadd.remote.s32 $0x1  }
0xbd: {  	_ =	sfence.sel $0xFFFF  }
0xbe: {  	[dreg:$0x0] =	wrdreg $0xFFFFFFFF;
	(pc) =	sbr.abs _section_cstart, $3  }
0xbf: {  	[dreg:$0x1] =	wrdreg $0xFFFFFFFF  }
0xc0: {  	_ =	task.clear_ibuf [dreg:s6], $0x2FFFF;
	_ =	strace $0x9FFFFFFF  }
0xc1: {  	(tm) =	ssettm $0x7FFFFFFF  }
tec
execute0_lowered:
.L_overlay_start_1:
0x0: {  	(tag) =	ssettag $0x1  }
0x1: {  	s0 =	srdreg.scid;
	s2 =	stileid.u32  }
0x2: {  	s0 =	sand.u32 $0x1, s0;
	s3 =	sshll.u32 s2, $0x1  }
0x3: {  	s3 =	sor.u32 s0, s3  }
0x4: {  	s1 =	rddreg [dreg:$0x0];
	s4 =	smul.u32 $0xE0E, s3;
	s3 =	sshll.u32 s3, $0xB  }
0x5: {  	s2 =	simm.s32 $0x0;
	s6 =	sadd.s32 s3, s1  }
0x6: {  	s9 =	simm.s32 $0x2;
	[smem:$0x7FF] =	sst s2;
	s12 =	sadd.s32 $0x600, s6  }
0x7: {  	_ =	strace $0x80000047;
	s13 =	sadd.s32 $0x10600, s6;
	[dreg:$0x2] =	wrdreg s12  }
0x8: {  	s10 =	simm.s32 $0x3;
	s14 =	sadd.s32 $0x20600, s6;
	[dreg:$0x3] =	wrdreg s13  }
0x9: {  	s11 =	simm.s32 $0x0;
	s15 =	sadd.s32 $0x30600, s6;
	[dreg:$0x4] =	wrdreg s14  }
0xa: {  	s0 =	ssub.s32 $0x2, s0;
	s16 =	sadd.s32 $0x40600, s6;
	[dreg:$0x5] =	wrdreg s15  }
0xb: {  	s5 =	sshrl.u32 s0, $0x1;
	s17 =	sadd.s32 $0x50600, s6;
	[dreg:$0x6] =	wrdreg s16  }
0xc: {  	s8 =	ssub.s32 s0, s5;
	s18 =	sadd.s32 $0x60600, s6;
	[dreg:$0x7] =	wrdreg s17  }
0xd: {  	s7 =	sadd.s32 s4, s1;
	s19 =	sadd.s32 $0x70600, s6;
	[dreg:$0x8] =	wrdreg s18  }
0xe: {  	s20 =	sadd.s32 $0x800, s6;
	s21 =	sadd.s32 $0x10800, s6;
	[dreg:$0x9] =	wrdreg s19  }
0xf: {  	s22 =	sadd.s32 $0x20800, s6;
	s23 =	sadd.s32 $0x30800, s6;
	[dreg:$0xa] =	wrdreg s20  }
0x10: {  	s24 =	sadd.s32 $0x40800, s6;
	s25 =	sadd.s32 $0x50800, s6;
	[dreg:$0xb] =	wrdreg s21  }
0x11: {  	s26 =	sadd.s32 $0x60800, s6;
	s28 =	sadd.s32 $0xC00, s6;
	[dreg:$0xc] =	wrdreg s22  }
0x12: {  	s29 =	sadd.s32 $0x10C00, s6;
	s30 =	sadd.s32 $0x20C00, s6;
	[dreg:$0xd] =	wrdreg s23  }
0x13: {  	s31 =	sadd.s32 $0x30C00, s6;
	s1 =	sadd.s32 $0x40C00, s6;
	[dreg:$0xe] =	wrdreg s24  }
0x14: {  	s0 =	sadd.s32 $0x50C00, s6;
	s3 =	sadd.s32 $0x60C00, s6;
	[dreg:$0xf] =	wrdreg s25  }
0x15: {  	s4 =	sadd.s32 $0x70C00, s6;
	[dreg:$0x10] =	wrdreg s26;
	s18 =	sadd.s32 $0x70800, s6  }
0x16: {  	s19 =	sadd.s32 $0xA00, s6;
	s20 =	sadd.s32 $0x10A00, s6;
	s21 =	sadd.s32 $0x20A00, s6  }
0x17: {  	s22 =	sadd.s32 $0x30A00, s6;
	s23 =	sadd.s32 $0x40A00, s6;
	s24 =	sadd.s32 $0x50A00, s6  }
0x18: {  	s25 =	sadd.s32 $0x60A00, s6;
	s26 =	sadd.s32 $0x70A00, s6;
	s5 =	sadd.s32 $0x80600, s7  }
0x19: {  	v0 =	vimm.f32 $0.0e+00;
	v1 =	vimm.f32 $1.000000000e+00;
	s6 =	smax.u32 s8, $0x1;
	s7 =	simm.s32 $0x1;
	s8 =	simm.s32 $0x10000  }
.LBB2_1:
0x1a: {  	s12 =	rddreg [dreg:$0x2]  }
0x1b: {  	[tilespmem:s2], [sflag:$0x1] =	stream.linear.gather [hbm4b:s12+s2], $0x1000, $0x38;
	[tilespmem:$0x17080] =	vst v63  }
0x1c: {  	s17 =	rddreg [dreg:$0x3];
	s13 =	simm.s32 $0x1000  }
0x1d: {  	[tilespmem:s13], [sflag:$0x1] =	stream.linear.gather [hbm4b:s17+s2], $0x1000, $0x38;
	[tilespmem:$0x17080] =	vst v63  }
0x1e: {  	s14 =	rddreg [dreg:$0x4];
	s15 =	simm.s32 $0x2000  }
0x1f: {  	[tilespmem:s15], [sflag:$0x1] =	stream.linear.gather [hbm4b:s14+s2], $0x1000, $0x38;
	[tilespmem:$0x17080] =	vst v63  }
0x20: {  	s16 =	rddreg [dreg:$0x5];
	s17 =	simm.s32 $0x3000  }
0x21: {  	[tilespmem:s17], [sflag:$0x1] =	stream.linear.gather [hbm4b:s16+s2], $0x1000, $0x38;
	[tilespmem:$0x17080] =	vst v63  }
0x22: {  	s14 =	rddreg [dreg:$0x6];
	s15 =	simm.s32 $0x4000  }
0x23: {  	[tilespmem:s15], [sflag:$0x1] =	stream.linear.gather [hbm4b:s14+s2], $0x1000, $0x38;
	[tilespmem:$0x17080] =	vst v63  }
0x24: {  	s16 =	rddreg [dreg:$0x7];
	s17 =	simm.s32 $0x5000  }
0x25: {  	[tilespmem:s17], [sflag:$0x1] =	stream.linear.gather [hbm4b:s16+s2], $0x1000, $0x38;
	[tilespmem:$0x17080] =	vst v63  }
0x26: {  	s14 =	rddreg [dreg:$0x8];
	s15 =	simm.s32 $0x6000  }
0x27: {  	[tilespmem:s15], [sflag:$0x1] =	stream.linear.gather [hbm4b:s14+s2], $0x1000, $0x38;
	[tilespmem:$0x17080] =	vst v63  }
0x28: {  	s12 =	simm.s32 $0x10040;
	s16 =	rddreg [dreg:$0x9];
	s17 =	simm.s32 $0x7000  }
0x29: {  	[tilespmem:s17], [sflag:$0x1] =	stream.linear.gather [hbm4b:s16+s2], $0x1000, $0x38;
	[tilespmem:$0x17080] =	vst v63  }
0x2a: {  	[tilespmem:s12+$0xFFFFFFC0] =	vst v0  }
0x2b: {  	[tilespmem:s12+$0x30] =	vst v0  }
0x2c: {  	[tilespmem:s12+$0x20] =	vst v0  }
0x2d: {  	[tilespmem:s12+$0x10] =	vst v0  }
0x2e: {  	[tilespmem:s12+$0x0] =	vst v0  }
0x2f: {  	[tilespmem:s12+$0xFFFFFFF0] =	vst v0  }
0x30: {  	s13 =	simm.s32 $0x0;
	[tilespmem:s12+$0xFFFFFFE0] =	vst v0  }
.LBB2_2:
0x31: {  	s13 =	sadd.s32 $0x8, s13;
	[tilespmem:s12+$0xFFFFFFD0] =	vst v0;
	s12 =	sadd.s32 $0x80, s12  }
0x32: {  	[tilespmem:s12+$0xFFFFFFC0] =	vst v0;
	p0 =	slt.u32 s13, $0x6F8  }
0x33: {  	[tilespmem:s12+$0x30] =	vst v0  }
.Ltmp0:
0x34: {  	[tilespmem:s12+$0x20] =	vst v0;
	(pc) =	sbr.rel @p0 .LBB2_2-.Ltmp0, $4  }
0x35: {  	[tilespmem:s12+$0x10] =	vst v0  }
0x36: {  	[tilespmem:s12+$0x0] =	vst v0  }
0x37: {  	[tilespmem:s12+$0xFFFFFFF0] =	vst v0  }
0x38: {  	[tilespmem:s12+$0xFFFFFFE0] =	vst v0  }
0x39: {  	[tilespmem:s12+$0xFFFFFFD0] =	vst v0;
	s12 =	simm.s32 $0x0  }
.LBB2_4:
0x3a: {  	p0 =	sne.s32 s12, $0x180  }
.Ltmp1:
0x3b: {  	_ = 	snop;
	(pc) =	sbr.rel @p0 .LBB2_4-.Ltmp1, $3  }
0x3c: {  	_ =	sdelay $0x1  }
0x3d: {  	s13 =	sshra.s32 s12, $0x2  }
0x3e: {  	s12 =	sadd.s32 $0x40, s12;
	[tilespmem:s13+$0x17000] =	vst v0  }
0x3f: {  	s12 =	simm.s32 $0x0;
	s13 =	rddreg [dreg:$0xa];
	s14 =	simm.s32 $0x8000  }
0x40: {  	[tilespmem:s14], [sflag:$0x2] =	stream.linear.gather [hbm4b:s13+s12], $0x1000, $0x38;
	[tilespmem:$0x17080] =	vst v63  }
0x41: {  	s16 =	rddreg [dreg:$0xb];
	s17 =	simm.s32 $0x9000  }
0x42: {  	[tilespmem:s17], [sflag:$0x2] =	stream.linear.gather [hbm4b:s16+s12], $0x1000, $0x38;
	[tilespmem:$0x17080] =	vst v63  }
0x43: {  	s15 =	simm.s32 $0xA000;
	s14 =	rddreg [dreg:$0xc]  }
0x44: {  	[tilespmem:s15], [sflag:$0x2] =	stream.linear.gather [hbm4b:s14+s12], $0x1000, $0x38;
	[tilespmem:$0x17080] =	vst v63  }
0x45: {  	s16 =	rddreg [dreg:$0xd];
	s17 =	simm.s32 $0xB000  }
0x46: {  	[tilespmem:s17], [sflag:$0x2] =	stream.linear.gather [hbm4b:s16+s12], $0x1000, $0x38;
	[tilespmem:$0x17080] =	vst v63  }
0x47: {  	s14 =	rddreg [dreg:$0xe];
	s15 =	simm.s32 $0xC000  }
0x48: {  	[tilespmem:s15], [sflag:$0x2] =	stream.linear.gather [hbm4b:s14+s12], $0x1000, $0x38;
	[tilespmem:$0x17080] =	vst v63  }
0x49: {  	s16 =	rddreg [dreg:$0xf];
	s17 =	simm.s32 $0xD000  }
0x4a: {  	[tilespmem:s17], [sflag:$0x2] =	stream.linear.gather [hbm4b:s16+s12], $0x1000, $0x38;
	[tilespmem:$0x17080] =	vst v63  }
0x4b: {  	s15 =	rddreg [dreg:$0x10];
	s16 =	simm.s32 $0xE000  }
0x4c: {  	[tilespmem:s16], [sflag:$0x2] =	stream.linear.gather [hbm4b:s15+s12], $0x1000, $0x38;
	[tilespmem:$0x17080] =	vst v63  }
0x4d: {  	s17 =	simm.s32 $0xF000  }
0x4e: {  	[tilespmem:s17], [sflag:$0x2] =	stream.linear.gather [hbm4b:s18+s12], $0x1000, $0x38;
	[tilespmem:$0x17080] =	vst v63  }
0x4f: {  	_ =	swait.ge [sflag:s7], $0x1000  }
0x50: {  	[sflag:s7] =	ssyncset.done $0x0  }
0x51: {  	[sflag:s7] =	ssyncadd.s32 $0xFFFFF000  }
0x52: {  	_ =	swait.ge [sflag:s7], $0x1000  }
0x53: {  	[sflag:s7] =	ssyncset.done $0x0  }
0x54: {  	[sflag:s7] =	ssyncadd.s32 $0xFFFFF000  }
0x55: {  	_ =	swait.ge [sflag:s7], $0x1000  }
0x56: {  	[sflag:s7] =	ssyncset.done $0x0  }
0x57: {  	[sflag:s7] =	ssyncadd.s32 $0xFFFFF000  }
0x58: {  	_ =	swait.ge [sflag:s7], $0x1000  }
0x59: {  	[sflag:s7] =	ssyncset.done $0x0  }
0x5a: {  	[sflag:s7] =	ssyncadd.s32 $0xFFFFF000  }
0x5b: {  	_ =	swait.ge [sflag:s7], $0x1000  }
0x5c: {  	[sflag:s7] =	ssyncset.done $0x0  }
0x5d: {  	[sflag:s7] =	ssyncadd.s32 $0xFFFFF000  }
0x5e: {  	_ =	swait.ge [sflag:s7], $0x1000  }
0x5f: {  	[sflag:s7] =	ssyncset.done $0x0  }
0x60: {  	[sflag:s7] =	ssyncadd.s32 $0xFFFFF000  }
0x61: {  	_ =	swait.ge [sflag:s7], $0x1000  }
0x62: {  	p0 =	por $0x0, $0x0;
	s12 =	simm.s32 $0x1;
	[sflag:s7] =	ssyncset.done $0x0  }
0x63: {  	s12 =	simm.s32 @!p0 $0x0;
	[sflag:s7] =	ssyncadd.s32 $0xFFFFF000  }
0x64: {  	s12 =	sadd.s32 $0x0, s12;
	_ =	swait.ge [sflag:s7], $0x1000  }
0x65: {  	s14 =	sor.u32 $0xC0, s12;
	[sflag:s7] =	ssyncset.done $0x0  }
0x66: {  	s13 =	sshra.s32 s14, $0x1;
	[sflag:s7] =	ssyncadd.s32 $0xFFFFF000  }
0x67: {  	v2 =	vld [tilespmem:s13+$0x0];
	_ =	sdelay $0x4  }
0x68: {  	v3 =	vunpack.i.l.s16.s32 v2  }
0x69: {  	v2 =	vunpack.i.u.s16.s32 v2;
	vm0 =	vne.s32 v3, $0x800  }
0x6a: {  	vm1 =	vne.s32 v2, $0x800;
	_ =	sdelay $0x4  }
0x6b: {  	s15 =	simm.s32 $0x0;
	[tilespmem:v3+s8+$0x0] =	vst.idx.add.f32.msk vm0, v1  }
0x6c: {  	s13 =	sand.u32 $0xF80, s15;
	[tilespmem:v2+s8+$0x0] =	vst.idx.add.f32.msk vm1, v1  }
0x6d: {  	v2 =	vld [tilespmem:s13+$0x1060];
	_ =	sdelay $0x4  }
0x6e: {  	v3 =	vunpack.i.l.s16.s32 v2  }
0x6f: {  	s12 =	sor.u32 $0x80, s12;
	v5 =	vld [tilespmem:s13+$0x0];
	v2 =	vunpack.i.u.s16.s32 v2;
	vm0 =	vne.s32 v3, $0x1008  }
0x70: {  	s12 =	sshra.s32 s12, $0x1;
	vm1 =	vne.s32 v2, $0x1008  }
0x71: {  	v4 =	vld [tilespmem:s12+$0x0];
	_ =	sdelay $0x2  }
0x72: {  	v6 =	vunpack.i.l.s16.s32 v5  }
0x73: {  	v5 =	vunpack.i.u.s16.s32 v5;
	vm2 =	vne.s32 v6, $0x800;
	[tilespmem:v3+s8+$0x0] =	vst.idx.add.f32.msk vm0, v1  }
0x74: {  	vm3 =	vne.s32 v5, $0x800;
	v3 =	vunpack.i.l.s16.s32 v4;
	[tilespmem:v2+s8+$0x0] =	vst.idx.add.f32.msk vm1, v1  }
0x75: {  	v2 =	vunpack.i.u.s16.s32 v4;
	vm0 =	vne.s32 v3, $0x800;
	v4 =	vld [tilespmem:s13+$0x2060]  }
0x76: {  	v7 =	vld [tilespmem:s13+$0x20];
	vm1 =	vne.s32 v2, $0x800;
	_ =	sdelay $0x2  }
0x77: {  	[tilespmem:v6+s8+$0x0] =	vst.idx.add.f32.msk vm2, v1  }
0x78: {  	[tilespmem:v5+s8+$0x0] =	vst.idx.add.f32.msk vm3, v1;
	v8 =	vunpack.i.l.s16.s32 v4  }
0x79: {  	[tilespmem:v3+s8+$0x0] =	vst.idx.add.f32.msk vm0, v1;
	v3 =	vunpack.i.u.s16.s32 v4;
	v4 =	vunpack.i.l.s16.s32 v7;
	vm0 =	vne.s32 v8, $0x1810  }
0x7a: {  	[tilespmem:v2+s8+$0x0] =	vst.idx.add.f32.msk vm1, v1;
	vm2 =	vne.s32 v4, $0x800  }
0x7b: {  	v6 =	vunpack.i.u.s16.s32 v7;
	vm1 =	vne.s32 v3, $0x1810;
	v2 =	vld [tilespmem:s13+$0x1040]  }
0x7c: {  	vm3 =	vne.s32 v6, $0x800;
	v5 =	vld [tilespmem:s13+$0x1000];
	_ =	sdelay $0x2  }
0x7d: {  	[tilespmem:v8+s8+$0x0] =	vst.idx.add.f32.msk vm0, v1  }
0x7e: {  	v7 =	vunpack.i.l.s16.s32 v2;
	[tilespmem:v4+s8+$0x0] =	vst.idx.add.f32.msk vm2, v1  }
0x7f: {  	v4 =	vunpack.i.l.s16.s32 v5;
	[tilespmem:v3+s8+$0x0] =	vst.idx.add.f32.msk vm1, v1;
	vm0 =	vne.s32 v7, $0x1008  }
0x80: {  	v2 =	vunpack.i.u.s16.s32 v2;
	[tilespmem:v6+s8+$0x0] =	vst.idx.add.f32.msk vm3, v1;
	vm2 =	vne.s32 v4, $0x1008  }
0x81: {  	v5 =	vunpack.i.u.s16.s32 v5;
	vm1 =	vne.s32 v2, $0x1008;
	v3 =	vld [tilespmem:s13+$0x3060]  }
0x82: {  	vm3 =	vne.s32 v5, $0x1008;
	v6 =	vld [tilespmem:s13+$0x1020];
	_ =	sdelay $0x2  }
0x83: {  	[tilespmem:v7+s8+$0x0] =	vst.idx.add.f32.msk vm0, v1  }
0x84: {  	v8 =	vunpack.i.l.s16.s32 v3;
	[tilespmem:v4+s8+$0x0] =	vst.idx.add.f32.msk vm2, v1  }
0x85: {  	v7 =	vunpack.i.l.s16.s32 v6;
	vm0 =	vne.s32 v8, $0x2018;
	[tilespmem:v2+s8+$0x0] =	vst.idx.add.f32.msk vm1, v1  }
0x86: {  	v3 =	vunpack.i.u.s16.s32 v3;
	vm2 =	vne.s32 v7, $0x1008;
	[tilespmem:v5+s8+$0x0] =	vst.idx.add.f32.msk vm3, v1  }
0x87: {  	v4 =	vunpack.i.u.s16.s32 v6;
	vm1 =	vne.s32 v3, $0x2018;
	v2 =	vld [tilespmem:s13+$0x2040]  }
0x88: {  	vm3 =	vne.s32 v4, $0x1008;
	v5 =	vld [tilespmem:s13+$0x2000];
	_ =	sdelay $0x2  }
0x89: {  	[tilespmem:v8+s8+$0x0] =	vst.idx.add.f32.msk vm0, v1  }
0x8a: {  	v6 =	vunpack.i.l.s16.s32 v2;
	[tilespmem:v7+s8+$0x0] =	vst.idx.add.f32.msk vm2, v1  }
0x8b: {  	v7 =	vunpack.i.l.s16.s32 v5;
	[tilespmem:v3+s8+$0x0] =	vst.idx.add.f32.msk vm1, v1;
	vm0 =	vne.s32 v6, $0x1810  }
0x8c: {  	v2 =	vunpack.i.u.s16.s32 v2;
	[tilespmem:v4+s8+$0x0] =	vst.idx.add.f32.msk vm3, v1;
	vm2 =	vne.s32 v7, $0x1810  }
0x8d: {  	vm1 =	vne.s32 v2, $0x1810;
	v4 =	vunpack.i.u.s16.s32 v5;
	v3 =	vld [tilespmem:s13+$0x4060]  }
0x8e: {  	v5 =	vld [tilespmem:s13+$0x2020];
	vm3 =	vne.s32 v4, $0x1810;
	_ =	sdelay $0x2  }
0x8f: {  	[tilespmem:v6+s8+$0x0] =	vst.idx.add.f32.msk vm0, v1  }
0x90: {  	v8 =	vunpack.i.l.s16.s32 v3;
	[tilespmem:v7+s8+$0x0] =	vst.idx.add.f32.msk vm2, v1  }
0x91: {  	v6 =	vunpack.i.l.s16.s32 v5;
	vm0 =	vne.s32 v8, $0x2820;
	[tilespmem:v2+s8+$0x0] =	vst.idx.add.f32.msk vm1, v1  }
0x92: {  	v3 =	vunpack.i.u.s16.s32 v3;
	vm2 =	vne.s32 v6, $0x1810;
	[tilespmem:v4+s8+$0x0] =	vst.idx.add.f32.msk vm3, v1  }
0x93: {  	v5 =	vunpack.i.u.s16.s32 v5;
	vm1 =	vne.s32 v3, $0x2820;
	v2 =	vld [tilespmem:s13+$0x3040]  }
0x94: {  	vm3 =	vne.s32 v5, $0x1810;
	v4 =	vld [tilespmem:s13+$0x3000];
	_ =	sdelay $0x2  }
0x95: {  	[tilespmem:v8+s8+$0x0] =	vst.idx.add.f32.msk vm0, v1  }
0x96: {  	v7 =	vunpack.i.l.s16.s32 v2;
	[tilespmem:v6+s8+$0x0] =	vst.idx.add.f32.msk vm2, v1  }
0x97: {  	v6 =	vunpack.i.l.s16.s32 v4;
	[tilespmem:v3+s8+$0x0] =	vst.idx.add.f32.msk vm1, v1;
	vm0 =	vne.s32 v7, $0x2018  }
0x98: {  	v2 =	vunpack.i.u.s16.s32 v2;
	[tilespmem:v5+s8+$0x0] =	vst.idx.add.f32.msk vm3, v1;
	vm2 =	vne.s32 v6, $0x2018  }
0x99: {  	v4 =	vunpack.i.u.s16.s32 v4;
	vm1 =	vne.s32 v2, $0x2018;
	v3 =	vld [tilespmem:s13+$0x5060]  }
0x9a: {  	vm3 =	vne.s32 v4, $0x2018;
	v5 =	vld [tilespmem:s13+$0x3020];
	_ =	sdelay $0x2  }
0x9b: {  	[tilespmem:v7+s8+$0x0] =	vst.idx.add.f32.msk vm0, v1  }
0x9c: {  	v8 =	vunpack.i.l.s16.s32 v3;
	[tilespmem:v6+s8+$0x0] =	vst.idx.add.f32.msk vm2, v1  }
0x9d: {  	v7 =	vunpack.i.l.s16.s32 v5;
	vm0 =	vne.s32 v8, $0x3028;
	[tilespmem:v2+s8+$0x0] =	vst.idx.add.f32.msk vm1, v1  }
0x9e: {  	v3 =	vunpack.i.u.s16.s32 v3;
	vm2 =	vne.s32 v7, $0x2018;
	[tilespmem:v4+s8+$0x0] =	vst.idx.add.f32.msk vm3, v1  }
0x9f: {  	vm1 =	vne.s32 v3, $0x3028;
	v2 =	vld [tilespmem:s13+$0x4040]  }
0xa0: {  	v5 =	vunpack.i.u.s16.s32 v5;
	v4 =	vld [tilespmem:s13+$0x4000]  }
0xa1: {  	vm3 =	vne.s32 v5, $0x2018;
	_ =	sdelay $0x1  }
0xa2: {  	[tilespmem:v8+s8+$0x0] =	vst.idx.add.f32.msk vm0, v1  }
0xa3: {  	v6 =	vunpack.i.l.s16.s32 v2;
	[tilespmem:v7+s8+$0x0] =	vst.idx.add.f32.msk vm2, v1  }
0xa4: {  	v7 =	vunpack.i.l.s16.s32 v4;
	[tilespmem:v3+s8+$0x0] =	vst.idx.add.f32.msk vm1, v1;
	vm0 =	vne.s32 v6, $0x2820  }
0xa5: {  	v2 =	vunpack.i.u.s16.s32 v2;
	vm2 =	vne.s32 v7, $0x2820;
	v3 =	vld [tilespmem:s13+$0x6060]  }
0xa6: {  	v4 =	vunpack.i.u.s16.s32 v4;
	vm1 =	vne.s32 v2, $0x2820;
	[tilespmem:v5+s8+$0x0] =	vst.idx.add.f32.msk vm3, v1  }
0xa7: {  	vm3 =	vne.s32 v4, $0x2820;
	v5 =	vld [tilespmem:s13+$0x4020];
	_ =	sdelay $0x1  }
0xa8: {  	p0 =	por !p0, !p0;
	s12 =	simm.s32 $0x1  }
0xa9: {  	s12 =	simm.s32 @!p0 $0x0;
	v8 =	vunpack.i.l.s16.s32 v3;
	[tilespmem:v6+s8+$0x0] =	vst.idx.add.f32.msk vm0, v1  }
0xaa: {  	s12 =	sadd.s32 $0x80, s12;
	[tilespmem:v7+s8+$0x0] =	vst.idx.add.f32.msk vm2, v1;
	vm0 =	vne.s32 v8, $0x3830  }
0xab: {  	s16 =	sor.u32 $0xC0, s12;
	v6 =	vunpack.i.l.s16.s32 v5;
	[tilespmem:v2+s8+$0x0] =	vst.idx.add.f32.msk vm1, v1  }
0xac: {  	s14 =	sshra.s32 s16, $0x1;
	v3 =	vunpack.i.u.s16.s32 v3;
	vm2 =	vne.s32 v6, $0x2820;
	[tilespmem:v4+s8+$0x0] =	vst.idx.add.f32.msk vm3, v1  }
0xad: {  	vm1 =	vne.s32 v3, $0x3830;
	v4 =	vld [tilespmem:s14+$0x0]  }
0xae: {  	v5 =	vunpack.i.u.s16.s32 v5;
	v2 =	vld [tilespmem:s13+$0x5040]  }
0xaf: {  	s12 =	sor.u32 $0x80, s12;
	vm3 =	vne.s32 v5, $0x2820  }
0xb0: {  	s12 =	sshra.s32 s12, $0x1;
	[tilespmem:v8+s8+$0x0] =	vst.idx.add.f32.msk vm0, v1  }
0xb1: {  	v8 =	vld [tilespmem:s12+$0x0]  }
0xb2: {  	v9 =	vunpack.i.l.s16.s32 v4;
	[tilespmem:v6+s8+$0x0] =	vst.idx.add.f32.msk vm2, v1  }
0xb3: {  	v7 =	vunpack.i.l.s16.s32 v2;
	vm2 =	vne.s32 v9, $0x800;
	[tilespmem:v3+s8+$0x0] =	vst.idx.add.f32.msk vm1, v1  }
0xb4: {  	v4 =	vunpack.i.u.s16.s32 v4;
	vm0 =	vne.s32 v7, $0x3028;
	v3 =	vld [tilespmem:s13+$0x7060]  }
0xb5: {  	v2 =	vunpack.i.u.s16.s32 v2;
	[tilespmem:v5+s8+$0x0] =	vst.idx.add.f32.msk vm3, v1;
	vm3 =	vne.s32 v4, $0x800  }
0xb6: {  	vm1 =	vne.s32 v2, $0x3028;
	_ =	sdelay $0x1  }
0xb7: {  	v5 =	vld [tilespmem:s13+$0x5000]  }
0xb8: {  	[tilespmem:v9+s8+$0x0] =	vst.idx.add.f32.msk vm2, v1;
	v10 =	vunpack.i.l.s16.s32 v3  }
0xb9: {  	[tilespmem:v7+s8+$0x0] =	vst.idx.add.f32.msk vm0, v1;
	v7 =	vunpack.i.l.s16.s32 v8;
	vm0 =	vne.s32 v10, $0x4038  }
0xba: {  	s17 =	simm.s32 $0x40;
	v3 =	vunpack.i.u.s16.s32 v3;
	[tilespmem:v4+s8+$0x0] =	vst.idx.add.f32.msk vm3, v1;
	vm2 =	vne.s32 v7, $0x800  }
0xbb: {  	s12 =	sand.u32 $0xF80, s17;
	[tilespmem:v2+s8+$0x0] =	vst.idx.add.f32.msk vm1, v1;
	vm1 =	vne.s32 v3, $0x4038  }
0xbc: {  	v4 =	vld [tilespmem:s12+$0x1060]  }
0xbd: {  	v6 =	vld [tilespmem:s13+$0x5020];
	v8 =	vunpack.i.u.s16.s32 v8  }
0xbe: {  	v11 =	vld [tilespmem:s12+$0x20];
	vm3 =	vne.s32 v8, $0x800  }
0xbf: {  	v9 =	vunpack.i.l.s16.s32 v5;
	[tilespmem:v10+s8+$0x0] =	vst.idx.add.f32.msk vm0, v1  }
0xc0: {  	v5 =	vunpack.i.u.s16.s32 v5;
	vm0 =	vne.s32 v9, $0x3028;
	[tilespmem:v7+s8+$0x0] =	vst.idx.add.f32.msk vm2, v1  }
0xc1: {  	v7 =	vunpack.i.l.s16.s32 v4;
	[tilespmem:v3+s8+$0x0] =	vst.idx.add.f32.msk vm1, v1;
	vm1 =	vne.s32 v5, $0x3028  }
0xc2: {  	v10 =	vld [tilespmem:s12+$0x0];
	v3 =	vunpack.i.l.s16.s32 v6;
	vm2 =	vne.s32 v7, $0x1008  }
0xc3: {  	v2 =	vld [tilespmem:s13+$0x6040];
	vm4 =	vne.s32 v3, $0x3028  }
0xc4: {  	v6 =	vunpack.i.u.s16.s32 v6;
	[tilespmem:v8+s8+$0x0] =	vst.idx.add.f32.msk vm3, v1  }
0xc5: {  	v4 =	vunpack.i.u.s16.s32 v4;
	vm5 =	vne.s32 v6, $0x3028;
	v8 =	vld [tilespmem:s12+$0x1040]  }
0xc6: {  	vm3 =	vne.s32 v4, $0x1008;
	[tilespmem:v9+s8+$0x0] =	vst.idx.add.f32.msk vm0, v1  }
0xc7: {  	v9 =	vunpack.i.l.s16.s32 v10;
	[tilespmem:v5+s8+$0x0] =	vst.idx.add.f32.msk vm1, v1  }
0xc8: {  	v5 =	vunpack.i.u.s16.s32 v10;
	vm0 =	vne.s32 v9, $0x800;
	[tilespmem:v7+s8+$0x0] =	vst.idx.add.f32.msk vm2, v1  }
0xc9: {  	[tilespmem:v3+s8+$0x0] =	vst.idx.add.f32.msk vm4, v1;
	v3 =	vunpack.i.l.s16.s32 v11;
	vm1 =	vne.s32 v5, $0x800  }
0xca: {  	v10 =	vld [tilespmem:s13+$0x6000];
	vm4 =	vne.s32 v3, $0x800  }
0xcb: {  	[tilespmem:v6+s8+$0x0] =	vst.idx.add.f32.msk vm5, v1;
	v6 =	vunpack.i.u.s16.s32 v11  }
0xcc: {  	[tilespmem:v4+s8+$0x0] =	vst.idx.add.f32.msk vm3, v1;
	v4 =	vunpack.i.l.s16.s32 v8;
	vm5 =	vne.s32 v6, $0x800  }
0xcd: {  	v7 =	vld [tilespmem:s12+$0x2060];
	vm2 =	vne.s32 v4, $0x1008  }
0xce: {  	[tilespmem:v9+s8+$0x0] =	vst.idx.add.f32.msk vm0, v1  }
0xcf: {  	v8 =	vunpack.i.u.s16.s32 v8;
	[tilespmem:v5+s8+$0x0] =	vst.idx.add.f32.msk vm1, v1  }
0xd0: {  	vm0 =	vne.s32 v8, $0x1008;
	[tilespmem:v3+s8+$0x0] =	vst.idx.add.f32.msk vm4, v1  }
0xd1: {  	v3 =	vunpack.i.l.s16.s32 v2;
	v5 =	vld [tilespmem:s12+$0x1000]  }
0xd2: {  	[tilespmem:v6+s8+$0x0] =	vst.idx.add.f32.msk vm5, v1;
	vm1 =	vne.s32 v3, $0x3830;
	v6 =	vunpack.i.l.s16.s32 v7  }
0xd3: {  	[tilespmem:v4+s8+$0x0] =	vst.idx.add.f32.msk vm2, v1;
	v7 =	vunpack.i.u.s16.s32 v7;
	vm3 =	vne.s32 v6, $0x1810  }
0xd4: {  	v9 =	vld [tilespmem:s12+$0x1020];
	vm2 =	vne.s32 v7, $0x1810  }
0xd5: {  	v12 =	vld [tilespmem:s13+$0x6020];
	v4 =	vunpack.i.l.s16.s32 v10  }
0xd6: {  	v2 =	vunpack.i.u.s16.s32 v2;
	vm4 =	vne.s32 v4, $0x3830;
	[tilespmem:v8+s8+$0x0] =	vst.idx.add.f32.msk vm0, v1  }
0xd7: {  	vm0 =	vne.s32 v2, $0x3830;
	v8 =	vld [tilespmem:s12+$0x2040];
	v11 =	vunpack.i.l.s16.s32 v5  }
0xd8: {  	v5 =	vunpack.i.u.s16.s32 v5;
	vm5 =	vne.s32 v11, $0x1008;
	[tilespmem:v3+s8+$0x0] =	vst.idx.add.f32.msk vm1, v1  }
0xd9: {  	v3 =	vunpack.i.l.s16.s32 v9;
	vm1 =	vne.s32 v5, $0x1008;
	[tilespmem:v6+s8+$0x0] =	vst.idx.add.f32.msk vm3, v1  }
0xda: {  	v6 =	vunpack.i.u.s16.s32 v9;
	vm3 =	vne.s32 v3, $0x1008;
	[tilespmem:v7+s8+$0x0] =	vst.idx.add.f32.msk vm2, v1  }
0xdb: {  	vm2 =	vne.s32 v6, $0x1008;
	v7 =	vld [tilespmem:s12+$0x3060]  }
0xdc: {  	[tilespmem:v4+s8+$0x0] =	vst.idx.add.f32.msk vm4, v1  }
0xdd: {  	[tilespmem:v2+s8+$0x0] =	vst.idx.add.f32.msk vm0, v1;
	v2 =	vunpack.i.l.s16.s32 v8  }
0xde: {  	v4 =	vunpack.i.u.s16.s32 v8;
	vm0 =	vne.s32 v2, $0x1810;
	[tilespmem:v11+s8+$0x0] =	vst.idx.add.f32.msk vm5, v1  }
0xdf: {  	vm4 =	vne.s32 v4, $0x1810;
	[tilespmem:v5+s8+$0x0] =	vst.idx.add.f32.msk vm1, v1  }
0xe0: {  	[tilespmem:v3+s8+$0x0] =	vst.idx.add.f32.msk vm3, v1;
	v3 =	vunpack.i.l.s16.s32 v7  }
0xe1: {  	[tilespmem:v6+s8+$0x0] =	vst.idx.add.f32.msk vm2, v1;
	v5 =	vunpack.i.u.s16.s32 v7;
	vm1 =	vne.s32 v3, $0x2018  }
0xe2: {  	v6 =	vld [tilespmem:s12+$0x2000];
	vm2 =	vne.s32 v5, $0x2018  }
0xe3: {  	v7 =	vunpack.i.u.s16.s32 v10;
	v8 =	vld [tilespmem:s12+$0x2020]  }
0xe4: {  	vm3 =	vne.s32 v7, $0x3830;
	[tilespmem:v2+s8+$0x0] =	vst.idx.add.f32.msk vm0, v1  }
0xe5: {  	v9 =	vunpack.i.l.s16.s32 v12;
	[tilespmem:v4+s8+$0x0] =	vst.idx.add.f32.msk vm4, v1  }
0xe6: {  	v2 =	vunpack.i.u.s16.s32 v12;
	vm0 =	vne.s32 v9, $0x3830;
	v4 =	vld [tilespmem:s12+$0x3040]  }
0xe7: {  	vm4 =	vne.s32 v2, $0x3830;
	v10 =	vunpack.i.l.s16.s32 v6;
	[tilespmem:v3+s8+$0x0] =	vst.idx.add.f32.msk vm1, v1  }
0xe8: {  	v3 =	vunpack.i.u.s16.s32 v6;
	vm1 =	vne.s32 v10, $0x1810;
	[tilespmem:v5+s8+$0x0] =	vst.idx.add.f32.msk vm2, v1  }
0xe9: {  	v5 =	vunpack.i.l.s16.s32 v8;
	vm2 =	vne.s32 v3, $0x1810;
	v6 =	vld [tilespmem:s12+$0x4060]  }
0xea: {  	[tilespmem:v7+s8+$0x0] =	vst.idx.add.f32.msk vm3, v1;
	vm5 =	vne.s32 v5, $0x1810  }
0xeb: {  	v7 =	vld [tilespmem:s13+$0x7040];
	v8 =	vunpack.i.u.s16.s32 v8  }
0xec: {  	[tilespmem:v9+s8+$0x0] =	vst.idx.add.f32.msk vm0, v1;
	vm3 =	vne.s32 v8, $0x1810  }
0xed: {  	[tilespmem:v2+s8+$0x0] =	vst.idx.add.f32.msk vm4, v1;
	v2 =	vunpack.i.l.s16.s32 v4  }
0xee: {  	vm0 =	vne.s32 v2, $0x2018;
	[tilespmem:v10+s8+$0x0] =	vst.idx.add.f32.msk vm1, v1;
	v9 =	vunpack.i.l.s16.s32 v6  }
0xef: {  	[tilespmem:v3+s8+$0x0] =	vst.idx.add.f32.msk vm2, v1;
	v3 =	vunpack.i.u.s16.s32 v6;
	vm1 =	vne.s32 v9, $0x2820  }
0xf0: {  	[tilespmem:v5+s8+$0x0] =	vst.idx.add.f32.msk vm5, v1;
	vm2 =	vne.s32 v3, $0x2820  }
0xf1: {  	v4 =	vunpack.i.u.s16.s32 v4;
	v5 =	vld [tilespmem:s12+$0x3000]  }
0xf2: {  	[tilespmem:v8+s8+$0x0] =	vst.idx.add.f32.msk vm3, v1;
	vm3 =	vne.s32 v4, $0x2018  }
0xf3: {  	v6 =	vld [tilespmem:s12+$0x3020]  }
0xf4: {  	[tilespmem:v2+s8+$0x0] =	vst.idx.add.f32.msk vm0, v1  }
0xf5: {  	v2 =	vunpack.i.l.s16.s32 v7;
	[tilespmem:v9+s8+$0x0] =	vst.idx.add.f32.msk vm1, v1  }
0xf6: {  	v7 =	vunpack.i.u.s16.s32 v7;
	vm0 =	vne.s32 v2, $0x4038;
	[tilespmem:v3+s8+$0x0] =	vst.idx.add.f32.msk vm2, v1  }
0xf7: {  	vm1 =	vne.s32 v7, $0x4038;
	v3 =	vunpack.i.l.s16.s32 v5;
	v8 =	vld [tilespmem:s12+$0x5060]  }
0xf8: {  	[tilespmem:v4+s8+$0x0] =	vst.idx.add.f32.msk vm3, v1;
	v4 =	vunpack.i.l.s16.s32 v6;
	vm2 =	vne.s32 v3, $0x2018  }
0xf9: {  	v11 =	vld [tilespmem:s13+$0x7020];
	v5 =	vunpack.i.u.s16.s32 v5;
	vm4 =	vne.s32 v4, $0x2018  }
0xfa: {  	v10 =	vld [tilespmem:s13+$0x7000];
	v6 =	vunpack.i.u.s16.s32 v6;
	vm3 =	vne.s32 v5, $0x2018  }
0xfb: {  	v9 =	vld [tilespmem:s12+$0x4040];
	vm5 =	vne.s32 v6, $0x2018  }
0xfc: {  	[tilespmem:v2+s8+$0x0] =	vst.idx.add.f32.msk vm0, v1;
	v62 =	vunpack.i.l.s16.s32 v8  }
0xfd: {  	[tilespmem:v7+s8+$0x0] =	vst.idx.add.f32.msk vm1, v1;
	v2 =	vunpack.i.u.s16.s32 v8;
	vm0 =	vne.s32 v62, $0x3028  }
0xfe: {  	[tilespmem:v3+s8+$0x0] =	vst.idx.add.f32.msk vm2, v1;
	vm1 =	vne.s32 v2, $0x3028  }
0xff: {  	[tilespmem:v4+s8+$0x0] =	vst.idx.add.f32.msk vm4, v1  }
0x100: {  	v13 =	vunpack.i.l.s16.s32 v10;
	[tilespmem:v5+s8+$0x0] =	vst.idx.add.f32.msk vm3, v1  }
0x101: {  	v5 =	vunpack.i.l.s16.s32 v9;
	[tilespmem:v6+s8+$0x0] =	vst.idx.add.f32.msk vm5, v1;
	vm5 =	vne.s32 v13, $0x4038  }
0x102: {  	v4 =	vunpack.i.u.s16.s32 v9;
	vm2 =	vne.s32 v5, $0x2820;
	v6 =	vld [tilespmem:s12+$0x4000]  }
0x103: {  	vm3 =	vne.s32 v4, $0x2820;
	[tilespmem:v62+s8+$0x0] =	vst.idx.add.f32.msk vm0, v1  }
0x104: {  	v63 =	vunpack.i.u.s16.s32 v10;
	[tilespmem:v2+s8+$0x0] =	vst.idx.add.f32.msk vm1, v1  }
0x105: {  	vm6 =	vne.s32 v63, $0x4038;
	v14 =	vld [tilespmem:s12+$0x6060]  }
0x106: {  	v3 =	vunpack.i.l.s16.s32 v11;
	v10 =	vld [tilespmem:s12+$0x4020]  }
0x107: {  	v2 =	vunpack.i.u.s16.s32 v11;
	vm1 =	vne.s32 v3, $0x4038;
	[tilespmem:v13+s8+$0x0] =	vst.idx.add.f32.msk vm5, v1  }
0x108: {  	v8 =	vunpack.i.l.s16.s32 v6;
	[tilespmem:v5+s8+$0x0] =	vst.idx.add.f32.msk vm2, v1;
	vm0 =	vne.s32 v2, $0x4038  }
0x109: {  	v7 =	vunpack.i.u.s16.s32 v6;
	vm4 =	vne.s32 v8, $0x2820;
	[tilespmem:v4+s8+$0x0] =	vst.idx.add.f32.msk vm3, v1  }
0x10a: {  	s15 =	simm.s32 $0x1;
	vm3 =	vne.s32 v7, $0x2820;
	v9 =	vld [tilespmem:s12+$0x5040];
	v4 =	vunpack.i.l.s16.s32 v14  }
0x10b: {  	p0 =	por !p0, !p0;
	s14 =	simm.s32 $0x4;
	s13 =	simm.s32 $0x80;
	v6 =	vunpack.i.u.s16.s32 v10;
	[tilespmem:v63+s8+$0x0] =	vst.idx.add.f32.msk vm6, v1;
	v5 =	vunpack.i.u.s16.s32 v14;
	vm2 =	vne.s32 v4, $0x3830  }
.LBB2_6:
0x10c: {  	s16 =	simm.s32 $0x1  }
0x10d: {  	v10 =	vunpack.i.l.s16.s32 v10;
	vm5 =	vne.s32 v6, $0x2820;
	vm6 =	vne.s32 v5, $0x3830;
	s13 =	sadd.s32 $0x80, s13;
	[tilespmem:v3+s8+$0x0] =	vst.idx.add.f32.msk vm1, v1;
	s16 =	simm.s32 @!p0 $0x0  }
0x10e: {  	vm1 =	vne.s32 v10, $0x2820;
	s16 =	sadd.s32 s16, s13;
	[tilespmem:v2+s8+$0x0] =	vst.idx.add.f32.msk vm0, v1  }
0x10f: {  	v2 =	vunpack.i.u.s16.s32 v9;
	v3 =	vunpack.i.l.s16.s32 v9;
	s17 =	sor.u32 $0x80, s16;
	s16 =	sor.u32 $0xC0, s16;
	[tilespmem:v8+s8+$0x0] =	vst.idx.add.f32.msk vm4, v1  }
0x110: {  	vm0 =	vne.s32 v2, $0x3028;
	s17 =	sshra.s32 s17, $0x1;
	s16 =	sshra.s32 s16, $0x1;
	[tilespmem:v7+s8+$0x0] =	vst.idx.add.f32.msk vm3, v1;
	vm3 =	vne.s32 v3, $0x3028  }
0x111: {  	v7 =	vld [tilespmem:s16+$0x0]  }
0x112: {  	[tilespmem:v4+s8+$0x0] =	vst.idx.add.f32.msk vm2, v1  }
0x113: {  	[tilespmem:v5+s8+$0x0] =	vst.idx.add.f32.msk vm6, v1  }
0x114: {  	v4 =	vld [tilespmem:s12+$0x7060]  }
0x115: {  	v5 =	vld [tilespmem:s17+$0x0]  }
0x116: {  	s14 =	sadd.s32 $0x4, s14;
	v8 =	vunpack.i.l.s16.s32 v7;
	[tilespmem:v10+s8+$0x0] =	vst.idx.add.f32.msk vm1, v1  }
0x117: {  	p1 =	slt.u32 s14, $0xFC;
	v7 =	vunpack.i.u.s16.s32 v7;
	vm1 =	vne.s32 v8, $0x800;
	[tilespmem:v6+s8+$0x0] =	vst.idx.add.f32.msk vm5, v1  }
0x118: {  	vm2 =	vne.s32 v7, $0x800;
	v6 =	vld [tilespmem:s12+$0x5000]  }
0x119: {  	v9 =	vld [tilespmem:s12+$0x5020];
	v10 =	vunpack.i.l.s16.s32 v4  }
0x11a: {  	v11 =	vunpack.i.u.s16.s32 v5;
	[tilespmem:v3+s8+$0x0] =	vst.idx.add.f32.msk vm3, v1;
	v3 =	vunpack.i.u.s16.s32 v4;
	vm7 =	vne.s32 v10, $0x4038  }
0x11b: {  	v4 =	vunpack.i.l.s16.s32 v5;
	vm4 =	vne.s32 v11, $0x800;
	[tilespmem:v2+s8+$0x0] =	vst.idx.add.f32.msk vm0, v1;
	vm0 =	vne.s32 v3, $0x4038  }
0x11c: {  	vm8 =	vne.s32 v4, $0x800;
	v2 =	vld [tilespmem:s12+$0x6040]  }
0x11d: {  	s16 =	sshrl.u32 s13, $0x1;
	[tilespmem:v8+s8+$0x0] =	vst.idx.add.f32.msk vm1, v1;
	v5 =	vunpack.i.u.s16.s32 v6;
	v6 =	vunpack.i.l.s16.s32 v6  }
0x11e: {  	s16 =	sand.u32 $0xF80, s16;
	[tilespmem:v7+s8+$0x0] =	vst.idx.add.f32.msk vm2, v1;
	vm5 =	vne.s32 v6, $0x3028;
	v7 =	vunpack.i.u.s16.s32 v9;
	v8 =	vunpack.i.l.s16.s32 v9  }
0x11f: {  	vm6 =	vne.s32 v5, $0x3028;
	v9 =	vld [tilespmem:s16+$0x1060];
	vm3 =	vne.s32 v8, $0x3028;
	vm1 =	vne.s32 v7, $0x3028  }
0x120: {  	[tilespmem:v10+s8+$0x0] =	vst.idx.add.f32.msk vm7, v1  }
0x121: {  	s15 =	sadd.s32 $0x1, s15;
	v10 =	vunpack.i.u.s16.s32 v2;
	v2 =	vunpack.i.l.s16.s32 v2;
	[tilespmem:v3+s8+$0x0] =	vst.idx.add.f32.msk vm0, v1  }
0x122: {  	v3 =	vld [tilespmem:s16+$0x0];
	vm2 =	vne.s32 v2, $0x3830;
	vm0 =	vne.s32 v10, $0x3830  }
0x123: {  	v12 =	vld [tilespmem:s16+$0x20]  }
0x124: {  	[tilespmem:v4+s8+$0x0] =	vst.idx.add.f32.msk vm8, v1  }
0x125: {  	v4 =	vunpack.i.l.s16.s32 v9;
	[tilespmem:v11+s8+$0x0] =	vst.idx.add.f32.msk vm4, v1  }
0x126: {  	v9 =	vunpack.i.u.s16.s32 v9;
	vm4 =	vne.s32 v4, $0x1008;
	v11 =	vld [tilespmem:s16+$0x1040]  }
0x127: {  	vm7 =	vne.s32 v9, $0x1008;
	v13 =	vunpack.i.u.s16.s32 v3;
	v3 =	vunpack.i.l.s16.s32 v3;
	[tilespmem:v6+s8+$0x0] =	vst.idx.add.f32.msk vm5, v1  }
0x128: {  	vm5 =	vne.s32 v3, $0x800;
	v6 =	vunpack.i.u.s16.s32 v12;
	v12 =	vunpack.i.l.s16.s32 v12;
	[tilespmem:v5+s8+$0x0] =	vst.idx.add.f32.msk vm6, v1  }
0x129: {  	vm6 =	vne.s32 v13, $0x800;
	vm8 =	vne.s32 v12, $0x800;
	vm9 =	vne.s32 v6, $0x800;
	[tilespmem:v8+s8+$0x0] =	vst.idx.add.f32.msk vm3, v1  }
0x12a: {  	[tilespmem:v7+s8+$0x0] =	vst.idx.add.f32.msk vm1, v1  }
0x12b: {  	v5 =	vunpack.i.u.s16.s32 v11;
	v7 =	vunpack.i.l.s16.s32 v11;
	v8 =	vld [tilespmem:s12+$0x6000]  }
0x12c: {  	vm10 =	vne.s32 v7, $0x1008;
	vm11 =	vne.s32 v5, $0x1008;
	[tilespmem:v4+s8+$0x0] =	vst.idx.add.f32.msk vm4, v1  }
0x12d: {  	[tilespmem:v9+s8+$0x0] =	vst.idx.add.f32.msk vm7, v1  }
0x12e: {  	v4 =	vld [tilespmem:s16+$0x2060]  }
0x12f: {  	[tilespmem:v3+s8+$0x0] =	vst.idx.add.f32.msk vm5, v1  }
0x130: {  	[tilespmem:v13+s8+$0x0] =	vst.idx.add.f32.msk vm6, v1;
	v3 =	vunpack.i.u.s16.s32 v8;
	v8 =	vunpack.i.l.s16.s32 v8  }
0x131: {  	[tilespmem:v12+s8+$0x0] =	vst.idx.add.f32.msk vm8, v1;
	vm3 =	vne.s32 v8, $0x3830;
	vm1 =	vne.s32 v3, $0x3830  }
0x132: {  	[tilespmem:v6+s8+$0x0] =	vst.idx.add.f32.msk vm9, v1  }
0x133: {  	v6 =	vld [tilespmem:s16+$0x1000];
	v9 =	vunpack.i.l.s16.s32 v4  }
0x134: {  	v4 =	vunpack.i.u.s16.s32 v4;
	v11 =	vld [tilespmem:s16+$0x1020];
	vm4 =	vne.s32 v9, $0x1810  }
0x135: {  	vm5 =	vne.s32 v4, $0x1810;
	[tilespmem:v7+s8+$0x0] =	vst.idx.add.f32.msk vm10, v1  }
0x136: {  	[tilespmem:v5+s8+$0x0] =	vst.idx.add.f32.msk vm11, v1  }
0x137: {  	v5 =	vld [tilespmem:s16+$0x2040]  }
0x138: {  	v7 =	vunpack.i.u.s16.s32 v6;
	v6 =	vunpack.i.l.s16.s32 v6;
	v12 =	vld [tilespmem:s12+$0x6020]  }
0x139: {  	vm6 =	vne.s32 v6, $0x1008;
	v13 =	vunpack.i.u.s16.s32 v11;
	v11 =	vunpack.i.l.s16.s32 v11;
	[tilespmem:v2+s8+$0x0] =	vst.idx.add.f32.msk vm2, v1  }
0x13a: {  	vm7 =	vne.s32 v7, $0x1008;
	vm8 =	vne.s32 v11, $0x1008;
	vm9 =	vne.s32 v13, $0x1008;
	[tilespmem:v9+s8+$0x0] =	vst.idx.add.f32.msk vm4, v1  }
0x13b: {  	[tilespmem:v4+s8+$0x0] =	vst.idx.add.f32.msk vm5, v1  }
0x13c: {  	v2 =	vunpack.i.u.s16.s32 v5;
	v4 =	vunpack.i.l.s16.s32 v5;
	v5 =	vld [tilespmem:s16+$0x3060]  }
0x13d: {  	vm4 =	vne.s32 v4, $0x1810;
	vm5 =	vne.s32 v2, $0x1810;
	v9 =	vunpack.i.u.s16.s32 v12;
	[tilespmem:v10+s8+$0x0] =	vst.idx.add.f32.msk vm0, v1  }
0x13e: {  	[tilespmem:v8+s8+$0x0] =	vst.idx.add.f32.msk vm3, v1;
	v8 =	vunpack.i.l.s16.s32 v12;
	vm0 =	vne.s32 v9, $0x3830  }
0x13f: {  	[tilespmem:v6+s8+$0x0] =	vst.idx.add.f32.msk vm6, v1;
	vm2 =	vne.s32 v8, $0x3830  }
0x140: {  	[tilespmem:v7+s8+$0x0] =	vst.idx.add.f32.msk vm7, v1  }
0x141: {  	[tilespmem:v11+s8+$0x0] =	vst.idx.add.f32.msk vm8, v1;
	v6 =	vunpack.i.l.s16.s32 v5  }
0x142: {  	v5 =	vunpack.i.u.s16.s32 v5;
	[tilespmem:v13+s8+$0x0] =	vst.idx.add.f32.msk vm9, v1;
	vm3 =	vne.s32 v6, $0x2018  }
0x143: {  	vm6 =	vne.s32 v5, $0x2018;
	v7 =	vld [tilespmem:s16+$0x2000]  }
0x144: {  	v10 =	vld [tilespmem:s16+$0x2020]  }
0x145: {  	[tilespmem:v4+s8+$0x0] =	vst.idx.add.f32.msk vm4, v1  }
0x146: {  	[tilespmem:v2+s8+$0x0] =	vst.idx.add.f32.msk vm5, v1  }
0x147: {  	v2 =	vld [tilespmem:s16+$0x3040]  }
0x148: {  	v4 =	vunpack.i.u.s16.s32 v7;
	v7 =	vunpack.i.l.s16.s32 v7;
	[tilespmem:v6+s8+$0x0] =	vst.idx.add.f32.msk vm3, v1  }
0x149: {  	vm3 =	vne.s32 v7, $0x1810;
	v6 =	vunpack.i.u.s16.s32 v10;
	v10 =	vunpack.i.l.s16.s32 v10;
	[tilespmem:v5+s8+$0x0] =	vst.idx.add.f32.msk vm6, v1  }
0x14a: {  	vm4 =	vne.s32 v4, $0x1810;
	vm5 =	vne.s32 v10, $0x1810;
	vm6 =	vne.s32 v6, $0x1810;
	v5 =	vld [tilespmem:s16+$0x4060]  }
0x14b: {  	[tilespmem:v3+s8+$0x0] =	vst.idx.add.f32.msk vm1, v1  }
0x14c: {  	v3 =	vunpack.i.u.s16.s32 v2;
	v2 =	vunpack.i.l.s16.s32 v2;
	[tilespmem:v8+s8+$0x0] =	vst.idx.add.f32.msk vm2, v1  }
0x14d: {  	vm2 =	vne.s32 v2, $0x2018;
	vm1 =	vne.s32 v3, $0x2018;
	[tilespmem:v9+s8+$0x0] =	vst.idx.add.f32.msk vm0, v1  }
0x14e: {  	v8 =	vld [tilespmem:s12+$0x7040]  }
0x14f: {  	[tilespmem:v7+s8+$0x0] =	vst.idx.add.f32.msk vm3, v1;
	v7 =	vunpack.i.l.s16.s32 v5  }
0x150: {  	[tilespmem:v4+s8+$0x0] =	vst.idx.add.f32.msk vm4, v1;
	v4 =	vunpack.i.u.s16.s32 v5;
	vm0 =	vne.s32 v7, $0x2820  }
0x151: {  	[tilespmem:v10+s8+$0x0] =	vst.idx.add.f32.msk vm5, v1;
	vm3 =	vne.s32 v4, $0x2820  }
0x152: {  	[tilespmem:v6+s8+$0x0] =	vst.idx.add.f32.msk vm6, v1  }
0x153: {  	v5 =	vld [tilespmem:s16+$0x3000];
	v6 =	vunpack.i.u.s16.s32 v8;
	v8 =	vunpack.i.l.s16.s32 v8  }
0x154: {  	v9 =	vld [tilespmem:s16+$0x3020];
	vm4 =	vne.s32 v8, $0x4038;
	vm5 =	vne.s32 v6, $0x4038  }
0x155: {  	[tilespmem:v2+s8+$0x0] =	vst.idx.add.f32.msk vm2, v1  }
0x156: {  	[tilespmem:v7+s8+$0x0] =	vst.idx.add.f32.msk vm0, v1  }
0x157: {  	[tilespmem:v4+s8+$0x0] =	vst.idx.add.f32.msk vm3, v1  }
0x158: {  	v2 =	vunpack.i.u.s16.s32 v5;
	v4 =	vunpack.i.l.s16.s32 v5;
	v5 =	vld [tilespmem:s16+$0x5060]  }
0x159: {  	vm0 =	vne.s32 v4, $0x2018;
	v7 =	vunpack.i.u.s16.s32 v9;
	v9 =	vunpack.i.l.s16.s32 v9;
	[tilespmem:v3+s8+$0x0] =	vst.idx.add.f32.msk vm1, v1  }
0x15a: {  	vm1 =	vne.s32 v2, $0x2018;
	vm2 =	vne.s32 v9, $0x2018;
	vm3 =	vne.s32 v7, $0x2018;
	v3 =	vld [tilespmem:s16+$0x4040]  }
0x15b: {  	v10 =	vld [tilespmem:s12+$0x7000]  }
0x15c: {  	v11 =	vld [tilespmem:s12+$0x7020];
	s12 =	smov.u32 s16  }
0x15d: {  	v12 =	vunpack.i.l.s16.s32 v5;
	[tilespmem:v8+s8+$0x0] =	vst.idx.add.f32.msk vm4, v1  }
0x15e: {  	v5 =	vunpack.i.u.s16.s32 v5;
	vm4 =	vne.s32 v12, $0x3028;
	[tilespmem:v6+s8+$0x0] =	vst.idx.add.f32.msk vm5, v1  }
0x15f: {  	vm5 =	vne.s32 v5, $0x3028;
	[tilespmem:v4+s8+$0x0] =	vst.idx.add.f32.msk vm0, v1;
	v4 =	vunpack.i.u.s16.s32 v3;
	v6 =	vunpack.i.l.s16.s32 v3  }
0x160: {  	[tilespmem:v2+s8+$0x0] =	vst.idx.add.f32.msk vm1, v1;
	vm6 =	vne.s32 v6, $0x2820;
	vm7 =	vne.s32 v4, $0x2820;
	v13 =	vunpack.i.u.s16.s32 v10  }
0x161: {  	v14 =	vunpack.i.l.s16.s32 v10;
	[tilespmem:v9+s8+$0x0] =	vst.idx.add.f32.msk vm2, v1;
	v2 =	vunpack.i.u.s16.s32 v11;
	v3 =	vunpack.i.l.s16.s32 v11  }
0x162: {  	vm2 =	vne.s32 v14, $0x4038;
	vm8 =	vne.s32 v13, $0x4038;
	[tilespmem:v7+s8+$0x0] =	vst.idx.add.f32.msk vm3, v1;
	vm1 =	vne.s32 v3, $0x4038  }
0x163: {  	vm0 =	vne.s32 v2, $0x4038;
	v8 =	vld [tilespmem:s12+$0x4000]  }
0x164: {  	[tilespmem:v12+s8+$0x0] =	vst.idx.add.f32.msk vm4, v1  }
0x165: {  	[tilespmem:v5+s8+$0x0] =	vst.idx.add.f32.msk vm5, v1  }
0x166: {  	v5 =	vld [tilespmem:s12+$0x6060]  }
0x167: {  	v10 =	vld [tilespmem:s12+$0x4020]  }
.Ltmp2:
0x168: {  	v7 =	vunpack.i.u.s16.s32 v8;
	v8 =	vunpack.i.l.s16.s32 v8;
	[tilespmem:v6+s8+$0x0] =	vst.idx.add.f32.msk vm6, v1;
	(pc) =	sbr.rel @p1 .LBB2_6-.Ltmp2, $4  }
0x169: {  	vm4 =	vne.s32 v8, $0x2820;
	vm3 =	vne.s32 v7, $0x2820;
	[tilespmem:v4+s8+$0x0] =	vst.idx.add.f32.msk vm7, v1  }
0x16a: {  	v9 =	vld [tilespmem:s12+$0x5040]  }
0x16b: {  	v4 =	vunpack.i.l.s16.s32 v5;
	[tilespmem:v14+s8+$0x0] =	vst.idx.add.f32.msk vm2, v1  }
0x16c: {  	p0 =	por !p0, !p0;
	v5 =	vunpack.i.u.s16.s32 v5;
	v6 =	vunpack.i.u.s16.s32 v10;
	vm2 =	vne.s32 v4, $0x3830;
	[tilespmem:v13+s8+$0x0] =	vst.idx.add.f32.msk vm8, v1  }
0x16d: {  	_ =	sdelay $0x3  }
0x16e: {  	v10 =	vunpack.i.l.s16.s32 v10  }
0x16f: {  	[tilespmem:v8+s8+$0x0] =	vst.idx.add.f32.msk vm4, v1;
	vm5 =	vne.s32 v10, $0x2820  }
0x170: {  	vm6 =	vne.s32 v6, $0x2820;
	[tilespmem:v7+s8+$0x0] =	vst.idx.add.f32.msk vm3, v1  }
0x171: {  	v7 =	vld [tilespmem:s12+$0x5000];
	_ =	sdelay $0x3  }
0x172: {  	v8 =	vunpack.i.l.s16.s32 v9;
	[tilespmem:v10+s8+$0x0] =	vst.idx.add.f32.msk vm5, v1  }
0x173: {  	vm3 =	vne.s32 v8, $0x3028;
	v10 =	vunpack.i.l.s16.s32 v7;
	[tilespmem:v6+s8+$0x0] =	vst.idx.add.f32.msk vm6, v1  }
0x174: {  	v6 =	vunpack.i.u.s16.s32 v9;
	vm5 =	vne.s32 v10, $0x3028;
	v9 =	vld [tilespmem:s12+$0x5020]  }
0x175: {  	v7 =	vunpack.i.u.s16.s32 v7;
	vm4 =	vne.s32 v6, $0x3028  }
0x176: {  	vm6 =	vne.s32 v7, $0x3028;
	_ =	sdelay $0x2  }
0x177: {  	[tilespmem:v8+s8+$0x0] =	vst.idx.add.f32.msk vm3, v1;
	v11 =	vunpack.i.l.s16.s32 v9  }
0x178: {  	v8 =	vunpack.i.u.s16.s32 v9;
	[tilespmem:v10+s8+$0x0] =	vst.idx.add.f32.msk vm5, v1;
	vm3 =	vne.s32 v11, $0x3028  }
0x179: {  	[tilespmem:v6+s8+$0x0] =	vst.idx.add.f32.msk vm4, v1;
	vm4 =	vne.s32 v8, $0x3028  }
0x17a: {  	[tilespmem:v7+s8+$0x0] =	vst.idx.add.f32.msk vm6, v1  }
0x17b: {  	v6 =	vld [tilespmem:s12+$0x6040]  }
0x17c: {  	v7 =	vld [tilespmem:s12+$0x6000];
	_ =	sdelay $0x1  }
0x17d: {  	[tilespmem:v11+s8+$0x0] =	vst.idx.add.f32.msk vm3, v1  }
0x17e: {  	vm3 =	vne.s32 v5, $0x3830;
	[tilespmem:v8+s8+$0x0] =	vst.idx.add.f32.msk vm4, v1  }
0x17f: {  	v8 =	vunpack.i.l.s16.s32 v6;
	v9 =	vld [tilespmem:s12+$0x6020]  }
0x180: {  	v10 =	vunpack.i.l.s16.s32 v7;
	vm4 =	vne.s32 v8, $0x3830  }
0x181: {  	v7 =	vunpack.i.u.s16.s32 v7;
	vm6 =	vne.s32 v10, $0x3830  }
0x182: {  	[tilespmem:v4+s8+$0x0] =	vst.idx.add.f32.msk vm2, v1;
	v6 =	vunpack.i.u.s16.s32 v6;
	vm2 =	vne.s32 v7, $0x3830  }
0x183: {  	vm5 =	vne.s32 v6, $0x3830  }
0x184: {  	[tilespmem:v5+s8+$0x0] =	vst.idx.add.f32.msk vm3, v1;
	v4 =	vunpack.i.l.s16.s32 v9  }
0x185: {  	v5 =	vld [tilespmem:s12+$0x7060];
	vm3 =	vne.s32 v4, $0x3830  }
0x186: {  	[tilespmem:v8+s8+$0x0] =	vst.idx.add.f32.msk vm4, v1;
	v8 =	vunpack.i.u.s16.s32 v9  }
0x187: {  	[tilespmem:v10+s8+$0x0] =	vst.idx.add.f32.msk vm6, v1;
	vm4 =	vne.s32 v8, $0x3830  }
0x188: {  	[tilespmem:v7+s8+$0x0] =	vst.idx.add.f32.msk vm2, v1  }
0x189: {  	[tilespmem:v6+s8+$0x0] =	vst.idx.add.f32.msk vm5, v1  }
0x18a: {  	v6 =	vld [tilespmem:s12+$0x7040]  }
0x18b: {  	[tilespmem:v4+s8+$0x0] =	vst.idx.add.f32.msk vm3, v1  }
0x18c: {  	v4 =	vld [tilespmem:s12+$0x7000]  }
0x18d: {  	v7 =	vunpack.i.l.s16.s32 v5;
	[tilespmem:v8+s8+$0x0] =	vst.idx.add.f32.msk vm4, v1  }
0x18e: {  	v5 =	vunpack.i.u.s16.s32 v5;
	vm2 =	vne.s32 v7, $0x4038;
	v8 =	vld [tilespmem:s12+$0x7020]  }
0x18f: {  	vm3 =	vne.s32 v5, $0x4038;
	v9 =	vunpack.i.l.s16.s32 v6  }
0x190: {  	v6 =	vunpack.i.u.s16.s32 v6;
	vm4 =	vne.s32 v9, $0x4038  }
0x191: {  	vm5 =	vne.s32 v6, $0x4038;
	v10 =	vunpack.i.l.s16.s32 v4  }
0x192: {  	[tilespmem:v3+s8+$0x0] =	vst.idx.add.f32.msk vm1, v1;
	v3 =	vunpack.i.u.s16.s32 v4;
	vm1 =	vne.s32 v10, $0x4038  }
0x193: {  	[tilespmem:v2+s8+$0x0] =	vst.idx.add.f32.msk vm0, v1;
	vm0 =	vne.s32 v3, $0x4038;
	v2 =	vunpack.i.l.s16.s32 v8  }
0x194: {  	[tilespmem:v7+s8+$0x0] =	vst.idx.add.f32.msk vm2, v1;
	v4 =	vunpack.i.u.s16.s32 v8;
	vm2 =	vne.s32 v2, $0x4038  }
0x195: {  	[tilespmem:v5+s8+$0x0] =	vst.idx.add.f32.msk vm3, v1;
	vm3 =	vne.s32 v4, $0x4038  }
0x196: {  	[tilespmem:v9+s8+$0x0] =	vst.idx.add.f32.msk vm4, v1  }
0x197: {  	[tilespmem:v6+s8+$0x0] =	vst.idx.add.f32.msk vm5, v1  }
0x198: {  	[tilespmem:v10+s8+$0x0] =	vst.idx.add.f32.msk vm1, v1  }
0x199: {  	[tilespmem:v3+s8+$0x0] =	vst.idx.add.f32.msk vm0, v1  }
0x19a: {  	[tilespmem:v2+s8+$0x0] =	vst.idx.add.f32.msk vm2, v1  }
0x19b: {  	s13 =	simm.s32 $0x0;
	[tilespmem:v4+s8+$0x0] =	vst.idx.add.f32.msk vm3, v1  }
0x19c: {  	[tilespmem:s13], [sflag:$0x1] =	stream.linear.gather [hbm4b:s19+s13], $0x1000, $0x38;
	[tilespmem:$0x17080] =	vst v63  }
0x19d: {  	s14 =	simm.s32 $0x1000  }
0x19e: {  	[tilespmem:s14], [sflag:$0x1] =	stream.linear.gather [hbm4b:s20+s13], $0x1000, $0x38;
	[tilespmem:$0x17080] =	vst v63  }
0x19f: {  	s15 =	simm.s32 $0x2000  }
0x1a0: {  	[tilespmem:s15], [sflag:$0x1] =	stream.linear.gather [hbm4b:s21+s13], $0x1000, $0x38;
	[tilespmem:$0x17080] =	vst v63  }
0x1a1: {  	s16 =	simm.s32 $0x3000  }
0x1a2: {  	[tilespmem:s16], [sflag:$0x1] =	stream.linear.gather [hbm4b:s22+s13], $0x1000, $0x38;
	[tilespmem:$0x17080] =	vst v63  }
0x1a3: {  	s17 =	simm.s32 $0x4000  }
0x1a4: {  	[tilespmem:s17], [sflag:$0x1] =	stream.linear.gather [hbm4b:s23+s13], $0x1000, $0x38;
	[tilespmem:$0x17080] =	vst v63  }
0x1a5: {  	s14 =	simm.s32 $0x5000  }
0x1a6: {  	[tilespmem:s14], [sflag:$0x1] =	stream.linear.gather [hbm4b:s24+s13], $0x1000, $0x38;
	[tilespmem:$0x17080] =	vst v63  }
0x1a7: {  	s15 =	simm.s32 $0x6000  }
0x1a8: {  	[tilespmem:s15], [sflag:$0x1] =	stream.linear.gather [hbm4b:s25+s13], $0x1000, $0x38;
	[tilespmem:$0x17080] =	vst v63  }
0x1a9: {  	s16 =	simm.s32 $0x7000  }
0x1aa: {  	[tilespmem:s16], [sflag:$0x1] =	stream.linear.gather [hbm4b:s26+s13], $0x1000, $0x38;
	[tilespmem:$0x17080] =	vst v63  }
0x1ab: {  	_ =	swait.ge [sflag:s9], $0x1000  }
0x1ac: {  	[sflag:s9] =	ssyncset.done $0x0  }
0x1ad: {  	[sflag:s9] =	ssyncadd.s32 $0xFFFFF000  }
0x1ae: {  	_ =	swait.ge [sflag:s9], $0x1000  }
0x1af: {  	[sflag:s9] =	ssyncset.done $0x0  }
0x1b0: {  	[sflag:s9] =	ssyncadd.s32 $0xFFFFF000  }
0x1b1: {  	_ =	swait.ge [sflag:s9], $0x1000  }
0x1b2: {  	[sflag:s9] =	ssyncset.done $0x0  }
0x1b3: {  	[sflag:s9] =	ssyncadd.s32 $0xFFFFF000  }
0x1b4: {  	_ =	swait.ge [sflag:s9], $0x1000  }
0x1b5: {  	[sflag:s9] =	ssyncset.done $0x0  }
0x1b6: {  	[sflag:s9] =	ssyncadd.s32 $0xFFFFF000  }
0x1b7: {  	_ =	swait.ge [sflag:s9], $0x1000  }
0x1b8: {  	[sflag:s9] =	ssyncset.done $0x0  }
0x1b9: {  	[sflag:s9] =	ssyncadd.s32 $0xFFFFF000  }
0x1ba: {  	_ =	swait.ge [sflag:s9], $0x1000  }
0x1bb: {  	[sflag:s9] =	ssyncset.done $0x0  }
0x1bc: {  	[sflag:s9] =	ssyncadd.s32 $0xFFFFF000  }
0x1bd: {  	_ =	swait.ge [sflag:s9], $0x1000  }
0x1be: {  	[sflag:s9] =	ssyncset.done $0x0  }
0x1bf: {  	[sflag:s9] =	ssyncadd.s32 $0xFFFFF000  }
0x1c0: {  	_ =	swait.ge [sflag:s9], $0x1000  }
0x1c1: {  	s17 =	simm.s32 $0x0;
	[sflag:s9] =	ssyncset.done $0x0  }
0x1c2: {  	s12 =	sand.u32 $0xF80, s17;
	[sflag:s9] =	ssyncadd.s32 $0xFFFFF000  }
0x1c3: {  	v2 =	vld [tilespmem:s12+$0x8060];
	_ =	sdelay $0x4  }
0x1c4: {  	v3 =	vunpack.i.l.s16.s32 v2  }
0x1c5: {  	v2 =	vunpack.i.u.s16.s32 v2;
	vm0 =	vne.s32 v3, $0x800  }
0x1c6: {  	vm1 =	vne.s32 v2, $0x800;
	_ =	sdelay $0x4  }
0x1c7: {  	[tilespmem:v3+s8+$0x0] =	vst.idx.add.f32.msk vm0, v1  }
0x1c8: {  	[tilespmem:v2+s8+$0x0] =	vst.idx.add.f32.msk vm1, v1  }
0x1c9: {  	v2 =	vld [tilespmem:s12+$0x9060];
	_ =	sdelay $0x2  }
0x1ca: {  	v3 =	vld [tilespmem:s12+$0x8000];
	_ =	sdelay $0x1  }
0x1cb: {  	v5 =	vunpack.i.l.s16.s32 v2  }
0x1cc: {  	v4 =	vld [tilespmem:s12+$0x8020];
	v2 =	vunpack.i.u.s16.s32 v2;
	vm0 =	vne.s32 v5, $0x1008  }
0x1cd: {  	vm1 =	vne.s32 v2, $0x1008  }
0x1ce: {  	v6 =	vunpack.i.l.s16.s32 v3  }
0x1cf: {  	v7 =	vld [tilespmem:s12+$0x8040];
	v3 =	vunpack.i.u.s16.s32 v3;
	vm2 =	vne.s32 v6, $0x800  }
0x1d0: {  	vm3 =	vne.s32 v3, $0x800  }
0x1d1: {  	v8 =	vunpack.i.l.s16.s32 v4  }
0x1d2: {  	v4 =	vunpack.i.u.s16.s32 v4;
	vm4 =	vne.s32 v8, $0x800;
	[tilespmem:v5+s8+$0x0] =	vst.idx.add.f32.msk vm0, v1  }
0x1d3: {  	vm0 =	vne.s32 v4, $0x800;
	[tilespmem:v2+s8+$0x0] =	vst.idx.add.f32.msk vm1, v1  }
0x1d4: {  	v5 =	vunpack.i.l.s16.s32 v7;
	v2 =	vld [tilespmem:s12+$0xA060]  }
0x1d5: {  	[tilespmem:v6+s8+$0x0] =	vst.idx.add.f32.msk vm2, v1;
	v6 =	vunpack.i.u.s16.s32 v7;
	vm1 =	vne.s32 v5, $0x800  }
0x1d6: {  	[tilespmem:v3+s8+$0x0] =	vst.idx.add.f32.msk vm3, v1;
	vm2 =	vne.s32 v6, $0x800  }
0x1d7: {  	v3 =	vld [tilespmem:s12+$0x9000]  }
0x1d8: {  	[tilespmem:v8+s8+$0x0] =	vst.idx.add.f32.msk vm4, v1  }
0x1d9: {  	[tilespmem:v4+s8+$0x0] =	vst.idx.add.f32.msk vm0, v1;
	v4 =	vunpack.i.l.s16.s32 v2  }
0x1da: {  	v7 =	vld [tilespmem:s12+$0x9020];
	v2 =	vunpack.i.u.s16.s32 v2;
	vm0 =	vne.s32 v4, $0x1810  }
0x1db: {  	[tilespmem:v5+s8+$0x0] =	vst.idx.add.f32.msk vm1, v1;
	vm3 =	vne.s32 v2, $0x1810  }
0x1dc: {  	v5 =	vunpack.i.l.s16.s32 v3;
	[tilespmem:v6+s8+$0x0] =	vst.idx.add.f32.msk vm2, v1  }
0x1dd: {  	v3 =	vunpack.i.u.s16.s32 v3;
	vm1 =	vne.s32 v5, $0x1008;
	v6 =	vld [tilespmem:s12+$0x9040]  }
0x1de: {  	vm2 =	vne.s32 v3, $0x1008  }
0x1df: {  	v8 =	vunpack.i.l.s16.s32 v7  }
0x1e0: {  	vm4 =	vne.s32 v8, $0x1008;
	[tilespmem:v4+s8+$0x0] =	vst.idx.add.f32.msk vm0, v1;
	v4 =	vunpack.i.u.s16.s32 v7  }
0x1e1: {  	[tilespmem:v2+s8+$0x0] =	vst.idx.add.f32.msk vm3, v1;
	vm0 =	vne.s32 v4, $0x1008  }
0x1e2: {  	v7 =	vunpack.i.l.s16.s32 v6;
	v2 =	vld [tilespmem:s12+$0xB060]  }
0x1e3: {  	v6 =	vunpack.i.u.s16.s32 v6;
	[tilespmem:v5+s8+$0x0] =	vst.idx.add.f32.msk vm1, v1;
	vm3 =	vne.s32 v7, $0x1008  }
0x1e4: {  	vm1 =	vne.s32 v6, $0x1008;
	[tilespmem:v3+s8+$0x0] =	vst.idx.add.f32.msk vm2, v1  }
0x1e5: {  	v3 =	vld [tilespmem:s12+$0xA000]  }
0x1e6: {  	[tilespmem:v8+s8+$0x0] =	vst.idx.add.f32.msk vm4, v1  }
0x1e7: {  	v5 =	vunpack.i.l.s16.s32 v2;
	[tilespmem:v4+s8+$0x0] =	vst.idx.add.f32.msk vm0, v1  }
0x1e8: {  	v2 =	vunpack.i.u.s16.s32 v2;
	vm0 =	vne.s32 v5, $0x2018;
	v4 =	vld [tilespmem:s12+$0xA020]  }
0x1e9: {  	[tilespmem:v7+s8+$0x0] =	vst.idx.add.f32.msk vm3, v1;
	vm2 =	vne.s32 v2, $0x2018  }
0x1ea: {  	[tilespmem:v6+s8+$0x0] =	vst.idx.add.f32.msk vm1, v1  }
0x1eb: {  	v7 =	vunpack.i.l.s16.s32 v3;
	v6 =	vld [tilespmem:s12+$0xA040]  }
0x1ec: {  	v3 =	vunpack.i.u.s16.s32 v3;
	vm1 =	vne.s32 v7, $0x1810  }
0x1ed: {  	vm3 =	vne.s32 v3, $0x1810;
	v8 =	vunpack.i.l.s16.s32 v4  }
0x1ee: {  	v4 =	vunpack.i.u.s16.s32 v4;
	[tilespmem:v5+s8+$0x0] =	vst.idx.add.f32.msk vm0, v1;
	vm0 =	vne.s32 v8, $0x1810  }
0x1ef: {  	[tilespmem:v2+s8+$0x0] =	vst.idx.add.f32.msk vm2, v1;
	vm2 =	vne.s32 v4, $0x1810  }
0x1f0: {  	v5 =	vunpack.i.l.s16.s32 v6;
	v2 =	vld [tilespmem:s12+$0xC060]  }
0x1f1: {  	v6 =	vunpack.i.u.s16.s32 v6;
	vm4 =	vne.s32 v5, $0x1810  }
0x1f2: {  	[tilespmem:v7+s8+$0x0] =	vst.idx.add.f32.msk vm1, v1;
	vm1 =	vne.s32 v6, $0x1810  }
0x1f3: {  	[tilespmem:v3+s8+$0x0] =	vst.idx.add.f32.msk vm3, v1  }
0x1f4: {  	[tilespmem:v8+s8+$0x0] =	vst.idx.add.f32.msk vm0, v1  }
0x1f5: {  	v3 =	vunpack.i.l.s16.s32 v2;
	[tilespmem:v4+s8+$0x0] =	vst.idx.add.f32.msk vm2, v1  }
0x1f6: {  	v2 =	vunpack.i.u.s16.s32 v2;
	v4 =	vld [tilespmem:s12+$0xB000];
	vm0 =	vne.s32 v3, $0x2820  }
0x1f7: {  	[tilespmem:v5+s8+$0x0] =	vst.idx.add.f32.msk vm4, v1;
	vm2 =	vne.s32 v2, $0x2820  }
0x1f8: {  	[tilespmem:v6+s8+$0x0] =	vst.idx.add.f32.msk vm1, v1  }
0x1f9: {  	v6 =	vld [tilespmem:s12+$0xB040]  }
0x1fa: {  	v5 =	vld [tilespmem:s12+$0xB020];
	_ =	sdelay $0x1  }
0x1fb: {  	v7 =	vunpack.i.l.s16.s32 v4;
	[tilespmem:v3+s8+$0x0] =	vst.idx.add.f32.msk vm0, v1  }
0x1fc: {  	v3 =	vunpack.i.u.s16.s32 v4;
	vm0 =	vne.s32 v7, $0x2018;
	[tilespmem:v2+s8+$0x0] =	vst.idx.add.f32.msk vm2, v1  }
0x1fd: {  	v8 =	vunpack.i.l.s16.s32 v6;
	vm1 =	vne.s32 v3, $0x2018;
	v4 =	vld [tilespmem:s12+$0xD060]  }
0x1fe: {  	v2 =	vunpack.i.l.s16.s32 v5;
	vm4 =	vne.s32 v8, $0x2018  }
0x1ff: {  	v6 =	vunpack.i.u.s16.s32 v6;
	vm2 =	vne.s32 v2, $0x2018  }
0x200: {  	vm5 =	vne.s32 v6, $0x2018  }
0x201: {  	v5 =	vunpack.i.u.s16.s32 v5  }
0x202: {  	vm3 =	vne.s32 v5, $0x2018;
	[tilespmem:v7+s8+$0x0] =	vst.idx.add.f32.msk vm0, v1;
	v7 =	vunpack.i.l.s16.s32 v4  }
0x203: {  	[tilespmem:v3+s8+$0x0] =	vst.idx.add.f32.msk vm1, v1;
	v3 =	vunpack.i.u.s16.s32 v4;
	vm0 =	vne.s32 v7, $0x3028  }
0x204: {  	[tilespmem:v8+s8+$0x0] =	vst.idx.add.f32.msk vm4, v1;
	vm1 =	vne.s32 v3, $0x3028  }
0x205: {  	[tilespmem:v2+s8+$0x0] =	vst.idx.add.f32.msk vm2, v1  }
0x206: {  	[tilespmem:v6+s8+$0x0] =	vst.idx.add.f32.msk vm5, v1  }
0x207: {  	v2 =	vld [tilespmem:s12+$0xC000]  }
0x208: {  	[tilespmem:v5+s8+$0x0] =	vst.idx.add.f32.msk vm3, v1  }
0x209: {  	[tilespmem:v7+s8+$0x0] =	vst.idx.add.f32.msk vm0, v1  }
0x20a: {  	[tilespmem:v3+s8+$0x0] =	vst.idx.add.f32.msk vm1, v1  }
0x20b: {  	v3 =	vld [tilespmem:s12+$0xE060]  }
0x20c: {  	v4 =	vld [tilespmem:s12+$0xC020]  }
0x20d: {  	v8 =	vld [tilespmem:s12+$0xC040];
	v9 =	vunpack.i.l.s16.s32 v2  }
0x20e: {  	v6 =	vunpack.i.u.s16.s32 v2;
	vm5 =	vne.s32 v9, $0x2820  }
0x20f: {  	vm2 =	vne.s32 v6, $0x2820  }
0x210: {  	v2 =	vunpack.i.l.s16.s32 v3  }
0x211: {  	v5 =	vunpack.i.u.s16.s32 v4;
	v3 =	vunpack.i.u.s16.s32 v3;
	vm0 =	vne.s32 v2, $0x3830  }
0x212: {  	v7 =	vunpack.i.l.s16.s32 v4;
	v4 =	vunpack.i.u.s16.s32 v8;
	vm1 =	vne.s32 v3, $0x3830  }
0x213: {  	s14 =	simm.s32 $0x0;
	s15 =	simm.s32 $0x80;
	v8 =	vunpack.i.l.s16.s32 v8;
	vm4 =	vne.s32 v7, $0x2820;
	vm3 =	vne.s32 v5, $0x2820  }
.LBB2_8:
0x214: {  	s16 =	sshrl.u32 s15, $0x1;
	[tilespmem:v9+s8+$0x0] =	vst.idx.add.f32.msk vm5, v1;
	vm6 =	vne.s32 v8, $0x2820;
	vm5 =	vne.s32 v4, $0x2820  }
0x215: {  	s16 =	sand.u32 $0xF80, s16;
	[tilespmem:v6+s8+$0x0] =	vst.idx.add.f32.msk vm2, v1  }
0x216: {  	v6 =	vld [tilespmem:s16+$0x8060]  }
0x217: {  	[tilespmem:v2+s8+$0x0] =	vst.idx.add.f32.msk vm0, v1  }
0x218: {  	[tilespmem:v3+s8+$0x0] =	vst.idx.add.f32.msk vm1, v1  }
0x219: {  	v2 =	vld [tilespmem:s12+$0xF060]  }
0x21a: {  	v3 =	vld [tilespmem:s16+$0x8000]  }
0x21b: {  	v9 =	vld [tilespmem:s16+$0x8020];
	v10 =	vunpack.i.l.s16.s32 v6  }
0x21c: {  	v6 =	vunpack.i.u.s16.s32 v6;
	v11 =	vld [tilespmem:s16+$0x8040];
	vm0 =	vne.s32 v10, $0x800  }
0x21d: {  	s14 =	sadd.s32 $0x4, s14;
	vm1 =	vne.s32 v6, $0x800;
	[tilespmem:v7+s8+$0x0] =	vst.idx.add.f32.msk vm4, v1  }
0x21e: {  	p0 =	slt.u32 s14, $0xFC;
	[tilespmem:v5+s8+$0x0] =	vst.idx.add.f32.msk vm3, v1;
	v5 =	vunpack.i.l.s16.s32 v2  }
0x21f: {  	v2 =	vunpack.i.u.s16.s32 v2;
	v7 =	vunpack.i.u.s16.s32 v3;
	[tilespmem:v8+s8+$0x0] =	vst.idx.add.f32.msk vm6, v1;
	vm2 =	vne.s32 v5, $0x4038  }
0x220: {  	v3 =	vunpack.i.l.s16.s32 v3;
	vm3 =	vne.s32 v2, $0x4038;
	v8 =	vunpack.i.u.s16.s32 v9;
	[tilespmem:v4+s8+$0x0] =	vst.idx.add.f32.msk vm5, v1  }
0x221: {  	v4 =	vunpack.i.l.s16.s32 v9;
	v9 =	vunpack.i.u.s16.s32 v11;
	v11 =	vunpack.i.l.s16.s32 v11;
	v12 =	vld [tilespmem:s12+$0xD000]  }
0x222: {  	vm4 =	vne.s32 v3, $0x800;
	vm5 =	vne.s32 v7, $0x800;
	vm6 =	vne.s32 v4, $0x800;
	[tilespmem:v10+s8+$0x0] =	vst.idx.add.f32.msk vm0, v1  }
0x223: {  	vm7 =	vne.s32 v8, $0x800;
	vm8 =	vne.s32 v11, $0x800;
	vm9 =	vne.s32 v9, $0x800;
	[tilespmem:v6+s8+$0x0] =	vst.idx.add.f32.msk vm1, v1  }
0x224: {  	v6 =	vld [tilespmem:s16+$0x9060]  }
0x225: {  	[tilespmem:v5+s8+$0x0] =	vst.idx.add.f32.msk vm2, v1  }
0x226: {  	s13 =	sadd.s32 $0x1, s13;
	v5 =	vunpack.i.u.s16.s32 v12;
	v10 =	vunpack.i.l.s16.s32 v12;
	[tilespmem:v2+s8+$0x0] =	vst.idx.add.f32.msk vm3, v1  }
0x227: {  	vm1 =	vne.s32 v10, $0x3028;
	vm0 =	vne.s32 v5, $0x3028;
	v2 =	vld [tilespmem:s12+$0xD020]  }
0x228: {  	[tilespmem:v3+s8+$0x0] =	vst.idx.add.f32.msk vm4, v1  }
0x229: {  	[tilespmem:v7+s8+$0x0] =	vst.idx.add.f32.msk vm5, v1  }
0x22a: {  	v3 =	vunpack.i.l.s16.s32 v6;
	[tilespmem:v4+s8+$0x0] =	vst.idx.add.f32.msk vm6, v1  }
0x22b: {  	v4 =	vunpack.i.u.s16.s32 v6;
	vm3 =	vne.s32 v3, $0x1008;
	[tilespmem:v8+s8+$0x0] =	vst.idx.add.f32.msk vm7, v1  }
0x22c: {  	vm5 =	vne.s32 v4, $0x1008;
	[tilespmem:v11+s8+$0x0] =	vst.idx.add.f32.msk vm8, v1;
	v6 =	vunpack.i.u.s16.s32 v2;
	v2 =	vunpack.i.l.s16.s32 v2  }
0x22d: {  	[tilespmem:v9+s8+$0x0] =	vst.idx.add.f32.msk vm9, v1;
	vm4 =	vne.s32 v2, $0x3028;
	vm2 =	vne.s32 v6, $0x3028  }
0x22e: {  	v7 =	vld [tilespmem:s16+$0x9000]  }
0x22f: {  	v8 =	vld [tilespmem:s16+$0x9020]  }
0x230: {  	v9 =	vld [tilespmem:s16+$0x9040]  }
0x231: {  	[tilespmem:v3+s8+$0x0] =	vst.idx.add.f32.msk vm3, v1  }
0x232: {  	[tilespmem:v4+s8+$0x0] =	vst.idx.add.f32.msk vm5, v1  }
0x233: {  	v3 =	vunpack.i.u.s16.s32 v7;
	v4 =	vunpack.i.l.s16.s32 v7;
	v7 =	vld [tilespmem:s16+$0xA060]  }
0x234: {  	vm5 =	vne.s32 v4, $0x1008;
	v11 =	vunpack.i.u.s16.s32 v8;
	v8 =	vunpack.i.l.s16.s32 v8;
	v12 =	vld [tilespmem:s12+$0xD040]  }
0x235: {  	vm6 =	vne.s32 v3, $0x1008;
	v13 =	vunpack.i.u.s16.s32 v9;
	v9 =	vunpack.i.l.s16.s32 v9;
	[tilespmem:v10+s8+$0x0] =	vst.idx.add.f32.msk vm1, v1  }
0x236: {  	vm1 =	vne.s32 v8, $0x1008;
	vm7 =	vne.s32 v11, $0x1008;
	vm8 =	vne.s32 v9, $0x1008;
	[tilespmem:v5+s8+$0x0] =	vst.idx.add.f32.msk vm0, v1  }
0x237: {  	vm3 =	vne.s32 v13, $0x1008;
	[tilespmem:v2+s8+$0x0] =	vst.idx.add.f32.msk vm4, v1  }
0x238: {  	v2 =	vunpack.i.l.s16.s32 v7;
	[tilespmem:v6+s8+$0x0] =	vst.idx.add.f32.msk vm2, v1  }
0x239: {  	v5 =	vunpack.i.u.s16.s32 v7;
	vm0 =	vne.s32 v2, $0x1810;
	v6 =	vld [tilespmem:s12+$0xE000];
	v7 =	vunpack.i.u.s16.s32 v12  }
0x23a: {  	vm4 =	vne.s32 v5, $0x1810;
	[tilespmem:v4+s8+$0x0] =	vst.idx.add.f32.msk vm5, v1;
	v4 =	vunpack.i.l.s16.s32 v12;
	vm2 =	vne.s32 v7, $0x3028  }
0x23b: {  	[tilespmem:v3+s8+$0x0] =	vst.idx.add.f32.msk vm6, v1;
	vm5 =	vne.s32 v4, $0x3028  }
0x23c: {  	[tilespmem:v8+s8+$0x0] =	vst.idx.add.f32.msk vm1, v1  }
0x23d: {  	[tilespmem:v11+s8+$0x0] =	vst.idx.add.f32.msk vm7, v1  }
0x23e: {  	[tilespmem:v9+s8+$0x0] =	vst.idx.add.f32.msk vm8, v1;
	v3 =	vunpack.i.u.s16.s32 v6;
	v6 =	vunpack.i.l.s16.s32 v6  }
0x23f: {  	[tilespmem:v2+s8+$0x0] =	vst.idx.add.f32.msk vm0, v1;
	vm1 =	vne.s32 v6, $0x3830;
	vm0 =	vne.s32 v3, $0x3830  }
0x240: {  	[tilespmem:v5+s8+$0x0] =	vst.idx.add.f32.msk vm4, v1  }
0x241: {  	v2 =	vld [tilespmem:s16+$0xB060]  }
0x242: {  	[tilespmem:v13+s8+$0x0] =	vst.idx.add.f32.msk vm3, v1  }
0x243: {  	v5 =	vld [tilespmem:s16+$0xA000]  }
0x244: {  	v8 =	vld [tilespmem:s16+$0xA020]  }
0x245: {  	v9 =	vld [tilespmem:s16+$0xA040]  }
0x246: {  	v10 =	vunpack.i.l.s16.s32 v2;
	[tilespmem:v4+s8+$0x0] =	vst.idx.add.f32.msk vm5, v1  }
0x247: {  	v2 =	vunpack.i.u.s16.s32 v2;
	vm3 =	vne.s32 v10, $0x2018;
	[tilespmem:v7+s8+$0x0] =	vst.idx.add.f32.msk vm2, v1  }
0x248: {  	vm2 =	vne.s32 v2, $0x2018;
	v4 =	vunpack.i.u.s16.s32 v5;
	v5 =	vunpack.i.l.s16.s32 v5;
	v7 =	vld [tilespmem:s12+$0xE020]  }
0x249: {  	vm5 =	vne.s32 v5, $0x1810;
	v11 =	vunpack.i.u.s16.s32 v8;
	v8 =	vunpack.i.l.s16.s32 v8;
	v12 =	vld [tilespmem:s12+$0xE040]  }
0x24a: {  	vm6 =	vne.s32 v4, $0x1810;
	v13 =	vunpack.i.u.s16.s32 v9;
	v9 =	vunpack.i.l.s16.s32 v9;
	[tilespmem:v6+s8+$0x0] =	vst.idx.add.f32.msk vm1, v1  }
0x24b: {  	vm1 =	vne.s32 v8, $0x1810;
	vm7 =	vne.s32 v11, $0x1810;
	vm8 =	vne.s32 v9, $0x1810;
	[tilespmem:v3+s8+$0x0] =	vst.idx.add.f32.msk vm0, v1  }
0x24c: {  	vm9 =	vne.s32 v13, $0x1810;
	v3 =	vld [tilespmem:s12+$0xF000]  }
0x24d: {  	[tilespmem:v10+s8+$0x0] =	vst.idx.add.f32.msk vm3, v1;
	v6 =	vunpack.i.u.s16.s32 v7;
	v7 =	vunpack.i.l.s16.s32 v7  }
0x24e: {  	[tilespmem:v2+s8+$0x0] =	vst.idx.add.f32.msk vm2, v1;
	vm4 =	vne.s32 v7, $0x3830;
	v2 =	vunpack.i.u.s16.s32 v12;
	v10 =	vunpack.i.l.s16.s32 v12  }
0x24f: {  	vm10 =	vne.s32 v6, $0x3830;
	v12 =	vld [tilespmem:s16+$0xC060];
	vm3 =	vne.s32 v10, $0x3830;
	vm2 =	vne.s32 v2, $0x3830  }
0x250: {  	[tilespmem:v5+s8+$0x0] =	vst.idx.add.f32.msk vm5, v1  }
0x251: {  	[tilespmem:v4+s8+$0x0] =	vst.idx.add.f32.msk vm6, v1;
	v4 =	vunpack.i.u.s16.s32 v3;
	v3 =	vunpack.i.l.s16.s32 v3  }
0x252: {  	[tilespmem:v8+s8+$0x0] =	vst.idx.add.f32.msk vm1, v1;
	vm1 =	vne.s32 v3, $0x4038;
	vm0 =	vne.s32 v4, $0x4038  }
0x253: {  	[tilespmem:v11+s8+$0x0] =	vst.idx.add.f32.msk vm7, v1  }
0x254: {  	[tilespmem:v9+s8+$0x0] =	vst.idx.add.f32.msk vm8, v1;
	v5 =	vunpack.i.l.s16.s32 v12  }
0x255: {  	v8 =	vunpack.i.u.s16.s32 v12;
	[tilespmem:v13+s8+$0x0] =	vst.idx.add.f32.msk vm9, v1;
	vm5 =	vne.s32 v5, $0x2820  }
0x256: {  	vm6 =	vne.s32 v8, $0x2820;
	v9 =	vld [tilespmem:s16+$0xB000]  }
0x257: {  	v11 =	vld [tilespmem:s16+$0xB020]  }
0x258: {  	v12 =	vld [tilespmem:s16+$0xB040]  }
0x259: {  	[tilespmem:v7+s8+$0x0] =	vst.idx.add.f32.msk vm4, v1  }
0x25a: {  	[tilespmem:v6+s8+$0x0] =	vst.idx.add.f32.msk vm10, v1  }
0x25b: {  	v6 =	vunpack.i.u.s16.s32 v9;
	v7 =	vunpack.i.l.s16.s32 v9;
	[tilespmem:v5+s8+$0x0] =	vst.idx.add.f32.msk vm5, v1  }
0x25c: {  	vm4 =	vne.s32 v7, $0x2018;
	v5 =	vunpack.i.u.s16.s32 v11;
	v9 =	vunpack.i.l.s16.s32 v11;
	[tilespmem:v8+s8+$0x0] =	vst.idx.add.f32.msk vm6, v1  }
0x25d: {  	vm5 =	vne.s32 v6, $0x2018;
	v8 =	vunpack.i.u.s16.s32 v12;
	v11 =	vunpack.i.l.s16.s32 v12;
	v12 =	vld [tilespmem:s16+$0xD060]  }
0x25e: {  	vm6 =	vne.s32 v9, $0x2018;
	vm7 =	vne.s32 v5, $0x2018;
	vm8 =	vne.s32 v11, $0x2018;
	[tilespmem:v10+s8+$0x0] =	vst.idx.add.f32.msk vm3, v1  }
0x25f: {  	vm3 =	vne.s32 v8, $0x2018;
	[tilespmem:v2+s8+$0x0] =	vst.idx.add.f32.msk vm2, v1  }
0x260: {  	v2 =	vld [tilespmem:s12+$0xF020]  }
0x261: {  	v10 =	vld [tilespmem:s12+$0xF040];
	s12 =	smov.u32 s16  }
0x262: {  	[tilespmem:v7+s8+$0x0] =	vst.idx.add.f32.msk vm4, v1;
	v7 =	vunpack.i.l.s16.s32 v12  }
0x263: {  	[tilespmem:v6+s8+$0x0] =	vst.idx.add.f32.msk vm5, v1;
	v6 =	vunpack.i.u.s16.s32 v12;
	vm2 =	vne.s32 v7, $0x3028  }
0x264: {  	[tilespmem:v9+s8+$0x0] =	vst.idx.add.f32.msk vm6, v1;
	vm4 =	vne.s32 v6, $0x3028  }
0x265: {  	[tilespmem:v5+s8+$0x0] =	vst.idx.add.f32.msk vm7, v1;
	v12 =	vunpack.i.u.s16.s32 v2;
	v5 =	vunpack.i.l.s16.s32 v2  }
0x266: {  	[tilespmem:v11+s8+$0x0] =	vst.idx.add.f32.msk vm8, v1;
	vm7 =	vne.s32 v5, $0x4038;
	v11 =	vunpack.i.u.s16.s32 v10;
	v10 =	vunpack.i.l.s16.s32 v10  }
0x267: {  	vm8 =	vne.s32 v12, $0x4038;
	[tilespmem:v8+s8+$0x0] =	vst.idx.add.f32.msk vm3, v1;
	vm3 =	vne.s32 v10, $0x4038;
	vm6 =	vne.s32 v11, $0x4038  }
0x268: {  	v2 =	vld [tilespmem:s12+$0xC000]  }
0x269: {  	[tilespmem:v7+s8+$0x0] =	vst.idx.add.f32.msk vm2, v1  }
0x26a: {  	[tilespmem:v6+s8+$0x0] =	vst.idx.add.f32.msk vm4, v1  }
0x26b: {  	v7 =	vld [tilespmem:s12+$0xE060]  }
0x26c: {  	v8 =	vld [tilespmem:s12+$0xC020]  }
0x26d: {  	v6 =	vunpack.i.u.s16.s32 v2;
	v9 =	vunpack.i.l.s16.s32 v2;
	v13 =	vld [tilespmem:s12+$0xC040]  }
0x26e: {  	vm5 =	vne.s32 v9, $0x2820;
	vm2 =	vne.s32 v6, $0x2820;
	[tilespmem:v3+s8+$0x0] =	vst.idx.add.f32.msk vm1, v1  }
.Ltmp3:
0x26f: {  	[tilespmem:v4+s8+$0x0] =	vst.idx.add.f32.msk vm0, v1;
	(pc) =	sbr.rel @p0 .LBB2_8-.Ltmp3, $4  }
0x270: {  	v2 =	vunpack.i.l.s16.s32 v7;
	[tilespmem:v5+s8+$0x0] =	vst.idx.add.f32.msk vm7, v1  }
0x271: {  	v3 =	vunpack.i.u.s16.s32 v7;
	v5 =	vunpack.i.u.s16.s32 v8;
	vm0 =	vne.s32 v2, $0x3830;
	[tilespmem:v12+s8+$0x0] =	vst.idx.add.f32.msk vm8, v1  }
0x272: {  	v7 =	vunpack.i.l.s16.s32 v8;
	vm1 =	vne.s32 v3, $0x3830;
	v4 =	vunpack.i.u.s16.s32 v13;
	[tilespmem:v10+s8+$0x0] =	vst.idx.add.f32.msk vm3, v1  }
0x273: {  	s15 =	sadd.s32 $0x80, s15;
	vm4 =	vne.s32 v7, $0x2820;
	vm3 =	vne.s32 v5, $0x2820;
	v8 =	vunpack.i.l.s16.s32 v13;
	[tilespmem:v11+s8+$0x0] =	vst.idx.add.f32.msk vm6, v1  }
0x274: {  	_ =	sdelay $0x4  }
0x275: {  	[tilespmem:v9+s8+$0x0] =	vst.idx.add.f32.msk vm5, v1  }
0x276: {  	[tilespmem:v7+s8+$0x0] =	vst.idx.add.f32.msk vm4, v1  }
0x277: {  	vm5 =	vne.s32 v8, $0x2820;
	[tilespmem:v6+s8+$0x0] =	vst.idx.add.f32.msk vm2, v1  }
0x278: {  	vm6 =	vne.s32 v4, $0x2820;
	[tilespmem:v5+s8+$0x0] =	vst.idx.add.f32.msk vm3, v1  }
0x279: {  	v6 =	vld [tilespmem:s12+$0xD000]  }
0x27a: {  	v5 =	vld [tilespmem:s12+$0xD020];
	_ =	sdelay $0x2  }
0x27b: {  	[tilespmem:v8+s8+$0x0] =	vst.idx.add.f32.msk vm5, v1  }
0x27c: {  	[tilespmem:v4+s8+$0x0] =	vst.idx.add.f32.msk vm6, v1;
	v4 =	vunpack.i.l.s16.s32 v6  }
0x27d: {  	v8 =	vunpack.i.l.s16.s32 v5;
	vm2 =	vne.s32 v4, $0x3028  }
0x27e: {  	v6 =	vunpack.i.u.s16.s32 v6;
	vm4 =	vne.s32 v8, $0x3028  }
0x27f: {  	v5 =	vunpack.i.u.s16.s32 v5;
	v7 =	vld [tilespmem:s12+$0xD040];
	vm3 =	vne.s32 v6, $0x3028  }
0x280: {  	vm5 =	vne.s32 v5, $0x3028;
	_ =	sdelay $0x2  }
0x281: {  	[tilespmem:v4+s8+$0x0] =	vst.idx.add.f32.msk vm2, v1  }
0x282: {  	v9 =	vunpack.i.l.s16.s32 v7;
	[tilespmem:v8+s8+$0x0] =	vst.idx.add.f32.msk vm4, v1  }
0x283: {  	vm6 =	vne.s32 v9, $0x3028;
	v4 =	vunpack.i.u.s16.s32 v7;
	[tilespmem:v6+s8+$0x0] =	vst.idx.add.f32.msk vm3, v1  }
0x284: {  	vm2 =	vne.s32 v4, $0x3028;
	[tilespmem:v5+s8+$0x0] =	vst.idx.add.f32.msk vm5, v1  }
0x285: {  	v6 =	vld [tilespmem:s12+$0xE000]  }
0x286: {  	v5 =	vld [tilespmem:s12+$0xE020];
	_ =	sdelay $0x2  }
0x287: {  	[tilespmem:v9+s8+$0x0] =	vst.idx.add.f32.msk vm6, v1  }
0x288: {  	[tilespmem:v4+s8+$0x0] =	vst.idx.add.f32.msk vm2, v1;
	v4 =	vunpack.i.l.s16.s32 v6  }
0x289: {  	v8 =	vunpack.i.l.s16.s32 v5;
	v7 =	vld [tilespmem:s12+$0xE040];
	vm2 =	vne.s32 v4, $0x3830  }
0x28a: {  	[tilespmem:v2+s8+$0x0] =	vst.idx.add.f32.msk vm0, v1;
	v6 =	vunpack.i.u.s16.s32 v6;
	vm0 =	vne.s32 v8, $0x3830  }
0x28b: {  	v2 =	vunpack.i.u.s16.s32 v5;
	vm3 =	vne.s32 v6, $0x3830  }
0x28c: {  	[tilespmem:v3+s8+$0x0] =	vst.idx.add.f32.msk vm1, v1;
	vm1 =	vne.s32 v2, $0x3830;
	_ =	sdelay $0x1  }
0x28d: {  	v5 =	vld [tilespmem:s12+$0xF060];
	v3 =	vunpack.i.l.s16.s32 v7  }
0x28e: {  	vm4 =	vne.s32 v3, $0x3830;
	[tilespmem:v4+s8+$0x0] =	vst.idx.add.f32.msk vm2, v1;
	v4 =	vunpack.i.u.s16.s32 v7  }
0x28f: {  	[tilespmem:v8+s8+$0x0] =	vst.idx.add.f32.msk vm0, v1;
	vm2 =	vne.s32 v4, $0x3830  }
0x290: {  	[tilespmem:v6+s8+$0x0] =	vst.idx.add.f32.msk vm3, v1  }
0x291: {  	[tilespmem:v2+s8+$0x0] =	vst.idx.add.f32.msk vm1, v1  }
0x292: {  	v6 =	vld [tilespmem:s12+$0xF000]  }
0x293: {  	v2 =	vld [tilespmem:s12+$0xF020]  }
0x294: {  	[tilespmem:v3+s8+$0x0] =	vst.idx.add.f32.msk vm4, v1  }
0x295: {  	v3 =	vunpack.i.l.s16.s32 v5;
	[tilespmem:v4+s8+$0x0] =	vst.idx.add.f32.msk vm2, v1  }
0x296: {  	v4 =	vunpack.i.u.s16.s32 v5;
	vm0 =	vne.s32 v3, $0x4038;
	v5 =	vld [tilespmem:s12+$0xF040]  }
0x297: {  	v7 =	vunpack.i.l.s16.s32 v6;
	vm1 =	vne.s32 v4, $0x4038  }
0x298: {  	v8 =	vunpack.i.l.s16.s32 v2;
	vm2 =	vne.s32 v7, $0x4038  }
0x299: {  	v6 =	vunpack.i.u.s16.s32 v6;
	vm4 =	vne.s32 v8, $0x4038  }
0x29a: {  	v2 =	vunpack.i.u.s16.s32 v2;
	vm3 =	vne.s32 v6, $0x4038  }
0x29b: {  	vm5 =	vne.s32 v2, $0x4038;
	v9 =	vunpack.i.l.s16.s32 v5  }
0x29c: {  	[tilespmem:v3+s8+$0x0] =	vst.idx.add.f32.msk vm0, v1;
	v3 =	vunpack.i.u.s16.s32 v5;
	vm0 =	vne.s32 v9, $0x4038  }
0x29d: {  	[tilespmem:v4+s8+$0x0] =	vst.idx.add.f32.msk vm1, v1;
	vm1 =	vne.s32 v3, $0x4038  }
0x29e: {  	[tilespmem:v7+s8+$0x0] =	vst.idx.add.f32.msk vm2, v1  }
0x29f: {  	[tilespmem:v8+s8+$0x0] =	vst.idx.add.f32.msk vm4, v1  }
0x2a0: {  	[tilespmem:v6+s8+$0x0] =	vst.idx.add.f32.msk vm3, v1  }
0x2a1: {  	[tilespmem:v2+s8+$0x0] =	vst.idx.add.f32.msk vm5, v1  }
0x2a2: {  	[tilespmem:v9+s8+$0x0] =	vst.idx.add.f32.msk vm0, v1  }
0x2a3: {  	s13 =	simm.s32 $0x8000;
	s12 =	simm.s32 $0x0;
	[tilespmem:v3+s8+$0x0] =	vst.idx.add.f32.msk vm1, v1  }
0x2a4: {  	[tilespmem:s13], [sflag:$0x2] =	stream.linear.gather [hbm4b:s28+s12], $0x1000, $0x38;
	[tilespmem:$0x17080] =	vst v63  }
0x2a5: {  	s16 =	simm.s32 $0x9000  }
0x2a6: {  	[tilespmem:s16], [sflag:$0x2] =	stream.linear.gather [hbm4b:s29+s12], $0x1000, $0x38;
	[tilespmem:$0x17080] =	vst v63  }
0x2a7: {  	s17 =	simm.s32 $0xA000  }
0x2a8: {  	[tilespmem:s17], [sflag:$0x2] =	stream.linear.gather [hbm4b:s30+s12], $0x1000, $0x38;
	[tilespmem:$0x17080] =	vst v63  }
0x2a9: {  	s14 =	simm.s32 $0xB000  }
0x2aa: {  	[tilespmem:s14], [sflag:$0x2] =	stream.linear.gather [hbm4b:s31+s12], $0x1000, $0x38;
	[tilespmem:$0x17080] =	vst v63  }
0x2ab: {  	s15 =	simm.s32 $0xC000  }
0x2ac: {  	[tilespmem:s15], [sflag:$0x2] =	stream.linear.gather [hbm4b:s1+s12], $0x1000, $0x38;
	[tilespmem:$0x17080] =	vst v63  }
0x2ad: {  	s16 =	simm.s32 $0xD000  }
0x2ae: {  	[tilespmem:s16], [sflag:$0x2] =	stream.linear.gather [hbm4b:s0+s12], $0x1000, $0x38;
	[tilespmem:$0x17080] =	vst v63  }
0x2af: {  	s17 =	simm.s32 $0xE000  }
0x2b0: {  	[tilespmem:s17], [sflag:$0x2] =	stream.linear.gather [hbm4b:s3+s12], $0x1000, $0x38;
	[tilespmem:$0x17080] =	vst v63  }
0x2b1: {  	s14 =	simm.s32 $0xF000  }
0x2b2: {  	[tilespmem:s14], [sflag:$0x2] =	stream.linear.gather [hbm4b:s4+s12], $0x1000, $0x38;
	[tilespmem:$0x17080] =	vst v63  }
0x2b3: {  	_ =	swait.ge [sflag:s7], $0x1000  }
0x2b4: {  	[sflag:s7] =	ssyncset.done $0x0  }
0x2b5: {  	[sflag:s7] =	ssyncadd.s32 $0xFFFFF000  }
0x2b6: {  	_ =	swait.ge [sflag:s7], $0x1000  }
0x2b7: {  	[sflag:s7] =	ssyncset.done $0x0  }
0x2b8: {  	[sflag:s7] =	ssyncadd.s32 $0xFFFFF000  }
0x2b9: {  	_ =	swait.ge [sflag:s7], $0x1000  }
0x2ba: {  	[sflag:s7] =	ssyncset.done $0x0  }
0x2bb: {  	[sflag:s7] =	ssyncadd.s32 $0xFFFFF000  }
0x2bc: {  	_ =	swait.ge [sflag:s7], $0x1000  }
0x2bd: {  	[sflag:s7] =	ssyncset.done $0x0  }
0x2be: {  	[sflag:s7] =	ssyncadd.s32 $0xFFFFF000  }
0x2bf: {  	_ =	swait.ge [sflag:s7], $0x1000  }
0x2c0: {  	[sflag:s7] =	ssyncset.done $0x0  }
0x2c1: {  	[sflag:s7] =	ssyncadd.s32 $0xFFFFF000  }
0x2c2: {  	_ =	swait.ge [sflag:s7], $0x1000  }
0x2c3: {  	[sflag:s7] =	ssyncset.done $0x0  }
0x2c4: {  	[sflag:s7] =	ssyncadd.s32 $0xFFFFF000  }
0x2c5: {  	_ =	swait.ge [sflag:s7], $0x1000  }
0x2c6: {  	p0 =	por $0x0, $0x0;
	s12 =	simm.s32 $0x1;
	[sflag:s7] =	ssyncset.done $0x0  }
0x2c7: {  	s12 =	simm.s32 @!p0 $0x0;
	[sflag:s7] =	ssyncadd.s32 $0xFFFFF000  }
0x2c8: {  	s12 =	sadd.s32 $0x0, s12;
	_ =	swait.ge [sflag:s7], $0x1000  }
0x2c9: {  	s15 =	sor.u32 $0xC0, s12;
	[sflag:s7] =	ssyncset.done $0x0  }
0x2ca: {  	s13 =	sshra.s32 s15, $0x1;
	[sflag:s7] =	ssyncadd.s32 $0xFFFFF000  }
0x2cb: {  	v2 =	vld [tilespmem:s13+$0x0];
	_ =	sdelay $0x4  }
0x2cc: {  	v3 =	vunpack.i.l.s16.s32 v2  }
0x2cd: {  	v2 =	vunpack.i.u.s16.s32 v2;
	vm0 =	vne.s32 v3, $0x800  }
0x2ce: {  	vm1 =	vne.s32 v2, $0x800;
	_ =	sdelay $0x4  }
0x2cf: {  	s16 =	simm.s32 $0x0;
	[tilespmem:v3+s8+$0x0] =	vst.idx.add.f32.msk vm0, v1  }
0x2d0: {  	s13 =	sand.u32 $0xF80, s16;
	[tilespmem:v2+s8+$0x0] =	vst.idx.add.f32.msk vm1, v1  }
0x2d1: {  	v2 =	vld [tilespmem:s13+$0x1060];
	_ =	sdelay $0x4  }
0x2d2: {  	v3 =	vunpack.i.l.s16.s32 v2  }
0x2d3: {  	s12 =	sor.u32 $0x80, s12;
	v5 =	vld [tilespmem:s13+$0x0];
	v2 =	vunpack.i.u.s16.s32 v2;
	vm0 =	vne.s32 v3, $0x1008  }
0x2d4: {  	s12 =	sshra.s32 s12, $0x1;
	vm1 =	vne.s32 v2, $0x1008  }
0x2d5: {  	v4 =	vld [tilespmem:s12+$0x0];
	_ =	sdelay $0x2  }
0x2d6: {  	v6 =	vunpack.i.l.s16.s32 v5  }
0x2d7: {  	v5 =	vunpack.i.u.s16.s32 v5;
	vm2 =	vne.s32 v6, $0x800;
	[tilespmem:v3+s8+$0x0] =	vst.idx.add.f32.msk vm0, v1  }
0x2d8: {  	vm3 =	vne.s32 v5, $0x800;
	v3 =	vunpack.i.l.s16.s32 v4;
	[tilespmem:v2+s8+$0x0] =	vst.idx.add.f32.msk vm1, v1  }
0x2d9: {  	v2 =	vunpack.i.u.s16.s32 v4;
	vm0 =	vne.s32 v3, $0x800;
	v4 =	vld [tilespmem:s13+$0x2060]  }
0x2da: {  	v7 =	vld [tilespmem:s13+$0x20];
	vm1 =	vne.s32 v2, $0x800;
	_ =	sdelay $0x2  }
0x2db: {  	[tilespmem:v6+s8+$0x0] =	vst.idx.add.f32.msk vm2, v1  }
0x2dc: {  	[tilespmem:v5+s8+$0x0] =	vst.idx.add.f32.msk vm3, v1;
	v8 =	vunpack.i.l.s16.s32 v4  }
0x2dd: {  	[tilespmem:v3+s8+$0x0] =	vst.idx.add.f32.msk vm0, v1;
	v3 =	vunpack.i.u.s16.s32 v4;
	v4 =	vunpack.i.l.s16.s32 v7;
	vm0 =	vne.s32 v8, $0x1810  }
0x2de: {  	[tilespmem:v2+s8+$0x0] =	vst.idx.add.f32.msk vm1, v1;
	vm2 =	vne.s32 v4, $0x800  }
0x2df: {  	v6 =	vunpack.i.u.s16.s32 v7;
	vm1 =	vne.s32 v3, $0x1810;
	v2 =	vld [tilespmem:s13+$0x1040]  }
0x2e0: {  	vm3 =	vne.s32 v6, $0x800;
	v5 =	vld [tilespmem:s13+$0x1000];
	_ =	sdelay $0x2  }
0x2e1: {  	[tilespmem:v8+s8+$0x0] =	vst.idx.add.f32.msk vm0, v1  }
0x2e2: {  	v7 =	vunpack.i.l.s16.s32 v2;
	[tilespmem:v4+s8+$0x0] =	vst.idx.add.f32.msk vm2, v1  }
0x2e3: {  	v4 =	vunpack.i.l.s16.s32 v5;
	[tilespmem:v3+s8+$0x0] =	vst.idx.add.f32.msk vm1, v1;
	vm0 =	vne.s32 v7, $0x1008  }
0x2e4: {  	v2 =	vunpack.i.u.s16.s32 v2;
	[tilespmem:v6+s8+$0x0] =	vst.idx.add.f32.msk vm3, v1;
	vm2 =	vne.s32 v4, $0x1008  }
0x2e5: {  	v5 =	vunpack.i.u.s16.s32 v5;
	vm1 =	vne.s32 v2, $0x1008;
	v3 =	vld [tilespmem:s13+$0x3060]  }
0x2e6: {  	vm3 =	vne.s32 v5, $0x1008;
	v6 =	vld [tilespmem:s13+$0x1020];
	_ =	sdelay $0x2  }
0x2e7: {  	[tilespmem:v7+s8+$0x0] =	vst.idx.add.f32.msk vm0, v1  }
0x2e8: {  	v8 =	vunpack.i.l.s16.s32 v3;
	[tilespmem:v4+s8+$0x0] =	vst.idx.add.f32.msk vm2, v1  }
0x2e9: {  	v7 =	vunpack.i.l.s16.s32 v6;
	vm0 =	vne.s32 v8, $0x2018;
	[tilespmem:v2+s8+$0x0] =	vst.idx.add.f32.msk vm1, v1  }
0x2ea: {  	v3 =	vunpack.i.u.s16.s32 v3;
	vm2 =	vne.s32 v7, $0x1008;
	[tilespmem:v5+s8+$0x0] =	vst.idx.add.f32.msk vm3, v1  }
0x2eb: {  	v4 =	vunpack.i.u.s16.s32 v6;
	vm1 =	vne.s32 v3, $0x2018;
	v2 =	vld [tilespmem:s13+$0x2040]  }
0x2ec: {  	vm3 =	vne.s32 v4, $0x1008;
	v5 =	vld [tilespmem:s13+$0x2000];
	_ =	sdelay $0x2  }
0x2ed: {  	[tilespmem:v8+s8+$0x0] =	vst.idx.add.f32.msk vm0, v1  }
0x2ee: {  	v6 =	vunpack.i.l.s16.s32 v2;
	[tilespmem:v7+s8+$0x0] =	vst.idx.add.f32.msk vm2, v1  }
0x2ef: {  	v7 =	vunpack.i.l.s16.s32 v5;
	[tilespmem:v3+s8+$0x0] =	vst.idx.add.f32.msk vm1, v1;
	vm0 =	vne.s32 v6, $0x1810  }
0x2f0: {  	v2 =	vunpack.i.u.s16.s32 v2;
	[tilespmem:v4+s8+$0x0] =	vst.idx.add.f32.msk vm3, v1;
	vm2 =	vne.s32 v7, $0x1810  }
0x2f1: {  	vm1 =	vne.s32 v2, $0x1810;
	v4 =	vunpack.i.u.s16.s32 v5;
	v3 =	vld [tilespmem:s13+$0x4060]  }
0x2f2: {  	v5 =	vld [tilespmem:s13+$0x2020];
	vm3 =	vne.s32 v4, $0x1810;
	_ =	sdelay $0x2  }
0x2f3: {  	[tilespmem:v6+s8+$0x0] =	vst.idx.add.f32.msk vm0, v1  }
0x2f4: {  	v8 =	vunpack.i.l.s16.s32 v3;
	[tilespmem:v7+s8+$0x0] =	vst.idx.add.f32.msk vm2, v1  }
0x2f5: {  	v6 =	vunpack.i.l.s16.s32 v5;
	vm0 =	vne.s32 v8, $0x2820;
	[tilespmem:v2+s8+$0x0] =	vst.idx.add.f32.msk vm1, v1  }
0x2f6: {  	v3 =	vunpack.i.u.s16.s32 v3;
	vm2 =	vne.s32 v6, $0x1810;
	[tilespmem:v4+s8+$0x0] =	vst.idx.add.f32.msk vm3, v1  }
0x2f7: {  	v5 =	vunpack.i.u.s16.s32 v5;
	vm1 =	vne.s32 v3, $0x2820;
	v2 =	vld [tilespmem:s13+$0x3040]  }
0x2f8: {  	vm3 =	vne.s32 v5, $0x1810;
	v4 =	vld [tilespmem:s13+$0x3000];
	_ =	sdelay $0x2  }
0x2f9: {  	[tilespmem:v8+s8+$0x0] =	vst.idx.add.f32.msk vm0, v1  }
0x2fa: {  	v7 =	vunpack.i.l.s16.s32 v2;
	[tilespmem:v6+s8+$0x0] =	vst.idx.add.f32.msk vm2, v1  }
0x2fb: {  	v6 =	vunpack.i.l.s16.s32 v4;
	[tilespmem:v3+s8+$0x0] =	vst.idx.add.f32.msk vm1, v1;
	vm0 =	vne.s32 v7, $0x2018  }
0x2fc: {  	v2 =	vunpack.i.u.s16.s32 v2;
	[tilespmem:v5+s8+$0x0] =	vst.idx.add.f32.msk vm3, v1;
	vm2 =	vne.s32 v6, $0x2018  }
0x2fd: {  	v4 =	vunpack.i.u.s16.s32 v4;
	vm1 =	vne.s32 v2, $0x2018;
	v3 =	vld [tilespmem:s13+$0x5060]  }
0x2fe: {  	vm3 =	vne.s32 v4, $0x2018;
	v5 =	vld [tilespmem:s13+$0x3020];
	_ =	sdelay $0x2  }
0x2ff: {  	[tilespmem:v7+s8+$0x0] =	vst.idx.add.f32.msk vm0, v1  }
0x300: {  	v8 =	vunpack.i.l.s16.s32 v3;
	[tilespmem:v6+s8+$0x0] =	vst.idx.add.f32.msk vm2, v1  }
0x301: {  	v7 =	vunpack.i.l.s16.s32 v5;
	vm0 =	vne.s32 v8, $0x3028;
	[tilespmem:v2+s8+$0x0] =	vst.idx.add.f32.msk vm1, v1  }
0x302: {  	v3 =	vunpack.i.u.s16.s32 v3;
	vm2 =	vne.s32 v7, $0x2018;
	[tilespmem:v4+s8+$0x0] =	vst.idx.add.f32.msk vm3, v1  }
0x303: {  	vm1 =	vne.s32 v3, $0x3028;
	v2 =	vld [tilespmem:s13+$0x4040]  }
0x304: {  	v5 =	vunpack.i.u.s16.s32 v5;
	v4 =	vld [tilespmem:s13+$0x4000]  }
0x305: {  	vm3 =	vne.s32 v5, $0x2018;
	_ =	sdelay $0x1  }
0x306: {  	[tilespmem:v8+s8+$0x0] =	vst.idx.add.f32.msk vm0, v1  }
0x307: {  	v6 =	vunpack.i.l.s16.s32 v2;
	[tilespmem:v7+s8+$0x0] =	vst.idx.add.f32.msk vm2, v1  }
0x308: {  	v7 =	vunpack.i.l.s16.s32 v4;
	[tilespmem:v3+s8+$0x0] =	vst.idx.add.f32.msk vm1, v1;
	vm0 =	vne.s32 v6, $0x2820  }
0x309: {  	v2 =	vunpack.i.u.s16.s32 v2;
	vm2 =	vne.s32 v7, $0x2820;
	v3 =	vld [tilespmem:s13+$0x6060]  }
0x30a: {  	v4 =	vunpack.i.u.s16.s32 v4;
	vm1 =	vne.s32 v2, $0x2820;
	[tilespmem:v5+s8+$0x0] =	vst.idx.add.f32.msk vm3, v1  }
0x30b: {  	vm3 =	vne.s32 v4, $0x2820;
	v5 =	vld [tilespmem:s13+$0x4020];
	_ =	sdelay $0x1  }
0x30c: {  	p0 =	por !p0, !p0;
	s12 =	simm.s32 $0x1  }
0x30d: {  	s12 =	simm.s32 @!p0 $0x0;
	v8 =	vunpack.i.l.s16.s32 v3;
	[tilespmem:v6+s8+$0x0] =	vst.idx.add.f32.msk vm0, v1  }
0x30e: {  	s12 =	sadd.s32 $0x80, s12;
	[tilespmem:v7+s8+$0x0] =	vst.idx.add.f32.msk vm2, v1;
	vm0 =	vne.s32 v8, $0x3830  }
0x30f: {  	s14 =	sor.u32 $0xC0, s12;
	v6 =	vunpack.i.l.s16.s32 v5;
	[tilespmem:v2+s8+$0x0] =	vst.idx.add.f32.msk vm1, v1  }
0x310: {  	s14 =	sshra.s32 s14, $0x1;
	v3 =	vunpack.i.u.s16.s32 v3;
	vm2 =	vne.s32 v6, $0x2820;
	[tilespmem:v4+s8+$0x0] =	vst.idx.add.f32.msk vm3, v1  }
0x311: {  	vm1 =	vne.s32 v3, $0x3830;
	v4 =	vld [tilespmem:s14+$0x0]  }
0x312: {  	v5 =	vunpack.i.u.s16.s32 v5;
	v2 =	vld [tilespmem:s13+$0x5040]  }
0x313: {  	s12 =	sor.u32 $0x80, s12;
	vm3 =	vne.s32 v5, $0x2820  }
0x314: {  	s12 =	sshra.s32 s12, $0x1;
	[tilespmem:v8+s8+$0x0] =	vst.idx.add.f32.msk vm0, v1  }
0x315: {  	v8 =	vld [tilespmem:s12+$0x0]  }
0x316: {  	v9 =	vunpack.i.l.s16.s32 v4;
	[tilespmem:v6+s8+$0x0] =	vst.idx.add.f32.msk vm2, v1  }
0x317: {  	v7 =	vunpack.i.l.s16.s32 v2;
	vm2 =	vne.s32 v9, $0x800;
	[tilespmem:v3+s8+$0x0] =	vst.idx.add.f32.msk vm1, v1  }
0x318: {  	v4 =	vunpack.i.u.s16.s32 v4;
	vm0 =	vne.s32 v7, $0x3028;
	v3 =	vld [tilespmem:s13+$0x7060]  }
0x319: {  	v2 =	vunpack.i.u.s16.s32 v2;
	[tilespmem:v5+s8+$0x0] =	vst.idx.add.f32.msk vm3, v1;
	vm3 =	vne.s32 v4, $0x800  }
0x31a: {  	vm1 =	vne.s32 v2, $0x3028;
	_ =	sdelay $0x1  }
0x31b: {  	v5 =	vld [tilespmem:s13+$0x5000]  }
0x31c: {  	[tilespmem:v9+s8+$0x0] =	vst.idx.add.f32.msk vm2, v1;
	v10 =	vunpack.i.l.s16.s32 v3  }
0x31d: {  	[tilespmem:v7+s8+$0x0] =	vst.idx.add.f32.msk vm0, v1;
	v7 =	vunpack.i.l.s16.s32 v8;
	vm0 =	vne.s32 v10, $0x4038  }
0x31e: {  	s17 =	simm.s32 $0x40;
	v3 =	vunpack.i.u.s16.s32 v3;
	[tilespmem:v4+s8+$0x0] =	vst.idx.add.f32.msk vm3, v1;
	vm2 =	vne.s32 v7, $0x800  }
0x31f: {  	s12 =	sand.u32 $0xF80, s17;
	[tilespmem:v2+s8+$0x0] =	vst.idx.add.f32.msk vm1, v1;
	vm1 =	vne.s32 v3, $0x4038  }
0x320: {  	v4 =	vld [tilespmem:s12+$0x1060]  }
0x321: {  	v6 =	vld [tilespmem:s13+$0x5020];
	v8 =	vunpack.i.u.s16.s32 v8  }
0x322: {  	v11 =	vld [tilespmem:s12+$0x20];
	vm3 =	vne.s32 v8, $0x800  }
0x323: {  	v9 =	vunpack.i.l.s16.s32 v5;
	[tilespmem:v10+s8+$0x0] =	vst.idx.add.f32.msk vm0, v1  }
0x324: {  	v5 =	vunpack.i.u.s16.s32 v5;
	vm0 =	vne.s32 v9, $0x3028;
	[tilespmem:v7+s8+$0x0] =	vst.idx.add.f32.msk vm2, v1  }
0x325: {  	v7 =	vunpack.i.l.s16.s32 v4;
	[tilespmem:v3+s8+$0x0] =	vst.idx.add.f32.msk vm1, v1;
	vm1 =	vne.s32 v5, $0x3028  }
0x326: {  	v10 =	vld [tilespmem:s12+$0x0];
	v3 =	vunpack.i.l.s16.s32 v6;
	vm2 =	vne.s32 v7, $0x1008  }
0x327: {  	v2 =	vld [tilespmem:s13+$0x6040];
	vm4 =	vne.s32 v3, $0x3028  }
0x328: {  	v6 =	vunpack.i.u.s16.s32 v6;
	[tilespmem:v8+s8+$0x0] =	vst.idx.add.f32.msk vm3, v1  }
0x329: {  	v4 =	vunpack.i.u.s16.s32 v4;
	vm5 =	vne.s32 v6, $0x3028;
	v8 =	vld [tilespmem:s12+$0x1040]  }
0x32a: {  	vm3 =	vne.s32 v4, $0x1008;
	[tilespmem:v9+s8+$0x0] =	vst.idx.add.f32.msk vm0, v1  }
0x32b: {  	v9 =	vunpack.i.l.s16.s32 v10;
	[tilespmem:v5+s8+$0x0] =	vst.idx.add.f32.msk vm1, v1  }
0x32c: {  	v5 =	vunpack.i.u.s16.s32 v10;
	vm0 =	vne.s32 v9, $0x800;
	[tilespmem:v7+s8+$0x0] =	vst.idx.add.f32.msk vm2, v1  }
0x32d: {  	[tilespmem:v3+s8+$0x0] =	vst.idx.add.f32.msk vm4, v1;
	v3 =	vunpack.i.l.s16.s32 v11;
	vm1 =	vne.s32 v5, $0x800  }
0x32e: {  	v10 =	vld [tilespmem:s13+$0x6000];
	vm4 =	vne.s32 v3, $0x800  }
0x32f: {  	[tilespmem:v6+s8+$0x0] =	vst.idx.add.f32.msk vm5, v1;
	v6 =	vunpack.i.u.s16.s32 v11  }
0x330: {  	[tilespmem:v4+s8+$0x0] =	vst.idx.add.f32.msk vm3, v1;
	v4 =	vunpack.i.l.s16.s32 v8;
	vm5 =	vne.s32 v6, $0x800  }
0x331: {  	v7 =	vld [tilespmem:s12+$0x2060];
	vm2 =	vne.s32 v4, $0x1008  }
0x332: {  	[tilespmem:v9+s8+$0x0] =	vst.idx.add.f32.msk vm0, v1  }
0x333: {  	v8 =	vunpack.i.u.s16.s32 v8;
	[tilespmem:v5+s8+$0x0] =	vst.idx.add.f32.msk vm1, v1  }
0x334: {  	vm0 =	vne.s32 v8, $0x1008;
	[tilespmem:v3+s8+$0x0] =	vst.idx.add.f32.msk vm4, v1  }
0x335: {  	v3 =	vunpack.i.l.s16.s32 v2;
	v5 =	vld [tilespmem:s12+$0x1000]  }
0x336: {  	[tilespmem:v6+s8+$0x0] =	vst.idx.add.f32.msk vm5, v1;
	vm1 =	vne.s32 v3, $0x3830;
	v6 =	vunpack.i.l.s16.s32 v7  }
0x337: {  	[tilespmem:v4+s8+$0x0] =	vst.idx.add.f32.msk vm2, v1;
	v7 =	vunpack.i.u.s16.s32 v7;
	vm3 =	vne.s32 v6, $0x1810  }
0x338: {  	v9 =	vld [tilespmem:s12+$0x1020];
	vm2 =	vne.s32 v7, $0x1810  }
0x339: {  	v12 =	vld [tilespmem:s13+$0x6020];
	v4 =	vunpack.i.l.s16.s32 v10  }
0x33a: {  	v2 =	vunpack.i.u.s16.s32 v2;
	vm4 =	vne.s32 v4, $0x3830;
	[tilespmem:v8+s8+$0x0] =	vst.idx.add.f32.msk vm0, v1  }
0x33b: {  	vm0 =	vne.s32 v2, $0x3830;
	v8 =	vld [tilespmem:s12+$0x2040];
	v11 =	vunpack.i.l.s16.s32 v5  }
0x33c: {  	v5 =	vunpack.i.u.s16.s32 v5;
	vm5 =	vne.s32 v11, $0x1008;
	[tilespmem:v3+s8+$0x0] =	vst.idx.add.f32.msk vm1, v1  }
0x33d: {  	v3 =	vunpack.i.l.s16.s32 v9;
	vm1 =	vne.s32 v5, $0x1008;
	[tilespmem:v6+s8+$0x0] =	vst.idx.add.f32.msk vm3, v1  }
0x33e: {  	v6 =	vunpack.i.u.s16.s32 v9;
	vm3 =	vne.s32 v3, $0x1008;
	[tilespmem:v7+s8+$0x0] =	vst.idx.add.f32.msk vm2, v1  }
0x33f: {  	vm2 =	vne.s32 v6, $0x1008;
	v7 =	vld [tilespmem:s12+$0x3060]  }
0x340: {  	[tilespmem:v4+s8+$0x0] =	vst.idx.add.f32.msk vm4, v1  }
0x341: {  	[tilespmem:v2+s8+$0x0] =	vst.idx.add.f32.msk vm0, v1;
	v2 =	vunpack.i.l.s16.s32 v8  }
0x342: {  	v4 =	vunpack.i.u.s16.s32 v8;
	vm0 =	vne.s32 v2, $0x1810;
	[tilespmem:v11+s8+$0x0] =	vst.idx.add.f32.msk vm5, v1  }
0x343: {  	vm4 =	vne.s32 v4, $0x1810;
	[tilespmem:v5+s8+$0x0] =	vst.idx.add.f32.msk vm1, v1  }
0x344: {  	[tilespmem:v3+s8+$0x0] =	vst.idx.add.f32.msk vm3, v1;
	v3 =	vunpack.i.l.s16.s32 v7  }
0x345: {  	[tilespmem:v6+s8+$0x0] =	vst.idx.add.f32.msk vm2, v1;
	v5 =	vunpack.i.u.s16.s32 v7;
	vm1 =	vne.s32 v3, $0x2018  }
0x346: {  	v6 =	vld [tilespmem:s12+$0x2000];
	vm2 =	vne.s32 v5, $0x2018  }
0x347: {  	v7 =	vunpack.i.u.s16.s32 v10;
	v8 =	vld [tilespmem:s12+$0x2020]  }
0x348: {  	vm3 =	vne.s32 v7, $0x3830;
	[tilespmem:v2+s8+$0x0] =	vst.idx.add.f32.msk vm0, v1  }
0x349: {  	v9 =	vunpack.i.l.s16.s32 v12;
	[tilespmem:v4+s8+$0x0] =	vst.idx.add.f32.msk vm4, v1  }
0x34a: {  	v2 =	vunpack.i.u.s16.s32 v12;
	vm0 =	vne.s32 v9, $0x3830;
	v4 =	vld [tilespmem:s12+$0x3040]  }
0x34b: {  	vm4 =	vne.s32 v2, $0x3830;
	v10 =	vunpack.i.l.s16.s32 v6;
	[tilespmem:v3+s8+$0x0] =	vst.idx.add.f32.msk vm1, v1  }
0x34c: {  	v3 =	vunpack.i.u.s16.s32 v6;
	vm1 =	vne.s32 v10, $0x1810;
	[tilespmem:v5+s8+$0x0] =	vst.idx.add.f32.msk vm2, v1  }
0x34d: {  	v5 =	vunpack.i.l.s16.s32 v8;
	vm2 =	vne.s32 v3, $0x1810;
	v6 =	vld [tilespmem:s12+$0x4060]  }
0x34e: {  	[tilespmem:v7+s8+$0x0] =	vst.idx.add.f32.msk vm3, v1;
	vm5 =	vne.s32 v5, $0x1810  }
0x34f: {  	v7 =	vld [tilespmem:s13+$0x7040];
	v8 =	vunpack.i.u.s16.s32 v8  }
0x350: {  	[tilespmem:v9+s8+$0x0] =	vst.idx.add.f32.msk vm0, v1;
	vm3 =	vne.s32 v8, $0x1810  }
0x351: {  	[tilespmem:v2+s8+$0x0] =	vst.idx.add.f32.msk vm4, v1;
	v2 =	vunpack.i.l.s16.s32 v4  }
0x352: {  	vm0 =	vne.s32 v2, $0x2018;
	[tilespmem:v10+s8+$0x0] =	vst.idx.add.f32.msk vm1, v1;
	v9 =	vunpack.i.l.s16.s32 v6  }
0x353: {  	[tilespmem:v3+s8+$0x0] =	vst.idx.add.f32.msk vm2, v1;
	v3 =	vunpack.i.u.s16.s32 v6;
	vm1 =	vne.s32 v9, $0x2820  }
0x354: {  	[tilespmem:v5+s8+$0x0] =	vst.idx.add.f32.msk vm5, v1;
	vm2 =	vne.s32 v3, $0x2820  }
0x355: {  	v4 =	vunpack.i.u.s16.s32 v4;
	v5 =	vld [tilespmem:s12+$0x3000]  }
0x356: {  	[tilespmem:v8+s8+$0x0] =	vst.idx.add.f32.msk vm3, v1;
	vm3 =	vne.s32 v4, $0x2018  }
0x357: {  	v6 =	vld [tilespmem:s12+$0x3020]  }
0x358: {  	[tilespmem:v2+s8+$0x0] =	vst.idx.add.f32.msk vm0, v1  }
0x359: {  	v2 =	vunpack.i.l.s16.s32 v7;
	[tilespmem:v9+s8+$0x0] =	vst.idx.add.f32.msk vm1, v1  }
0x35a: {  	v7 =	vunpack.i.u.s16.s32 v7;
	vm0 =	vne.s32 v2, $0x4038;
	[tilespmem:v3+s8+$0x0] =	vst.idx.add.f32.msk vm2, v1  }
0x35b: {  	vm1 =	vne.s32 v7, $0x4038;
	v3 =	vunpack.i.l.s16.s32 v5;
	v8 =	vld [tilespmem:s12+$0x5060]  }
0x35c: {  	[tilespmem:v4+s8+$0x0] =	vst.idx.add.f32.msk vm3, v1;
	v4 =	vunpack.i.l.s16.s32 v6;
	vm2 =	vne.s32 v3, $0x2018  }
0x35d: {  	v11 =	vld [tilespmem:s13+$0x7020];
	v5 =	vunpack.i.u.s16.s32 v5;
	vm4 =	vne.s32 v4, $0x2018  }
0x35e: {  	v10 =	vld [tilespmem:s13+$0x7000];
	v6 =	vunpack.i.u.s16.s32 v6;
	vm3 =	vne.s32 v5, $0x2018  }
0x35f: {  	v9 =	vld [tilespmem:s12+$0x4040];
	vm5 =	vne.s32 v6, $0x2018  }
0x360: {  	[tilespmem:v2+s8+$0x0] =	vst.idx.add.f32.msk vm0, v1;
	v62 =	vunpack.i.l.s16.s32 v8  }
0x361: {  	[tilespmem:v7+s8+$0x0] =	vst.idx.add.f32.msk vm1, v1;
	v2 =	vunpack.i.u.s16.s32 v8;
	vm0 =	vne.s32 v62, $0x3028  }
0x362: {  	[tilespmem:v3+s8+$0x0] =	vst.idx.add.f32.msk vm2, v1;
	vm1 =	vne.s32 v2, $0x3028  }
0x363: {  	[tilespmem:v4+s8+$0x0] =	vst.idx.add.f32.msk vm4, v1  }
0x364: {  	v13 =	vunpack.i.l.s16.s32 v10;
	[tilespmem:v5+s8+$0x0] =	vst.idx.add.f32.msk vm3, v1  }
0x365: {  	v5 =	vunpack.i.l.s16.s32 v9;
	[tilespmem:v6+s8+$0x0] =	vst.idx.add.f32.msk vm5, v1;
	vm5 =	vne.s32 v13, $0x4038  }
0x366: {  	v4 =	vunpack.i.u.s16.s32 v9;
	vm2 =	vne.s32 v5, $0x2820;
	v6 =	vld [tilespmem:s12+$0x4000]  }
0x367: {  	vm3 =	vne.s32 v4, $0x2820;
	[tilespmem:v62+s8+$0x0] =	vst.idx.add.f32.msk vm0, v1  }
0x368: {  	v63 =	vunpack.i.u.s16.s32 v10;
	[tilespmem:v2+s8+$0x0] =	vst.idx.add.f32.msk vm1, v1  }
0x369: {  	vm6 =	vne.s32 v63, $0x4038;
	v14 =	vld [tilespmem:s12+$0x6060]  }
0x36a: {  	v3 =	vunpack.i.l.s16.s32 v11;
	v10 =	vld [tilespmem:s12+$0x4020]  }
0x36b: {  	v2 =	vunpack.i.u.s16.s32 v11;
	vm1 =	vne.s32 v3, $0x4038;
	[tilespmem:v13+s8+$0x0] =	vst.idx.add.f32.msk vm5, v1  }
0x36c: {  	v8 =	vunpack.i.l.s16.s32 v6;
	[tilespmem:v5+s8+$0x0] =	vst.idx.add.f32.msk vm2, v1;
	vm0 =	vne.s32 v2, $0x4038  }
0x36d: {  	v7 =	vunpack.i.u.s16.s32 v6;
	vm4 =	vne.s32 v8, $0x2820;
	[tilespmem:v4+s8+$0x0] =	vst.idx.add.f32.msk vm3, v1  }
0x36e: {  	s15 =	simm.s32 $0x1;
	vm3 =	vne.s32 v7, $0x2820;
	v9 =	vld [tilespmem:s12+$0x5040];
	v4 =	vunpack.i.l.s16.s32 v14  }
0x36f: {  	p0 =	por !p0, !p0;
	s14 =	simm.s32 $0x4;
	s13 =	simm.s32 $0x80;
	v6 =	vunpack.i.u.s16.s32 v10;
	[tilespmem:v63+s8+$0x0] =	vst.idx.add.f32.msk vm6, v1;
	v5 =	vunpack.i.u.s16.s32 v14;
	vm2 =	vne.s32 v4, $0x3830  }
.LBB2_10:
0x370: {  	s16 =	simm.s32 $0x1  }
0x371: {  	v10 =	vunpack.i.l.s16.s32 v10;
	vm5 =	vne.s32 v6, $0x2820;
	vm6 =	vne.s32 v5, $0x3830;
	s13 =	sadd.s32 $0x80, s13;
	[tilespmem:v3+s8+$0x0] =	vst.idx.add.f32.msk vm1, v1;
	s16 =	simm.s32 @!p0 $0x0  }
0x372: {  	vm1 =	vne.s32 v10, $0x2820;
	s16 =	sadd.s32 s16, s13;
	[tilespmem:v2+s8+$0x0] =	vst.idx.add.f32.msk vm0, v1  }
0x373: {  	v2 =	vunpack.i.u.s16.s32 v9;
	v3 =	vunpack.i.l.s16.s32 v9;
	s17 =	sor.u32 $0x80, s16;
	s16 =	sor.u32 $0xC0, s16;
	[tilespmem:v8+s8+$0x0] =	vst.idx.add.f32.msk vm4, v1  }
0x374: {  	vm0 =	vne.s32 v2, $0x3028;
	s17 =	sshra.s32 s17, $0x1;
	s16 =	sshra.s32 s16, $0x1;
	[tilespmem:v7+s8+$0x0] =	vst.idx.add.f32.msk vm3, v1;
	vm3 =	vne.s32 v3, $0x3028  }
0x375: {  	v7 =	vld [tilespmem:s16+$0x0]  }
0x376: {  	[tilespmem:v4+s8+$0x0] =	vst.idx.add.f32.msk vm2, v1  }
0x377: {  	[tilespmem:v5+s8+$0x0] =	vst.idx.add.f32.msk vm6, v1  }
0x378: {  	v4 =	vld [tilespmem:s12+$0x7060]  }
0x379: {  	v5 =	vld [tilespmem:s17+$0x0]  }
0x37a: {  	s14 =	sadd.s32 $0x4, s14;
	v8 =	vunpack.i.l.s16.s32 v7;
	[tilespmem:v10+s8+$0x0] =	vst.idx.add.f32.msk vm1, v1  }
0x37b: {  	p1 =	slt.u32 s14, $0xFC;
	v7 =	vunpack.i.u.s16.s32 v7;
	vm1 =	vne.s32 v8, $0x800;
	[tilespmem:v6+s8+$0x0] =	vst.idx.add.f32.msk vm5, v1  }
0x37c: {  	vm2 =	vne.s32 v7, $0x800;
	v6 =	vld [tilespmem:s12+$0x5000]  }
0x37d: {  	v9 =	vld [tilespmem:s12+$0x5020];
	v10 =	vunpack.i.l.s16.s32 v4  }
0x37e: {  	v11 =	vunpack.i.u.s16.s32 v5;
	[tilespmem:v3+s8+$0x0] =	vst.idx.add.f32.msk vm3, v1;
	v3 =	vunpack.i.u.s16.s32 v4;
	vm7 =	vne.s32 v10, $0x4038  }
0x37f: {  	v4 =	vunpack.i.l.s16.s32 v5;
	vm4 =	vne.s32 v11, $0x800;
	[tilespmem:v2+s8+$0x0] =	vst.idx.add.f32.msk vm0, v1;
	vm0 =	vne.s32 v3, $0x4038  }
0x380: {  	vm8 =	vne.s32 v4, $0x800;
	v2 =	vld [tilespmem:s12+$0x6040]  }
0x381: {  	s16 =	sshrl.u32 s13, $0x1;
	[tilespmem:v8+s8+$0x0] =	vst.idx.add.f32.msk vm1, v1;
	v5 =	vunpack.i.u.s16.s32 v6;
	v6 =	vunpack.i.l.s16.s32 v6  }
0x382: {  	s16 =	sand.u32 $0xF80, s16;
	[tilespmem:v7+s8+$0x0] =	vst.idx.add.f32.msk vm2, v1;
	vm5 =	vne.s32 v6, $0x3028;
	v7 =	vunpack.i.u.s16.s32 v9;
	v8 =	vunpack.i.l.s16.s32 v9  }
0x383: {  	vm6 =	vne.s32 v5, $0x3028;
	v9 =	vld [tilespmem:s16+$0x1060];
	vm3 =	vne.s32 v8, $0x3028;
	vm1 =	vne.s32 v7, $0x3028  }
0x384: {  	[tilespmem:v10+s8+$0x0] =	vst.idx.add.f32.msk vm7, v1  }
0x385: {  	s15 =	sadd.s32 $0x1, s15;
	v10 =	vunpack.i.u.s16.s32 v2;
	v2 =	vunpack.i.l.s16.s32 v2;
	[tilespmem:v3+s8+$0x0] =	vst.idx.add.f32.msk vm0, v1  }
0x386: {  	v3 =	vld [tilespmem:s16+$0x0];
	vm2 =	vne.s32 v2, $0x3830;
	vm0 =	vne.s32 v10, $0x3830  }
0x387: {  	v12 =	vld [tilespmem:s16+$0x20]  }
0x388: {  	[tilespmem:v4+s8+$0x0] =	vst.idx.add.f32.msk vm8, v1  }
0x389: {  	v4 =	vunpack.i.l.s16.s32 v9;
	[tilespmem:v11+s8+$0x0] =	vst.idx.add.f32.msk vm4, v1  }
0x38a: {  	v9 =	vunpack.i.u.s16.s32 v9;
	vm4 =	vne.s32 v4, $0x1008;
	v11 =	vld [tilespmem:s16+$0x1040]  }
0x38b: {  	vm7 =	vne.s32 v9, $0x1008;
	v13 =	vunpack.i.u.s16.s32 v3;
	v3 =	vunpack.i.l.s16.s32 v3;
	[tilespmem:v6+s8+$0x0] =	vst.idx.add.f32.msk vm5, v1  }
0x38c: {  	vm5 =	vne.s32 v3, $0x800;
	v6 =	vunpack.i.u.s16.s32 v12;
	v12 =	vunpack.i.l.s16.s32 v12;
	[tilespmem:v5+s8+$0x0] =	vst.idx.add.f32.msk vm6, v1  }
0x38d: {  	vm6 =	vne.s32 v13, $0x800;
	vm8 =	vne.s32 v12, $0x800;
	vm9 =	vne.s32 v6, $0x800;
	[tilespmem:v8+s8+$0x0] =	vst.idx.add.f32.msk vm3, v1  }
0x38e: {  	[tilespmem:v7+s8+$0x0] =	vst.idx.add.f32.msk vm1, v1  }
0x38f: {  	v5 =	vunpack.i.u.s16.s32 v11;
	v7 =	vunpack.i.l.s16.s32 v11;
	v8 =	vld [tilespmem:s12+$0x6000]  }
0x390: {  	vm10 =	vne.s32 v7, $0x1008;
	vm11 =	vne.s32 v5, $0x1008;
	[tilespmem:v4+s8+$0x0] =	vst.idx.add.f32.msk vm4, v1  }
0x391: {  	[tilespmem:v9+s8+$0x0] =	vst.idx.add.f32.msk vm7, v1  }
0x392: {  	v4 =	vld [tilespmem:s16+$0x2060]  }
0x393: {  	[tilespmem:v3+s8+$0x0] =	vst.idx.add.f32.msk vm5, v1  }
0x394: {  	[tilespmem:v13+s8+$0x0] =	vst.idx.add.f32.msk vm6, v1;
	v3 =	vunpack.i.u.s16.s32 v8;
	v8 =	vunpack.i.l.s16.s32 v8  }
0x395: {  	[tilespmem:v12+s8+$0x0] =	vst.idx.add.f32.msk vm8, v1;
	vm3 =	vne.s32 v8, $0x3830;
	vm1 =	vne.s32 v3, $0x3830  }
0x396: {  	[tilespmem:v6+s8+$0x0] =	vst.idx.add.f32.msk vm9, v1  }
0x397: {  	v6 =	vld [tilespmem:s16+$0x1000];
	v9 =	vunpack.i.l.s16.s32 v4  }
0x398: {  	v4 =	vunpack.i.u.s16.s32 v4;
	v11 =	vld [tilespmem:s16+$0x1020];
	vm4 =	vne.s32 v9, $0x1810  }
0x399: {  	vm5 =	vne.s32 v4, $0x1810;
	[tilespmem:v7+s8+$0x0] =	vst.idx.add.f32.msk vm10, v1  }
0x39a: {  	[tilespmem:v5+s8+$0x0] =	vst.idx.add.f32.msk vm11, v1  }
0x39b: {  	v5 =	vld [tilespmem:s16+$0x2040]  }
0x39c: {  	v7 =	vunpack.i.u.s16.s32 v6;
	v6 =	vunpack.i.l.s16.s32 v6;
	v12 =	vld [tilespmem:s12+$0x6020]  }
0x39d: {  	vm6 =	vne.s32 v6, $0x1008;
	v13 =	vunpack.i.u.s16.s32 v11;
	v11 =	vunpack.i.l.s16.s32 v11;
	[tilespmem:v2+s8+$0x0] =	vst.idx.add.f32.msk vm2, v1  }
0x39e: {  	vm7 =	vne.s32 v7, $0x1008;
	vm8 =	vne.s32 v11, $0x1008;
	vm9 =	vne.s32 v13, $0x1008;
	[tilespmem:v9+s8+$0x0] =	vst.idx.add.f32.msk vm4, v1  }
0x39f: {  	[tilespmem:v4+s8+$0x0] =	vst.idx.add.f32.msk vm5, v1  }
0x3a0: {  	v2 =	vunpack.i.u.s16.s32 v5;
	v4 =	vunpack.i.l.s16.s32 v5;
	v5 =	vld [tilespmem:s16+$0x3060]  }
0x3a1: {  	vm4 =	vne.s32 v4, $0x1810;
	vm5 =	vne.s32 v2, $0x1810;
	v9 =	vunpack.i.u.s16.s32 v12;
	[tilespmem:v10+s8+$0x0] =	vst.idx.add.f32.msk vm0, v1  }
0x3a2: {  	[tilespmem:v8+s8+$0x0] =	vst.idx.add.f32.msk vm3, v1;
	v8 =	vunpack.i.l.s16.s32 v12;
	vm0 =	vne.s32 v9, $0x3830  }
0x3a3: {  	[tilespmem:v6+s8+$0x0] =	vst.idx.add.f32.msk vm6, v1;
	vm2 =	vne.s32 v8, $0x3830  }
0x3a4: {  	[tilespmem:v7+s8+$0x0] =	vst.idx.add.f32.msk vm7, v1  }
0x3a5: {  	[tilespmem:v11+s8+$0x0] =	vst.idx.add.f32.msk vm8, v1;
	v6 =	vunpack.i.l.s16.s32 v5  }
0x3a6: {  	v5 =	vunpack.i.u.s16.s32 v5;
	[tilespmem:v13+s8+$0x0] =	vst.idx.add.f32.msk vm9, v1;
	vm3 =	vne.s32 v6, $0x2018  }
0x3a7: {  	vm6 =	vne.s32 v5, $0x2018;
	v7 =	vld [tilespmem:s16+$0x2000]  }
0x3a8: {  	v10 =	vld [tilespmem:s16+$0x2020]  }
0x3a9: {  	[tilespmem:v4+s8+$0x0] =	vst.idx.add.f32.msk vm4, v1  }
0x3aa: {  	[tilespmem:v2+s8+$0x0] =	vst.idx.add.f32.msk vm5, v1  }
0x3ab: {  	v2 =	vld [tilespmem:s16+$0x3040]  }
0x3ac: {  	v4 =	vunpack.i.u.s16.s32 v7;
	v7 =	vunpack.i.l.s16.s32 v7;
	[tilespmem:v6+s8+$0x0] =	vst.idx.add.f32.msk vm3, v1  }
0x3ad: {  	vm3 =	vne.s32 v7, $0x1810;
	v6 =	vunpack.i.u.s16.s32 v10;
	v10 =	vunpack.i.l.s16.s32 v10;
	[tilespmem:v5+s8+$0x0] =	vst.idx.add.f32.msk vm6, v1  }
0x3ae: {  	vm4 =	vne.s32 v4, $0x1810;
	vm5 =	vne.s32 v10, $0x1810;
	vm6 =	vne.s32 v6, $0x1810;
	v5 =	vld [tilespmem:s16+$0x4060]  }
0x3af: {  	[tilespmem:v3+s8+$0x0] =	vst.idx.add.f32.msk vm1, v1  }
0x3b0: {  	v3 =	vunpack.i.u.s16.s32 v2;
	v2 =	vunpack.i.l.s16.s32 v2;
	[tilespmem:v8+s8+$0x0] =	vst.idx.add.f32.msk vm2, v1  }
0x3b1: {  	vm2 =	vne.s32 v2, $0x2018;
	vm1 =	vne.s32 v3, $0x2018;
	[tilespmem:v9+s8+$0x0] =	vst.idx.add.f32.msk vm0, v1  }
0x3b2: {  	v8 =	vld [tilespmem:s12+$0x7040]  }
0x3b3: {  	[tilespmem:v7+s8+$0x0] =	vst.idx.add.f32.msk vm3, v1;
	v7 =	vunpack.i.l.s16.s32 v5  }
0x3b4: {  	[tilespmem:v4+s8+$0x0] =	vst.idx.add.f32.msk vm4, v1;
	v4 =	vunpack.i.u.s16.s32 v5;
	vm0 =	vne.s32 v7, $0x2820  }
0x3b5: {  	[tilespmem:v10+s8+$0x0] =	vst.idx.add.f32.msk vm5, v1;
	vm3 =	vne.s32 v4, $0x2820  }
0x3b6: {  	[tilespmem:v6+s8+$0x0] =	vst.idx.add.f32.msk vm6, v1  }
0x3b7: {  	v5 =	vld [tilespmem:s16+$0x3000];
	v6 =	vunpack.i.u.s16.s32 v8;
	v8 =	vunpack.i.l.s16.s32 v8  }
0x3b8: {  	v9 =	vld [tilespmem:s16+$0x3020];
	vm4 =	vne.s32 v8, $0x4038;
	vm5 =	vne.s32 v6, $0x4038  }
0x3b9: {  	[tilespmem:v2+s8+$0x0] =	vst.idx.add.f32.msk vm2, v1  }
0x3ba: {  	[tilespmem:v7+s8+$0x0] =	vst.idx.add.f32.msk vm0, v1  }
0x3bb: {  	[tilespmem:v4+s8+$0x0] =	vst.idx.add.f32.msk vm3, v1  }
0x3bc: {  	v2 =	vunpack.i.u.s16.s32 v5;
	v4 =	vunpack.i.l.s16.s32 v5;
	v5 =	vld [tilespmem:s16+$0x5060]  }
0x3bd: {  	vm0 =	vne.s32 v4, $0x2018;
	v7 =	vunpack.i.u.s16.s32 v9;
	v9 =	vunpack.i.l.s16.s32 v9;
	[tilespmem:v3+s8+$0x0] =	vst.idx.add.f32.msk vm1, v1  }
0x3be: {  	vm1 =	vne.s32 v2, $0x2018;
	vm2 =	vne.s32 v9, $0x2018;
	vm3 =	vne.s32 v7, $0x2018;
	v3 =	vld [tilespmem:s16+$0x4040]  }
0x3bf: {  	v10 =	vld [tilespmem:s12+$0x7000]  }
0x3c0: {  	v11 =	vld [tilespmem:s12+$0x7020];
	s12 =	smov.u32 s16  }
0x3c1: {  	v12 =	vunpack.i.l.s16.s32 v5;
	[tilespmem:v8+s8+$0x0] =	vst.idx.add.f32.msk vm4, v1  }
0x3c2: {  	v5 =	vunpack.i.u.s16.s32 v5;
	vm4 =	vne.s32 v12, $0x3028;
	[tilespmem:v6+s8+$0x0] =	vst.idx.add.f32.msk vm5, v1  }
0x3c3: {  	vm5 =	vne.s32 v5, $0x3028;
	[tilespmem:v4+s8+$0x0] =	vst.idx.add.f32.msk vm0, v1;
	v4 =	vunpack.i.u.s16.s32 v3;
	v6 =	vunpack.i.l.s16.s32 v3  }
0x3c4: {  	[tilespmem:v2+s8+$0x0] =	vst.idx.add.f32.msk vm1, v1;
	vm6 =	vne.s32 v6, $0x2820;
	vm7 =	vne.s32 v4, $0x2820;
	v13 =	vunpack.i.u.s16.s32 v10  }
0x3c5: {  	v14 =	vunpack.i.l.s16.s32 v10;
	[tilespmem:v9+s8+$0x0] =	vst.idx.add.f32.msk vm2, v1;
	v2 =	vunpack.i.u.s16.s32 v11;
	v3 =	vunpack.i.l.s16.s32 v11  }
0x3c6: {  	vm2 =	vne.s32 v14, $0x4038;
	vm8 =	vne.s32 v13, $0x4038;
	[tilespmem:v7+s8+$0x0] =	vst.idx.add.f32.msk vm3, v1;
	vm1 =	vne.s32 v3, $0x4038  }
0x3c7: {  	vm0 =	vne.s32 v2, $0x4038;
	v8 =	vld [tilespmem:s12+$0x4000]  }
0x3c8: {  	[tilespmem:v12+s8+$0x0] =	vst.idx.add.f32.msk vm4, v1  }
0x3c9: {  	[tilespmem:v5+s8+$0x0] =	vst.idx.add.f32.msk vm5, v1  }
0x3ca: {  	v5 =	vld [tilespmem:s12+$0x6060]  }
0x3cb: {  	v10 =	vld [tilespmem:s12+$0x4020]  }
.Ltmp4:
0x3cc: {  	v7 =	vunpack.i.u.s16.s32 v8;
	v8 =	vunpack.i.l.s16.s32 v8;
	[tilespmem:v6+s8+$0x0] =	vst.idx.add.f32.msk vm6, v1;
	(pc) =	sbr.rel @p1 .LBB2_10-.Ltmp4, $4  }
0x3cd: {  	vm4 =	vne.s32 v8, $0x2820;
	vm3 =	vne.s32 v7, $0x2820;
	[tilespmem:v4+s8+$0x0] =	vst.idx.add.f32.msk vm7, v1  }
0x3ce: {  	v9 =	vld [tilespmem:s12+$0x5040]  }
0x3cf: {  	v4 =	vunpack.i.l.s16.s32 v5;
	[tilespmem:v14+s8+$0x0] =	vst.idx.add.f32.msk vm2, v1  }
0x3d0: {  	p0 =	por !p0, !p0;
	v5 =	vunpack.i.u.s16.s32 v5;
	v6 =	vunpack.i.u.s16.s32 v10;
	vm2 =	vne.s32 v4, $0x3830;
	[tilespmem:v13+s8+$0x0] =	vst.idx.add.f32.msk vm8, v1  }
0x3d1: {  	_ =	sdelay $0x3  }
0x3d2: {  	v10 =	vunpack.i.l.s16.s32 v10  }
0x3d3: {  	[tilespmem:v8+s8+$0x0] =	vst.idx.add.f32.msk vm4, v1;
	vm5 =	vne.s32 v10, $0x2820  }
0x3d4: {  	vm6 =	vne.s32 v6, $0x2820;
	[tilespmem:v7+s8+$0x0] =	vst.idx.add.f32.msk vm3, v1  }
0x3d5: {  	v7 =	vld [tilespmem:s12+$0x5000];
	_ =	sdelay $0x3  }
0x3d6: {  	v8 =	vunpack.i.l.s16.s32 v9;
	[tilespmem:v10+s8+$0x0] =	vst.idx.add.f32.msk vm5, v1  }
0x3d7: {  	vm3 =	vne.s32 v8, $0x3028;
	v10 =	vunpack.i.l.s16.s32 v7;
	[tilespmem:v6+s8+$0x0] =	vst.idx.add.f32.msk vm6, v1  }
0x3d8: {  	v6 =	vunpack.i.u.s16.s32 v9;
	vm5 =	vne.s32 v10, $0x3028;
	v9 =	vld [tilespmem:s12+$0x5020]  }
0x3d9: {  	v7 =	vunpack.i.u.s16.s32 v7;
	vm4 =	vne.s32 v6, $0x3028  }
0x3da: {  	vm6 =	vne.s32 v7, $0x3028;
	_ =	sdelay $0x2  }
0x3db: {  	[tilespmem:v8+s8+$0x0] =	vst.idx.add.f32.msk vm3, v1;
	v11 =	vunpack.i.l.s16.s32 v9  }
0x3dc: {  	v8 =	vunpack.i.u.s16.s32 v9;
	[tilespmem:v10+s8+$0x0] =	vst.idx.add.f32.msk vm5, v1;
	vm3 =	vne.s32 v11, $0x3028  }
0x3dd: {  	[tilespmem:v6+s8+$0x0] =	vst.idx.add.f32.msk vm4, v1;
	vm4 =	vne.s32 v8, $0x3028  }
0x3de: {  	[tilespmem:v7+s8+$0x0] =	vst.idx.add.f32.msk vm6, v1  }
0x3df: {  	v6 =	vld [tilespmem:s12+$0x6040]  }
0x3e0: {  	v7 =	vld [tilespmem:s12+$0x6000];
	_ =	sdelay $0x1  }
0x3e1: {  	[tilespmem:v11+s8+$0x0] =	vst.idx.add.f32.msk vm3, v1  }
0x3e2: {  	vm3 =	vne.s32 v5, $0x3830;
	[tilespmem:v8+s8+$0x0] =	vst.idx.add.f32.msk vm4, v1  }
0x3e3: {  	v8 =	vunpack.i.l.s16.s32 v6;
	v9 =	vld [tilespmem:s12+$0x6020]  }
0x3e4: {  	v10 =	vunpack.i.l.s16.s32 v7;
	vm4 =	vne.s32 v8, $0x3830  }
0x3e5: {  	v7 =	vunpack.i.u.s16.s32 v7;
	vm6 =	vne.s32 v10, $0x3830  }
0x3e6: {  	[tilespmem:v4+s8+$0x0] =	vst.idx.add.f32.msk vm2, v1;
	v6 =	vunpack.i.u.s16.s32 v6;
	vm2 =	vne.s32 v7, $0x3830  }
0x3e7: {  	vm5 =	vne.s32 v6, $0x3830  }
0x3e8: {  	[tilespmem:v5+s8+$0x0] =	vst.idx.add.f32.msk vm3, v1;
	v4 =	vunpack.i.l.s16.s32 v9  }
0x3e9: {  	v5 =	vld [tilespmem:s12+$0x7060];
	vm3 =	vne.s32 v4, $0x3830  }
0x3ea: {  	[tilespmem:v8+s8+$0x0] =	vst.idx.add.f32.msk vm4, v1;
	v8 =	vunpack.i.u.s16.s32 v9  }
0x3eb: {  	[tilespmem:v10+s8+$0x0] =	vst.idx.add.f32.msk vm6, v1;
	vm4 =	vne.s32 v8, $0x3830  }
0x3ec: {  	[tilespmem:v7+s8+$0x0] =	vst.idx.add.f32.msk vm2, v1  }
0x3ed: {  	[tilespmem:v6+s8+$0x0] =	vst.idx.add.f32.msk vm5, v1  }
0x3ee: {  	v6 =	vld [tilespmem:s12+$0x7040]  }
0x3ef: {  	[tilespmem:v4+s8+$0x0] =	vst.idx.add.f32.msk vm3, v1  }
0x3f0: {  	v4 =	vld [tilespmem:s12+$0x7000]  }
0x3f1: {  	v7 =	vunpack.i.l.s16.s32 v5;
	[tilespmem:v8+s8+$0x0] =	vst.idx.add.f32.msk vm4, v1  }
0x3f2: {  	v5 =	vunpack.i.u.s16.s32 v5;
	vm2 =	vne.s32 v7, $0x4038;
	v8 =	vld [tilespmem:s12+$0x7020]  }
0x3f3: {  	vm3 =	vne.s32 v5, $0x4038;
	v9 =	vunpack.i.l.s16.s32 v6  }
0x3f4: {  	v6 =	vunpack.i.u.s16.s32 v6;
	vm4 =	vne.s32 v9, $0x4038  }
0x3f5: {  	vm5 =	vne.s32 v6, $0x4038;
	v10 =	vunpack.i.l.s16.s32 v4  }
0x3f6: {  	[tilespmem:v3+s8+$0x0] =	vst.idx.add.f32.msk vm1, v1;
	v3 =	vunpack.i.u.s16.s32 v4;
	vm1 =	vne.s32 v10, $0x4038  }
0x3f7: {  	[tilespmem:v2+s8+$0x0] =	vst.idx.add.f32.msk vm0, v1;
	vm0 =	vne.s32 v3, $0x4038;
	v2 =	vunpack.i.l.s16.s32 v8  }
0x3f8: {  	[tilespmem:v7+s8+$0x0] =	vst.idx.add.f32.msk vm2, v1;
	v4 =	vunpack.i.u.s16.s32 v8;
	vm2 =	vne.s32 v2, $0x4038  }
0x3f9: {  	[tilespmem:v5+s8+$0x0] =	vst.idx.add.f32.msk vm3, v1;
	vm3 =	vne.s32 v4, $0x4038  }
0x3fa: {  	[tilespmem:v9+s8+$0x0] =	vst.idx.add.f32.msk vm4, v1  }
0x3fb: {  	[tilespmem:v6+s8+$0x0] =	vst.idx.add.f32.msk vm5, v1  }
0x3fc: {  	[tilespmem:v10+s8+$0x0] =	vst.idx.add.f32.msk vm1, v1  }
0x3fd: {  	[tilespmem:v3+s8+$0x0] =	vst.idx.add.f32.msk vm0, v1  }
0x3fe: {  	[tilespmem:v2+s8+$0x0] =	vst.idx.add.f32.msk vm2, v1  }
0x3ff: {  	[tilespmem:v4+s8+$0x0] =	vst.idx.add.f32.msk vm3, v1  }
0x400: {  	_ =	swait.ge [sflag:s9], $0x1000  }
0x401: {  	[sflag:s9] =	ssyncset.done $0x0  }
0x402: {  	[sflag:s9] =	ssyncadd.s32 $0xFFFFF000  }
0x403: {  	_ =	swait.ge [sflag:s9], $0x1000  }
0x404: {  	[sflag:s9] =	ssyncset.done $0x0  }
0x405: {  	[sflag:s9] =	ssyncadd.s32 $0xFFFFF000  }
0x406: {  	_ =	swait.ge [sflag:s9], $0x1000  }
0x407: {  	[sflag:s9] =	ssyncset.done $0x0  }
0x408: {  	[sflag:s9] =	ssyncadd.s32 $0xFFFFF000  }
0x409: {  	_ =	swait.ge [sflag:s9], $0x1000  }
0x40a: {  	[sflag:s9] =	ssyncset.done $0x0  }
0x40b: {  	[sflag:s9] =	ssyncadd.s32 $0xFFFFF000  }
0x40c: {  	_ =	swait.ge [sflag:s9], $0x1000  }
0x40d: {  	[sflag:s9] =	ssyncset.done $0x0  }
0x40e: {  	[sflag:s9] =	ssyncadd.s32 $0xFFFFF000  }
0x40f: {  	_ =	swait.ge [sflag:s9], $0x1000  }
0x410: {  	[sflag:s9] =	ssyncset.done $0x0  }
0x411: {  	[sflag:s9] =	ssyncadd.s32 $0xFFFFF000  }
0x412: {  	_ =	swait.ge [sflag:s9], $0x1000  }
0x413: {  	[sflag:s9] =	ssyncset.done $0x0  }
0x414: {  	[sflag:s9] =	ssyncadd.s32 $0xFFFFF000  }
0x415: {  	_ =	swait.ge [sflag:s9], $0x1000  }
0x416: {  	s17 =	simm.s32 $0x0;
	[sflag:s9] =	ssyncset.done $0x0  }
0x417: {  	s12 =	sand.u32 $0xF80, s17;
	[sflag:s9] =	ssyncadd.s32 $0xFFFFF000  }
0x418: {  	v2 =	vld [tilespmem:s12+$0x8060];
	_ =	sdelay $0x4  }
0x419: {  	v3 =	vunpack.i.l.s16.s32 v2  }
0x41a: {  	v2 =	vunpack.i.u.s16.s32 v2;
	vm0 =	vne.s32 v3, $0x800  }
0x41b: {  	vm1 =	vne.s32 v2, $0x800;
	_ =	sdelay $0x4  }
0x41c: {  	[tilespmem:v3+s8+$0x0] =	vst.idx.add.f32.msk vm0, v1  }
0x41d: {  	[tilespmem:v2+s8+$0x0] =	vst.idx.add.f32.msk vm1, v1  }
0x41e: {  	v2 =	vld [tilespmem:s12+$0x9060];
	_ =	sdelay $0x2  }
0x41f: {  	v3 =	vld [tilespmem:s12+$0x8000];
	_ =	sdelay $0x1  }
0x420: {  	v5 =	vunpack.i.l.s16.s32 v2  }
0x421: {  	v4 =	vld [tilespmem:s12+$0x8020];
	v2 =	vunpack.i.u.s16.s32 v2;
	vm0 =	vne.s32 v5, $0x1008  }
0x422: {  	vm1 =	vne.s32 v2, $0x1008  }
0x423: {  	v6 =	vunpack.i.l.s16.s32 v3  }
0x424: {  	v7 =	vld [tilespmem:s12+$0x8040];
	v3 =	vunpack.i.u.s16.s32 v3;
	vm2 =	vne.s32 v6, $0x800  }
0x425: {  	vm3 =	vne.s32 v3, $0x800  }
0x426: {  	v8 =	vunpack.i.l.s16.s32 v4  }
0x427: {  	v4 =	vunpack.i.u.s16.s32 v4;
	vm4 =	vne.s32 v8, $0x800;
	[tilespmem:v5+s8+$0x0] =	vst.idx.add.f32.msk vm0, v1  }
0x428: {  	vm0 =	vne.s32 v4, $0x800;
	[tilespmem:v2+s8+$0x0] =	vst.idx.add.f32.msk vm1, v1  }
0x429: {  	v5 =	vunpack.i.l.s16.s32 v7;
	v2 =	vld [tilespmem:s12+$0xA060]  }
0x42a: {  	[tilespmem:v6+s8+$0x0] =	vst.idx.add.f32.msk vm2, v1;
	v6 =	vunpack.i.u.s16.s32 v7;
	vm1 =	vne.s32 v5, $0x800  }
0x42b: {  	[tilespmem:v3+s8+$0x0] =	vst.idx.add.f32.msk vm3, v1;
	vm2 =	vne.s32 v6, $0x800  }
0x42c: {  	v3 =	vld [tilespmem:s12+$0x9000]  }
0x42d: {  	[tilespmem:v8+s8+$0x0] =	vst.idx.add.f32.msk vm4, v1  }
0x42e: {  	[tilespmem:v4+s8+$0x0] =	vst.idx.add.f32.msk vm0, v1;
	v4 =	vunpack.i.l.s16.s32 v2  }
0x42f: {  	v7 =	vld [tilespmem:s12+$0x9020];
	v2 =	vunpack.i.u.s16.s32 v2;
	vm0 =	vne.s32 v4, $0x1810  }
0x430: {  	[tilespmem:v5+s8+$0x0] =	vst.idx.add.f32.msk vm1, v1;
	vm3 =	vne.s32 v2, $0x1810  }
0x431: {  	v5 =	vunpack.i.l.s16.s32 v3;
	[tilespmem:v6+s8+$0x0] =	vst.idx.add.f32.msk vm2, v1  }
0x432: {  	v3 =	vunpack.i.u.s16.s32 v3;
	vm1 =	vne.s32 v5, $0x1008;
	v6 =	vld [tilespmem:s12+$0x9040]  }
0x433: {  	vm2 =	vne.s32 v3, $0x1008  }
0x434: {  	v8 =	vunpack.i.l.s16.s32 v7  }
0x435: {  	vm4 =	vne.s32 v8, $0x1008;
	[tilespmem:v4+s8+$0x0] =	vst.idx.add.f32.msk vm0, v1;
	v4 =	vunpack.i.u.s16.s32 v7  }
0x436: {  	[tilespmem:v2+s8+$0x0] =	vst.idx.add.f32.msk vm3, v1;
	vm0 =	vne.s32 v4, $0x1008  }
0x437: {  	v7 =	vunpack.i.l.s16.s32 v6;
	v2 =	vld [tilespmem:s12+$0xB060]  }
0x438: {  	v6 =	vunpack.i.u.s16.s32 v6;
	[tilespmem:v5+s8+$0x0] =	vst.idx.add.f32.msk vm1, v1;
	vm3 =	vne.s32 v7, $0x1008  }
0x439: {  	vm1 =	vne.s32 v6, $0x1008;
	[tilespmem:v3+s8+$0x0] =	vst.idx.add.f32.msk vm2, v1  }
0x43a: {  	v3 =	vld [tilespmem:s12+$0xA000]  }
0x43b: {  	[tilespmem:v8+s8+$0x0] =	vst.idx.add.f32.msk vm4, v1  }
0x43c: {  	v5 =	vunpack.i.l.s16.s32 v2;
	[tilespmem:v4+s8+$0x0] =	vst.idx.add.f32.msk vm0, v1  }
0x43d: {  	v2 =	vunpack.i.u.s16.s32 v2;
	vm0 =	vne.s32 v5, $0x2018;
	v4 =	vld [tilespmem:s12+$0xA020]  }
0x43e: {  	[tilespmem:v7+s8+$0x0] =	vst.idx.add.f32.msk vm3, v1;
	vm2 =	vne.s32 v2, $0x2018  }
0x43f: {  	[tilespmem:v6+s8+$0x0] =	vst.idx.add.f32.msk vm1, v1  }
0x440: {  	v7 =	vunpack.i.l.s16.s32 v3;
	v6 =	vld [tilespmem:s12+$0xA040]  }
0x441: {  	v3 =	vunpack.i.u.s16.s32 v3;
	vm1 =	vne.s32 v7, $0x1810  }
0x442: {  	vm3 =	vne.s32 v3, $0x1810;
	v8 =	vunpack.i.l.s16.s32 v4  }
0x443: {  	v4 =	vunpack.i.u.s16.s32 v4;
	[tilespmem:v5+s8+$0x0] =	vst.idx.add.f32.msk vm0, v1;
	vm0 =	vne.s32 v8, $0x1810  }
0x444: {  	[tilespmem:v2+s8+$0x0] =	vst.idx.add.f32.msk vm2, v1;
	vm2 =	vne.s32 v4, $0x1810  }
0x445: {  	v5 =	vunpack.i.l.s16.s32 v6;
	v2 =	vld [tilespmem:s12+$0xC060]  }
0x446: {  	v6 =	vunpack.i.u.s16.s32 v6;
	vm4 =	vne.s32 v5, $0x1810  }
0x447: {  	[tilespmem:v7+s8+$0x0] =	vst.idx.add.f32.msk vm1, v1;
	vm1 =	vne.s32 v6, $0x1810  }
0x448: {  	[tilespmem:v3+s8+$0x0] =	vst.idx.add.f32.msk vm3, v1  }
0x449: {  	[tilespmem:v8+s8+$0x0] =	vst.idx.add.f32.msk vm0, v1  }
0x44a: {  	v3 =	vunpack.i.l.s16.s32 v2;
	[tilespmem:v4+s8+$0x0] =	vst.idx.add.f32.msk vm2, v1  }
0x44b: {  	v2 =	vunpack.i.u.s16.s32 v2;
	v4 =	vld [tilespmem:s12+$0xB000];
	vm0 =	vne.s32 v3, $0x2820  }
0x44c: {  	[tilespmem:v5+s8+$0x0] =	vst.idx.add.f32.msk vm4, v1;
	vm2 =	vne.s32 v2, $0x2820  }
0x44d: {  	[tilespmem:v6+s8+$0x0] =	vst.idx.add.f32.msk vm1, v1  }
0x44e: {  	v6 =	vld [tilespmem:s12+$0xB040]  }
0x44f: {  	v5 =	vld [tilespmem:s12+$0xB020];
	_ =	sdelay $0x1  }
0x450: {  	v7 =	vunpack.i.l.s16.s32 v4;
	[tilespmem:v3+s8+$0x0] =	vst.idx.add.f32.msk vm0, v1  }
0x451: {  	v3 =	vunpack.i.u.s16.s32 v4;
	vm0 =	vne.s32 v7, $0x2018;
	[tilespmem:v2+s8+$0x0] =	vst.idx.add.f32.msk vm2, v1  }
0x452: {  	v8 =	vunpack.i.l.s16.s32 v6;
	vm1 =	vne.s32 v3, $0x2018;
	v4 =	vld [tilespmem:s12+$0xD060]  }
0x453: {  	v2 =	vunpack.i.l.s16.s32 v5;
	vm4 =	vne.s32 v8, $0x2018  }
0x454: {  	v6 =	vunpack.i.u.s16.s32 v6;
	vm2 =	vne.s32 v2, $0x2018  }
0x455: {  	vm5 =	vne.s32 v6, $0x2018  }
0x456: {  	v5 =	vunpack.i.u.s16.s32 v5  }
0x457: {  	vm3 =	vne.s32 v5, $0x2018;
	[tilespmem:v7+s8+$0x0] =	vst.idx.add.f32.msk vm0, v1;
	v7 =	vunpack.i.l.s16.s32 v4  }
0x458: {  	[tilespmem:v3+s8+$0x0] =	vst.idx.add.f32.msk vm1, v1;
	v3 =	vunpack.i.u.s16.s32 v4;
	vm0 =	vne.s32 v7, $0x3028  }
0x459: {  	[tilespmem:v8+s8+$0x0] =	vst.idx.add.f32.msk vm4, v1;
	vm1 =	vne.s32 v3, $0x3028  }
0x45a: {  	[tilespmem:v2+s8+$0x0] =	vst.idx.add.f32.msk vm2, v1  }
0x45b: {  	[tilespmem:v6+s8+$0x0] =	vst.idx.add.f32.msk vm5, v1  }
0x45c: {  	v2 =	vld [tilespmem:s12+$0xC000]  }
0x45d: {  	[tilespmem:v5+s8+$0x0] =	vst.idx.add.f32.msk vm3, v1  }
0x45e: {  	[tilespmem:v7+s8+$0x0] =	vst.idx.add.f32.msk vm0, v1  }
0x45f: {  	[tilespmem:v3+s8+$0x0] =	vst.idx.add.f32.msk vm1, v1  }
0x460: {  	v3 =	vld [tilespmem:s12+$0xE060]  }
0x461: {  	v4 =	vld [tilespmem:s12+$0xC020]  }
0x462: {  	v8 =	vld [tilespmem:s12+$0xC040];
	v9 =	vunpack.i.l.s16.s32 v2  }
0x463: {  	v6 =	vunpack.i.u.s16.s32 v2;
	vm4 =	vne.s32 v9, $0x2820  }
0x464: {  	vm2 =	vne.s32 v6, $0x2820  }
0x465: {  	v2 =	vunpack.i.l.s16.s32 v3  }
0x466: {  	v5 =	vunpack.i.u.s16.s32 v4;
	v3 =	vunpack.i.u.s16.s32 v3;
	vm0 =	vne.s32 v2, $0x3830  }
0x467: {  	v7 =	vunpack.i.l.s16.s32 v4;
	v4 =	vunpack.i.u.s16.s32 v8;
	vm1 =	vne.s32 v3, $0x3830  }
0x468: {  	s13 =	simm.s32 $0x0;
	s14 =	simm.s32 $0x0;
	s15 =	simm.s32 $0x80;
	v8 =	vunpack.i.l.s16.s32 v8;
	vm5 =	vne.s32 v7, $0x2820;
	vm3 =	vne.s32 v5, $0x2820  }
.LBB2_12:
0x469: {  	s16 =	sshrl.u32 s15, $0x1;
	[tilespmem:v9+s8+$0x0] =	vst.idx.add.f32.msk vm4, v1;
	vm6 =	vne.s32 v8, $0x2820;
	vm4 =	vne.s32 v4, $0x2820  }
0x46a: {  	s16 =	sand.u32 $0xF80, s16;
	[tilespmem:v6+s8+$0x0] =	vst.idx.add.f32.msk vm2, v1  }
0x46b: {  	v6 =	vld [tilespmem:s16+$0x8060]  }
0x46c: {  	[tilespmem:v2+s8+$0x0] =	vst.idx.add.f32.msk vm0, v1  }
0x46d: {  	[tilespmem:v3+s8+$0x0] =	vst.idx.add.f32.msk vm1, v1  }
0x46e: {  	v2 =	vld [tilespmem:s12+$0xF060]  }
0x46f: {  	v3 =	vld [tilespmem:s16+$0x8000]  }
0x470: {  	v9 =	vld [tilespmem:s16+$0x8020];
	v10 =	vunpack.i.l.s16.s32 v6  }
0x471: {  	v6 =	vunpack.i.u.s16.s32 v6;
	v11 =	vld [tilespmem:s16+$0x8040];
	vm0 =	vne.s32 v10, $0x800  }
0x472: {  	s14 =	sadd.s32 $0x4, s14;
	vm1 =	vne.s32 v6, $0x800;
	[tilespmem:v7+s8+$0x0] =	vst.idx.add.f32.msk vm5, v1  }
0x473: {  	p0 =	slt.u32 s14, $0xFC;
	[tilespmem:v5+s8+$0x0] =	vst.idx.add.f32.msk vm3, v1;
	v5 =	vunpack.i.l.s16.s32 v2  }
0x474: {  	v2 =	vunpack.i.u.s16.s32 v2;
	v7 =	vunpack.i.u.s16.s32 v3;
	[tilespmem:v8+s8+$0x0] =	vst.idx.add.f32.msk vm6, v1;
	vm2 =	vne.s32 v5, $0x4038  }
0x475: {  	v3 =	vunpack.i.l.s16.s32 v3;
	vm3 =	vne.s32 v2, $0x4038;
	v8 =	vunpack.i.u.s16.s32 v9;
	[tilespmem:v4+s8+$0x0] =	vst.idx.add.f32.msk vm4, v1  }
0x476: {  	v4 =	vunpack.i.l.s16.s32 v9;
	v9 =	vunpack.i.u.s16.s32 v11;
	v11 =	vunpack.i.l.s16.s32 v11;
	v12 =	vld [tilespmem:s12+$0xD000]  }
0x477: {  	vm4 =	vne.s32 v3, $0x800;
	vm5 =	vne.s32 v7, $0x800;
	vm6 =	vne.s32 v4, $0x800;
	[tilespmem:v10+s8+$0x0] =	vst.idx.add.f32.msk vm0, v1  }
0x478: {  	vm7 =	vne.s32 v8, $0x800;
	vm8 =	vne.s32 v11, $0x800;
	vm9 =	vne.s32 v9, $0x800;
	[tilespmem:v6+s8+$0x0] =	vst.idx.add.f32.msk vm1, v1  }
0x479: {  	v6 =	vld [tilespmem:s16+$0x9060]  }
0x47a: {  	[tilespmem:v5+s8+$0x0] =	vst.idx.add.f32.msk vm2, v1  }
0x47b: {  	s13 =	sadd.s32 $0x1, s13;
	v5 =	vunpack.i.u.s16.s32 v12;
	v10 =	vunpack.i.l.s16.s32 v12;
	[tilespmem:v2+s8+$0x0] =	vst.idx.add.f32.msk vm3, v1  }
0x47c: {  	vm1 =	vne.s32 v10, $0x3028;
	vm0 =	vne.s32 v5, $0x3028;
	v2 =	vld [tilespmem:s12+$0xD020]  }
0x47d: {  	[tilespmem:v3+s8+$0x0] =	vst.idx.add.f32.msk vm4, v1  }
0x47e: {  	[tilespmem:v7+s8+$0x0] =	vst.idx.add.f32.msk vm5, v1  }
0x47f: {  	v3 =	vunpack.i.l.s16.s32 v6;
	[tilespmem:v4+s8+$0x0] =	vst.idx.add.f32.msk vm6, v1  }
0x480: {  	v4 =	vunpack.i.u.s16.s32 v6;
	vm3 =	vne.s32 v3, $0x1008;
	[tilespmem:v8+s8+$0x0] =	vst.idx.add.f32.msk vm7, v1  }
0x481: {  	vm5 =	vne.s32 v4, $0x1008;
	[tilespmem:v11+s8+$0x0] =	vst.idx.add.f32.msk vm8, v1;
	v6 =	vunpack.i.u.s16.s32 v2;
	v2 =	vunpack.i.l.s16.s32 v2  }
0x482: {  	[tilespmem:v9+s8+$0x0] =	vst.idx.add.f32.msk vm9, v1;
	vm4 =	vne.s32 v2, $0x3028;
	vm2 =	vne.s32 v6, $0x3028  }
0x483: {  	v7 =	vld [tilespmem:s16+$0x9000]  }
0x484: {  	v8 =	vld [tilespmem:s16+$0x9020]  }
0x485: {  	v9 =	vld [tilespmem:s16+$0x9040]  }
0x486: {  	[tilespmem:v3+s8+$0x0] =	vst.idx.add.f32.msk vm3, v1  }
0x487: {  	[tilespmem:v4+s8+$0x0] =	vst.idx.add.f32.msk vm5, v1  }
0x488: {  	v3 =	vunpack.i.u.s16.s32 v7;
	v4 =	vunpack.i.l.s16.s32 v7;
	v7 =	vld [tilespmem:s16+$0xA060]  }
0x489: {  	vm5 =	vne.s32 v4, $0x1008;
	v11 =	vunpack.i.u.s16.s32 v8;
	v8 =	vunpack.i.l.s16.s32 v8;
	v12 =	vld [tilespmem:s12+$0xD040]  }
0x48a: {  	vm6 =	vne.s32 v3, $0x1008;
	v13 =	vunpack.i.u.s16.s32 v9;
	v9 =	vunpack.i.l.s16.s32 v9;
	[tilespmem:v10+s8+$0x0] =	vst.idx.add.f32.msk vm1, v1  }
0x48b: {  	vm1 =	vne.s32 v8, $0x1008;
	vm7 =	vne.s32 v11, $0x1008;
	vm8 =	vne.s32 v9, $0x1008;
	[tilespmem:v5+s8+$0x0] =	vst.idx.add.f32.msk vm0, v1  }
0x48c: {  	vm3 =	vne.s32 v13, $0x1008;
	[tilespmem:v2+s8+$0x0] =	vst.idx.add.f32.msk vm4, v1  }
0x48d: {  	v2 =	vunpack.i.l.s16.s32 v7;
	[tilespmem:v6+s8+$0x0] =	vst.idx.add.f32.msk vm2, v1  }
0x48e: {  	v5 =	vunpack.i.u.s16.s32 v7;
	vm0 =	vne.s32 v2, $0x1810;
	v6 =	vld [tilespmem:s12+$0xE000];
	v7 =	vunpack.i.u.s16.s32 v12  }
0x48f: {  	vm4 =	vne.s32 v5, $0x1810;
	[tilespmem:v4+s8+$0x0] =	vst.idx.add.f32.msk vm5, v1;
	v4 =	vunpack.i.l.s16.s32 v12;
	vm2 =	vne.s32 v7, $0x3028  }
0x490: {  	[tilespmem:v3+s8+$0x0] =	vst.idx.add.f32.msk vm6, v1;
	vm5 =	vne.s32 v4, $0x3028  }
0x491: {  	[tilespmem:v8+s8+$0x0] =	vst.idx.add.f32.msk vm1, v1  }
0x492: {  	[tilespmem:v11+s8+$0x0] =	vst.idx.add.f32.msk vm7, v1  }
0x493: {  	[tilespmem:v9+s8+$0x0] =	vst.idx.add.f32.msk vm8, v1;
	v3 =	vunpack.i.u.s16.s32 v6;
	v6 =	vunpack.i.l.s16.s32 v6  }
0x494: {  	[tilespmem:v2+s8+$0x0] =	vst.idx.add.f32.msk vm0, v1;
	vm1 =	vne.s32 v6, $0x3830;
	vm0 =	vne.s32 v3, $0x3830  }
0x495: {  	[tilespmem:v5+s8+$0x0] =	vst.idx.add.f32.msk vm4, v1  }
0x496: {  	v2 =	vld [tilespmem:s16+$0xB060]  }
0x497: {  	[tilespmem:v13+s8+$0x0] =	vst.idx.add.f32.msk vm3, v1  }
0x498: {  	v5 =	vld [tilespmem:s16+$0xA000]  }
0x499: {  	v8 =	vld [tilespmem:s16+$0xA020]  }
0x49a: {  	v9 =	vld [tilespmem:s16+$0xA040]  }
0x49b: {  	v10 =	vunpack.i.l.s16.s32 v2;
	[tilespmem:v4+s8+$0x0] =	vst.idx.add.f32.msk vm5, v1  }
0x49c: {  	v2 =	vunpack.i.u.s16.s32 v2;
	vm3 =	vne.s32 v10, $0x2018;
	[tilespmem:v7+s8+$0x0] =	vst.idx.add.f32.msk vm2, v1  }
0x49d: {  	vm2 =	vne.s32 v2, $0x2018;
	v4 =	vunpack.i.u.s16.s32 v5;
	v5 =	vunpack.i.l.s16.s32 v5;
	v7 =	vld [tilespmem:s12+$0xE020]  }
0x49e: {  	vm5 =	vne.s32 v5, $0x1810;
	v11 =	vunpack.i.u.s16.s32 v8;
	v8 =	vunpack.i.l.s16.s32 v8;
	v12 =	vld [tilespmem:s12+$0xE040]  }
0x49f: {  	vm6 =	vne.s32 v4, $0x1810;
	v13 =	vunpack.i.u.s16.s32 v9;
	v9 =	vunpack.i.l.s16.s32 v9;
	[tilespmem:v6+s8+$0x0] =	vst.idx.add.f32.msk vm1, v1  }
0x4a0: {  	vm1 =	vne.s32 v8, $0x1810;
	vm7 =	vne.s32 v11, $0x1810;
	vm8 =	vne.s32 v9, $0x1810;
	[tilespmem:v3+s8+$0x0] =	vst.idx.add.f32.msk vm0, v1  }
0x4a1: {  	vm9 =	vne.s32 v13, $0x1810;
	v3 =	vld [tilespmem:s12+$0xF000]  }
0x4a2: {  	[tilespmem:v10+s8+$0x0] =	vst.idx.add.f32.msk vm3, v1;
	v6 =	vunpack.i.u.s16.s32 v7;
	v7 =	vunpack.i.l.s16.s32 v7  }
0x4a3: {  	[tilespmem:v2+s8+$0x0] =	vst.idx.add.f32.msk vm2, v1;
	vm4 =	vne.s32 v7, $0x3830;
	v2 =	vunpack.i.u.s16.s32 v12;
	v10 =	vunpack.i.l.s16.s32 v12  }
0x4a4: {  	vm10 =	vne.s32 v6, $0x3830;
	v12 =	vld [tilespmem:s16+$0xC060];
	vm3 =	vne.s32 v10, $0x3830;
	vm2 =	vne.s32 v2, $0x3830  }
0x4a5: {  	[tilespmem:v5+s8+$0x0] =	vst.idx.add.f32.msk vm5, v1  }
0x4a6: {  	[tilespmem:v4+s8+$0x0] =	vst.idx.add.f32.msk vm6, v1;
	v4 =	vunpack.i.u.s16.s32 v3;
	v3 =	vunpack.i.l.s16.s32 v3  }
0x4a7: {  	[tilespmem:v8+s8+$0x0] =	vst.idx.add.f32.msk vm1, v1;
	vm1 =	vne.s32 v3, $0x4038;
	vm0 =	vne.s32 v4, $0x4038  }
0x4a8: {  	[tilespmem:v11+s8+$0x0] =	vst.idx.add.f32.msk vm7, v1  }
0x4a9: {  	[tilespmem:v9+s8+$0x0] =	vst.idx.add.f32.msk vm8, v1;
	v5 =	vunpack.i.l.s16.s32 v12  }
0x4aa: {  	v8 =	vunpack.i.u.s16.s32 v12;
	[tilespmem:v13+s8+$0x0] =	vst.idx.add.f32.msk vm9, v1;
	vm5 =	vne.s32 v5, $0x2820  }
0x4ab: {  	vm6 =	vne.s32 v8, $0x2820;
	v9 =	vld [tilespmem:s16+$0xB000]  }
0x4ac: {  	v11 =	vld [tilespmem:s16+$0xB020]  }
0x4ad: {  	v12 =	vld [tilespmem:s16+$0xB040]  }
0x4ae: {  	[tilespmem:v7+s8+$0x0] =	vst.idx.add.f32.msk vm4, v1  }
0x4af: {  	[tilespmem:v6+s8+$0x0] =	vst.idx.add.f32.msk vm10, v1  }
0x4b0: {  	v6 =	vunpack.i.u.s16.s32 v9;
	v7 =	vunpack.i.l.s16.s32 v9;
	[tilespmem:v5+s8+$0x0] =	vst.idx.add.f32.msk vm5, v1  }
0x4b1: {  	vm4 =	vne.s32 v7, $0x2018;
	v5 =	vunpack.i.u.s16.s32 v11;
	v9 =	vunpack.i.l.s16.s32 v11;
	[tilespmem:v8+s8+$0x0] =	vst.idx.add.f32.msk vm6, v1  }
0x4b2: {  	vm5 =	vne.s32 v6, $0x2018;
	v8 =	vunpack.i.u.s16.s32 v12;
	v11 =	vunpack.i.l.s16.s32 v12;
	v12 =	vld [tilespmem:s16+$0xD060]  }
0x4b3: {  	vm6 =	vne.s32 v9, $0x2018;
	vm7 =	vne.s32 v5, $0x2018;
	vm8 =	vne.s32 v11, $0x2018;
	[tilespmem:v10+s8+$0x0] =	vst.idx.add.f32.msk vm3, v1  }
0x4b4: {  	vm3 =	vne.s32 v8, $0x2018;
	[tilespmem:v2+s8+$0x0] =	vst.idx.add.f32.msk vm2, v1  }
0x4b5: {  	v2 =	vld [tilespmem:s12+$0xF020]  }
0x4b6: {  	v10 =	vld [tilespmem:s12+$0xF040];
	s12 =	smov.u32 s16  }
0x4b7: {  	[tilespmem:v7+s8+$0x0] =	vst.idx.add.f32.msk vm4, v1;
	v7 =	vunpack.i.l.s16.s32 v12  }
0x4b8: {  	[tilespmem:v6+s8+$0x0] =	vst.idx.add.f32.msk vm5, v1;
	v6 =	vunpack.i.u.s16.s32 v12;
	vm2 =	vne.s32 v7, $0x3028  }
0x4b9: {  	[tilespmem:v9+s8+$0x0] =	vst.idx.add.f32.msk vm6, v1;
	vm4 =	vne.s32 v6, $0x3028  }
0x4ba: {  	[tilespmem:v5+s8+$0x0] =	vst.idx.add.f32.msk vm7, v1;
	v12 =	vunpack.i.u.s16.s32 v2;
	v5 =	vunpack.i.l.s16.s32 v2  }
0x4bb: {  	[tilespmem:v11+s8+$0x0] =	vst.idx.add.f32.msk vm8, v1;
	vm5 =	vne.s32 v5, $0x4038;
	v11 =	vunpack.i.u.s16.s32 v10;
	v10 =	vunpack.i.l.s16.s32 v10  }
0x4bc: {  	vm7 =	vne.s32 v12, $0x4038;
	[tilespmem:v8+s8+$0x0] =	vst.idx.add.f32.msk vm3, v1;
	vm3 =	vne.s32 v10, $0x4038;
	vm6 =	vne.s32 v11, $0x4038  }
0x4bd: {  	v2 =	vld [tilespmem:s12+$0xC000]  }
0x4be: {  	[tilespmem:v7+s8+$0x0] =	vst.idx.add.f32.msk vm2, v1  }
0x4bf: {  	[tilespmem:v6+s8+$0x0] =	vst.idx.add.f32.msk vm4, v1  }
0x4c0: {  	v7 =	vld [tilespmem:s12+$0xE060]  }
0x4c1: {  	v8 =	vld [tilespmem:s12+$0xC020]  }
0x4c2: {  	v6 =	vunpack.i.u.s16.s32 v2;
	v9 =	vunpack.i.l.s16.s32 v2;
	v13 =	vld [tilespmem:s12+$0xC040]  }
0x4c3: {  	vm4 =	vne.s32 v9, $0x2820;
	vm2 =	vne.s32 v6, $0x2820;
	[tilespmem:v3+s8+$0x0] =	vst.idx.add.f32.msk vm1, v1  }
.Ltmp5:
0x4c4: {  	[tilespmem:v4+s8+$0x0] =	vst.idx.add.f32.msk vm0, v1;
	(pc) =	sbr.rel @p0 .LBB2_12-.Ltmp5, $4  }
0x4c5: {  	v2 =	vunpack.i.l.s16.s32 v7;
	[tilespmem:v5+s8+$0x0] =	vst.idx.add.f32.msk vm5, v1  }
0x4c6: {  	v3 =	vunpack.i.u.s16.s32 v7;
	v5 =	vunpack.i.u.s16.s32 v8;
	vm0 =	vne.s32 v2, $0x3830;
	[tilespmem:v12+s8+$0x0] =	vst.idx.add.f32.msk vm7, v1  }
0x4c7: {  	v7 =	vunpack.i.l.s16.s32 v8;
	vm1 =	vne.s32 v3, $0x3830;
	v4 =	vunpack.i.u.s16.s32 v13;
	[tilespmem:v10+s8+$0x0] =	vst.idx.add.f32.msk vm3, v1  }
0x4c8: {  	s15 =	sadd.s32 $0x80, s15;
	vm5 =	vne.s32 v7, $0x2820;
	vm3 =	vne.s32 v5, $0x2820;
	v8 =	vunpack.i.l.s16.s32 v13;
	[tilespmem:v11+s8+$0x0] =	vst.idx.add.f32.msk vm6, v1  }
0x4c9: {  	_ =	sdelay $0x4  }
0x4ca: {  	[tilespmem:v9+s8+$0x0] =	vst.idx.add.f32.msk vm4, v1  }
0x4cb: {  	[tilespmem:v7+s8+$0x0] =	vst.idx.add.f32.msk vm5, v1  }
0x4cc: {  	[tilespmem:v6+s8+$0x0] =	vst.idx.add.f32.msk vm2, v1  }
0x4cd: {  	[tilespmem:v5+s8+$0x0] =	vst.idx.add.f32.msk vm3, v1  }
0x4ce: {  	vm11 =	vne.s32 v8, $0x2820;
	v6 =	vld [tilespmem:s12+$0xD000]  }
0x4cf: {  	vm6 =	vne.s32 v4, $0x2820;
	v5 =	vld [tilespmem:s12+$0xD020];
	_ =	sdelay $0x3  }
0x4d0: {  	v49 =	vunpack.i.l.s16.s32 v6  }
0x4d1: {  	[tilespmem:v8+s8+$0x0] =	vst.idx.add.f32.msk vm11, v1;
	v51 =	vunpack.i.l.s16.s32 v5;
	vm12 =	vne.s32 v49, $0x3028  }
0x4d2: {  	[tilespmem:v4+s8+$0x0] =	vst.idx.add.f32.msk vm6, v1;
	v6 =	vunpack.i.u.s16.s32 v6;
	vm14 =	vne.s32 v51, $0x3028  }
0x4d3: {  	v5 =	vunpack.i.u.s16.s32 v5;
	v50 =	vld [tilespmem:s12+$0xD040];
	vm13 =	vne.s32 v6, $0x3028  }
0x4d4: {  	vm15 =	vne.s32 v5, $0x3028;
	_ =	sdelay $0x2  }
0x4d5: {  	[tilespmem:v49+s8+$0x0] =	vst.idx.add.f32.msk vm12, v1  }
0x4d6: {  	v52 =	vunpack.i.l.s16.s32 v50;
	[tilespmem:v51+s8+$0x0] =	vst.idx.add.f32.msk vm14, v1  }
0x4d7: {  	v53 =	vunpack.i.u.s16.s32 v50;
	vm9 =	vne.s32 v52, $0x3028;
	[tilespmem:v6+s8+$0x0] =	vst.idx.add.f32.msk vm13, v1  }
0x4d8: {  	vm10 =	vne.s32 v53, $0x3028;
	[tilespmem:v5+s8+$0x0] =	vst.idx.add.f32.msk vm15, v1  }
0x4d9: {  	v6 =	vld [tilespmem:s12+$0xE000]  }
0x4da: {  	v5 =	vld [tilespmem:s12+$0xE020];
	_ =	sdelay $0x2  }
0x4db: {  	[tilespmem:v52+s8+$0x0] =	vst.idx.add.f32.msk vm9, v1  }
0x4dc: {  	[tilespmem:v53+s8+$0x0] =	vst.idx.add.f32.msk vm10, v1;
	v54 =	vunpack.i.l.s16.s32 v6  }
0x4dd: {  	v56 =	vunpack.i.l.s16.s32 v5;
	v55 =	vld [tilespmem:s12+$0xE040];
	vm11 =	vne.s32 v54, $0x3830  }
0x4de: {  	v6 =	vunpack.i.u.s16.s32 v6;
	vm13 =	vne.s32 v56, $0x3830  }
0x4df: {  	[tilespmem:v2+s8+$0x0] =	vst.idx.add.f32.msk vm0, v1;
	v2 =	vunpack.i.u.s16.s32 v5;
	vm12 =	vne.s32 v6, $0x3830  }
0x4e0: {  	vm14 =	vne.s32 v2, $0x3830  }
0x4e1: {  	[tilespmem:v3+s8+$0x0] =	vst.idx.add.f32.msk vm1, v1  }
0x4e2: {  	v57 =	vld [tilespmem:s12+$0xF060];
	v3 =	vunpack.i.l.s16.s32 v55  }
0x4e3: {  	v58 =	vunpack.i.u.s16.s32 v55;
	vm15 =	vne.s32 v3, $0x3830;
	[tilespmem:v54+s8+$0x0] =	vst.idx.add.f32.msk vm11, v1  }
0x4e4: {  	vm7 =	vne.s32 v58, $0x3830;
	[tilespmem:v56+s8+$0x0] =	vst.idx.add.f32.msk vm13, v1  }
0x4e5: {  	[tilespmem:v6+s8+$0x0] =	vst.idx.add.f32.msk vm12, v1  }
0x4e6: {  	[tilespmem:v2+s8+$0x0] =	vst.idx.add.f32.msk vm14, v1  }
0x4e7: {  	v6 =	vld [tilespmem:s12+$0xF000]  }
0x4e8: {  	v2 =	vld [tilespmem:s12+$0xF020]  }
0x4e9: {  	[tilespmem:v3+s8+$0x0] =	vst.idx.add.f32.msk vm15, v1  }
0x4ea: {  	v3 =	vunpack.i.l.s16.s32 v57;
	[tilespmem:v58+s8+$0x0] =	vst.idx.add.f32.msk vm7, v1  }
0x4eb: {  	v59 =	vunpack.i.u.s16.s32 v57;
	vm8 =	vne.s32 v3, $0x4038;
	v60 =	vld [tilespmem:s12+$0xF040]  }
0x4ec: {  	vm9 =	vne.s32 v59, $0x4038;
	v61 =	vunpack.i.l.s16.s32 v6  }
0x4ed: {  	v62 =	vunpack.i.l.s16.s32 v2;
	vm10 =	vne.s32 v61, $0x4038  }
0x4ee: {  	v6 =	vunpack.i.u.s16.s32 v6;
	vm12 =	vne.s32 v62, $0x4038  }
0x4ef: {  	v2 =	vunpack.i.u.s16.s32 v2;
	vm11 =	vne.s32 v6, $0x4038  }
0x4f0: {  	vm13 =	vne.s32 v2, $0x4038;
	v63 =	vunpack.i.l.s16.s32 v60  }
0x4f1: {  	[tilespmem:v3+s8+$0x0] =	vst.idx.add.f32.msk vm8, v1;
	v3 =	vunpack.i.u.s16.s32 v60;
	vm14 =	vne.s32 v63, $0x4038  }
0x4f2: {  	[tilespmem:v59+s8+$0x0] =	vst.idx.add.f32.msk vm9, v1;
	vm15 =	vne.s32 v3, $0x4038  }
0x4f3: {  	[tilespmem:v61+s8+$0x0] =	vst.idx.add.f32.msk vm10, v1  }
0x4f4: {  	[tilespmem:v62+s8+$0x0] =	vst.idx.add.f32.msk vm12, v1  }
0x4f5: {  	[tilespmem:v6+s8+$0x0] =	vst.idx.add.f32.msk vm11, v1  }
0x4f6: {  	s11 =	sadd.s32 $0x1, s11;
	[tilespmem:v2+s8+$0x0] =	vst.idx.add.f32.msk vm13, v1  }
0x4f7: {  	p0 =	sne.s32 s11, s6;
	[tilespmem:v63+s8+$0x0] =	vst.idx.add.f32.msk vm14, v1  }
.Ltmp6:
0x4f8: {  	[tilespmem:v3+s8+$0x0] =	vst.idx.add.f32.msk vm15, v1;
	(pc) =	sbr.rel @p0 .LBB2_1-.Ltmp6, $4  }
0x4f9: {  	[hbm4b:s5+s2] =	stream.linear.scatter [tilespmem:s8], [sflag:$0x3], $0x7070, $0x38;
	[tilespmem:$0x17080] =	vst v63  }
0x4fa: {  	_ =	swait.ge [sflag:s10], $0x7070  }
0x4fb: {  	[sflag:s10] =	ssyncset.done $0x0  }
0x4fc: {  	[sflag:s10] =	ssyncadd.s32 $0xFFFF8F90  }
0x4fd: {  	_ =	sfence.sel $0x180000  }
0x4fe: {  	[bflag:$0x0] =	sbarrier.arrive $0xFFFF  }
0x4ff: {  	_ =	strace $0x90000047  }
0x500: {  	s0 =	stileid.u32;
	[bflag:$0x2] =	sbarrier.arrive $0xFFFF  }
0x501: {  	p0 =	sne.s32 s0, $0x0;
	s0 =	rddreg [dreg:$0x1]  }
0x502: {  	s0 =	sadd.s32 @!p0 $0x100000, s0  }
0x503: {  	[sflag:s0] =	ssyncadd.tile.s32 @!p0 $0x1;
	_ =	shalt  }
.Lfunc_end2:
_tile_overlayer_lowered:
.L_overlay_start_2:
0x504: {  	(tag) =	ssettag $0x2  }
0x505: {  	s0 =	rddreg [dreg:$0x0];
	s2 =	stileid.u32  }
0x506: {  	s1 =	rddreg [dreg:$0x1];
	p0 =	sne.s32 s2, $0x0  }
0x507: {  	s3 =	rddreg [dreg:$0x2];
	[bflag:$0x3] =	sbarrier.arrive $0xFFFF;
	s2 =	simm.s32 @!p0 $0x1C03  }
0x508: {  	[timem:s3], [sflag:s2] =	dma.local @!p0 [hbm:s0], s1  }
0x509: {  	s0 =	simm.s32 @!p0 $0x3  }
0x50a: {  	_ =	swait.ge @!p0 [sflag:s0], s1  }
0x50b: {  	s1 =	ssub.s32 @!p0 $0x0, s1;
	[sflag:s0] =	ssyncset.done @!p0 $0x0  }
0x50c: {  	[sflag:s0] =	ssyncadd.s32 @!p0 s1  }
0x50d: {  	[bflag:$0x3] =	sbarrier.arrive $0xFFFF  }
0x50e: {  	_ =	shalt  }

</sc_bundles>
